<compile_context>
chip_gen: v7x
topology: tpu7x:2x2x1
jax: 0.10.2.dev20260603
libtpu: 0.0.44.dev20260713+nightly
codegen_flags: <defaults>
</compile_context>

<pallas_src>
import functools

import jax
import jax.numpy as jnp
from jax import lax
from jax.experimental import pallas as pl
from jax.experimental.pallas import tpu as pltpu
from jax.experimental.pallas import tpu_sc as plsc

_TW = 25
_TRES = 250
_K = 6
_TMIN = 0.0
_TMAX = 1.0
_WIN = 6
_PAD = 8


def _tc_body(data_ref, labels_ref, bcl_ref, bcr_ref, c_ref,
             u_ref, y_ref, obl_ref, obr_ref, oc_ref, *, B, nx):
    for b in range(B):
        u_ref[pl.ds(b * nx, nx), :] = data_ref[b].T
        y_ref[pl.ds(b * nx, nx), :] = labels_ref[b].T
        obl_ref[b, 0:1, :] = jnp.full((1, nx), bcl_ref[b], jnp.float32)
        obr_ref[b, 0:1, :] = jnp.full((1, nx), bcr_ref[b], jnp.float32)
        oc_ref[b, 0:1, :] = jnp.full((1, nx), c_ref[b], jnp.float32)


def _gather16(v, idx):
    return v.at[idx].get(mode="promise_in_bounds")


def _sc_body(x_hbm, steps_hbm, ei_hbm, pos_hbm,
             x_v, steps_v, src_loc, dst_loc, posx_loc,
             srcb, dstb, posb, sem, *, B, nx):
    npn = nx // 32
    ne = npn * _K
    wid = lax.axis_index("s") * 2 + lax.axis_index("c")
    base = wid * npn
    lane = lax.broadcasted_iota(jnp.int32, (16,), 0)
    inf = jnp.float32(jnp.inf)

    pltpu.sync_copy(x_hbm, x_v.at[pl.ds(_PAD, nx)])
    pltpu.sync_copy(steps_hbm, steps_v.at[pl.ds(0, 8)])

    def _group(g, carry):
        gbase = base + g * 16
        n = gbase + lane
        xc = x_v[pl.ds(_PAD + gbase, 16)]
        dists = []
        js = []
        for off in list(range(-_WIN, 0)) + list(range(1, _WIN + 1)):
            xj = x_v[pl.ds(_PAD + gbase + off, 16)]
            j = n + off
            valid = (j >= 0) & (j < nx)
            dists.append(jnp.where(valid, jnp.abs(xc - xj), inf))
            js.append(j)
        ranks = []
        for _k in range(_K):
            best = jnp.full((16,), inf, jnp.float32)
            bestj = jnp.full((16,), jnp.int32(2**30))
            for d in range(len(dists)):
                better = (dists[d] < best) | ((dists[d] == best)
                                              & (js[d] < bestj))
                best = jnp.where(better, dists[d], best)
                bestj = jnp.where(better, js[d], bestj)
            ranks.append(bestj)
            for d in range(len(dists)):
                dists[d] = jnp.where(js[d] == bestj, inf, dists[d])
        for ch in range(_K):
            e = ch * 16 + lane
            n_rel = (e * 43) >> 8
            k_tab = e - n_rel * _K
            vals = jnp.zeros((16,), jnp.int32)
            for k in range(_K):
                vals = jnp.where(k_tab == k, _gather16(ranks[k], n_rel),
                                 vals)
            src_loc[pl.ds(g * 96 + ch * 16, 16)] = vals
            dst_loc[pl.ds(g * 96 + ch * 16, 16)] = gbase + n_rel
        for pc in range(2):
            n_rel2 = (pc * 16 + lane) >> 1
            posx_loc[pl.ds(g * 32 + pc * 16, 16)] = _gather16(xc, n_rel2)
        return carry

    lax.fori_loop(0, npn // 16, _group, 0)

    sv = steps_v[...]
    t_all = sv.astype(jnp.float32) * jnp.float32(
        (_TMAX - _TMIN) / (_TRES - 1)) + jnp.float32(_TMIN)
    even = (lane & 1) == 0

    def _batch(b, carry):
        boff = b * ne
        for ch in range(ne // 16):
            srcb[pl.ds(boff + ch * 16, 16)] = (
                src_loc[pl.ds(ch * 16, 16)] + b * nx)
            dstb[pl.ds(boff + ch * 16, 16)] = (
                dst_loc[pl.ds(ch * 16, 16)] + b * nx)
        eoff = pl.multiple_of((b * nx + base) * _K, 8)
        pltpu.async_copy(srcb.at[pl.ds(boff, ne)],
                         ei_hbm.at[0, pl.ds(eoff, ne)], sem)
        pltpu.async_copy(dstb.at[pl.ds(boff, ne)],
                         ei_hbm.at[1, pl.ds(eoff, ne)], sem)
        tbv = _gather16(t_all, lane * 0 + b)
        poff = b * npn * 2
        for ch in range((npn * 2) // 16):
            posb[pl.ds(poff + ch * 16, 16)] = jnp.where(
                even, tbv, posx_loc[pl.ds(ch * 16, 16)])
        pltpu.async_copy(
            posb.at[pl.ds(poff, npn * 2)],
            pos_hbm.at[pl.ds(pl.multiple_of((b * nx + base) * 2, 8),
                             npn * 2)], sem)
        return carry

    lax.fori_loop(0, B, _batch, 0)
    pltpu.make_async_copy(ei_hbm.at[0, pl.ds(0, B * ne)], srcb, sem).wait()
    pltpu.make_async_copy(ei_hbm.at[1, pl.ds(0, B * ne)], dstb, sem).wait()
    pltpu.make_async_copy(pos_hbm.at[pl.ds(0, B * npn * 2)], posb,
                          sem).wait()


@jax.jit
def kernel(data, labels, x, steps, bc_left, bc_right, c):
    B, tw, nx = data.shape
    npn = nx // 32
    ne = npn * _K

    smem = pl.BlockSpec(memory_space=pltpu.SMEM)
    grid_spec = pltpu.PrefetchScalarGridSpec(
        num_scalar_prefetch=0,
        grid=(1,),
        in_specs=[
            pl.BlockSpec((B, tw, nx), lambda i: (0, 0, 0)),
            pl.BlockSpec((B, tw, nx), lambda i: (0, 0, 0)),
            smem,
            smem,
            smem,
        ],
        out_specs=[
            pl.BlockSpec((B * nx, tw), lambda i: (0, 0)),
            pl.BlockSpec((B * nx, tw), lambda i: (0, 0)),
            pl.BlockSpec((B, 1, nx), lambda i: (0, 0, 0)),
            pl.BlockSpec((B, 1, nx), lambda i: (0, 0, 0)),
            pl.BlockSpec((B, 1, nx), lambda i: (0, 0, 0)),
        ],
    )
    out_shapes = [
        jax.ShapeDtypeStruct((B * nx, tw), jnp.float32),
        jax.ShapeDtypeStruct((B * nx, tw), jnp.float32),
        jax.ShapeDtypeStruct((B, 1, nx), jnp.float32),
        jax.ShapeDtypeStruct((B, 1, nx), jnp.float32),
        jax.ShapeDtypeStruct((B, 1, nx), jnp.float32),
    ]
    u, y, obl, obr, oc = pl.pallas_call(
        functools.partial(_tc_body, B=B, nx=nx),
        grid_spec=grid_spec,
        out_shape=out_shapes,
    )(data, labels, bc_left, bc_right, c)

    mesh = plsc.VectorSubcoreMesh(core_axis_name="c", subcore_axis_name="s")
    sc_fn = functools.partial(
        pl.kernel,
        mesh=mesh,
        out_type=[
            jax.ShapeDtypeStruct((2, B * nx * _K), jnp.int32),
            jax.ShapeDtypeStruct((B * nx * 2,), jnp.float32),
        ],
        scratch_types=[
            pltpu.VMEM((nx + 2 * _PAD,), jnp.float32),
            pltpu.VMEM((16,), jnp.int32),
            pltpu.VMEM((ne,), jnp.int32),
            pltpu.VMEM((ne,), jnp.int32),
            pltpu.VMEM((npn * 2,), jnp.float32),
            pltpu.VMEM((B * ne,), jnp.int32),
            pltpu.VMEM((B * ne,), jnp.int32),
            pltpu.VMEM((B * npn * 2,), jnp.float32),
            pltpu.SemaphoreType.DMA,
        ],
    )(functools.partial(_sc_body, B=B, nx=nx))
    edge_index, pos_flat = sc_fn(x.reshape(nx), steps)

    return (u, edge_index, pos_flat.reshape(B * nx, 2), y,
            obl.reshape(B * nx, 1), obr.reshape(B * nx, 1),
            oc.reshape(B * nx, 1))

# --- scband reference (transcript-rebuilt; emitter-appended) ---
"""Pipeline reference for scband-graph-creator-25091198943846 (READ-ONLY COPY).

The authoritative reference and input builder live on the scoring server;
editing this copy changes nothing except your own understanding.
"""

import jax, jax.numpy as jnp
import numpy as np

TW = 25
TRES = 250
K = 6
TMIN = 0.0
TMAX = 1.0


def setup_inputs(seed: int = 0) -> dict:
    key = jax.random.key(seed)
    ks = jax.random.split(key, 6)
    B, tw, nx = 8, TW, 2048
    data = jax.random.normal(ks[0], (B, tw, nx), dtype=jnp.float32)
    labels = jax.random.normal(ks[1], (B, tw, nx), dtype=jnp.float32)
    x = jnp.arange(nx, dtype=jnp.float32).reshape(1, nx)
    steps = jax.random.randint(ks[2], (B,), 0, 225)
    bc_left = jax.random.uniform(ks[3], (B,), dtype=jnp.float32)
    bc_right = jax.random.uniform(ks[4], (B,), dtype=jnp.float32)
    c = jax.random.uniform(ks[5], (B,), dtype=jnp.float32)
    return {"data": data, "labels": labels, "x": x, "steps": steps,
            "bc_left": bc_left, "bc_right": bc_right, "c": c}


def _knn_graph_batched(x_pos, B, nx, k):
    # brute-force batched kNN graph over 1D positions (torch_geometric.knn_graph equivalent,
    # batch-aware, loop=False, flow=source_to_target)
    xb = x_pos.reshape(B, nx)
    dist = jnp.abs(xb[:, :, None] - xb[:, None, :])  # [B, nx, nx]
    eye = jnp.eye(nx, dtype=bool)
    dist = jnp.where(eye[None, :, :], jnp.inf, dist)  # no self loops
    _, idx = jax.lax.top_k(-dist, k)  # [B, nx, k] nearest neighbor indices within graph
    offs = (jnp.arange(B, dtype=idx.dtype) * nx)[:, None, None]
    src = (idx + offs).reshape(-1)  # neighbor (source) global node ids
    dst = jnp.repeat(jnp.arange(B * nx, dtype=src.dtype), k)  # target node ids
    return jnp.stack([src, dst], axis=0)  # [2, B*nx*k]


def reference(data, labels, x, steps, bc_left, bc_right, c):
    B, tw, nx = data.shape
    # node features: per-node time window (create_graph 'WE' branch)
    u = jnp.transpose(data, (0, 2, 1)).reshape(B * nx, tw)
    y = jnp.transpose(labels, (0, 2, 1)).reshape(B * nx, tw)
    x0 = x[0]
    x_pos = jnp.tile(x0, B)  # [B*nx]
    t = jnp.linspace(TMIN, TMAX, TRES)
    t_pos = jnp.repeat(t[steps], nx)  # gather + broadcast per node
    batch = jnp.repeat(jnp.arange(B), nx)
    # WE branch: edge_index = knn_graph(x_pos, k=n, batch=batch, loop=False)
    edge_index = _knn_graph_batched(x_pos, B, nx, K)
    pos = jnp.stack([t_pos, x_pos], axis=1)  # [B*nx, 2]
    # per-node equation parameters (WE branch): gather by batch id
    bc_l = bc_left[batch][:, None]
    bc_r = bc_right[batch][:, None]
    cc = c[batch][:, None]
    return (u, edge_index, pos, y, bc_l, bc_r, cc)

if __name__ == "__main__":
    import jax
    _d = setup_inputs()
    print(jax.jit(kernel)(*tuple(_d.values())))

</pallas_src>

<mosaic_0001>
#map = affine_map<(d0, d1) -> (0)>
#map1 = affine_map<(d0, d1) -> (0, 0)>
module attributes {stable_mosaic.version = 14 : i64} {
  func.func @_sc_body(%arg0: i32, %arg1: i32, %arg2: memref<2048xf32, #tpu.memory_space<hbm>>, %arg3: memref<8xi32, #tpu.memory_space<hbm>>, %arg4: memref<2x98304xi32, #tpu.memory_space<hbm>>, %arg5: memref<32768xf32, #tpu.memory_space<hbm>>, %arg6: memref<2064xf32, #tpu.memory_space<vmem>>, %arg7: memref<16xi32, #tpu.memory_space<vmem>>, %arg8: memref<384xi32, #tpu.memory_space<vmem>>, %arg9: memref<384xi32, #tpu.memory_space<vmem>>, %arg10: memref<128xf32, #tpu.memory_space<vmem>>, %arg11: memref<3072xi32, #tpu.memory_space<vmem>>, %arg12: memref<3072xi32, #tpu.memory_space<vmem>>, %arg13: memref<1024xf32, #tpu.memory_space<vmem>>, %arg14: memref<!tpu.dma_semaphore, #tpu.memory_space<semaphore_mem>>) attributes {dimension_semantics = [#tpu.dimension_semantics<core_parallel>, #tpu.dimension_semantics<subcore_parallel>], iteration_bounds = array<i64: 2, 16>, scalar_prefetch = 0 : i64, scratch_operands = 9 : i64, tpu.core_type = #tpu.core_type<sc_vector_subcore>, window_params = [{transform_indices = #map}, {transform_indices = #map}, {transform_indices = #map1}, {transform_indices = #map}]} {
    %mul3A = arith.constant 2 : i32
    %mul3A_0 = arith.muli %arg1, %mul3A : i32
    %add3A = arith.addi %mul3A_0, %arg0 : i32
    %mul3A_1 = arith.constant 64 : i32
    %mul3A_2 = arith.muli %add3A, %mul3A_1 : i32
    %iota3A = tpu.iota {dimensions = array<i32: 0>} : vector<16xi32>
    "tpu.region"() ({
      %run_scoped3A = tpu.sem_alloc : memref<!tpu.dma_semaphore, #tpu.memory_space<semaphore_mem>>
      %dma_start3A = arith.constant 8 : i32
      %dma_start3A_44 = tpu.memref_slice %arg6[%dma_start3A] : memref<2064xf32, #tpu.memory_space<vmem>> -> memref<2048xf32, #tpu.memory_space<vmem>>
      %dma_start3A_45 = arith.constant 8 : i32
      %dma_start3A_46 = tpu.memref_slice %arg6[%dma_start3A_45] : memref<2064xf32, #tpu.memory_space<vmem>> -> memref<2048xf32, #tpu.memory_space<vmem>>
      tpu.enqueue_dma source(%arg2 : memref<2048xf32, #tpu.memory_space<hbm>>) target(%dma_start3A_46 : memref<2048xf32, #tpu.memory_space<vmem>>) target_semaphore(%run_scoped3A : memref<!tpu.dma_semaphore, #tpu.memory_space<semaphore_mem>>)
      %dma_wait3A_47 = arith.constant 8 : i32
      %dma_wait3A_48 = tpu.memref_slice %arg6[%dma_wait3A_47] : memref<2064xf32, #tpu.memory_space<vmem>> -> memref<2048xf32, #tpu.memory_space<vmem>>
      %dma_wait3A_49 = arith.constant 8 : i32
      %dma_wait3A_50 = tpu.memref_slice %arg6[%dma_wait3A_49] : memref<2064xf32, #tpu.memory_space<vmem>> -> memref<2048xf32, #tpu.memory_space<vmem>>
      tpu.wait_dma2 semaphore(%run_scoped3A : memref<!tpu.dma_semaphore, #tpu.memory_space<semaphore_mem>>) src(%arg2 : memref<2048xf32, #tpu.memory_space<hbm>>) dst(%dma_wait3A_50 : memref<2048xf32, #tpu.memory_space<vmem>>)
      tpu.yield
    }) : () -> ()
    "tpu.region"() ({
      %run_scoped3A = tpu.sem_alloc : memref<!tpu.dma_semaphore, #tpu.memory_space<semaphore_mem>>
      %dma_start3A = arith.constant 0 : i32
      %dma_start3A_44 = tpu.memref_slice %arg7[%dma_start3A] : memref<16xi32, #tpu.memory_space<vmem>> -> memref<8xi32, #tpu.memory_space<vmem>>
      %dma_start3A_45 = arith.constant 0 : i32
      %dma_start3A_46 = tpu.memref_slice %arg7[%dma_start3A_45] : memref<16xi32, #tpu.memory_space<vmem>> -> memref<8xi32, #tpu.memory_space<vmem>>
      tpu.enqueue_dma source(%arg3 : memref<8xi32, #tpu.memory_space<hbm>>) target(%dma_start3A_46 : memref<8xi32, #tpu.memory_space<vmem>>) target_semaphore(%run_scoped3A : memref<!tpu.dma_semaphore, #tpu.memory_space<semaphore_mem>>)
      %dma_wait3A_47 = arith.constant 0 : i32
      %dma_wait3A_48 = tpu.memref_slice %arg7[%dma_wait3A_47] : memref<16xi32, #tpu.memory_space<vmem>> -> memref<8xi32, #tpu.memory_space<vmem>>
      %dma_wait3A_49 = arith.constant 0 : i32
      %dma_wait3A_50 = tpu.memref_slice %arg7[%dma_wait3A_49] : memref<16xi32, #tpu.memory_space<vmem>> -> memref<8xi32, #tpu.memory_space<vmem>>
      tpu.wait_dma2 semaphore(%run_scoped3A : memref<!tpu.dma_semaphore, #tpu.memory_space<semaphore_mem>>) src(%arg3 : memref<8xi32, #tpu.memory_space<hbm>>) dst(%dma_wait3A_50 : memref<8xi32, #tpu.memory_space<vmem>>)
      tpu.yield
    }) : () -> ()
    %scan3A = arith.constant 0 : i32
    %scan3A_3 = arith.constant 0x7F800000 : f32
    %scan3A_4 = arith.constant 0 : i32
    %scan3A_5 = arith.constant 4 : i32
    %scan3A_6 = arith.addi %scan3A_4, %scan3A_5 : i32
    %scan3A_7 = arith.constant 1 : i32
    scf.for %scan3A_44 = %scan3A_4 to %scan3A_6 step %scan3A_7  : i32 {
      %mul3A_45 = arith.constant 16 : i32
      %mul3A_46 = arith.muli %scan3A_44, %mul3A_45 : i32
      %add3A_47 = arith.addi %mul3A_2, %mul3A_46 : i32
      %add3A_48 = vector.broadcast %add3A_47 : i32 to vector<16xi32>
      %add3A_49 = arith.addi %add3A_48, %iota3A : vector<16xi32>
      %add3A_50 = arith.constant 8 : i32
      %add3A_51 = arith.addi %add3A_50, %add3A_47 : i32
      %get3A_52 = arith.index_cast %add3A_51 : i32 to index
      %get3A_53 = tpu.vector_load %arg6[%get3A_52] {strides = array<i32>} : memref<2064xf32, #tpu.memory_space<vmem>>, vector<16xf32>,
      %get3A_54 = vector.shape_cast %get3A_53 : vector<16xf32> to vector<16xf32>
      %add3A_55 = arith.constant 8 : i32
      %add3A_56 = arith.addi %add3A_55, %add3A_47 : i32
      %add3A_57 = arith.constant -6 : i32
      %add3A_58 = arith.addi %add3A_56, %add3A_57 : i32
      %get3A_59 = arith.index_cast %add3A_58 : i32 to index
      %get3A_60 = tpu.vector_load %arg6[%get3A_59] {strides = array<i32>} : memref<2064xf32, #tpu.memory_space<vmem>>, vector<16xf32>,
      %get3A_61 = vector.shape_cast %get3A_60 : vector<16xf32> to vector<16xf32>
      %add3A_62 = arith.constant -6 : i32
      %add3A_63 = vector.broadcast %add3A_62 : i32 to vector<16xi32>
      %add3A_64 = arith.addi %add3A_49, %add3A_63 : vector<16xi32>
      %ge3A = arith.constant 0 : i32
      %ge3A_65 = vector.broadcast %ge3A : i32 to vector<16xi32>
      %ge3A_66 = arith.cmpi sge, %add3A_64, %ge3A_65 : vector<16xi32>
      %lt3A = arith.constant 2048 : i32
      %lt3A_67 = vector.broadcast %lt3A : i32 to vector<16xi32>
      %lt3A_68 = arith.cmpi slt, %add3A_64, %lt3A_67 : vector<16xi32>
      %and3A_69 = arith.andi %ge3A_66, %lt3A_68 : vector<16xi1>
      %sub3A = arith.subf %get3A_54, %get3A_61 : vector<16xf32>
      %abs3A = math.absf %sub3A : vector<16xf32>
      %broadcast_in_dim3A = vector.broadcast %scan3A_3 : f32 to vector<16xf32>
      %select_n3A = arith.select %and3A_69, %abs3A, %broadcast_in_dim3A : vector<16xi1>, vector<16xf32>
      %add3A_70 = arith.constant 8 : i32
      %add3A_71 = arith.addi %add3A_70, %add3A_47 : i32
      %add3A_72 = arith.constant -5 : i32
      %add3A_73 = arith.addi %add3A_71, %add3A_72 : i32
      %get3A_74 = arith.index_cast %add3A_73 : i32 to index
      %get3A_75 = tpu.vector_load %arg6[%get3A_74] {strides = array<i32>} : memref<2064xf32, #tpu.memory_space<vmem>>, vector<16xf32>,
      %get3A_76 = vector.shape_cast %get3A_75 : vector<16xf32> to vector<16xf32>
      %add3A_77 = arith.constant -5 : i32
      %add3A_78 = vector.broadcast %add3A_77 : i32 to vector<16xi32>
      %add3A_79 = arith.addi %add3A_49, %add3A_78 : vector<16xi32>
      %ge3A_80 = arith.constant 0 : i32
      %ge3A_81 = vector.broadcast %ge3A_80 : i32 to vector<16xi32>
      %ge3A_82 = arith.cmpi sge, %add3A_79, %ge3A_81 : vector<16xi32>
      %lt3A_83 = arith.constant 2048 : i32
      %lt3A_84 = vector.broadcast %lt3A_83 : i32 to vector<16xi32>
      %lt3A_85 = arith.cmpi slt, %add3A_79, %lt3A_84 : vector<16xi32>
      %and3A_86 = arith.andi %ge3A_82, %lt3A_85 : vector<16xi1>
      %sub3A_87 = arith.subf %get3A_54, %get3A_76 : vector<16xf32>
      %abs3A_88 = math.absf %sub3A_87 : vector<16xf32>
      %broadcast_in_dim3A_89 = vector.broadcast %scan3A_3 : f32 to vector<16xf32>
      %select_n3A_90 = arith.select %and3A_86, %abs3A_88, %broadcast_in_dim3A_89 : vector<16xi1>, vector<16xf32>
      %add3A_91 = arith.constant 8 : i32
      %add3A_92 = arith.addi %add3A_91, %add3A_47 : i32
      %add3A_93 = arith.constant -4 : i32
      %add3A_94 = arith.addi %add3A_92, %add3A_93 : i32
      %get3A_95 = arith.index_cast %add3A_94 : i32 to index
      %get3A_96 = tpu.vector_load %arg6[%get3A_95] {strides = array<i32>} : memref<2064xf32, #tpu.memory_space<vmem>>, vector<16xf32>,
      %get3A_97 = vector.shape_cast %get3A_96 : vector<16xf32> to vector<16xf32>
      %add3A_98 = arith.constant -4 : i32
      %add3A_99 = vector.broadcast %add3A_98 : i32 to vector<16xi32>
      %add3A_100 = arith.addi %add3A_49, %add3A_99 : vector<16xi32>
      %ge3A_101 = arith.constant 0 : i32
      %ge3A_102 = vector.broadcast %ge3A_101 : i32 to vector<16xi32>
      %ge3A_103 = arith.cmpi sge, %add3A_100, %ge3A_102 : vector<16xi32>
      %lt3A_104 = arith.constant 2048 : i32
      %lt3A_105 = vector.broadcast %lt3A_104 : i32 to vector<16xi32>
      %lt3A_106 = arith.cmpi slt, %add3A_100, %lt3A_105 : vector<16xi32>
      %and3A_107 = arith.andi %ge3A_103, %lt3A_106 : vector<16xi1>
      %sub3A_108 = arith.subf %get3A_54, %get3A_97 : vector<16xf32>
      %abs3A_109 = math.absf %sub3A_108 : vector<16xf32>
      %broadcast_in_dim3A_110 = vector.broadcast %scan3A_3 : f32 to vector<16xf32>
      %select_n3A_111 = arith.select %and3A_107, %abs3A_109, %broadcast_in_dim3A_110 : vector<16xi1>, vector<16xf32>
      %add3A_112 = arith.constant 8 : i32
      %add3A_113 = arith.addi %add3A_112, %add3A_47 : i32
      %add3A_114 = arith.constant -3 : i32
      %add3A_115 = arith.addi %add3A_113, %add3A_114 : i32
      %get3A_116 = arith.index_cast %add3A_115 : i32 to index
      %get3A_117 = tpu.vector_load %arg6[%get3A_116] {strides = array<i32>} : memref<2064xf32, #tpu.memory_space<vmem>>, vector<16xf32>,
      %get3A_118 = vector.shape_cast %get3A_117 : vector<16xf32> to vector<16xf32>
      %add3A_119 = arith.constant -3 : i32
      %add3A_120 = vector.broadcast %add3A_119 : i32 to vector<16xi32>
      %add3A_121 = arith.addi %add3A_49, %add3A_120 : vector<16xi32>
      %ge3A_122 = arith.constant 0 : i32
      %ge3A_123 = vector.broadcast %ge3A_122 : i32 to vector<16xi32>
      %ge3A_124 = arith.cmpi sge, %add3A_121, %ge3A_123 : vector<16xi32>
      %lt3A_125 = arith.constant 2048 : i32
      %lt3A_126 = vector.broadcast %lt3A_125 : i32 to vector<16xi32>
      %lt3A_127 = arith.cmpi slt, %add3A_121, %lt3A_126 : vector<16xi32>
      %and3A_128 = arith.andi %ge3A_124, %lt3A_127 : vector<16xi1>
      %sub3A_129 = arith.subf %get3A_54, %get3A_118 : vector<16xf32>
      %abs3A_130 = math.absf %sub3A_129 : vector<16xf32>
      %broadcast_in_dim3A_131 = vector.broadcast %scan3A_3 : f32 to vector<16xf32>
      %select_n3A_132 = arith.select %and3A_128, %abs3A_130, %broadcast_in_dim3A_131 : vector<16xi1>, vector<16xf32>
      %add3A_133 = arith.constant 8 : i32
      %add3A_134 = arith.addi %add3A_133, %add3A_47 : i32
      %add3A_135 = arith.constant -2 : i32
      %add3A_136 = arith.addi %add3A_134, %add3A_135 : i32
      %get3A_137 = arith.index_cast %add3A_136 : i32 to index
      %get3A_138 = tpu.vector_load %arg6[%get3A_137] {strides = array<i32>} : memref<2064xf32, #tpu.memory_space<vmem>>, vector<16xf32>,
      %get3A_139 = vector.shape_cast %get3A_138 : vector<16xf32> to vector<16xf32>
      %add3A_140 = arith.constant -2 : i32
      %add3A_141 = vector.broadcast %add3A_140 : i32 to vector<16xi32>
      %add3A_142 = arith.addi %add3A_49, %add3A_141 : vector<16xi32>
      %ge3A_143 = arith.constant 0 : i32
      %ge3A_144 = vector.broadcast %ge3A_143 : i32 to vector<16xi32>
      %ge3A_145 = arith.cmpi sge, %add3A_142, %ge3A_144 : vector<16xi32>
      %lt3A_146 = arith.constant 2048 : i32
      %lt3A_147 = vector.broadcast %lt3A_146 : i32 to vector<16xi32>
      %lt3A_148 = arith.cmpi slt, %add3A_142, %lt3A_147 : vector<16xi32>
      %and3A_149 = arith.andi %ge3A_145, %lt3A_148 : vector<16xi1>
      %sub3A_150 = arith.subf %get3A_54, %get3A_139 : vector<16xf32>
      %abs3A_151 = math.absf %sub3A_150 : vector<16xf32>
      %broadcast_in_dim3A_152 = vector.broadcast %scan3A_3 : f32 to vector<16xf32>
      %select_n3A_153 = arith.select %and3A_149, %abs3A_151, %broadcast_in_dim3A_152 : vector<16xi1>, vector<16xf32>
      %add3A_154 = arith.constant 8 : i32
      %add3A_155 = arith.addi %add3A_154, %add3A_47 : i32
      %add3A_156 = arith.constant -1 : i32
      %add3A_157 = arith.addi %add3A_155, %add3A_156 : i32
      %get3A_158 = arith.index_cast %add3A_157 : i32 to index
      %get3A_159 = tpu.vector_load %arg6[%get3A_158] {strides = array<i32>} : memref<2064xf32, #tpu.memory_space<vmem>>, vector<16xf32>,
      %get3A_160 = vector.shape_cast %get3A_159 : vector<16xf32> to vector<16xf32>
      %add3A_161 = arith.constant -1 : i32
      %add3A_162 = vector.broadcast %add3A_161 : i32 to vector<16xi32>
      %add3A_163 = arith.addi %add3A_49, %add3A_162 : vector<16xi32>
      %ge3A_164 = arith.constant 0 : i32
      %ge3A_165 = vector.broadcast %ge3A_164 : i32 to vector<16xi32>
      %ge3A_166 = arith.cmpi sge, %add3A_163, %ge3A_165 : vector<16xi32>
      %lt3A_167 = arith.constant 2048 : i32
      %lt3A_168 = vector.broadcast %lt3A_167 : i32 to vector<16xi32>
      %lt3A_169 = arith.cmpi slt, %add3A_163, %lt3A_168 : vector<16xi32>
      %and3A_170 = arith.andi %ge3A_166, %lt3A_169 : vector<16xi1>
      %sub3A_171 = arith.subf %get3A_54, %get3A_160 : vector<16xf32>
      %abs3A_172 = math.absf %sub3A_171 : vector<16xf32>
      %broadcast_in_dim3A_173 = vector.broadcast %scan3A_3 : f32 to vector<16xf32>
      %select_n3A_174 = arith.select %and3A_170, %abs3A_172, %broadcast_in_dim3A_173 : vector<16xi1>, vector<16xf32>
      %add3A_175 = arith.constant 8 : i32
      %add3A_176 = arith.addi %add3A_175, %add3A_47 : i32
      %add3A_177 = arith.constant 1 : i32
      %add3A_178 = arith.addi %add3A_176, %add3A_177 : i32
      %get3A_179 = arith.index_cast %add3A_178 : i32 to index
      %get3A_180 = tpu.vector_load %arg6[%get3A_179] {strides = array<i32>} : memref<2064xf32, #tpu.memory_space<vmem>>, vector<16xf32>,
      %get3A_181 = vector.shape_cast %get3A_180 : vector<16xf32> to vector<16xf32>
      %add3A_182 = arith.constant 1 : i32
      %add3A_183 = vector.broadcast %add3A_182 : i32 to vector<16xi32>
      %add3A_184 = arith.addi %add3A_49, %add3A_183 : vector<16xi32>
      %ge3A_185 = arith.constant 0 : i32
      %ge3A_186 = vector.broadcast %ge3A_185 : i32 to vector<16xi32>
      %ge3A_187 = arith.cmpi sge, %add3A_184, %ge3A_186 : vector<16xi32>
      %lt3A_188 = arith.constant 2048 : i32
      %lt3A_189 = vector.broadcast %lt3A_188 : i32 to vector<16xi32>
      %lt3A_190 = arith.cmpi slt, %add3A_184, %lt3A_189 : vector<16xi32>
      %and3A_191 = arith.andi %ge3A_187, %lt3A_190 : vector<16xi1>
      %sub3A_192 = arith.subf %get3A_54, %get3A_181 : vector<16xf32>
      %abs3A_193 = math.absf %sub3A_192 : vector<16xf32>
      %broadcast_in_dim3A_194 = vector.broadcast %scan3A_3 : f32 to vector<16xf32>
      %select_n3A_195 = arith.select %and3A_191, %abs3A_193, %broadcast_in_dim3A_194 : vector<16xi1>, vector<16xf32>
      %add3A_196 = arith.constant 8 : i32
      %add3A_197 = arith.addi %add3A_196, %add3A_47 : i32
      %add3A_198 = arith.constant 2 : i32
      %add3A_199 = arith.addi %add3A_197, %add3A_198 : i32
      %get3A_200 = arith.index_cast %add3A_199 : i32 to index
      %get3A_201 = tpu.vector_load %arg6[%get3A_200] {strides = array<i32>} : memref<2064xf32, #tpu.memory_space<vmem>>, vector<16xf32>,
      %get3A_202 = vector.shape_cast %get3A_201 : vector<16xf32> to vector<16xf32>
      %add3A_203 = arith.constant 2 : i32
      %add3A_204 = vector.broadcast %add3A_203 : i32 to vector<16xi32>
      %add3A_205 = arith.addi %add3A_49, %add3A_204 : vector<16xi32>
      %ge3A_206 = arith.constant 0 : i32
      %ge3A_207 = vector.broadcast %ge3A_206 : i32 to vector<16xi32>
      %ge3A_208 = arith.cmpi sge, %add3A_205, %ge3A_207 : vector<16xi32>
      %lt3A_209 = arith.constant 2048 : i32
      %lt3A_210 = vector.broadcast %lt3A_209 : i32 to vector<16xi32>
      %lt3A_211 = arith.cmpi slt, %add3A_205, %lt3A_210 : vector<16xi32>
      %and3A_212 = arith.andi %ge3A_208, %lt3A_211 : vector<16xi1>
      %sub3A_213 = arith.subf %get3A_54, %get3A_202 : vector<16xf32>
      %abs3A_214 = math.absf %sub3A_213 : vector<16xf32>
      %broadcast_in_dim3A_215 = vector.broadcast %scan3A_3 : f32 to vector<16xf32>
      %select_n3A_216 = arith.select %and3A_212, %abs3A_214, %broadcast_in_dim3A_215 : vector<16xi1>, vector<16xf32>
      %add3A_217 = arith.constant 8 : i32
      %add3A_218 = arith.addi %add3A_217, %add3A_47 : i32
      %add3A_219 = arith.constant 3 : i32
      %add3A_220 = arith.addi %add3A_218, %add3A_219 : i32
      %get3A_221 = arith.index_cast %add3A_220 : i32 to index
      %get3A_222 = tpu.vector_load %arg6[%get3A_221] {strides = array<i32>} : memref<2064xf32, #tpu.memory_space<vmem>>, vector<16xf32>,
      %get3A_223 = vector.shape_cast %get3A_222 : vector<16xf32> to vector<16xf32>
      %add3A_224 = arith.constant 3 : i32
      %add3A_225 = vector.broadcast %add3A_224 : i32 to vector<16xi32>
      %add3A_226 = arith.addi %add3A_49, %add3A_225 : vector<16xi32>
      %ge3A_227 = arith.constant 0 : i32
      %ge3A_228 = vector.broadcast %ge3A_227 : i32 to vector<16xi32>
      %ge3A_229 = arith.cmpi sge, %add3A_226, %ge3A_228 : vector<16xi32>
      %lt3A_230 = arith.constant 2048 : i32
      %lt3A_231 = vector.broadcast %lt3A_230 : i32 to vector<16xi32>
      %lt3A_232 = arith.cmpi slt, %add3A_226, %lt3A_231 : vector<16xi32>
      %and3A_233 = arith.andi %ge3A_229, %lt3A_232 : vector<16xi1>
      %sub3A_234 = arith.subf %get3A_54, %get3A_223 : vector<16xf32>
      %abs3A_235 = math.absf %sub3A_234 : vector<16xf32>
      %broadcast_in_dim3A_236 = vector.broadcast %scan3A_3 : f32 to vector<16xf32>
      %select_n3A_237 = arith.select %and3A_233, %abs3A_235, %broadcast_in_dim3A_236 : vector<16xi1>, vector<16xf32>
      %add3A_238 = arith.constant 8 : i32
      %add3A_239 = arith.addi %add3A_238, %add3A_47 : i32
      %add3A_240 = arith.constant 4 : i32
      %add3A_241 = arith.addi %add3A_239, %add3A_240 : i32
      %get3A_242 = arith.index_cast %add3A_241 : i32 to index
      %get3A_243 = tpu.vector_load %arg6[%get3A_242] {strides = array<i32>} : memref<2064xf32, #tpu.memory_space<vmem>>, vector<16xf32>,
      %get3A_244 = vector.shape_cast %get3A_243 : vector<16xf32> to vector<16xf32>
      %add3A_245 = arith.constant 4 : i32
      %add3A_246 = vector.broadcast %add3A_245 : i32 to vector<16xi32>
      %add3A_247 = arith.addi %add3A_49, %add3A_246 : vector<16xi32>
      %ge3A_248 = arith.constant 0 : i32
      %ge3A_249 = vector.broadcast %ge3A_248 : i32 to vector<16xi32>
      %ge3A_250 = arith.cmpi sge, %add3A_247, %ge3A_249 : vector<16xi32>
      %lt3A_251 = arith.constant 2048 : i32
      %lt3A_252 = vector.broadcast %lt3A_251 : i32 to vector<16xi32>
      %lt3A_253 = arith.cmpi slt, %add3A_247, %lt3A_252 : vector<16xi32>
      %and3A_254 = arith.andi %ge3A_250, %lt3A_253 : vector<16xi1>
      %sub3A_255 = arith.subf %get3A_54, %get3A_244 : vector<16xf32>
      %abs3A_256 = math.absf %sub3A_255 : vector<16xf32>
      %broadcast_in_dim3A_257 = vector.broadcast %scan3A_3 : f32 to vector<16xf32>
      %select_n3A_258 = arith.select %and3A_254, %abs3A_256, %broadcast_in_dim3A_257 : vector<16xi1>, vector<16xf32>
      %add3A_259 = arith.constant 8 : i32
      %add3A_260 = arith.addi %add3A_259, %add3A_47 : i32
      %add3A_261 = arith.constant 5 : i32
      %add3A_262 = arith.addi %add3A_260, %add3A_261 : i32
      %get3A_263 = arith.index_cast %add3A_262 : i32 to index
      %get3A_264 = tpu.vector_load %arg6[%get3A_263] {strides = array<i32>} : memref<2064xf32, #tpu.memory_space<vmem>>, vector<16xf32>,
      %get3A_265 = vector.shape_cast %get3A_264 : vector<16xf32> to vector<16xf32>
      %add3A_266 = arith.constant 5 : i32
      %add3A_267 = vector.broadcast %add3A_266 : i32 to vector<16xi32>
      %add3A_268 = arith.addi %add3A_49, %add3A_267 : vector<16xi32>
      %ge3A_269 = arith.constant 0 : i32
      %ge3A_270 = vector.broadcast %ge3A_269 : i32 to vector<16xi32>
      %ge3A_271 = arith.cmpi sge, %add3A_268, %ge3A_270 : vector<16xi32>
      %lt3A_272 = arith.constant 2048 : i32
      %lt3A_273 = vector.broadcast %lt3A_272 : i32 to vector<16xi32>
      %lt3A_274 = arith.cmpi slt, %add3A_268, %lt3A_273 : vector<16xi32>
      %and3A_275 = arith.andi %ge3A_271, %lt3A_274 : vector<16xi1>
      %sub3A_276 = arith.subf %get3A_54, %get3A_265 : vector<16xf32>
      %abs3A_277 = math.absf %sub3A_276 : vector<16xf32>
      %broadcast_in_dim3A_278 = vector.broadcast %scan3A_3 : f32 to vector<16xf32>
      %select_n3A_279 = arith.select %and3A_275, %abs3A_277, %broadcast_in_dim3A_278 : vector<16xi1>, vector<16xf32>
      %add3A_280 = arith.constant 8 : i32
      %add3A_281 = arith.addi %add3A_280, %add3A_47 : i32
      %add3A_282 = arith.constant 6 : i32
      %add3A_283 = arith.addi %add3A_281, %add3A_282 : i32
      %get3A_284 = arith.index_cast %add3A_283 : i32 to index
      %get3A_285 = tpu.vector_load %arg6[%get3A_284] {strides = array<i32>} : memref<2064xf32, #tpu.memory_space<vmem>>, vector<16xf32>,
      %get3A_286 = vector.shape_cast %get3A_285 : vector<16xf32> to vector<16xf32>
      %add3A_287 = arith.constant 6 : i32
      %add3A_288 = vector.broadcast %add3A_287 : i32 to vector<16xi32>
      %add3A_289 = arith.addi %add3A_49, %add3A_288 : vector<16xi32>
      %ge3A_290 = arith.constant 0 : i32
      %ge3A_291 = vector.broadcast %ge3A_290 : i32 to vector<16xi32>
      %ge3A_292 = arith.cmpi sge, %add3A_289, %ge3A_291 : vector<16xi32>
      %lt3A_293 = arith.constant 2048 : i32
      %lt3A_294 = vector.broadcast %lt3A_293 : i32 to vector<16xi32>
      %lt3A_295 = arith.cmpi slt, %add3A_289, %lt3A_294 : vector<16xi32>
      %and3A_296 = arith.andi %ge3A_292, %lt3A_295 : vector<16xi1>
      %sub3A_297 = arith.subf %get3A_54, %get3A_286 : vector<16xf32>
      %abs3A_298 = math.absf %sub3A_297 : vector<16xf32>
      %broadcast_in_dim3A_299 = vector.broadcast %scan3A_3 : f32 to vector<16xf32>
      %select_n3A_300 = arith.select %and3A_296, %abs3A_298, %broadcast_in_dim3A_299 : vector<16xi1>, vector<16xf32>
      %broadcast_in_dim3A_301 = vector.broadcast %scan3A_3 : f32 to vector<16xf32>
      %broadcast_in_dim3A_302 = arith.constant 1073741824 : i32
      %broadcast_in_dim3A_303 = vector.broadcast %broadcast_in_dim3A_302 : i32 to vector<16xi32>
      %lt3A_304 = arith.cmpf olt, %select_n3A, %broadcast_in_dim3A_301 : vector<16xf32>
      %eq3A_305 = arith.cmpf oeq, %select_n3A, %broadcast_in_dim3A_301 : vector<16xf32>
      %lt3A_306 = arith.cmpi slt, %add3A_64, %broadcast_in_dim3A_303 : vector<16xi32>
      %and3A_307 = arith.andi %eq3A_305, %lt3A_306 : vector<16xi1>
      %or3A = arith.ori %lt3A_304, %and3A_307 : vector<16xi1>
      %select_n3A_308 = arith.select %or3A, %select_n3A, %broadcast_in_dim3A_301 : vector<16xi1>, vector<16xf32>
      %select_n3A_309 = arith.select %or3A, %add3A_64, %broadcast_in_dim3A_303 : vector<16xi1>, vector<16xi32>
      %lt3A_310 = arith.cmpf olt, %select_n3A_90, %select_n3A_308 : vector<16xf32>
      %eq3A_311 = arith.cmpf oeq, %select_n3A_90, %select_n3A_308 : vector<16xf32>
      %lt3A_312 = arith.cmpi slt, %add3A_79, %select_n3A_309 : vector<16xi32>
      %and3A_313 = arith.andi %eq3A_311, %lt3A_312 : vector<16xi1>
      %or3A_314 = arith.ori %lt3A_310, %and3A_313 : vector<16xi1>
      %select_n3A_315 = arith.select %or3A_314, %select_n3A_90, %select_n3A_308 : vector<16xi1>, vector<16xf32>
      %select_n3A_316 = arith.select %or3A_314, %add3A_79, %select_n3A_309 : vector<16xi1>, vector<16xi32>
      %lt3A_317 = arith.cmpf olt, %select_n3A_111, %select_n3A_315 : vector<16xf32>
      %eq3A_318 = arith.cmpf oeq, %select_n3A_111, %select_n3A_315 : vector<16xf32>
      %lt3A_319 = arith.cmpi slt, %add3A_100, %select_n3A_316 : vector<16xi32>
      %and3A_320 = arith.andi %eq3A_318, %lt3A_319 : vector<16xi1>
      %or3A_321 = arith.ori %lt3A_317, %and3A_320 : vector<16xi1>
      %select_n3A_322 = arith.select %or3A_321, %select_n3A_111, %select_n3A_315 : vector<16xi1>, vector<16xf32>
      %select_n3A_323 = arith.select %or3A_321, %add3A_100, %select_n3A_316 : vector<16xi1>, vector<16xi32>
      %lt3A_324 = arith.cmpf olt, %select_n3A_132, %select_n3A_322 : vector<16xf32>
      %eq3A_325 = arith.cmpf oeq, %select_n3A_132, %select_n3A_322 : vector<16xf32>
      %lt3A_326 = arith.cmpi slt, %add3A_121, %select_n3A_323 : vector<16xi32>
      %and3A_327 = arith.andi %eq3A_325, %lt3A_326 : vector<16xi1>
      %or3A_328 = arith.ori %lt3A_324, %and3A_327 : vector<16xi1>
      %select_n3A_329 = arith.select %or3A_328, %select_n3A_132, %select_n3A_322 : vector<16xi1>, vector<16xf32>
      %select_n3A_330 = arith.select %or3A_328, %add3A_121, %select_n3A_323 : vector<16xi1>, vector<16xi32>
      %lt3A_331 = arith.cmpf olt, %select_n3A_153, %select_n3A_329 : vector<16xf32>
      %eq3A_332 = arith.cmpf oeq, %select_n3A_153, %select_n3A_329 : vector<16xf32>
      %lt3A_333 = arith.cmpi slt, %add3A_142, %select_n3A_330 : vector<16xi32>
      %and3A_334 = arith.andi %eq3A_332, %lt3A_333 : vector<16xi1>
      %or3A_335 = arith.ori %lt3A_331, %and3A_334 : vector<16xi1>
      %select_n3A_336 = arith.select %or3A_335, %select_n3A_153, %select_n3A_329 : vector<16xi1>, vector<16xf32>
      %select_n3A_337 = arith.select %or3A_335, %add3A_142, %select_n3A_330 : vector<16xi1>, vector<16xi32>
      %lt3A_338 = arith.cmpf olt, %select_n3A_174, %select_n3A_336 : vector<16xf32>
      %eq3A_339 = arith.cmpf oeq, %select_n3A_174, %select_n3A_336 : vector<16xf32>
      %lt3A_340 = arith.cmpi slt, %add3A_163, %select_n3A_337 : vector<16xi32>
      %and3A_341 = arith.andi %eq3A_339, %lt3A_340 : vector<16xi1>
      %or3A_342 = arith.ori %lt3A_338, %and3A_341 : vector<16xi1>
      %select_n3A_343 = arith.select %or3A_342, %select_n3A_174, %select_n3A_336 : vector<16xi1>, vector<16xf32>
      %select_n3A_344 = arith.select %or3A_342, %add3A_163, %select_n3A_337 : vector<16xi1>, vector<16xi32>
      %lt3A_345 = arith.cmpf olt, %select_n3A_195, %select_n3A_343 : vector<16xf32>
      %eq3A_346 = arith.cmpf oeq, %select_n3A_195, %select_n3A_343 : vector<16xf32>
      %lt3A_347 = arith.cmpi slt, %add3A_184, %select_n3A_344 : vector<16xi32>
      %and3A_348 = arith.andi %eq3A_346, %lt3A_347 : vector<16xi1>
      %or3A_349 = arith.ori %lt3A_345, %and3A_348 : vector<16xi1>
      %select_n3A_350 = arith.select %or3A_349, %select_n3A_195, %select_n3A_343 : vector<16xi1>, vector<16xf32>
      %select_n3A_351 = arith.select %or3A_349, %add3A_184, %select_n3A_344 : vector<16xi1>, vector<16xi32>
      %lt3A_352 = arith.cmpf olt, %select_n3A_216, %select_n3A_350 : vector<16xf32>
      %eq3A_353 = arith.cmpf oeq, %select_n3A_216, %select_n3A_350 : vector<16xf32>
      %lt3A_354 = arith.cmpi slt, %add3A_205, %select_n3A_351 : vector<16xi32>
      %and3A_355 = arith.andi %eq3A_353, %lt3A_354 : vector<16xi1>
      %or3A_356 = arith.ori %lt3A_352, %and3A_355 : vector<16xi1>
      %select_n3A_357 = arith.select %or3A_356, %select_n3A_216, %select_n3A_350 : vector<16xi1>, vector<16xf32>
      %select_n3A_358 = arith.select %or3A_356, %add3A_205, %select_n3A_351 : vector<16xi1>, vector<16xi32>
      %lt3A_359 = arith.cmpf olt, %select_n3A_237, %select_n3A_357 : vector<16xf32>
      %eq3A_360 = arith.cmpf oeq, %select_n3A_237, %select_n3A_357 : vector<16xf32>
      %lt3A_361 = arith.cmpi slt, %add3A_226, %select_n3A_358 : vector<16xi32>
      %and3A_362 = arith.andi %eq3A_360, %lt3A_361 : vector<16xi1>
      %or3A_363 = arith.ori %lt3A_359, %and3A_362 : vector<16xi1>
      %select_n3A_364 = arith.select %or3A_363, %select_n3A_237, %select_n3A_357 : vector<16xi1>, vector<16xf32>
      %select_n3A_365 = arith.select %or3A_363, %add3A_226, %select_n3A_358 : vector<16xi1>, vector<16xi32>
      %lt3A_366 = arith.cmpf olt, %select_n3A_258, %select_n3A_364 : vector<16xf32>
      %eq3A_367 = arith.cmpf oeq, %select_n3A_258, %select_n3A_364 : vector<16xf32>
      %lt3A_368 = arith.cmpi slt, %add3A_247, %select_n3A_365 : vector<16xi32>
      %and3A_369 = arith.andi %eq3A_367, %lt3A_368 : vector<16xi1>
      %or3A_370 = arith.ori %lt3A_366, %and3A_369 : vector<16xi1>
      %select_n3A_371 = arith.select %or3A_370, %select_n3A_258, %select_n3A_364 : vector<16xi1>, vector<16xf32>
      %select_n3A_372 = arith.select %or3A_370, %add3A_247, %select_n3A_365 : vector<16xi1>, vector<16xi32>
      %lt3A_373 = arith.cmpf olt, %select_n3A_279, %select_n3A_371 : vector<16xf32>
      %eq3A_374 = arith.cmpf oeq, %select_n3A_279, %select_n3A_371 : vector<16xf32>
      %lt3A_375 = arith.cmpi slt, %add3A_268, %select_n3A_372 : vector<16xi32>
      %and3A_376 = arith.andi %eq3A_374, %lt3A_375 : vector<16xi1>
      %or3A_377 = arith.ori %lt3A_373, %and3A_376 : vector<16xi1>
      %select_n3A_378 = arith.select %or3A_377, %select_n3A_279, %select_n3A_371 : vector<16xi1>, vector<16xf32>
      %select_n3A_379 = arith.select %or3A_377, %add3A_268, %select_n3A_372 : vector<16xi1>, vector<16xi32>
      %lt3A_380 = arith.cmpf olt, %select_n3A_300, %select_n3A_378 : vector<16xf32>
      %eq3A_381 = arith.cmpf oeq, %select_n3A_300, %select_n3A_378 : vector<16xf32>
      %lt3A_382 = arith.cmpi slt, %add3A_289, %select_n3A_379 : vector<16xi32>
      %and3A_383 = arith.andi %eq3A_381, %lt3A_382 : vector<16xi1>
      %or3A_384 = arith.ori %lt3A_380, %and3A_383 : vector<16xi1>
      %select_n3A_385 = arith.select %or3A_384, %select_n3A_300, %select_n3A_378 : vector<16xi1>, vector<16xf32>
      %select_n3A_386 = arith.select %or3A_384, %add3A_289, %select_n3A_379 : vector<16xi1>, vector<16xi32>
      %eq3A_387 = arith.cmpi eq, %add3A_64, %select_n3A_386 : vector<16xi32>
      %broadcast_in_dim3A_388 = vector.broadcast %scan3A_3 : f32 to vector<16xf32>
      %select_n3A_389 = arith.select %eq3A_387, %broadcast_in_dim3A_388, %select_n3A : vector<16xi1>, vector<16xf32>
      %eq3A_390 = arith.cmpi eq, %add3A_79, %select_n3A_386 : vector<16xi32>
      %broadcast_in_dim3A_391 = vector.broadcast %scan3A_3 : f32 to vector<16xf32>
      %select_n3A_392 = arith.select %eq3A_390, %broadcast_in_dim3A_391, %select_n3A_90 : vector<16xi1>, vector<16xf32>
      %eq3A_393 = arith.cmpi eq, %add3A_100, %select_n3A_386 : vector<16xi32>
      %broadcast_in_dim3A_394 = vector.broadcast %scan3A_3 : f32 to vector<16xf32>
      %select_n3A_395 = arith.select %eq3A_393, %broadcast_in_dim3A_394, %select_n3A_111 : vector<16xi1>, vector<16xf32>
      %eq3A_396 = arith.cmpi eq, %add3A_121, %select_n3A_386 : vector<16xi32>
      %broadcast_in_dim3A_397 = vector.broadcast %scan3A_3 : f32 to vector<16xf32>
      %select_n3A_398 = arith.select %eq3A_396, %broadcast_in_dim3A_397, %select_n3A_132 : vector<16xi1>, vector<16xf32>
      %eq3A_399 = arith.cmpi eq, %add3A_142, %select_n3A_386 : vector<16xi32>
      %broadcast_in_dim3A_400 = vector.broadcast %scan3A_3 : f32 to vector<16xf32>
      %select_n3A_401 = arith.select %eq3A_399, %broadcast_in_dim3A_400, %select_n3A_153 : vector<16xi1>, vector<16xf32>
      %eq3A_402 = arith.cmpi eq, %add3A_163, %select_n3A_386 : vector<16xi32>
      %broadcast_in_dim3A_403 = vector.broadcast %scan3A_3 : f32 to vector<16xf32>
      %select_n3A_404 = arith.select %eq3A_402, %broadcast_in_dim3A_403, %select_n3A_174 : vector<16xi1>, vector<16xf32>
      %eq3A_405 = arith.cmpi eq, %add3A_184, %select_n3A_386 : vector<16xi32>
      %broadcast_in_dim3A_406 = vector.broadcast %scan3A_3 : f32 to vector<16xf32>
      %select_n3A_407 = arith.select %eq3A_405, %broadcast_in_dim3A_406, %select_n3A_195 : vector<16xi1>, vector<16xf32>
      %eq3A_408 = arith.cmpi eq, %add3A_205, %select_n3A_386 : vector<16xi32>
      %broadcast_in_dim3A_409 = vector.broadcast %scan3A_3 : f32 to vector<16xf32>
      %select_n3A_410 = arith.select %eq3A_408, %broadcast_in_dim3A_409, %select_n3A_216 : vector<16xi1>, vector<16xf32>
      %eq3A_411 = arith.cmpi eq, %add3A_226, %select_n3A_386 : vector<16xi32>
      %broadcast_in_dim3A_412 = vector.broadcast %scan3A_3 : f32 to vector<16xf32>
      %select_n3A_413 = arith.select %eq3A_411, %broadcast_in_dim3A_412, %select_n3A_237 : vector<16xi1>, vector<16xf32>
      %eq3A_414 = arith.cmpi eq, %add3A_247, %select_n3A_386 : vector<16xi32>
      %broadcast_in_dim3A_415 = vector.broadcast %scan3A_3 : f32 to vector<16xf32>
      %select_n3A_416 = arith.select %eq3A_414, %broadcast_in_dim3A_415, %select_n3A_258 : vector<16xi1>, vector<16xf32>
      %eq3A_417 = arith.cmpi eq, %add3A_268, %select_n3A_386 : vector<16xi32>
      %broadcast_in_dim3A_418 = vector.broadcast %scan3A_3 : f32 to vector<16xf32>
      %select_n3A_419 = arith.select %eq3A_417, %broadcast_in_dim3A_418, %select_n3A_279 : vector<16xi1>, vector<16xf32>
      %eq3A_420 = arith.cmpi eq, %add3A_289, %select_n3A_386 : vector<16xi32>
      %broadcast_in_dim3A_421 = vector.broadcast %scan3A_3 : f32 to vector<16xf32>
      %select_n3A_422 = arith.select %eq3A_420, %broadcast_in_dim3A_421, %select_n3A_300 : vector<16xi1>, vector<16xf32>
      %broadcast_in_dim3A_423 = vector.broadcast %scan3A_3 : f32 to vector<16xf32>
      %broadcast_in_dim3A_424 = arith.constant 1073741824 : i32
      %broadcast_in_dim3A_425 = vector.broadcast %broadcast_in_dim3A_424 : i32 to vector<16xi32>
      %lt3A_426 = arith.cmpf olt, %select_n3A_389, %broadcast_in_dim3A_423 : vector<16xf32>
      %eq3A_427 = arith.cmpf oeq, %select_n3A_389, %broadcast_in_dim3A_423 : vector<16xf32>
      %lt3A_428 = arith.cmpi slt, %add3A_64, %broadcast_in_dim3A_425 : vector<16xi32>
      %and3A_429 = arith.andi %eq3A_427, %lt3A_428 : vector<16xi1>
      %or3A_430 = arith.ori %lt3A_426, %and3A_429 : vector<16xi1>
      %select_n3A_431 = arith.select %or3A_430, %select_n3A_389, %broadcast_in_dim3A_423 : vector<16xi1>, vector<16xf32>
      %select_n3A_432 = arith.select %or3A_430, %add3A_64, %broadcast_in_dim3A_425 : vector<16xi1>, vector<16xi32>
      %lt3A_433 = arith.cmpf olt, %select_n3A_392, %select_n3A_431 : vector<16xf32>
      %eq3A_434 = arith.cmpf oeq, %select_n3A_392, %select_n3A_431 : vector<16xf32>
      %lt3A_435 = arith.cmpi slt, %add3A_79, %select_n3A_432 : vector<16xi32>
      %and3A_436 = arith.andi %eq3A_434, %lt3A_435 : vector<16xi1>
      %or3A_437 = arith.ori %lt3A_433, %and3A_436 : vector<16xi1>
      %select_n3A_438 = arith.select %or3A_437, %select_n3A_392, %select_n3A_431 : vector<16xi1>, vector<16xf32>
      %select_n3A_439 = arith.select %or3A_437, %add3A_79, %select_n3A_432 : vector<16xi1>, vector<16xi32>
      %lt3A_440 = arith.cmpf olt, %select_n3A_395, %select_n3A_438 : vector<16xf32>
      %eq3A_441 = arith.cmpf oeq, %select_n3A_395, %select_n3A_438 : vector<16xf32>
      %lt3A_442 = arith.cmpi slt, %add3A_100, %select_n3A_439 : vector<16xi32>
      %and3A_443 = arith.andi %eq3A_441, %lt3A_442 : vector<16xi1>
      %or3A_444 = arith.ori %lt3A_440, %and3A_443 : vector<16xi1>
      %select_n3A_445 = arith.select %or3A_444, %select_n3A_395, %select_n3A_438 : vector<16xi1>, vector<16xf32>
      %select_n3A_446 = arith.select %or3A_444, %add3A_100, %select_n3A_439 : vector<16xi1>, vector<16xi32>
      %lt3A_447 = arith.cmpf olt, %select_n3A_398, %select_n3A_445 : vector<16xf32>
      %eq3A_448 = arith.cmpf oeq, %select_n3A_398, %select_n3A_445 : vector<16xf32>
      %lt3A_449 = arith.cmpi slt, %add3A_121, %select_n3A_446 : vector<16xi32>
      %and3A_450 = arith.andi %eq3A_448, %lt3A_449 : vector<16xi1>
      %or3A_451 = arith.ori %lt3A_447, %and3A_450 : vector<16xi1>
      %select_n3A_452 = arith.select %or3A_451, %select_n3A_398, %select_n3A_445 : vector<16xi1>, vector<16xf32>
      %select_n3A_453 = arith.select %or3A_451, %add3A_121, %select_n3A_446 : vector<16xi1>, vector<16xi32>
      %lt3A_454 = arith.cmpf olt, %select_n3A_401, %select_n3A_452 : vector<16xf32>
      %eq3A_455 = arith.cmpf oeq, %select_n3A_401, %select_n3A_452 : vector<16xf32>
      %lt3A_456 = arith.cmpi slt, %add3A_142, %select_n3A_453 : vector<16xi32>
      %and3A_457 = arith.andi %eq3A_455, %lt3A_456 : vector<16xi1>
      %or3A_458 = arith.ori %lt3A_454, %and3A_457 : vector<16xi1>
      %select_n3A_459 = arith.select %or3A_458, %select_n3A_401, %select_n3A_452 : vector<16xi1>, vector<16xf32>
      %select_n3A_460 = arith.select %or3A_458, %add3A_142, %select_n3A_453 : vector<16xi1>, vector<16xi32>
      %lt3A_461 = arith.cmpf olt, %select_n3A_404, %select_n3A_459 : vector<16xf32>
      %eq3A_462 = arith.cmpf oeq, %select_n3A_404, %select_n3A_459 : vector<16xf32>
      %lt3A_463 = arith.cmpi slt, %add3A_163, %select_n3A_460 : vector<16xi32>
      %and3A_464 = arith.andi %eq3A_462, %lt3A_463 : vector<16xi1>
      %or3A_465 = arith.ori %lt3A_461, %and3A_464 : vector<16xi1>
      %select_n3A_466 = arith.select %or3A_465, %select_n3A_404, %select_n3A_459 : vector<16xi1>, vector<16xf32>
      %select_n3A_467 = arith.select %or3A_465, %add3A_163, %select_n3A_460 : vector<16xi1>, vector<16xi32>
      %lt3A_468 = arith.cmpf olt, %select_n3A_407, %select_n3A_466 : vector<16xf32>
      %eq3A_469 = arith.cmpf oeq, %select_n3A_407, %select_n3A_466 : vector<16xf32>
      %lt3A_470 = arith.cmpi slt, %add3A_184, %select_n3A_467 : vector<16xi32>
      %and3A_471 = arith.andi %eq3A_469, %lt3A_470 : vector<16xi1>
      %or3A_472 = arith.ori %lt3A_468, %and3A_471 : vector<16xi1>
      %select_n3A_473 = arith.select %or3A_472, %select_n3A_407, %select_n3A_466 : vector<16xi1>, vector<16xf32>
      %select_n3A_474 = arith.select %or3A_472, %add3A_184, %select_n3A_467 : vector<16xi1>, vector<16xi32>
      %lt3A_475 = arith.cmpf olt, %select_n3A_410, %select_n3A_473 : vector<16xf32>
      %eq3A_476 = arith.cmpf oeq, %select_n3A_410, %select_n3A_473 : vector<16xf32>
      %lt3A_477 = arith.cmpi slt, %add3A_205, %select_n3A_474 : vector<16xi32>
      %and3A_478 = arith.andi %eq3A_476, %lt3A_477 : vector<16xi1>
      %or3A_479 = arith.ori %lt3A_475, %and3A_478 : vector<16xi1>
      %select_n3A_480 = arith.select %or3A_479, %select_n3A_410, %select_n3A_473 : vector<16xi1>, vector<16xf32>
      %select_n3A_481 = arith.select %or3A_479, %add3A_205, %select_n3A_474 : vector<16xi1>, vector<16xi32>
      %lt3A_482 = arith.cmpf olt, %select_n3A_413, %select_n3A_480 : vector<16xf32>
      %eq3A_483 = arith.cmpf oeq, %select_n3A_413, %select_n3A_480 : vector<16xf32>
      %lt3A_484 = arith.cmpi slt, %add3A_226, %select_n3A_481 : vector<16xi32>
      %and3A_485 = arith.andi %eq3A_483, %lt3A_484 : vector<16xi1>
      %or3A_486 = arith.ori %lt3A_482, %and3A_485 : vector<16xi1>
      %select_n3A_487 = arith.select %or3A_486, %select_n3A_413, %select_n3A_480 : vector<16xi1>, vector<16xf32>
      %select_n3A_488 = arith.select %or3A_486, %add3A_226, %select_n3A_481 : vector<16xi1>, vector<16xi32>
      %lt3A_489 = arith.cmpf olt, %select_n3A_416, %select_n3A_487 : vector<16xf32>
      %eq3A_490 = arith.cmpf oeq, %select_n3A_416, %select_n3A_487 : vector<16xf32>
      %lt3A_491 = arith.cmpi slt, %add3A_247, %select_n3A_488 : vector<16xi32>
      %and3A_492 = arith.andi %eq3A_490, %lt3A_491 : vector<16xi1>
      %or3A_493 = arith.ori %lt3A_489, %and3A_492 : vector<16xi1>
      %select_n3A_494 = arith.select %or3A_493, %select_n3A_416, %select_n3A_487 : vector<16xi1>, vector<16xf32>
      %select_n3A_495 = arith.select %or3A_493, %add3A_247, %select_n3A_488 : vector<16xi1>, vector<16xi32>
      %lt3A_496 = arith.cmpf olt, %select_n3A_419, %select_n3A_494 : vector<16xf32>
      %eq3A_497 = arith.cmpf oeq, %select_n3A_419, %select_n3A_494 : vector<16xf32>
      %lt3A_498 = arith.cmpi slt, %add3A_268, %select_n3A_495 : vector<16xi32>
      %and3A_499 = arith.andi %eq3A_497, %lt3A_498 : vector<16xi1>
      %or3A_500 = arith.ori %lt3A_496, %and3A_499 : vector<16xi1>
      %select_n3A_501 = arith.select %or3A_500, %select_n3A_419, %select_n3A_494 : vector<16xi1>, vector<16xf32>
      %select_n3A_502 = arith.select %or3A_500, %add3A_268, %select_n3A_495 : vector<16xi1>, vector<16xi32>
      %lt3A_503 = arith.cmpf olt, %select_n3A_422, %select_n3A_501 : vector<16xf32>
      %eq3A_504 = arith.cmpf oeq, %select_n3A_422, %select_n3A_501 : vector<16xf32>
      %lt3A_505 = arith.cmpi slt, %add3A_289, %select_n3A_502 : vector<16xi32>
      %and3A_506 = arith.andi %eq3A_504, %lt3A_505 : vector<16xi1>
      %or3A_507 = arith.ori %lt3A_503, %and3A_506 : vector<16xi1>
      %select_n3A_508 = arith.select %or3A_507, %select_n3A_422, %select_n3A_501 : vector<16xi1>, vector<16xf32>
      %select_n3A_509 = arith.select %or3A_507, %add3A_289, %select_n3A_502 : vector<16xi1>, vector<16xi32>
      %eq3A_510 = arith.cmpi eq, %add3A_64, %select_n3A_509 : vector<16xi32>
      %broadcast_in_dim3A_511 = vector.broadcast %scan3A_3 : f32 to vector<16xf32>
      %select_n3A_512 = arith.select %eq3A_510, %broadcast_in_dim3A_511, %select_n3A_389 : vector<16xi1>, vector<16xf32>
      %eq3A_513 = arith.cmpi eq, %add3A_79, %select_n3A_509 : vector<16xi32>
      %broadcast_in_dim3A_514 = vector.broadcast %scan3A_3 : f32 to vector<16xf32>
      %select_n3A_515 = arith.select %eq3A_513, %broadcast_in_dim3A_514, %select_n3A_392 : vector<16xi1>, vector<16xf32>
      %eq3A_516 = arith.cmpi eq, %add3A_100, %select_n3A_509 : vector<16xi32>
      %broadcast_in_dim3A_517 = vector.broadcast %scan3A_3 : f32 to vector<16xf32>
      %select_n3A_518 = arith.select %eq3A_516, %broadcast_in_dim3A_517, %select_n3A_395 : vector<16xi1>, vector<16xf32>
      %eq3A_519 = arith.cmpi eq, %add3A_121, %select_n3A_509 : vector<16xi32>
      %broadcast_in_dim3A_520 = vector.broadcast %scan3A_3 : f32 to vector<16xf32>
      %select_n3A_521 = arith.select %eq3A_519, %broadcast_in_dim3A_520, %select_n3A_398 : vector<16xi1>, vector<16xf32>
      %eq3A_522 = arith.cmpi eq, %add3A_142, %select_n3A_509 : vector<16xi32>
      %broadcast_in_dim3A_523 = vector.broadcast %scan3A_3 : f32 to vector<16xf32>
      %select_n3A_524 = arith.select %eq3A_522, %broadcast_in_dim3A_523, %select_n3A_401 : vector<16xi1>, vector<16xf32>
      %eq3A_525 = arith.cmpi eq, %add3A_163, %select_n3A_509 : vector<16xi32>
      %broadcast_in_dim3A_526 = vector.broadcast %scan3A_3 : f32 to vector<16xf32>
      %select_n3A_527 = arith.select %eq3A_525, %broadcast_in_dim3A_526, %select_n3A_404 : vector<16xi1>, vector<16xf32>
      %eq3A_528 = arith.cmpi eq, %add3A_184, %select_n3A_509 : vector<16xi32>
      %broadcast_in_dim3A_529 = vector.broadcast %scan3A_3 : f32 to vector<16xf32>
      %select_n3A_530 = arith.select %eq3A_528, %broadcast_in_dim3A_529, %select_n3A_407 : vector<16xi1>, vector<16xf32>
      %eq3A_531 = arith.cmpi eq, %add3A_205, %select_n3A_509 : vector<16xi32>
      %broadcast_in_dim3A_532 = vector.broadcast %scan3A_3 : f32 to vector<16xf32>
      %select_n3A_533 = arith.select %eq3A_531, %broadcast_in_dim3A_532, %select_n3A_410 : vector<16xi1>, vector<16xf32>
      %eq3A_534 = arith.cmpi eq, %add3A_226, %select_n3A_509 : vector<16xi32>
      %broadcast_in_dim3A_535 = vector.broadcast %scan3A_3 : f32 to vector<16xf32>
      %select_n3A_536 = arith.select %eq3A_534, %broadcast_in_dim3A_535, %select_n3A_413 : vector<16xi1>, vector<16xf32>
      %eq3A_537 = arith.cmpi eq, %add3A_247, %select_n3A_509 : vector<16xi32>
      %broadcast_in_dim3A_538 = vector.broadcast %scan3A_3 : f32 to vector<16xf32>
      %select_n3A_539 = arith.select %eq3A_537, %broadcast_in_dim3A_538, %select_n3A_416 : vector<16xi1>, vector<16xf32>
      %eq3A_540 = arith.cmpi eq, %add3A_268, %select_n3A_509 : vector<16xi32>
      %broadcast_in_dim3A_541 = vector.broadcast %scan3A_3 : f32 to vector<16xf32>
      %select_n3A_542 = arith.select %eq3A_540, %broadcast_in_dim3A_541, %select_n3A_419 : vector<16xi1>, vector<16xf32>
      %eq3A_543 = arith.cmpi eq, %add3A_289, %select_n3A_509 : vector<16xi32>
      %broadcast_in_dim3A_544 = vector.broadcast %scan3A_3 : f32 to vector<16xf32>
      %select_n3A_545 = arith.select %eq3A_543, %broadcast_in_dim3A_544, %select_n3A_422 : vector<16xi1>, vector<16xf32>
      %broadcast_in_dim3A_546 = vector.broadcast %scan3A_3 : f32 to vector<16xf32>
      %broadcast_in_dim3A_547 = arith.constant 1073741824 : i32
      %broadcast_in_dim3A_548 = vector.broadcast %broadcast_in_dim3A_547 : i32 to vector<16xi32>
      %lt3A_549 = arith.cmpf olt, %select_n3A_512, %broadcast_in_dim3A_546 : vector<16xf32>
      %eq3A_550 = arith.cmpf oeq, %select_n3A_512, %broadcast_in_dim3A_546 : vector<16xf32>
      %lt3A_551 = arith.cmpi slt, %add3A_64, %broadcast_in_dim3A_548 : vector<16xi32>
      %and3A_552 = arith.andi %eq3A_550, %lt3A_551 : vector<16xi1>
      %or3A_553 = arith.ori %lt3A_549, %and3A_552 : vector<16xi1>
      %select_n3A_554 = arith.select %or3A_553, %select_n3A_512, %broadcast_in_dim3A_546 : vector<16xi1>, vector<16xf32>
      %select_n3A_555 = arith.select %or3A_553, %add3A_64, %broadcast_in_dim3A_548 : vector<16xi1>, vector<16xi32>
      %lt3A_556 = arith.cmpf olt, %select_n3A_515, %select_n3A_554 : vector<16xf32>
      %eq3A_557 = arith.cmpf oeq, %select_n3A_515, %select_n3A_554 : vector<16xf32>
      %lt3A_558 = arith.cmpi slt, %add3A_79, %select_n3A_555 : vector<16xi32>
      %and3A_559 = arith.andi %eq3A_557, %lt3A_558 : vector<16xi1>
      %or3A_560 = arith.ori %lt3A_556, %and3A_559 : vector<16xi1>
      %select_n3A_561 = arith.select %or3A_560, %select_n3A_515, %select_n3A_554 : vector<16xi1>, vector<16xf32>
      %select_n3A_562 = arith.select %or3A_560, %add3A_79, %select_n3A_555 : vector<16xi1>, vector<16xi32>
      %lt3A_563 = arith.cmpf olt, %select_n3A_518, %select_n3A_561 : vector<16xf32>
      %eq3A_564 = arith.cmpf oeq, %select_n3A_518, %select_n3A_561 : vector<16xf32>
      %lt3A_565 = arith.cmpi slt, %add3A_100, %select_n3A_562 : vector<16xi32>
      %and3A_566 = arith.andi %eq3A_564, %lt3A_565 : vector<16xi1>
      %or3A_567 = arith.ori %lt3A_563, %and3A_566 : vector<16xi1>
      %select_n3A_568 = arith.select %or3A_567, %select_n3A_518, %select_n3A_561 : vector<16xi1>, vector<16xf32>
      %select_n3A_569 = arith.select %or3A_567, %add3A_100, %select_n3A_562 : vector<16xi1>, vector<16xi32>
      %lt3A_570 = arith.cmpf olt, %select_n3A_521, %select_n3A_568 : vector<16xf32>
      %eq3A_571 = arith.cmpf oeq, %select_n3A_521, %select_n3A_568 : vector<16xf32>
      %lt3A_572 = arith.cmpi slt, %add3A_121, %select_n3A_569 : vector<16xi32>
      %and3A_573 = arith.andi %eq3A_571, %lt3A_572 : vector<16xi1>
      %or3A_574 = arith.ori %lt3A_570, %and3A_573 : vector<16xi1>
      %select_n3A_575 = arith.select %or3A_574, %select_n3A_521, %select_n3A_568 : vector<16xi1>, vector<16xf32>
      %select_n3A_576 = arith.select %or3A_574, %add3A_121, %select_n3A_569 : vector<16xi1>, vector<16xi32>
      %lt3A_577 = arith.cmpf olt, %select_n3A_524, %select_n3A_575 : vector<16xf32>
      %eq3A_578 = arith.cmpf oeq, %select_n3A_524, %select_n3A_575 : vector<16xf32>
      %lt3A_579 = arith.cmpi slt, %add3A_142, %select_n3A_576 : vector<16xi32>
      %and3A_580 = arith.andi %eq3A_578, %lt3A_579 : vector<16xi1>
      %or3A_581 = arith.ori %lt3A_577, %and3A_580 : vector<16xi1>
      %select_n3A_582 = arith.select %or3A_581, %select_n3A_524, %select_n3A_575 : vector<16xi1>, vector<16xf32>
      %select_n3A_583 = arith.select %or3A_581, %add3A_142, %select_n3A_576 : vector<16xi1>, vector<16xi32>
      %lt3A_584 = arith.cmpf olt, %select_n3A_527, %select_n3A_582 : vector<16xf32>
      %eq3A_585 = arith.cmpf oeq, %select_n3A_527, %select_n3A_582 : vector<16xf32>
      %lt3A_586 = arith.cmpi slt, %add3A_163, %select_n3A_583 : vector<16xi32>
      %and3A_587 = arith.andi %eq3A_585, %lt3A_586 : vector<16xi1>
      %or3A_588 = arith.ori %lt3A_584, %and3A_587 : vector<16xi1>
      %select_n3A_589 = arith.select %or3A_588, %select_n3A_527, %select_n3A_582 : vector<16xi1>, vector<16xf32>
      %select_n3A_590 = arith.select %or3A_588, %add3A_163, %select_n3A_583 : vector<16xi1>, vector<16xi32>
      %lt3A_591 = arith.cmpf olt, %select_n3A_530, %select_n3A_589 : vector<16xf32>
      %eq3A_592 = arith.cmpf oeq, %select_n3A_530, %select_n3A_589 : vector<16xf32>
      %lt3A_593 = arith.cmpi slt, %add3A_184, %select_n3A_590 : vector<16xi32>
      %and3A_594 = arith.andi %eq3A_592, %lt3A_593 : vector<16xi1>
      %or3A_595 = arith.ori %lt3A_591, %and3A_594 : vector<16xi1>
      %select_n3A_596 = arith.select %or3A_595, %select_n3A_530, %select_n3A_589 : vector<16xi1>, vector<16xf32>
      %select_n3A_597 = arith.select %or3A_595, %add3A_184, %select_n3A_590 : vector<16xi1>, vector<16xi32>
      %lt3A_598 = arith.cmpf olt, %select_n3A_533, %select_n3A_596 : vector<16xf32>
      %eq3A_599 = arith.cmpf oeq, %select_n3A_533, %select_n3A_596 : vector<16xf32>
      %lt3A_600 = arith.cmpi slt, %add3A_205, %select_n3A_597 : vector<16xi32>
      %and3A_601 = arith.andi %eq3A_599, %lt3A_600 : vector<16xi1>
      %or3A_602 = arith.ori %lt3A_598, %and3A_601 : vector<16xi1>
      %select_n3A_603 = arith.select %or3A_602, %select_n3A_533, %select_n3A_596 : vector<16xi1>, vector<16xf32>
      %select_n3A_604 = arith.select %or3A_602, %add3A_205, %select_n3A_597 : vector<16xi1>, vector<16xi32>
      %lt3A_605 = arith.cmpf olt, %select_n3A_536, %select_n3A_603 : vector<16xf32>
      %eq3A_606 = arith.cmpf oeq, %select_n3A_536, %select_n3A_603 : vector<16xf32>
      %lt3A_607 = arith.cmpi slt, %add3A_226, %select_n3A_604 : vector<16xi32>
      %and3A_608 = arith.andi %eq3A_606, %lt3A_607 : vector<16xi1>
      %or3A_609 = arith.ori %lt3A_605, %and3A_608 : vector<16xi1>
      %select_n3A_610 = arith.select %or3A_609, %select_n3A_536, %select_n3A_603 : vector<16xi1>, vector<16xf32>
      %select_n3A_611 = arith.select %or3A_609, %add3A_226, %select_n3A_604 : vector<16xi1>, vector<16xi32>
      %lt3A_612 = arith.cmpf olt, %select_n3A_539, %select_n3A_610 : vector<16xf32>
      %eq3A_613 = arith.cmpf oeq, %select_n3A_539, %select_n3A_610 : vector<16xf32>
      %lt3A_614 = arith.cmpi slt, %add3A_247, %select_n3A_611 : vector<16xi32>
      %and3A_615 = arith.andi %eq3A_613, %lt3A_614 : vector<16xi1>
      %or3A_616 = arith.ori %lt3A_612, %and3A_615 : vector<16xi1>
      %select_n3A_617 = arith.select %or3A_616, %select_n3A_539, %select_n3A_610 : vector<16xi1>, vector<16xf32>
      %select_n3A_618 = arith.select %or3A_616, %add3A_247, %select_n3A_611 : vector<16xi1>, vector<16xi32>
      %lt3A_619 = arith.cmpf olt, %select_n3A_542, %select_n3A_617 : vector<16xf32>
      %eq3A_620 = arith.cmpf oeq, %select_n3A_542, %select_n3A_617 : vector<16xf32>
      %lt3A_621 = arith.cmpi slt, %add3A_268, %select_n3A_618 : vector<16xi32>
      %and3A_622 = arith.andi %eq3A_620, %lt3A_621 : vector<16xi1>
      %or3A_623 = arith.ori %lt3A_619, %and3A_622 : vector<16xi1>
      %select_n3A_624 = arith.select %or3A_623, %select_n3A_542, %select_n3A_617 : vector<16xi1>, vector<16xf32>
      %select_n3A_625 = arith.select %or3A_623, %add3A_268, %select_n3A_618 : vector<16xi1>, vector<16xi32>
      %lt3A_626 = arith.cmpf olt, %select_n3A_545, %select_n3A_624 : vector<16xf32>
      %eq3A_627 = arith.cmpf oeq, %select_n3A_545, %select_n3A_624 : vector<16xf32>
      %lt3A_628 = arith.cmpi slt, %add3A_289, %select_n3A_625 : vector<16xi32>
      %and3A_629 = arith.andi %eq3A_627, %lt3A_628 : vector<16xi1>
      %or3A_630 = arith.ori %lt3A_626, %and3A_629 : vector<16xi1>
      %select_n3A_631 = arith.select %or3A_630, %select_n3A_545, %select_n3A_624 : vector<16xi1>, vector<16xf32>
      %select_n3A_632 = arith.select %or3A_630, %add3A_289, %select_n3A_625 : vector<16xi1>, vector<16xi32>
      %eq3A_633 = arith.cmpi eq, %add3A_64, %select_n3A_632 : vector<16xi32>
      %broadcast_in_dim3A_634 = vector.broadcast %scan3A_3 : f32 to vector<16xf32>
      %select_n3A_635 = arith.select %eq3A_633, %broadcast_in_dim3A_634, %select_n3A_512 : vector<16xi1>, vector<16xf32>
      %eq3A_636 = arith.cmpi eq, %add3A_79, %select_n3A_632 : vector<16xi32>
      %broadcast_in_dim3A_637 = vector.broadcast %scan3A_3 : f32 to vector<16xf32>
      %select_n3A_638 = arith.select %eq3A_636, %broadcast_in_dim3A_637, %select_n3A_515 : vector<16xi1>, vector<16xf32>
      %eq3A_639 = arith.cmpi eq, %add3A_100, %select_n3A_632 : vector<16xi32>
      %broadcast_in_dim3A_640 = vector.broadcast %scan3A_3 : f32 to vector<16xf32>
      %select_n3A_641 = arith.select %eq3A_639, %broadcast_in_dim3A_640, %select_n3A_518 : vector<16xi1>, vector<16xf32>
      %eq3A_642 = arith.cmpi eq, %add3A_121, %select_n3A_632 : vector<16xi32>
      %broadcast_in_dim3A_643 = vector.broadcast %scan3A_3 : f32 to vector<16xf32>
      %select_n3A_644 = arith.select %eq3A_642, %broadcast_in_dim3A_643, %select_n3A_521 : vector<16xi1>, vector<16xf32>
      %eq3A_645 = arith.cmpi eq, %add3A_142, %select_n3A_632 : vector<16xi32>
      %broadcast_in_dim3A_646 = vector.broadcast %scan3A_3 : f32 to vector<16xf32>
      %select_n3A_647 = arith.select %eq3A_645, %broadcast_in_dim3A_646, %select_n3A_524 : vector<16xi1>, vector<16xf32>
      %eq3A_648 = arith.cmpi eq, %add3A_163, %select_n3A_632 : vector<16xi32>
      %broadcast_in_dim3A_649 = vector.broadcast %scan3A_3 : f32 to vector<16xf32>
      %select_n3A_650 = arith.select %eq3A_648, %broadcast_in_dim3A_649, %select_n3A_527 : vector<16xi1>, vector<16xf32>
      %eq3A_651 = arith.cmpi eq, %add3A_184, %select_n3A_632 : vector<16xi32>
      %broadcast_in_dim3A_652 = vector.broadcast %scan3A_3 : f32 to vector<16xf32>
      %select_n3A_653 = arith.select %eq3A_651, %broadcast_in_dim3A_652, %select_n3A_530 : vector<16xi1>, vector<16xf32>
      %eq3A_654 = arith.cmpi eq, %add3A_205, %select_n3A_632 : vector<16xi32>
      %broadcast_in_dim3A_655 = vector.broadcast %scan3A_3 : f32 to vector<16xf32>
      %select_n3A_656 = arith.select %eq3A_654, %broadcast_in_dim3A_655, %select_n3A_533 : vector<16xi1>, vector<16xf32>
      %eq3A_657 = arith.cmpi eq, %add3A_226, %select_n3A_632 : vector<16xi32>
      %broadcast_in_dim3A_658 = vector.broadcast %scan3A_3 : f32 to vector<16xf32>
      %select_n3A_659 = arith.select %eq3A_657, %broadcast_in_dim3A_658, %select_n3A_536 : vector<16xi1>, vector<16xf32>
      %eq3A_660 = arith.cmpi eq, %add3A_247, %select_n3A_632 : vector<16xi32>
      %broadcast_in_dim3A_661 = vector.broadcast %scan3A_3 : f32 to vector<16xf32>
      %select_n3A_662 = arith.select %eq3A_660, %broadcast_in_dim3A_661, %select_n3A_539 : vector<16xi1>, vector<16xf32>
      %eq3A_663 = arith.cmpi eq, %add3A_268, %select_n3A_632 : vector<16xi32>
      %broadcast_in_dim3A_664 = vector.broadcast %scan3A_3 : f32 to vector<16xf32>
      %select_n3A_665 = arith.select %eq3A_663, %broadcast_in_dim3A_664, %select_n3A_542 : vector<16xi1>, vector<16xf32>
      %eq3A_666 = arith.cmpi eq, %add3A_289, %select_n3A_632 : vector<16xi32>
      %broadcast_in_dim3A_667 = vector.broadcast %scan3A_3 : f32 to vector<16xf32>
      %select_n3A_668 = arith.select %eq3A_666, %broadcast_in_dim3A_667, %select_n3A_545 : vector<16xi1>, vector<16xf32>
      %broadcast_in_dim3A_669 = vector.broadcast %scan3A_3 : f32 to vector<16xf32>
      %broadcast_in_dim3A_670 = arith.constant 1073741824 : i32
      %broadcast_in_dim3A_671 = vector.broadcast %broadcast_in_dim3A_670 : i32 to vector<16xi32>
      %lt3A_672 = arith.cmpf olt, %select_n3A_635, %broadcast_in_dim3A_669 : vector<16xf32>
      %eq3A_673 = arith.cmpf oeq, %select_n3A_635, %broadcast_in_dim3A_669 : vector<16xf32>
      %lt3A_674 = arith.cmpi slt, %add3A_64, %broadcast_in_dim3A_671 : vector<16xi32>
      %and3A_675 = arith.andi %eq3A_673, %lt3A_674 : vector<16xi1>
      %or3A_676 = arith.ori %lt3A_672, %and3A_675 : vector<16xi1>
      %select_n3A_677 = arith.select %or3A_676, %select_n3A_635, %broadcast_in_dim3A_669 : vector<16xi1>, vector<16xf32>
      %select_n3A_678 = arith.select %or3A_676, %add3A_64, %broadcast_in_dim3A_671 : vector<16xi1>, vector<16xi32>
      %lt3A_679 = arith.cmpf olt, %select_n3A_638, %select_n3A_677 : vector<16xf32>
      %eq3A_680 = arith.cmpf oeq, %select_n3A_638, %select_n3A_677 : vector<16xf32>
      %lt3A_681 = arith.cmpi slt, %add3A_79, %select_n3A_678 : vector<16xi32>
      %and3A_682 = arith.andi %eq3A_680, %lt3A_681 : vector<16xi1>
      %or3A_683 = arith.ori %lt3A_679, %and3A_682 : vector<16xi1>
      %select_n3A_684 = arith.select %or3A_683, %select_n3A_638, %select_n3A_677 : vector<16xi1>, vector<16xf32>
      %select_n3A_685 = arith.select %or3A_683, %add3A_79, %select_n3A_678 : vector<16xi1>, vector<16xi32>
      %lt3A_686 = arith.cmpf olt, %select_n3A_641, %select_n3A_684 : vector<16xf32>
      %eq3A_687 = arith.cmpf oeq, %select_n3A_641, %select_n3A_684 : vector<16xf32>
      %lt3A_688 = arith.cmpi slt, %add3A_100, %select_n3A_685 : vector<16xi32>
      %and3A_689 = arith.andi %eq3A_687, %lt3A_688 : vector<16xi1>
      %or3A_690 = arith.ori %lt3A_686, %and3A_689 : vector<16xi1>
      %select_n3A_691 = arith.select %or3A_690, %select_n3A_641, %select_n3A_684 : vector<16xi1>, vector<16xf32>
      %select_n3A_692 = arith.select %or3A_690, %add3A_100, %select_n3A_685 : vector<16xi1>, vector<16xi32>
      %lt3A_693 = arith.cmpf olt, %select_n3A_644, %select_n3A_691 : vector<16xf32>
      %eq3A_694 = arith.cmpf oeq, %select_n3A_644, %select_n3A_691 : vector<16xf32>
      %lt3A_695 = arith.cmpi slt, %add3A_121, %select_n3A_692 : vector<16xi32>
      %and3A_696 = arith.andi %eq3A_694, %lt3A_695 : vector<16xi1>
      %or3A_697 = arith.ori %lt3A_693, %and3A_696 : vector<16xi1>
      %select_n3A_698 = arith.select %or3A_697, %select_n3A_644, %select_n3A_691 : vector<16xi1>, vector<16xf32>
      %select_n3A_699 = arith.select %or3A_697, %add3A_121, %select_n3A_692 : vector<16xi1>, vector<16xi32>
      %lt3A_700 = arith.cmpf olt, %select_n3A_647, %select_n3A_698 : vector<16xf32>
      %eq3A_701 = arith.cmpf oeq, %select_n3A_647, %select_n3A_698 : vector<16xf32>
      %lt3A_702 = arith.cmpi slt, %add3A_142, %select_n3A_699 : vector<16xi32>
      %and3A_703 = arith.andi %eq3A_701, %lt3A_702 : vector<16xi1>
      %or3A_704 = arith.ori %lt3A_700, %and3A_703 : vector<16xi1>
      %select_n3A_705 = arith.select %or3A_704, %select_n3A_647, %select_n3A_698 : vector<16xi1>, vector<16xf32>
      %select_n3A_706 = arith.select %or3A_704, %add3A_142, %select_n3A_699 : vector<16xi1>, vector<16xi32>
      %lt3A_707 = arith.cmpf olt, %select_n3A_650, %select_n3A_705 : vector<16xf32>
      %eq3A_708 = arith.cmpf oeq, %select_n3A_650, %select_n3A_705 : vector<16xf32>
      %lt3A_709 = arith.cmpi slt, %add3A_163, %select_n3A_706 : vector<16xi32>
      %and3A_710 = arith.andi %eq3A_708, %lt3A_709 : vector<16xi1>
      %or3A_711 = arith.ori %lt3A_707, %and3A_710 : vector<16xi1>
      %select_n3A_712 = arith.select %or3A_711, %select_n3A_650, %select_n3A_705 : vector<16xi1>, vector<16xf32>
      %select_n3A_713 = arith.select %or3A_711, %add3A_163, %select_n3A_706 : vector<16xi1>, vector<16xi32>
      %lt3A_714 = arith.cmpf olt, %select_n3A_653, %select_n3A_712 : vector<16xf32>
      %eq3A_715 = arith.cmpf oeq, %select_n3A_653, %select_n3A_712 : vector<16xf32>
      %lt3A_716 = arith.cmpi slt, %add3A_184, %select_n3A_713 : vector<16xi32>
      %and3A_717 = arith.andi %eq3A_715, %lt3A_716 : vector<16xi1>
      %or3A_718 = arith.ori %lt3A_714, %and3A_717 : vector<16xi1>
      %select_n3A_719 = arith.select %or3A_718, %select_n3A_653, %select_n3A_712 : vector<16xi1>, vector<16xf32>
      %select_n3A_720 = arith.select %or3A_718, %add3A_184, %select_n3A_713 : vector<16xi1>, vector<16xi32>
      %lt3A_721 = arith.cmpf olt, %select_n3A_656, %select_n3A_719 : vector<16xf32>
      %eq3A_722 = arith.cmpf oeq, %select_n3A_656, %select_n3A_719 : vector<16xf32>
      %lt3A_723 = arith.cmpi slt, %add3A_205, %select_n3A_720 : vector<16xi32>
      %and3A_724 = arith.andi %eq3A_722, %lt3A_723 : vector<16xi1>
      %or3A_725 = arith.ori %lt3A_721, %and3A_724 : vector<16xi1>
      %select_n3A_726 = arith.select %or3A_725, %select_n3A_656, %select_n3A_719 : vector<16xi1>, vector<16xf32>
      %select_n3A_727 = arith.select %or3A_725, %add3A_205, %select_n3A_720 : vector<16xi1>, vector<16xi32>
      %lt3A_728 = arith.cmpf olt, %select_n3A_659, %select_n3A_726 : vector<16xf32>
      %eq3A_729 = arith.cmpf oeq, %select_n3A_659, %select_n3A_726 : vector<16xf32>
      %lt3A_730 = arith.cmpi slt, %add3A_226, %select_n3A_727 : vector<16xi32>
      %and3A_731 = arith.andi %eq3A_729, %lt3A_730 : vector<16xi1>
      %or3A_732 = arith.ori %lt3A_728, %and3A_731 : vector<16xi1>
      %select_n3A_733 = arith.select %or3A_732, %select_n3A_659, %select_n3A_726 : vector<16xi1>, vector<16xf32>
      %select_n3A_734 = arith.select %or3A_732, %add3A_226, %select_n3A_727 : vector<16xi1>, vector<16xi32>
      %lt3A_735 = arith.cmpf olt, %select_n3A_662, %select_n3A_733 : vector<16xf32>
      %eq3A_736 = arith.cmpf oeq, %select_n3A_662, %select_n3A_733 : vector<16xf32>
      %lt3A_737 = arith.cmpi slt, %add3A_247, %select_n3A_734 : vector<16xi32>
      %and3A_738 = arith.andi %eq3A_736, %lt3A_737 : vector<16xi1>
      %or3A_739 = arith.ori %lt3A_735, %and3A_738 : vector<16xi1>
      %select_n3A_740 = arith.select %or3A_739, %select_n3A_662, %select_n3A_733 : vector<16xi1>, vector<16xf32>
      %select_n3A_741 = arith.select %or3A_739, %add3A_247, %select_n3A_734 : vector<16xi1>, vector<16xi32>
      %lt3A_742 = arith.cmpf olt, %select_n3A_665, %select_n3A_740 : vector<16xf32>
      %eq3A_743 = arith.cmpf oeq, %select_n3A_665, %select_n3A_740 : vector<16xf32>
      %lt3A_744 = arith.cmpi slt, %add3A_268, %select_n3A_741 : vector<16xi32>
      %and3A_745 = arith.andi %eq3A_743, %lt3A_744 : vector<16xi1>
      %or3A_746 = arith.ori %lt3A_742, %and3A_745 : vector<16xi1>
      %select_n3A_747 = arith.select %or3A_746, %select_n3A_665, %select_n3A_740 : vector<16xi1>, vector<16xf32>
      %select_n3A_748 = arith.select %or3A_746, %add3A_268, %select_n3A_741 : vector<16xi1>, vector<16xi32>
      %lt3A_749 = arith.cmpf olt, %select_n3A_668, %select_n3A_747 : vector<16xf32>
      %eq3A_750 = arith.cmpf oeq, %select_n3A_668, %select_n3A_747 : vector<16xf32>
      %lt3A_751 = arith.cmpi slt, %add3A_289, %select_n3A_748 : vector<16xi32>
      %and3A_752 = arith.andi %eq3A_750, %lt3A_751 : vector<16xi1>
      %or3A_753 = arith.ori %lt3A_749, %and3A_752 : vector<16xi1>
      %select_n3A_754 = arith.select %or3A_753, %select_n3A_668, %select_n3A_747 : vector<16xi1>, vector<16xf32>
      %select_n3A_755 = arith.select %or3A_753, %add3A_289, %select_n3A_748 : vector<16xi1>, vector<16xi32>
      %eq3A_756 = arith.cmpi eq, %add3A_64, %select_n3A_755 : vector<16xi32>
      %broadcast_in_dim3A_757 = vector.broadcast %scan3A_3 : f32 to vector<16xf32>
      %select_n3A_758 = arith.select %eq3A_756, %broadcast_in_dim3A_757, %select_n3A_635 : vector<16xi1>, vector<16xf32>
      %eq3A_759 = arith.cmpi eq, %add3A_79, %select_n3A_755 : vector<16xi32>
      %broadcast_in_dim3A_760 = vector.broadcast %scan3A_3 : f32 to vector<16xf32>
      %select_n3A_761 = arith.select %eq3A_759, %broadcast_in_dim3A_760, %select_n3A_638 : vector<16xi1>, vector<16xf32>
      %eq3A_762 = arith.cmpi eq, %add3A_100, %select_n3A_755 : vector<16xi32>
      %broadcast_in_dim3A_763 = vector.broadcast %scan3A_3 : f32 to vector<16xf32>
      %select_n3A_764 = arith.select %eq3A_762, %broadcast_in_dim3A_763, %select_n3A_641 : vector<16xi1>, vector<16xf32>
      %eq3A_765 = arith.cmpi eq, %add3A_121, %select_n3A_755 : vector<16xi32>
      %broadcast_in_dim3A_766 = vector.broadcast %scan3A_3 : f32 to vector<16xf32>
      %select_n3A_767 = arith.select %eq3A_765, %broadcast_in_dim3A_766, %select_n3A_644 : vector<16xi1>, vector<16xf32>
      %eq3A_768 = arith.cmpi eq, %add3A_142, %select_n3A_755 : vector<16xi32>
      %broadcast_in_dim3A_769 = vector.broadcast %scan3A_3 : f32 to vector<16xf32>
      %select_n3A_770 = arith.select %eq3A_768, %broadcast_in_dim3A_769, %select_n3A_647 : vector<16xi1>, vector<16xf32>
      %eq3A_771 = arith.cmpi eq, %add3A_163, %select_n3A_755 : vector<16xi32>
      %broadcast_in_dim3A_772 = vector.broadcast %scan3A_3 : f32 to vector<16xf32>
      %select_n3A_773 = arith.select %eq3A_771, %broadcast_in_dim3A_772, %select_n3A_650 : vector<16xi1>, vector<16xf32>
      %eq3A_774 = arith.cmpi eq, %add3A_184, %select_n3A_755 : vector<16xi32>
      %broadcast_in_dim3A_775 = vector.broadcast %scan3A_3 : f32 to vector<16xf32>
      %select_n3A_776 = arith.select %eq3A_774, %broadcast_in_dim3A_775, %select_n3A_653 : vector<16xi1>, vector<16xf32>
      %eq3A_777 = arith.cmpi eq, %add3A_205, %select_n3A_755 : vector<16xi32>
      %broadcast_in_dim3A_778 = vector.broadcast %scan3A_3 : f32 to vector<16xf32>
      %select_n3A_779 = arith.select %eq3A_777, %broadcast_in_dim3A_778, %select_n3A_656 : vector<16xi1>, vector<16xf32>
      %eq3A_780 = arith.cmpi eq, %add3A_226, %select_n3A_755 : vector<16xi32>
      %broadcast_in_dim3A_781 = vector.broadcast %scan3A_3 : f32 to vector<16xf32>
      %select_n3A_782 = arith.select %eq3A_780, %broadcast_in_dim3A_781, %select_n3A_659 : vector<16xi1>, vector<16xf32>
      %eq3A_783 = arith.cmpi eq, %add3A_247, %select_n3A_755 : vector<16xi32>
      %broadcast_in_dim3A_784 = vector.broadcast %scan3A_3 : f32 to vector<16xf32>
      %select_n3A_785 = arith.select %eq3A_783, %broadcast_in_dim3A_784, %select_n3A_662 : vector<16xi1>, vector<16xf32>
      %eq3A_786 = arith.cmpi eq, %add3A_268, %select_n3A_755 : vector<16xi32>
      %broadcast_in_dim3A_787 = vector.broadcast %scan3A_3 : f32 to vector<16xf32>
      %select_n3A_788 = arith.select %eq3A_786, %broadcast_in_dim3A_787, %select_n3A_665 : vector<16xi1>, vector<16xf32>
      %eq3A_789 = arith.cmpi eq, %add3A_289, %select_n3A_755 : vector<16xi32>
      %broadcast_in_dim3A_790 = vector.broadcast %scan3A_3 : f32 to vector<16xf32>
      %select_n3A_791 = arith.select %eq3A_789, %broadcast_in_dim3A_790, %select_n3A_668 : vector<16xi1>, vector<16xf32>
      %broadcast_in_dim3A_792 = vector.broadcast %scan3A_3 : f32 to vector<16xf32>
      %broadcast_in_dim3A_793 = arith.constant 1073741824 : i32
      %broadcast_in_dim3A_794 = vector.broadcast %broadcast_in_dim3A_793 : i32 to vector<16xi32>
      %lt3A_795 = arith.cmpf olt, %select_n3A_758, %broadcast_in_dim3A_792 : vector<16xf32>
      %eq3A_796 = arith.cmpf oeq, %select_n3A_758, %broadcast_in_dim3A_792 : vector<16xf32>
      %lt3A_797 = arith.cmpi slt, %add3A_64, %broadcast_in_dim3A_794 : vector<16xi32>
      %and3A_798 = arith.andi %eq3A_796, %lt3A_797 : vector<16xi1>
      %or3A_799 = arith.ori %lt3A_795, %and3A_798 : vector<16xi1>
      %select_n3A_800 = arith.select %or3A_799, %select_n3A_758, %broadcast_in_dim3A_792 : vector<16xi1>, vector<16xf32>
      %select_n3A_801 = arith.select %or3A_799, %add3A_64, %broadcast_in_dim3A_794 : vector<16xi1>, vector<16xi32>
      %lt3A_802 = arith.cmpf olt, %select_n3A_761, %select_n3A_800 : vector<16xf32>
      %eq3A_803 = arith.cmpf oeq, %select_n3A_761, %select_n3A_800 : vector<16xf32>
      %lt3A_804 = arith.cmpi slt, %add3A_79, %select_n3A_801 : vector<16xi32>
      %and3A_805 = arith.andi %eq3A_803, %lt3A_804 : vector<16xi1>
      %or3A_806 = arith.ori %lt3A_802, %and3A_805 : vector<16xi1>
      %select_n3A_807 = arith.select %or3A_806, %select_n3A_761, %select_n3A_800 : vector<16xi1>, vector<16xf32>
      %select_n3A_808 = arith.select %or3A_806, %add3A_79, %select_n3A_801 : vector<16xi1>, vector<16xi32>
      %lt3A_809 = arith.cmpf olt, %select_n3A_764, %select_n3A_807 : vector<16xf32>
      %eq3A_810 = arith.cmpf oeq, %select_n3A_764, %select_n3A_807 : vector<16xf32>
      %lt3A_811 = arith.cmpi slt, %add3A_100, %select_n3A_808 : vector<16xi32>
      %and3A_812 = arith.andi %eq3A_810, %lt3A_811 : vector<16xi1>
      %or3A_813 = arith.ori %lt3A_809, %and3A_812 : vector<16xi1>
      %select_n3A_814 = arith.select %or3A_813, %select_n3A_764, %select_n3A_807 : vector<16xi1>, vector<16xf32>
      %select_n3A_815 = arith.select %or3A_813, %add3A_100, %select_n3A_808 : vector<16xi1>, vector<16xi32>
      %lt3A_816 = arith.cmpf olt, %select_n3A_767, %select_n3A_814 : vector<16xf32>
      %eq3A_817 = arith.cmpf oeq, %select_n3A_767, %select_n3A_814 : vector<16xf32>
      %lt3A_818 = arith.cmpi slt, %add3A_121, %select_n3A_815 : vector<16xi32>
      %and3A_819 = arith.andi %eq3A_817, %lt3A_818 : vector<16xi1>
      %or3A_820 = arith.ori %lt3A_816, %and3A_819 : vector<16xi1>
      %select_n3A_821 = arith.select %or3A_820, %select_n3A_767, %select_n3A_814 : vector<16xi1>, vector<16xf32>
      %select_n3A_822 = arith.select %or3A_820, %add3A_121, %select_n3A_815 : vector<16xi1>, vector<16xi32>
      %lt3A_823 = arith.cmpf olt, %select_n3A_770, %select_n3A_821 : vector<16xf32>
      %eq3A_824 = arith.cmpf oeq, %select_n3A_770, %select_n3A_821 : vector<16xf32>
      %lt3A_825 = arith.cmpi slt, %add3A_142, %select_n3A_822 : vector<16xi32>
      %and3A_826 = arith.andi %eq3A_824, %lt3A_825 : vector<16xi1>
      %or3A_827 = arith.ori %lt3A_823, %and3A_826 : vector<16xi1>
      %select_n3A_828 = arith.select %or3A_827, %select_n3A_770, %select_n3A_821 : vector<16xi1>, vector<16xf32>
      %select_n3A_829 = arith.select %or3A_827, %add3A_142, %select_n3A_822 : vector<16xi1>, vector<16xi32>
      %lt3A_830 = arith.cmpf olt, %select_n3A_773, %select_n3A_828 : vector<16xf32>
      %eq3A_831 = arith.cmpf oeq, %select_n3A_773, %select_n3A_828 : vector<16xf32>
      %lt3A_832 = arith.cmpi slt, %add3A_163, %select_n3A_829 : vector<16xi32>
      %and3A_833 = arith.andi %eq3A_831, %lt3A_832 : vector<16xi1>
      %or3A_834 = arith.ori %lt3A_830, %and3A_833 : vector<16xi1>
      %select_n3A_835 = arith.select %or3A_834, %select_n3A_773, %select_n3A_828 : vector<16xi1>, vector<16xf32>
      %select_n3A_836 = arith.select %or3A_834, %add3A_163, %select_n3A_829 : vector<16xi1>, vector<16xi32>
      %lt3A_837 = arith.cmpf olt, %select_n3A_776, %select_n3A_835 : vector<16xf32>
      %eq3A_838 = arith.cmpf oeq, %select_n3A_776, %select_n3A_835 : vector<16xf32>
      %lt3A_839 = arith.cmpi slt, %add3A_184, %select_n3A_836 : vector<16xi32>
      %and3A_840 = arith.andi %eq3A_838, %lt3A_839 : vector<16xi1>
      %or3A_841 = arith.ori %lt3A_837, %and3A_840 : vector<16xi1>
      %select_n3A_842 = arith.select %or3A_841, %select_n3A_776, %select_n3A_835 : vector<16xi1>, vector<16xf32>
      %select_n3A_843 = arith.select %or3A_841, %add3A_184, %select_n3A_836 : vector<16xi1>, vector<16xi32>
      %lt3A_844 = arith.cmpf olt, %select_n3A_779, %select_n3A_842 : vector<16xf32>
      %eq3A_845 = arith.cmpf oeq, %select_n3A_779, %select_n3A_842 : vector<16xf32>
      %lt3A_846 = arith.cmpi slt, %add3A_205, %select_n3A_843 : vector<16xi32>
      %and3A_847 = arith.andi %eq3A_845, %lt3A_846 : vector<16xi1>
      %or3A_848 = arith.ori %lt3A_844, %and3A_847 : vector<16xi1>
      %select_n3A_849 = arith.select %or3A_848, %select_n3A_779, %select_n3A_842 : vector<16xi1>, vector<16xf32>
      %select_n3A_850 = arith.select %or3A_848, %add3A_205, %select_n3A_843 : vector<16xi1>, vector<16xi32>
      %lt3A_851 = arith.cmpf olt, %select_n3A_782, %select_n3A_849 : vector<16xf32>
      %eq3A_852 = arith.cmpf oeq, %select_n3A_782, %select_n3A_849 : vector<16xf32>
      %lt3A_853 = arith.cmpi slt, %add3A_226, %select_n3A_850 : vector<16xi32>
      %and3A_854 = arith.andi %eq3A_852, %lt3A_853 : vector<16xi1>
      %or3A_855 = arith.ori %lt3A_851, %and3A_854 : vector<16xi1>
      %select_n3A_856 = arith.select %or3A_855, %select_n3A_782, %select_n3A_849 : vector<16xi1>, vector<16xf32>
      %select_n3A_857 = arith.select %or3A_855, %add3A_226, %select_n3A_850 : vector<16xi1>, vector<16xi32>
      %lt3A_858 = arith.cmpf olt, %select_n3A_785, %select_n3A_856 : vector<16xf32>
      %eq3A_859 = arith.cmpf oeq, %select_n3A_785, %select_n3A_856 : vector<16xf32>
      %lt3A_860 = arith.cmpi slt, %add3A_247, %select_n3A_857 : vector<16xi32>
      %and3A_861 = arith.andi %eq3A_859, %lt3A_860 : vector<16xi1>
      %or3A_862 = arith.ori %lt3A_858, %and3A_861 : vector<16xi1>
      %select_n3A_863 = arith.select %or3A_862, %select_n3A_785, %select_n3A_856 : vector<16xi1>, vector<16xf32>
      %select_n3A_864 = arith.select %or3A_862, %add3A_247, %select_n3A_857 : vector<16xi1>, vector<16xi32>
      %lt3A_865 = arith.cmpf olt, %select_n3A_788, %select_n3A_863 : vector<16xf32>
      %eq3A_866 = arith.cmpf oeq, %select_n3A_788, %select_n3A_863 : vector<16xf32>
      %lt3A_867 = arith.cmpi slt, %add3A_268, %select_n3A_864 : vector<16xi32>
      %and3A_868 = arith.andi %eq3A_866, %lt3A_867 : vector<16xi1>
      %or3A_869 = arith.ori %lt3A_865, %and3A_868 : vector<16xi1>
      %select_n3A_870 = arith.select %or3A_869, %select_n3A_788, %select_n3A_863 : vector<16xi1>, vector<16xf32>
      %select_n3A_871 = arith.select %or3A_869, %add3A_268, %select_n3A_864 : vector<16xi1>, vector<16xi32>
      %lt3A_872 = arith.cmpf olt, %select_n3A_791, %select_n3A_870 : vector<16xf32>
      %eq3A_873 = arith.cmpf oeq, %select_n3A_791, %select_n3A_870 : vector<16xf32>
      %lt3A_874 = arith.cmpi slt, %add3A_289, %select_n3A_871 : vector<16xi32>
      %and3A_875 = arith.andi %eq3A_873, %lt3A_874 : vector<16xi1>
      %or3A_876 = arith.ori %lt3A_872, %and3A_875 : vector<16xi1>
      %select_n3A_877 = arith.select %or3A_876, %select_n3A_791, %select_n3A_870 : vector<16xi1>, vector<16xf32>
      %select_n3A_878 = arith.select %or3A_876, %add3A_289, %select_n3A_871 : vector<16xi1>, vector<16xi32>
      %eq3A_879 = arith.cmpi eq, %add3A_64, %select_n3A_878 : vector<16xi32>
      %broadcast_in_dim3A_880 = vector.broadcast %scan3A_3 : f32 to vector<16xf32>
      %select_n3A_881 = arith.select %eq3A_879, %broadcast_in_dim3A_880, %select_n3A_758 : vector<16xi1>, vector<16xf32>
      %eq3A_882 = arith.cmpi eq, %add3A_79, %select_n3A_878 : vector<16xi32>
      %broadcast_in_dim3A_883 = vector.broadcast %scan3A_3 : f32 to vector<16xf32>
      %select_n3A_884 = arith.select %eq3A_882, %broadcast_in_dim3A_883, %select_n3A_761 : vector<16xi1>, vector<16xf32>
      %eq3A_885 = arith.cmpi eq, %add3A_100, %select_n3A_878 : vector<16xi32>
      %broadcast_in_dim3A_886 = vector.broadcast %scan3A_3 : f32 to vector<16xf32>
      %select_n3A_887 = arith.select %eq3A_885, %broadcast_in_dim3A_886, %select_n3A_764 : vector<16xi1>, vector<16xf32>
      %eq3A_888 = arith.cmpi eq, %add3A_121, %select_n3A_878 : vector<16xi32>
      %broadcast_in_dim3A_889 = vector.broadcast %scan3A_3 : f32 to vector<16xf32>
      %select_n3A_890 = arith.select %eq3A_888, %broadcast_in_dim3A_889, %select_n3A_767 : vector<16xi1>, vector<16xf32>
      %eq3A_891 = arith.cmpi eq, %add3A_142, %select_n3A_878 : vector<16xi32>
      %broadcast_in_dim3A_892 = vector.broadcast %scan3A_3 : f32 to vector<16xf32>
      %select_n3A_893 = arith.select %eq3A_891, %broadcast_in_dim3A_892, %select_n3A_770 : vector<16xi1>, vector<16xf32>
      %eq3A_894 = arith.cmpi eq, %add3A_163, %select_n3A_878 : vector<16xi32>
      %broadcast_in_dim3A_895 = vector.broadcast %scan3A_3 : f32 to vector<16xf32>
      %select_n3A_896 = arith.select %eq3A_894, %broadcast_in_dim3A_895, %select_n3A_773 : vector<16xi1>, vector<16xf32>
      %eq3A_897 = arith.cmpi eq, %add3A_184, %select_n3A_878 : vector<16xi32>
      %broadcast_in_dim3A_898 = vector.broadcast %scan3A_3 : f32 to vector<16xf32>
      %select_n3A_899 = arith.select %eq3A_897, %broadcast_in_dim3A_898, %select_n3A_776 : vector<16xi1>, vector<16xf32>
      %eq3A_900 = arith.cmpi eq, %add3A_205, %select_n3A_878 : vector<16xi32>
      %broadcast_in_dim3A_901 = vector.broadcast %scan3A_3 : f32 to vector<16xf32>
      %select_n3A_902 = arith.select %eq3A_900, %broadcast_in_dim3A_901, %select_n3A_779 : vector<16xi1>, vector<16xf32>
      %eq3A_903 = arith.cmpi eq, %add3A_226, %select_n3A_878 : vector<16xi32>
      %broadcast_in_dim3A_904 = vector.broadcast %scan3A_3 : f32 to vector<16xf32>
      %select_n3A_905 = arith.select %eq3A_903, %broadcast_in_dim3A_904, %select_n3A_782 : vector<16xi1>, vector<16xf32>
      %eq3A_906 = arith.cmpi eq, %add3A_247, %select_n3A_878 : vector<16xi32>
      %broadcast_in_dim3A_907 = vector.broadcast %scan3A_3 : f32 to vector<16xf32>
      %select_n3A_908 = arith.select %eq3A_906, %broadcast_in_dim3A_907, %select_n3A_785 : vector<16xi1>, vector<16xf32>
      %eq3A_909 = arith.cmpi eq, %add3A_268, %select_n3A_878 : vector<16xi32>
      %broadcast_in_dim3A_910 = vector.broadcast %scan3A_3 : f32 to vector<16xf32>
      %select_n3A_911 = arith.select %eq3A_909, %broadcast_in_dim3A_910, %select_n3A_788 : vector<16xi1>, vector<16xf32>
      %eq3A_912 = arith.cmpi eq, %add3A_289, %select_n3A_878 : vector<16xi32>
      %broadcast_in_dim3A_913 = vector.broadcast %scan3A_3 : f32 to vector<16xf32>
      %select_n3A_914 = arith.select %eq3A_912, %broadcast_in_dim3A_913, %select_n3A_791 : vector<16xi1>, vector<16xf32>
      %broadcast_in_dim3A_915 = vector.broadcast %scan3A_3 : f32 to vector<16xf32>
      %broadcast_in_dim3A_916 = arith.constant 1073741824 : i32
      %broadcast_in_dim3A_917 = vector.broadcast %broadcast_in_dim3A_916 : i32 to vector<16xi32>
      %lt3A_918 = arith.cmpf olt, %select_n3A_881, %broadcast_in_dim3A_915 : vector<16xf32>
      %eq3A_919 = arith.cmpf oeq, %select_n3A_881, %broadcast_in_dim3A_915 : vector<16xf32>
      %lt3A_920 = arith.cmpi slt, %add3A_64, %broadcast_in_dim3A_917 : vector<16xi32>
      %and3A_921 = arith.andi %eq3A_919, %lt3A_920 : vector<16xi1>
      %or3A_922 = arith.ori %lt3A_918, %and3A_921 : vector<16xi1>
      %select_n3A_923 = arith.select %or3A_922, %select_n3A_881, %broadcast_in_dim3A_915 : vector<16xi1>, vector<16xf32>
      %select_n3A_924 = arith.select %or3A_922, %add3A_64, %broadcast_in_dim3A_917 : vector<16xi1>, vector<16xi32>
      %lt3A_925 = arith.cmpf olt, %select_n3A_884, %select_n3A_923 : vector<16xf32>
      %eq3A_926 = arith.cmpf oeq, %select_n3A_884, %select_n3A_923 : vector<16xf32>
      %lt3A_927 = arith.cmpi slt, %add3A_79, %select_n3A_924 : vector<16xi32>
      %and3A_928 = arith.andi %eq3A_926, %lt3A_927 : vector<16xi1>
      %or3A_929 = arith.ori %lt3A_925, %and3A_928 : vector<16xi1>
      %select_n3A_930 = arith.select %or3A_929, %select_n3A_884, %select_n3A_923 : vector<16xi1>, vector<16xf32>
      %select_n3A_931 = arith.select %or3A_929, %add3A_79, %select_n3A_924 : vector<16xi1>, vector<16xi32>
      %lt3A_932 = arith.cmpf olt, %select_n3A_887, %select_n3A_930 : vector<16xf32>
      %eq3A_933 = arith.cmpf oeq, %select_n3A_887, %select_n3A_930 : vector<16xf32>
      %lt3A_934 = arith.cmpi slt, %add3A_100, %select_n3A_931 : vector<16xi32>
      %and3A_935 = arith.andi %eq3A_933, %lt3A_934 : vector<16xi1>
      %or3A_936 = arith.ori %lt3A_932, %and3A_935 : vector<16xi1>
      %select_n3A_937 = arith.select %or3A_936, %select_n3A_887, %select_n3A_930 : vector<16xi1>, vector<16xf32>
      %select_n3A_938 = arith.select %or3A_936, %add3A_100, %select_n3A_931 : vector<16xi1>, vector<16xi32>
      %lt3A_939 = arith.cmpf olt, %select_n3A_890, %select_n3A_937 : vector<16xf32>
      %eq3A_940 = arith.cmpf oeq, %select_n3A_890, %select_n3A_937 : vector<16xf32>
      %lt3A_941 = arith.cmpi slt, %add3A_121, %select_n3A_938 : vector<16xi32>
      %and3A_942 = arith.andi %eq3A_940, %lt3A_941 : vector<16xi1>
      %or3A_943 = arith.ori %lt3A_939, %and3A_942 : vector<16xi1>
      %select_n3A_944 = arith.select %or3A_943, %select_n3A_890, %select_n3A_937 : vector<16xi1>, vector<16xf32>
      %select_n3A_945 = arith.select %or3A_943, %add3A_121, %select_n3A_938 : vector<16xi1>, vector<16xi32>
      %lt3A_946 = arith.cmpf olt, %select_n3A_893, %select_n3A_944 : vector<16xf32>
      %eq3A_947 = arith.cmpf oeq, %select_n3A_893, %select_n3A_944 : vector<16xf32>
      %lt3A_948 = arith.cmpi slt, %add3A_142, %select_n3A_945 : vector<16xi32>
      %and3A_949 = arith.andi %eq3A_947, %lt3A_948 : vector<16xi1>
      %or3A_950 = arith.ori %lt3A_946, %and3A_949 : vector<16xi1>
      %select_n3A_951 = arith.select %or3A_950, %select_n3A_893, %select_n3A_944 : vector<16xi1>, vector<16xf32>
      %select_n3A_952 = arith.select %or3A_950, %add3A_142, %select_n3A_945 : vector<16xi1>, vector<16xi32>
      %lt3A_953 = arith.cmpf olt, %select_n3A_896, %select_n3A_951 : vector<16xf32>
      %eq3A_954 = arith.cmpf oeq, %select_n3A_896, %select_n3A_951 : vector<16xf32>
      %lt3A_955 = arith.cmpi slt, %add3A_163, %select_n3A_952 : vector<16xi32>
      %and3A_956 = arith.andi %eq3A_954, %lt3A_955 : vector<16xi1>
      %or3A_957 = arith.ori %lt3A_953, %and3A_956 : vector<16xi1>
      %select_n3A_958 = arith.select %or3A_957, %select_n3A_896, %select_n3A_951 : vector<16xi1>, vector<16xf32>
      %select_n3A_959 = arith.select %or3A_957, %add3A_163, %select_n3A_952 : vector<16xi1>, vector<16xi32>
      %lt3A_960 = arith.cmpf olt, %select_n3A_899, %select_n3A_958 : vector<16xf32>
      %eq3A_961 = arith.cmpf oeq, %select_n3A_899, %select_n3A_958 : vector<16xf32>
      %lt3A_962 = arith.cmpi slt, %add3A_184, %select_n3A_959 : vector<16xi32>
      %and3A_963 = arith.andi %eq3A_961, %lt3A_962 : vector<16xi1>
      %or3A_964 = arith.ori %lt3A_960, %and3A_963 : vector<16xi1>
      %select_n3A_965 = arith.select %or3A_964, %select_n3A_899, %select_n3A_958 : vector<16xi1>, vector<16xf32>
      %select_n3A_966 = arith.select %or3A_964, %add3A_184, %select_n3A_959 : vector<16xi1>, vector<16xi32>
      %lt3A_967 = arith.cmpf olt, %select_n3A_902, %select_n3A_965 : vector<16xf32>
      %eq3A_968 = arith.cmpf oeq, %select_n3A_902, %select_n3A_965 : vector<16xf32>
      %lt3A_969 = arith.cmpi slt, %add3A_205, %select_n3A_966 : vector<16xi32>
      %and3A_970 = arith.andi %eq3A_968, %lt3A_969 : vector<16xi1>
      %or3A_971 = arith.ori %lt3A_967, %and3A_970 : vector<16xi1>
      %select_n3A_972 = arith.select %or3A_971, %select_n3A_902, %select_n3A_965 : vector<16xi1>, vector<16xf32>
      %select_n3A_973 = arith.select %or3A_971, %add3A_205, %select_n3A_966 : vector<16xi1>, vector<16xi32>
      %lt3A_974 = arith.cmpf olt, %select_n3A_905, %select_n3A_972 : vector<16xf32>
      %eq3A_975 = arith.cmpf oeq, %select_n3A_905, %select_n3A_972 : vector<16xf32>
      %lt3A_976 = arith.cmpi slt, %add3A_226, %select_n3A_973 : vector<16xi32>
      %and3A_977 = arith.andi %eq3A_975, %lt3A_976 : vector<16xi1>
      %or3A_978 = arith.ori %lt3A_974, %and3A_977 : vector<16xi1>
      %select_n3A_979 = arith.select %or3A_978, %select_n3A_905, %select_n3A_972 : vector<16xi1>, vector<16xf32>
      %select_n3A_980 = arith.select %or3A_978, %add3A_226, %select_n3A_973 : vector<16xi1>, vector<16xi32>
      %lt3A_981 = arith.cmpf olt, %select_n3A_908, %select_n3A_979 : vector<16xf32>
      %eq3A_982 = arith.cmpf oeq, %select_n3A_908, %select_n3A_979 : vector<16xf32>
      %lt3A_983 = arith.cmpi slt, %add3A_247, %select_n3A_980 : vector<16xi32>
      %and3A_984 = arith.andi %eq3A_982, %lt3A_983 : vector<16xi1>
      %or3A_985 = arith.ori %lt3A_981, %and3A_984 : vector<16xi1>
      %select_n3A_986 = arith.select %or3A_985, %select_n3A_908, %select_n3A_979 : vector<16xi1>, vector<16xf32>
      %select_n3A_987 = arith.select %or3A_985, %add3A_247, %select_n3A_980 : vector<16xi1>, vector<16xi32>
      %lt3A_988 = arith.cmpf olt, %select_n3A_911, %select_n3A_986 : vector<16xf32>
      %eq3A_989 = arith.cmpf oeq, %select_n3A_911, %select_n3A_986 : vector<16xf32>
      %lt3A_990 = arith.cmpi slt, %add3A_268, %select_n3A_987 : vector<16xi32>
      %and3A_991 = arith.andi %eq3A_989, %lt3A_990 : vector<16xi1>
      %or3A_992 = arith.ori %lt3A_988, %and3A_991 : vector<16xi1>
      %select_n3A_993 = arith.select %or3A_992, %select_n3A_911, %select_n3A_986 : vector<16xi1>, vector<16xf32>
      %select_n3A_994 = arith.select %or3A_992, %add3A_268, %select_n3A_987 : vector<16xi1>, vector<16xi32>
      %lt3A_995 = arith.cmpf olt, %select_n3A_914, %select_n3A_993 : vector<16xf32>
      %eq3A_996 = arith.cmpf oeq, %select_n3A_914, %select_n3A_993 : vector<16xf32>
      %lt3A_997 = arith.cmpi slt, %add3A_289, %select_n3A_994 : vector<16xi32>
      %and3A_998 = arith.andi %eq3A_996, %lt3A_997 : vector<16xi1>
      %or3A_999 = arith.ori %lt3A_995, %and3A_998 : vector<16xi1>
      %select_n3A_1000 = arith.select %or3A_999, %select_n3A_914, %select_n3A_993 : vector<16xi1>, vector<16xf32>
      %select_n3A_1001 = arith.select %or3A_999, %add3A_289, %select_n3A_994 : vector<16xi1>, vector<16xi32>
      %eq3A_1002 = arith.cmpi eq, %add3A_64, %select_n3A_1001 : vector<16xi32>
      %broadcast_in_dim3A_1003 = vector.broadcast %scan3A_3 : f32 to vector<16xf32>
      %select_n3A_1004 = arith.select %eq3A_1002, %broadcast_in_dim3A_1003, %select_n3A_881 : vector<16xi1>, vector<16xf32>
      %eq3A_1005 = arith.cmpi eq, %add3A_79, %select_n3A_1001 : vector<16xi32>
      %broadcast_in_dim3A_1006 = vector.broadcast %scan3A_3 : f32 to vector<16xf32>
      %select_n3A_1007 = arith.select %eq3A_1005, %broadcast_in_dim3A_1006, %select_n3A_884 : vector<16xi1>, vector<16xf32>
      %eq3A_1008 = arith.cmpi eq, %add3A_100, %select_n3A_1001 : vector<16xi32>
      %broadcast_in_dim3A_1009 = vector.broadcast %scan3A_3 : f32 to vector<16xf32>
      %select_n3A_1010 = arith.select %eq3A_1008, %broadcast_in_dim3A_1009, %select_n3A_887 : vector<16xi1>, vector<16xf32>
      %eq3A_1011 = arith.cmpi eq, %add3A_121, %select_n3A_1001 : vector<16xi32>
      %broadcast_in_dim3A_1012 = vector.broadcast %scan3A_3 : f32 to vector<16xf32>
      %select_n3A_1013 = arith.select %eq3A_1011, %broadcast_in_dim3A_1012, %select_n3A_890 : vector<16xi1>, vector<16xf32>
      %eq3A_1014 = arith.cmpi eq, %add3A_142, %select_n3A_1001 : vector<16xi32>
      %broadcast_in_dim3A_1015 = vector.broadcast %scan3A_3 : f32 to vector<16xf32>
      %select_n3A_1016 = arith.select %eq3A_1014, %broadcast_in_dim3A_1015, %select_n3A_893 : vector<16xi1>, vector<16xf32>
      %eq3A_1017 = arith.cmpi eq, %add3A_163, %select_n3A_1001 : vector<16xi32>
      %broadcast_in_dim3A_1018 = vector.broadcast %scan3A_3 : f32 to vector<16xf32>
      %select_n3A_1019 = arith.select %eq3A_1017, %broadcast_in_dim3A_1018, %select_n3A_896 : vector<16xi1>, vector<16xf32>
      %eq3A_1020 = arith.cmpi eq, %add3A_184, %select_n3A_1001 : vector<16xi32>
      %broadcast_in_dim3A_1021 = vector.broadcast %scan3A_3 : f32 to vector<16xf32>
      %select_n3A_1022 = arith.select %eq3A_1020, %broadcast_in_dim3A_1021, %select_n3A_899 : vector<16xi1>, vector<16xf32>
      %eq3A_1023 = arith.cmpi eq, %add3A_205, %select_n3A_1001 : vector<16xi32>
      %broadcast_in_dim3A_1024 = vector.broadcast %scan3A_3 : f32 to vector<16xf32>
      %select_n3A_1025 = arith.select %eq3A_1023, %broadcast_in_dim3A_1024, %select_n3A_902 : vector<16xi1>, vector<16xf32>
      %eq3A_1026 = arith.cmpi eq, %add3A_226, %select_n3A_1001 : vector<16xi32>
      %broadcast_in_dim3A_1027 = vector.broadcast %scan3A_3 : f32 to vector<16xf32>
      %select_n3A_1028 = arith.select %eq3A_1026, %broadcast_in_dim3A_1027, %select_n3A_905 : vector<16xi1>, vector<16xf32>
      %eq3A_1029 = arith.cmpi eq, %add3A_247, %select_n3A_1001 : vector<16xi32>
      %broadcast_in_dim3A_1030 = vector.broadcast %scan3A_3 : f32 to vector<16xf32>
      %select_n3A_1031 = arith.select %eq3A_1029, %broadcast_in_dim3A_1030, %select_n3A_908 : vector<16xi1>, vector<16xf32>
      %eq3A_1032 = arith.cmpi eq, %add3A_268, %select_n3A_1001 : vector<16xi32>
      %broadcast_in_dim3A_1033 = vector.broadcast %scan3A_3 : f32 to vector<16xf32>
      %select_n3A_1034 = arith.select %eq3A_1032, %broadcast_in_dim3A_1033, %select_n3A_911 : vector<16xi1>, vector<16xf32>
      %eq3A_1035 = arith.cmpi eq, %add3A_289, %select_n3A_1001 : vector<16xi32>
      %broadcast_in_dim3A_1036 = vector.broadcast %scan3A_3 : f32 to vector<16xf32>
      %select_n3A_1037 = arith.select %eq3A_1035, %broadcast_in_dim3A_1036, %select_n3A_914 : vector<16xi1>, vector<16xf32>
      %add3A_1038 = arith.constant 0 : i32
      %add3A_1039 = vector.broadcast %add3A_1038 : i32 to vector<16xi32>
      %add3A_1040 = arith.addi %add3A_1039, %iota3A : vector<16xi32>
      %mul3A_1041 = arith.constant 43 : i32
      %mul3A_1042 = vector.broadcast %mul3A_1041 : i32 to vector<16xi32>
      %mul3A_1043 = arith.muli %add3A_1040, %mul3A_1042 : vector<16xi32>
      %shift_right_arithmetic3A = arith.constant 8 : i32
      %shift_right_arithmetic3A_1044 = vector.broadcast %shift_right_arithmetic3A : i32 to vector<16xi32>
      %shift_right_arithmetic3A_1045 = arith.shrsi %mul3A_1043, %shift_right_arithmetic3A_1044 : vector<16xi32>
      %mul3A_1046 = arith.constant 6 : i32
      %mul3A_1047 = vector.broadcast %mul3A_1046 : i32 to vector<16xi32>
      %mul3A_1048 = arith.muli %shift_right_arithmetic3A_1045, %mul3A_1047 : vector<16xi32>
      %sub3A_1049 = arith.subi %add3A_1040, %mul3A_1048 : vector<16xi32>
      %broadcast_in_dim3A_1050 = arith.constant 0 : i32
      %broadcast_in_dim3A_1051 = vector.broadcast %broadcast_in_dim3A_1050 : i32 to vector<16xi32>
      %eq3A_1052 = arith.constant 0 : i32
      %eq3A_1053 = vector.broadcast %eq3A_1052 : i32 to vector<16xi32>
      %eq3A_1054 = arith.cmpi eq, %sub3A_1049, %eq3A_1053 : vector<16xi32>
      %lt3A_1055 = arith.constant 0 : i32
      %lt3A_1056 = vector.broadcast %lt3A_1055 : i32 to vector<16xi32>
      %lt3A_1057 = arith.cmpi slt, %shift_right_arithmetic3A_1045, %lt3A_1056 : vector<16xi32>
      %add3A_1058 = arith.constant 16 : i32
      %add3A_1059 = vector.broadcast %add3A_1058 : i32 to vector<16xi32>
      %add3A_1060 = arith.addi %shift_right_arithmetic3A_1045, %add3A_1059 : vector<16xi32>
      %select_n3A_1061 = arith.select %lt3A_1057, %add3A_1060, %shift_right_arithmetic3A_1045 : vector<16xi1>, vector<16xi32>
      %broadcast_in_dim3A_1062 = vector.shape_cast %select_n3A_1061 : vector<16xi32> to vector<16x1xi32>
      %gather3A = vector.shape_cast %broadcast_in_dim3A_1062 : vector<16x1xi32> to vector<16xi32>
      %gather3A_1063 = tpu.dynamic_gather %select_n3A_386[%gather3A] in [0] : vector<16xi32>, vector<16xi32> -> vector<16xi32>
      %select_n3A_1064 = arith.select %eq3A_1054, %gather3A_1063, %broadcast_in_dim3A_1051 : vector<16xi1>, vector<16xi32>
      %eq3A_1065 = arith.constant 1 : i32
      %eq3A_1066 = vector.broadcast %eq3A_1065 : i32 to vector<16xi32>
      %eq3A_1067 = arith.cmpi eq, %sub3A_1049, %eq3A_1066 : vector<16xi32>
      %lt3A_1068 = arith.constant 0 : i32
      %lt3A_1069 = vector.broadcast %lt3A_1068 : i32 to vector<16xi32>
      %lt3A_1070 = arith.cmpi slt, %shift_right_arithmetic3A_1045, %lt3A_1069 : vector<16xi32>
      %add3A_1071 = arith.constant 16 : i32
      %add3A_1072 = vector.broadcast %add3A_1071 : i32 to vector<16xi32>
      %add3A_1073 = arith.addi %shift_right_arithmetic3A_1045, %add3A_1072 : vector<16xi32>
      %select_n3A_1074 = arith.select %lt3A_1070, %add3A_1073, %shift_right_arithmetic3A_1045 : vector<16xi1>, vector<16xi32>
      %broadcast_in_dim3A_1075 = vector.shape_cast %select_n3A_1074 : vector<16xi32> to vector<16x1xi32>
      %gather3A_1076 = vector.shape_cast %broadcast_in_dim3A_1075 : vector<16x1xi32> to vector<16xi32>
      %gather3A_1077 = tpu.dynamic_gather %select_n3A_509[%gather3A_1076] in [0] : vector<16xi32>, vector<16xi32> -> vector<16xi32>
      %select_n3A_1078 = arith.select %eq3A_1067, %gather3A_1077, %select_n3A_1064 : vector<16xi1>, vector<16xi32>
      %eq3A_1079 = arith.constant 2 : i32
      %eq3A_1080 = vector.broadcast %eq3A_1079 : i32 to vector<16xi32>
      %eq3A_1081 = arith.cmpi eq, %sub3A_1049, %eq3A_1080 : vector<16xi32>
      %lt3A_1082 = arith.constant 0 : i32
      %lt3A_1083 = vector.broadcast %lt3A_1082 : i32 to vector<16xi32>
      %lt3A_1084 = arith.cmpi slt, %shift_right_arithmetic3A_1045, %lt3A_1083 : vector<16xi32>
      %add3A_1085 = arith.constant 16 : i32
      %add3A_1086 = vector.broadcast %add3A_1085 : i32 to vector<16xi32>
      %add3A_1087 = arith.addi %shift_right_arithmetic3A_1045, %add3A_1086 : vector<16xi32>
      %select_n3A_1088 = arith.select %lt3A_1084, %add3A_1087, %shift_right_arithmetic3A_1045 : vector<16xi1>, vector<16xi32>
      %broadcast_in_dim3A_1089 = vector.shape_cast %select_n3A_1088 : vector<16xi32> to vector<16x1xi32>
      %gather3A_1090 = vector.shape_cast %broadcast_in_dim3A_1089 : vector<16x1xi32> to vector<16xi32>
      %gather3A_1091 = tpu.dynamic_gather %select_n3A_632[%gather3A_1090] in [0] : vector<16xi32>, vector<16xi32> -> vector<16xi32>
      %select_n3A_1092 = arith.select %eq3A_1081, %gather3A_1091, %select_n3A_1078 : vector<16xi1>, vector<16xi32>
      %eq3A_1093 = arith.constant 3 : i32
      %eq3A_1094 = vector.broadcast %eq3A_1093 : i32 to vector<16xi32>
      %eq3A_1095 = arith.cmpi eq, %sub3A_1049, %eq3A_1094 : vector<16xi32>
      %lt3A_1096 = arith.constant 0 : i32
      %lt3A_1097 = vector.broadcast %lt3A_1096 : i32 to vector<16xi32>
      %lt3A_1098 = arith.cmpi slt, %shift_right_arithmetic3A_1045, %lt3A_1097 : vector<16xi32>
      %add3A_1099 = arith.constant 16 : i32
      %add3A_1100 = vector.broadcast %add3A_1099 : i32 to vector<16xi32>
      %add3A_1101 = arith.addi %shift_right_arithmetic3A_1045, %add3A_1100 : vector<16xi32>
      %select_n3A_1102 = arith.select %lt3A_1098, %add3A_1101, %shift_right_arithmetic3A_1045 : vector<16xi1>, vector<16xi32>
      %broadcast_in_dim3A_1103 = vector.shape_cast %select_n3A_1102 : vector<16xi32> to vector<16x1xi32>
      %gather3A_1104 = vector.shape_cast %broadcast_in_dim3A_1103 : vector<16x1xi32> to vector<16xi32>
      %gather3A_1105 = tpu.dynamic_gather %select_n3A_755[%gather3A_1104] in [0] : vector<16xi32>, vector<16xi32> -> vector<16xi32>
      %select_n3A_1106 = arith.select %eq3A_1095, %gather3A_1105, %select_n3A_1092 : vector<16xi1>, vector<16xi32>
      %eq3A_1107 = arith.constant 4 : i32
      %eq3A_1108 = vector.broadcast %eq3A_1107 : i32 to vector<16xi32>
      %eq3A_1109 = arith.cmpi eq, %sub3A_1049, %eq3A_1108 : vector<16xi32>
      %lt3A_1110 = arith.constant 0 : i32
      %lt3A_1111 = vector.broadcast %lt3A_1110 : i32 to vector<16xi32>
      %lt3A_1112 = arith.cmpi slt, %shift_right_arithmetic3A_1045, %lt3A_1111 : vector<16xi32>
      %add3A_1113 = arith.constant 16 : i32
      %add3A_1114 = vector.broadcast %add3A_1113 : i32 to vector<16xi32>
      %add3A_1115 = arith.addi %shift_right_arithmetic3A_1045, %add3A_1114 : vector<16xi32>
      %select_n3A_1116 = arith.select %lt3A_1112, %add3A_1115, %shift_right_arithmetic3A_1045 : vector<16xi1>, vector<16xi32>
      %broadcast_in_dim3A_1117 = vector.shape_cast %select_n3A_1116 : vector<16xi32> to vector<16x1xi32>
      %gather3A_1118 = vector.shape_cast %broadcast_in_dim3A_1117 : vector<16x1xi32> to vector<16xi32>
      %gather3A_1119 = tpu.dynamic_gather %select_n3A_878[%gather3A_1118] in [0] : vector<16xi32>, vector<16xi32> -> vector<16xi32>
      %select_n3A_1120 = arith.select %eq3A_1109, %gather3A_1119, %select_n3A_1106 : vector<16xi1>, vector<16xi32>
      %eq3A_1121 = arith.constant 5 : i32
      %eq3A_1122 = vector.broadcast %eq3A_1121 : i32 to vector<16xi32>
      %eq3A_1123 = arith.cmpi eq, %sub3A_1049, %eq3A_1122 : vector<16xi32>
      %lt3A_1124 = arith.constant 0 : i32
      %lt3A_1125 = vector.broadcast %lt3A_1124 : i32 to vector<16xi32>
      %lt3A_1126 = arith.cmpi slt, %shift_right_arithmetic3A_1045, %lt3A_1125 : vector<16xi32>
      %add3A_1127 = arith.constant 16 : i32
      %add3A_1128 = vector.broadcast %add3A_1127 : i32 to vector<16xi32>
      %add3A_1129 = arith.addi %shift_right_arithmetic3A_1045, %add3A_1128 : vector<16xi32>
      %select_n3A_1130 = arith.select %lt3A_1126, %add3A_1129, %shift_right_arithmetic3A_1045 : vector<16xi1>, vector<16xi32>
      %broadcast_in_dim3A_1131 = vector.shape_cast %select_n3A_1130 : vector<16xi32> to vector<16x1xi32>
      %gather3A_1132 = vector.shape_cast %broadcast_in_dim3A_1131 : vector<16x1xi32> to vector<16xi32>
      %gather3A_1133 = tpu.dynamic_gather %select_n3A_1001[%gather3A_1132] in [0] : vector<16xi32>, vector<16xi32> -> vector<16xi32>
      %select_n3A_1134 = arith.select %eq3A_1123, %gather3A_1133, %select_n3A_1120 : vector<16xi1>, vector<16xi32>
      %mul3A_1135 = arith.constant 96 : i32
      %mul3A_1136 = arith.muli %scan3A_44, %mul3A_1135 : i32
      %add3A_1137 = arith.constant 0 : i32
      %add3A_1138 = arith.addi %mul3A_1136, %add3A_1137 : i32
      %swap3A = arith.index_cast %add3A_1138 : i32 to index
      %swap3A_1139 = tpu.vector_load %arg8[%swap3A] {strides = array<i32>} : memref<384xi32, #tpu.memory_space<vmem>>, vector<16xi32>,
      %swap3A_1140 = vector.shape_cast %swap3A_1139 : vector<16xi32> to vector<16xi32>
      %swap3A_1141 = vector.shape_cast %select_n3A_1134 : vector<16xi32> to vector<16xi32>
      tpu.vector_store %arg8[%swap3A], %swap3A_1141 {strides = array<i32>} : memref<384xi32, #tpu.memory_space<vmem>>, vector<16xi32>,
      %add3A_1142 = vector.broadcast %add3A_47 : i32 to vector<16xi32>
      %add3A_1143 = arith.addi %add3A_1142, %shift_right_arithmetic3A_1045 : vector<16xi32>
      %mul3A_1144 = arith.constant 96 : i32
      %mul3A_1145 = arith.muli %scan3A_44, %mul3A_1144 : i32
      %add3A_1146 = arith.constant 0 : i32
      %add3A_1147 = arith.addi %mul3A_1145, %add3A_1146 : i32
      %swap3A_1148 = arith.index_cast %add3A_1147 : i32 to index
      %swap3A_1149 = tpu.vector_load %arg9[%swap3A_1148] {strides = array<i32>} : memref<384xi32, #tpu.memory_space<vmem>>, vector<16xi32>,
      %swap3A_1150 = vector.shape_cast %swap3A_1149 : vector<16xi32> to vector<16xi32>
      %swap3A_1151 = vector.shape_cast %add3A_1143 : vector<16xi32> to vector<16xi32>
      tpu.vector_store %arg9[%swap3A_1148], %swap3A_1151 {strides = array<i32>} : memref<384xi32, #tpu.memory_space<vmem>>, vector<16xi32>,
      %add3A_1152 = arith.constant 16 : i32
      %add3A_1153 = vector.broadcast %add3A_1152 : i32 to vector<16xi32>
      %add3A_1154 = arith.addi %add3A_1153, %iota3A : vector<16xi32>
      %mul3A_1155 = arith.constant 43 : i32
      %mul3A_1156 = vector.broadcast %mul3A_1155 : i32 to vector<16xi32>
      %mul3A_1157 = arith.muli %add3A_1154, %mul3A_1156 : vector<16xi32>
      %shift_right_arithmetic3A_1158 = arith.constant 8 : i32
      %shift_right_arithmetic3A_1159 = vector.broadcast %shift_right_arithmetic3A_1158 : i32 to vector<16xi32>
      %shift_right_arithmetic3A_1160 = arith.shrsi %mul3A_1157, %shift_right_arithmetic3A_1159 : vector<16xi32>
      %mul3A_1161 = arith.constant 6 : i32
      %mul3A_1162 = vector.broadcast %mul3A_1161 : i32 to vector<16xi32>
      %mul3A_1163 = arith.muli %shift_right_arithmetic3A_1160, %mul3A_1162 : vector<16xi32>
      %sub3A_1164 = arith.subi %add3A_1154, %mul3A_1163 : vector<16xi32>
      %broadcast_in_dim3A_1165 = arith.constant 0 : i32
      %broadcast_in_dim3A_1166 = vector.broadcast %broadcast_in_dim3A_1165 : i32 to vector<16xi32>
      %eq3A_1167 = arith.constant 0 : i32
      %eq3A_1168 = vector.broadcast %eq3A_1167 : i32 to vector<16xi32>
      %eq3A_1169 = arith.cmpi eq, %sub3A_1164, %eq3A_1168 : vector<16xi32>
      %lt3A_1170 = arith.constant 0 : i32
      %lt3A_1171 = vector.broadcast %lt3A_1170 : i32 to vector<16xi32>
      %lt3A_1172 = arith.cmpi slt, %shift_right_arithmetic3A_1160, %lt3A_1171 : vector<16xi32>
      %add3A_1173 = arith.constant 16 : i32
      %add3A_1174 = vector.broadcast %add3A_1173 : i32 to vector<16xi32>
      %add3A_1175 = arith.addi %shift_right_arithmetic3A_1160, %add3A_1174 : vector<16xi32>
      %select_n3A_1176 = arith.select %lt3A_1172, %add3A_1175, %shift_right_arithmetic3A_1160 : vector<16xi1>, vector<16xi32>
      %broadcast_in_dim3A_1177 = vector.shape_cast %select_n3A_1176 : vector<16xi32> to vector<16x1xi32>
      %gather3A_1178 = vector.shape_cast %broadcast_in_dim3A_1177 : vector<16x1xi32> to vector<16xi32>
      %gather3A_1179 = tpu.dynamic_gather %select_n3A_386[%gather3A_1178] in [0] : vector<16xi32>, vector<16xi32> -> vector<16xi32>
      %select_n3A_1180 = arith.select %eq3A_1169, %gather3A_1179, %broadcast_in_dim3A_1166 : vector<16xi1>, vector<16xi32>
      %eq3A_1181 = arith.constant 1 : i32
      %eq3A_1182 = vector.broadcast %eq3A_1181 : i32 to vector<16xi32>
      %eq3A_1183 = arith.cmpi eq, %sub3A_1164, %eq3A_1182 : vector<16xi32>
      %lt3A_1184 = arith.constant 0 : i32
      %lt3A_1185 = vector.broadcast %lt3A_1184 : i32 to vector<16xi32>
      %lt3A_1186 = arith.cmpi slt, %shift_right_arithmetic3A_1160, %lt3A_1185 : vector<16xi32>
      %add3A_1187 = arith.constant 16 : i32
      %add3A_1188 = vector.broadcast %add3A_1187 : i32 to vector<16xi32>
      %add3A_1189 = arith.addi %shift_right_arithmetic3A_1160, %add3A_1188 : vector<16xi32>
      %select_n3A_1190 = arith.select %lt3A_1186, %add3A_1189, %shift_right_arithmetic3A_1160 : vector<16xi1>, vector<16xi32>
      %broadcast_in_dim3A_1191 = vector.shape_cast %select_n3A_1190 : vector<16xi32> to vector<16x1xi32>
      %gather3A_1192 = vector.shape_cast %broadcast_in_dim3A_1191 : vector<16x1xi32> to vector<16xi32>
      %gather3A_1193 = tpu.dynamic_gather %select_n3A_509[%gather3A_1192] in [0] : vector<16xi32>, vector<16xi32> -> vector<16xi32>
      %select_n3A_1194 = arith.select %eq3A_1183, %gather3A_1193, %select_n3A_1180 : vector<16xi1>, vector<16xi32>
      %eq3A_1195 = arith.constant 2 : i32
      %eq3A_1196 = vector.broadcast %eq3A_1195 : i32 to vector<16xi32>
      %eq3A_1197 = arith.cmpi eq, %sub3A_1164, %eq3A_1196 : vector<16xi32>
      %lt3A_1198 = arith.constant 0 : i32
      %lt3A_1199 = vector.broadcast %lt3A_1198 : i32 to vector<16xi32>
      %lt3A_1200 = arith.cmpi slt, %shift_right_arithmetic3A_1160, %lt3A_1199 : vector<16xi32>
      %add3A_1201 = arith.constant 16 : i32
      %add3A_1202 = vector.broadcast %add3A_1201 : i32 to vector<16xi32>
      %add3A_1203 = arith.addi %shift_right_arithmetic3A_1160, %add3A_1202 : vector<16xi32>
      %select_n3A_1204 = arith.select %lt3A_1200, %add3A_1203, %shift_right_arithmetic3A_1160 : vector<16xi1>, vector<16xi32>
      %broadcast_in_dim3A_1205 = vector.shape_cast %select_n3A_1204 : vector<16xi32> to vector<16x1xi32>
      %gather3A_1206 = vector.shape_cast %broadcast_in_dim3A_1205 : vector<16x1xi32> to vector<16xi32>
      %gather3A_1207 = tpu.dynamic_gather %select_n3A_632[%gather3A_1206] in [0] : vector<16xi32>, vector<16xi32> -> vector<16xi32>
      %select_n3A_1208 = arith.select %eq3A_1197, %gather3A_1207, %select_n3A_1194 : vector<16xi1>, vector<16xi32>
      %eq3A_1209 = arith.constant 3 : i32
      %eq3A_1210 = vector.broadcast %eq3A_1209 : i32 to vector<16xi32>
      %eq3A_1211 = arith.cmpi eq, %sub3A_1164, %eq3A_1210 : vector<16xi32>
      %lt3A_1212 = arith.constant 0 : i32
      %lt3A_1213 = vector.broadcast %lt3A_1212 : i32 to vector<16xi32>
      %lt3A_1214 = arith.cmpi slt, %shift_right_arithmetic3A_1160, %lt3A_1213 : vector<16xi32>
      %add3A_1215 = arith.constant 16 : i32
      %add3A_1216 = vector.broadcast %add3A_1215 : i32 to vector<16xi32>
      %add3A_1217 = arith.addi %shift_right_arithmetic3A_1160, %add3A_1216 : vector<16xi32>
      %select_n3A_1218 = arith.select %lt3A_1214, %add3A_1217, %shift_right_arithmetic3A_1160 : vector<16xi1>, vector<16xi32>
      %broadcast_in_dim3A_1219 = vector.shape_cast %select_n3A_1218 : vector<16xi32> to vector<16x1xi32>
      %gather3A_1220 = vector.shape_cast %broadcast_in_dim3A_1219 : vector<16x1xi32> to vector<16xi32>
      %gather3A_1221 = tpu.dynamic_gather %select_n3A_755[%gather3A_1220] in [0] : vector<16xi32>, vector<16xi32> -> vector<16xi32>
      %select_n3A_1222 = arith.select %eq3A_1211, %gather3A_1221, %select_n3A_1208 : vector<16xi1>, vector<16xi32>
      %eq3A_1223 = arith.constant 4 : i32
      %eq3A_1224 = vector.broadcast %eq3A_1223 : i32 to vector<16xi32>
      %eq3A_1225 = arith.cmpi eq, %sub3A_1164, %eq3A_1224 : vector<16xi32>
      %lt3A_1226 = arith.constant 0 : i32
      %lt3A_1227 = vector.broadcast %lt3A_1226 : i32 to vector<16xi32>
      %lt3A_1228 = arith.cmpi slt, %shift_right_arithmetic3A_1160, %lt3A_1227 : vector<16xi32>
      %add3A_1229 = arith.constant 16 : i32
      %add3A_1230 = vector.broadcast %add3A_1229 : i32 to vector<16xi32>
      %add3A_1231 = arith.addi %shift_right_arithmetic3A_1160, %add3A_1230 : vector<16xi32>
      %select_n3A_1232 = arith.select %lt3A_1228, %add3A_1231, %shift_right_arithmetic3A_1160 : vector<16xi1>, vector<16xi32>
      %broadcast_in_dim3A_1233 = vector.shape_cast %select_n3A_1232 : vector<16xi32> to vector<16x1xi32>
      %gather3A_1234 = vector.shape_cast %broadcast_in_dim3A_1233 : vector<16x1xi32> to vector<16xi32>
      %gather3A_1235 = tpu.dynamic_gather %select_n3A_878[%gather3A_1234] in [0] : vector<16xi32>, vector<16xi32> -> vector<16xi32>
      %select_n3A_1236 = arith.select %eq3A_1225, %gather3A_1235, %select_n3A_1222 : vector<16xi1>, vector<16xi32>
      %eq3A_1237 = arith.constant 5 : i32
      %eq3A_1238 = vector.broadcast %eq3A_1237 : i32 to vector<16xi32>
      %eq3A_1239 = arith.cmpi eq, %sub3A_1164, %eq3A_1238 : vector<16xi32>
      %lt3A_1240 = arith.constant 0 : i32
      %lt3A_1241 = vector.broadcast %lt3A_1240 : i32 to vector<16xi32>
      %lt3A_1242 = arith.cmpi slt, %shift_right_arithmetic3A_1160, %lt3A_1241 : vector<16xi32>
      %add3A_1243 = arith.constant 16 : i32
      %add3A_1244 = vector.broadcast %add3A_1243 : i32 to vector<16xi32>
      %add3A_1245 = arith.addi %shift_right_arithmetic3A_1160, %add3A_1244 : vector<16xi32>
      %select_n3A_1246 = arith.select %lt3A_1242, %add3A_1245, %shift_right_arithmetic3A_1160 : vector<16xi1>, vector<16xi32>
      %broadcast_in_dim3A_1247 = vector.shape_cast %select_n3A_1246 : vector<16xi32> to vector<16x1xi32>
      %gather3A_1248 = vector.shape_cast %broadcast_in_dim3A_1247 : vector<16x1xi32> to vector<16xi32>
      %gather3A_1249 = tpu.dynamic_gather %select_n3A_1001[%gather3A_1248] in [0] : vector<16xi32>, vector<16xi32> -> vector<16xi32>
      %select_n3A_1250 = arith.select %eq3A_1239, %gather3A_1249, %select_n3A_1236 : vector<16xi1>, vector<16xi32>
      %mul3A_1251 = arith.constant 96 : i32
      %mul3A_1252 = arith.muli %scan3A_44, %mul3A_1251 : i32
      %add3A_1253 = arith.constant 16 : i32
      %add3A_1254 = arith.addi %mul3A_1252, %add3A_1253 : i32
      %swap3A_1255 = arith.index_cast %add3A_1254 : i32 to index
      %swap3A_1256 = tpu.vector_load %arg8[%swap3A_1255] {strides = array<i32>} : memref<384xi32, #tpu.memory_space<vmem>>, vector<16xi32>,
      %swap3A_1257 = vector.shape_cast %swap3A_1256 : vector<16xi32> to vector<16xi32>
      %swap3A_1258 = vector.shape_cast %select_n3A_1250 : vector<16xi32> to vector<16xi32>
      tpu.vector_store %arg8[%swap3A_1255], %swap3A_1258 {strides = array<i32>} : memref<384xi32, #tpu.memory_space<vmem>>, vector<16xi32>,
      %add3A_1259 = vector.broadcast %add3A_47 : i32 to vector<16xi32>
      %add3A_1260 = arith.addi %add3A_1259, %shift_right_arithmetic3A_1160 : vector<16xi32>
      %mul3A_1261 = arith.constant 96 : i32
      %mul3A_1262 = arith.muli %scan3A_44, %mul3A_1261 : i32
      %add3A_1263 = arith.constant 16 : i32
      %add3A_1264 = arith.addi %mul3A_1262, %add3A_1263 : i32
      %swap3A_1265 = arith.index_cast %add3A_1264 : i32 to index
      %swap3A_1266 = tpu.vector_load %arg9[%swap3A_1265] {strides = array<i32>} : memref<384xi32, #tpu.memory_space<vmem>>, vector<16xi32>,
      %swap3A_1267 = vector.shape_cast %swap3A_1266 : vector<16xi32> to vector<16xi32>
      %swap3A_1268 = vector.shape_cast %add3A_1260 : vector<16xi32> to vector<16xi32>
      tpu.vector_store %arg9[%swap3A_1265], %swap3A_1268 {strides = array<i32>} : memref<384xi32, #tpu.memory_space<vmem>>, vector<16xi32>,
      %add3A_1269 = arith.constant 32 : i32
      %add3A_1270 = vector.broadcast %add3A_1269 : i32 to vector<16xi32>
      %add3A_1271 = arith.addi %add3A_1270, %iota3A : vector<16xi32>
      %mul3A_1272 = arith.constant 43 : i32
      %mul3A_1273 = vector.broadcast %mul3A_1272 : i32 to vector<16xi32>
      %mul3A_1274 = arith.muli %add3A_1271, %mul3A_1273 : vector<16xi32>
      %shift_right_arithmetic3A_1275 = arith.constant 8 : i32
      %shift_right_arithmetic3A_1276 = vector.broadcast %shift_right_arithmetic3A_1275 : i32 to vector<16xi32>
      %shift_right_arithmetic3A_1277 = arith.shrsi %mul3A_1274, %shift_right_arithmetic3A_1276 : vector<16xi32>
      %mul3A_1278 = arith.constant 6 : i32
      %mul3A_1279 = vector.broadcast %mul3A_1278 : i32 to vector<16xi32>
      %mul3A_1280 = arith.muli %shift_right_arithmetic3A_1277, %mul3A_1279 : vector<16xi32>
      %sub3A_1281 = arith.subi %add3A_1271, %mul3A_1280 : vector<16xi32>
      %broadcast_in_dim3A_1282 = arith.constant 0 : i32
      %broadcast_in_dim3A_1283 = vector.broadcast %broadcast_in_dim3A_1282 : i32 to vector<16xi32>
      %eq3A_1284 = arith.constant 0 : i32
      %eq3A_1285 = vector.broadcast %eq3A_1284 : i32 to vector<16xi32>
      %eq3A_1286 = arith.cmpi eq, %sub3A_1281, %eq3A_1285 : vector<16xi32>
      %lt3A_1287 = arith.constant 0 : i32
      %lt3A_1288 = vector.broadcast %lt3A_1287 : i32 to vector<16xi32>
      %lt3A_1289 = arith.cmpi slt, %shift_right_arithmetic3A_1277, %lt3A_1288 : vector<16xi32>
      %add3A_1290 = arith.constant 16 : i32
      %add3A_1291 = vector.broadcast %add3A_1290 : i32 to vector<16xi32>
      %add3A_1292 = arith.addi %shift_right_arithmetic3A_1277, %add3A_1291 : vector<16xi32>
      %select_n3A_1293 = arith.select %lt3A_1289, %add3A_1292, %shift_right_arithmetic3A_1277 : vector<16xi1>, vector<16xi32>
      %broadcast_in_dim3A_1294 = vector.shape_cast %select_n3A_1293 : vector<16xi32> to vector<16x1xi32>
      %gather3A_1295 = vector.shape_cast %broadcast_in_dim3A_1294 : vector<16x1xi32> to vector<16xi32>
      %gather3A_1296 = tpu.dynamic_gather %select_n3A_386[%gather3A_1295] in [0] : vector<16xi32>, vector<16xi32> -> vector<16xi32>
      %select_n3A_1297 = arith.select %eq3A_1286, %gather3A_1296, %broadcast_in_dim3A_1283 : vector<16xi1>, vector<16xi32>
      %eq3A_1298 = arith.constant 1 : i32
      %eq3A_1299 = vector.broadcast %eq3A_1298 : i32 to vector<16xi32>
      %eq3A_1300 = arith.cmpi eq, %sub3A_1281, %eq3A_1299 : vector<16xi32>
      %lt3A_1301 = arith.constant 0 : i32
      %lt3A_1302 = vector.broadcast %lt3A_1301 : i32 to vector<16xi32>
      %lt3A_1303 = arith.cmpi slt, %shift_right_arithmetic3A_1277, %lt3A_1302 : vector<16xi32>
      %add3A_1304 = arith.constant 16 : i32
      %add3A_1305 = vector.broadcast %add3A_1304 : i32 to vector<16xi32>
      %add3A_1306 = arith.addi %shift_right_arithmetic3A_1277, %add3A_1305 : vector<16xi32>
      %select_n3A_1307 = arith.select %lt3A_1303, %add3A_1306, %shift_right_arithmetic3A_1277 : vector<16xi1>, vector<16xi32>
      %broadcast_in_dim3A_1308 = vector.shape_cast %select_n3A_1307 : vector<16xi32> to vector<16x1xi32>
      %gather3A_1309 = vector.shape_cast %broadcast_in_dim3A_1308 : vector<16x1xi32> to vector<16xi32>
      %gather3A_1310 = tpu.dynamic_gather %select_n3A_509[%gather3A_1309] in [0] : vector<16xi32>, vector<16xi32> -> vector<16xi32>
      %select_n3A_1311 = arith.select %eq3A_1300, %gather3A_1310, %select_n3A_1297 : vector<16xi1>, vector<16xi32>
      %eq3A_1312 = arith.constant 2 : i32
      %eq3A_1313 = vector.broadcast %eq3A_1312 : i32 to vector<16xi32>
      %eq3A_1314 = arith.cmpi eq, %sub3A_1281, %eq3A_1313 : vector<16xi32>
      %lt3A_1315 = arith.constant 0 : i32
      %lt3A_1316 = vector.broadcast %lt3A_1315 : i32 to vector<16xi32>
      %lt3A_1317 = arith.cmpi slt, %shift_right_arithmetic3A_1277, %lt3A_1316 : vector<16xi32>
      %add3A_1318 = arith.constant 16 : i32
      %add3A_1319 = vector.broadcast %add3A_1318 : i32 to vector<16xi32>
      %add3A_1320 = arith.addi %shift_right_arithmetic3A_1277, %add3A_1319 : vector<16xi32>
      %select_n3A_1321 = arith.select %lt3A_1317, %add3A_1320, %shift_right_arithmetic3A_1277 : vector<16xi1>, vector<16xi32>
      %broadcast_in_dim3A_1322 = vector.shape_cast %select_n3A_1321 : vector<16xi32> to vector<16x1xi32>
      %gather3A_1323 = vector.shape_cast %broadcast_in_dim3A_1322 : vector<16x1xi32> to vector<16xi32>
      %gather3A_1324 = tpu.dynamic_gather %select_n3A_632[%gather3A_1323] in [0] : vector<16xi32>, vector<16xi32> -> vector<16xi32>
      %select_n3A_1325 = arith.select %eq3A_1314, %gather3A_1324, %select_n3A_1311 : vector<16xi1>, vector<16xi32>
      %eq3A_1326 = arith.constant 3 : i32
      %eq3A_1327 = vector.broadcast %eq3A_1326 : i32 to vector<16xi32>
      %eq3A_1328 = arith.cmpi eq, %sub3A_1281, %eq3A_1327 : vector<16xi32>
      %lt3A_1329 = arith.constant 0 : i32
      %lt3A_1330 = vector.broadcast %lt3A_1329 : i32 to vector<16xi32>
      %lt3A_1331 = arith.cmpi slt, %shift_right_arithmetic3A_1277, %lt3A_1330 : vector<16xi32>
      %add3A_1332 = arith.constant 16 : i32
      %add3A_1333 = vector.broadcast %add3A_1332 : i32 to vector<16xi32>
      %add3A_1334 = arith.addi %shift_right_arithmetic3A_1277, %add3A_1333 : vector<16xi32>
      %select_n3A_1335 = arith.select %lt3A_1331, %add3A_1334, %shift_right_arithmetic3A_1277 : vector<16xi1>, vector<16xi32>
      %broadcast_in_dim3A_1336 = vector.shape_cast %select_n3A_1335 : vector<16xi32> to vector<16x1xi32>
      %gather3A_1337 = vector.shape_cast %broadcast_in_dim3A_1336 : vector<16x1xi32> to vector<16xi32>
      %gather3A_1338 = tpu.dynamic_gather %select_n3A_755[%gather3A_1337] in [0] : vector<16xi32>, vector<16xi32> -> vector<16xi32>
      %select_n3A_1339 = arith.select %eq3A_1328, %gather3A_1338, %select_n3A_1325 : vector<16xi1>, vector<16xi32>
      %eq3A_1340 = arith.constant 4 : i32
      %eq3A_1341 = vector.broadcast %eq3A_1340 : i32 to vector<16xi32>
      %eq3A_1342 = arith.cmpi eq, %sub3A_1281, %eq3A_1341 : vector<16xi32>
      %lt3A_1343 = arith.constant 0 : i32
      %lt3A_1344 = vector.broadcast %lt3A_1343 : i32 to vector<16xi32>
      %lt3A_1345 = arith.cmpi slt, %shift_right_arithmetic3A_1277, %lt3A_1344 : vector<16xi32>
      %add3A_1346 = arith.constant 16 : i32
      %add3A_1347 = vector.broadcast %add3A_1346 : i32 to vector<16xi32>
      %add3A_1348 = arith.addi %shift_right_arithmetic3A_1277, %add3A_1347 : vector<16xi32>
      %select_n3A_1349 = arith.select %lt3A_1345, %add3A_1348, %shift_right_arithmetic3A_1277 : vector<16xi1>, vector<16xi32>
      %broadcast_in_dim3A_1350 = vector.shape_cast %select_n3A_1349 : vector<16xi32> to vector<16x1xi32>
      %gather3A_1351 = vector.shape_cast %broadcast_in_dim3A_1350 : vector<16x1xi32> to vector<16xi32>
      %gather3A_1352 = tpu.dynamic_gather %select_n3A_878[%gather3A_1351] in [0] : vector<16xi32>, vector<16xi32> -> vector<16xi32>
      %select_n3A_1353 = arith.select %eq3A_1342, %gather3A_1352, %select_n3A_1339 : vector<16xi1>, vector<16xi32>
      %eq3A_1354 = arith.constant 5 : i32
      %eq3A_1355 = vector.broadcast %eq3A_1354 : i32 to vector<16xi32>
      %eq3A_1356 = arith.cmpi eq, %sub3A_1281, %eq3A_1355 : vector<16xi32>
      %lt3A_1357 = arith.constant 0 : i32
      %lt3A_1358 = vector.broadcast %lt3A_1357 : i32 to vector<16xi32>
      %lt3A_1359 = arith.cmpi slt, %shift_right_arithmetic3A_1277, %lt3A_1358 : vector<16xi32>
      %add3A_1360 = arith.constant 16 : i32
      %add3A_1361 = vector.broadcast %add3A_1360 : i32 to vector<16xi32>
      %add3A_1362 = arith.addi %shift_right_arithmetic3A_1277, %add3A_1361 : vector<16xi32>
      %select_n3A_1363 = arith.select %lt3A_1359, %add3A_1362, %shift_right_arithmetic3A_1277 : vector<16xi1>, vector<16xi32>
      %broadcast_in_dim3A_1364 = vector.shape_cast %select_n3A_1363 : vector<16xi32> to vector<16x1xi32>
      %gather3A_1365 = vector.shape_cast %broadcast_in_dim3A_1364 : vector<16x1xi32> to vector<16xi32>
      %gather3A_1366 = tpu.dynamic_gather %select_n3A_1001[%gather3A_1365] in [0] : vector<16xi32>, vector<16xi32> -> vector<16xi32>
      %select_n3A_1367 = arith.select %eq3A_1356, %gather3A_1366, %select_n3A_1353 : vector<16xi1>, vector<16xi32>
      %mul3A_1368 = arith.constant 96 : i32
      %mul3A_1369 = arith.muli %scan3A_44, %mul3A_1368 : i32
      %add3A_1370 = arith.constant 32 : i32
      %add3A_1371 = arith.addi %mul3A_1369, %add3A_1370 : i32
      %swap3A_1372 = arith.index_cast %add3A_1371 : i32 to index
      %swap3A_1373 = tpu.vector_load %arg8[%swap3A_1372] {strides = array<i32>} : memref<384xi32, #tpu.memory_space<vmem>>, vector<16xi32>,
      %swap3A_1374 = vector.shape_cast %swap3A_1373 : vector<16xi32> to vector<16xi32>
      %swap3A_1375 = vector.shape_cast %select_n3A_1367 : vector<16xi32> to vector<16xi32>
      tpu.vector_store %arg8[%swap3A_1372], %swap3A_1375 {strides = array<i32>} : memref<384xi32, #tpu.memory_space<vmem>>, vector<16xi32>,
      %add3A_1376 = vector.broadcast %add3A_47 : i32 to vector<16xi32>
      %add3A_1377 = arith.addi %add3A_1376, %shift_right_arithmetic3A_1277 : vector<16xi32>
      %mul3A_1378 = arith.constant 96 : i32
      %mul3A_1379 = arith.muli %scan3A_44, %mul3A_1378 : i32
      %add3A_1380 = arith.constant 32 : i32
      %add3A_1381 = arith.addi %mul3A_1379, %add3A_1380 : i32
      %swap3A_1382 = arith.index_cast %add3A_1381 : i32 to index
      %swap3A_1383 = tpu.vector_load %arg9[%swap3A_1382] {strides = array<i32>} : memref<384xi32, #tpu.memory_space<vmem>>, vector<16xi32>,
      %swap3A_1384 = vector.shape_cast %swap3A_1383 : vector<16xi32> to vector<16xi32>
      %swap3A_1385 = vector.shape_cast %add3A_1377 : vector<16xi32> to vector<16xi32>
      tpu.vector_store %arg9[%swap3A_1382], %swap3A_1385 {strides = array<i32>} : memref<384xi32, #tpu.memory_space<vmem>>, vector<16xi32>,
      %add3A_1386 = arith.constant 48 : i32
      %add3A_1387 = vector.broadcast %add3A_1386 : i32 to vector<16xi32>
      %add3A_1388 = arith.addi %add3A_1387, %iota3A : vector<16xi32>
      %mul3A_1389 = arith.constant 43 : i32
      %mul3A_1390 = vector.broadcast %mul3A_1389 : i32 to vector<16xi32>
      %mul3A_1391 = arith.muli %add3A_1388, %mul3A_1390 : vector<16xi32>
      %shift_right_arithmetic3A_1392 = arith.constant 8 : i32
      %shift_right_arithmetic3A_1393 = vector.broadcast %shift_right_arithmetic3A_1392 : i32 to vector<16xi32>
      %shift_right_arithmetic3A_1394 = arith.shrsi %mul3A_1391, %shift_right_arithmetic3A_1393 : vector<16xi32>
      %mul3A_1395 = arith.constant 6 : i32
      %mul3A_1396 = vector.broadcast %mul3A_1395 : i32 to vector<16xi32>
      %mul3A_1397 = arith.muli %shift_right_arithmetic3A_1394, %mul3A_1396 : vector<16xi32>
      %sub3A_1398 = arith.subi %add3A_1388, %mul3A_1397 : vector<16xi32>
      %broadcast_in_dim3A_1399 = arith.constant 0 : i32
      %broadcast_in_dim3A_1400 = vector.broadcast %broadcast_in_dim3A_1399 : i32 to vector<16xi32>
      %eq3A_1401 = arith.constant 0 : i32
      %eq3A_1402 = vector.broadcast %eq3A_1401 : i32 to vector<16xi32>
      %eq3A_1403 = arith.cmpi eq, %sub3A_1398, %eq3A_1402 : vector<16xi32>
      %lt3A_1404 = arith.constant 0 : i32
      %lt3A_1405 = vector.broadcast %lt3A_1404 : i32 to vector<16xi32>
      %lt3A_1406 = arith.cmpi slt, %shift_right_arithmetic3A_1394, %lt3A_1405 : vector<16xi32>
      %add3A_1407 = arith.constant 16 : i32
      %add3A_1408 = vector.broadcast %add3A_1407 : i32 to vector<16xi32>
      %add3A_1409 = arith.addi %shift_right_arithmetic3A_1394, %add3A_1408 : vector<16xi32>
      %select_n3A_1410 = arith.select %lt3A_1406, %add3A_1409, %shift_right_arithmetic3A_1394 : vector<16xi1>, vector<16xi32>
      %broadcast_in_dim3A_1411 = vector.shape_cast %select_n3A_1410 : vector<16xi32> to vector<16x1xi32>
      %gather3A_1412 = vector.shape_cast %broadcast_in_dim3A_1411 : vector<16x1xi32> to vector<16xi32>
      %gather3A_1413 = tpu.dynamic_gather %select_n3A_386[%gather3A_1412] in [0] : vector<16xi32>, vector<16xi32> -> vector<16xi32>
      %select_n3A_1414 = arith.select %eq3A_1403, %gather3A_1413, %broadcast_in_dim3A_1400 : vector<16xi1>, vector<16xi32>
      %eq3A_1415 = arith.constant 1 : i32
      %eq3A_1416 = vector.broadcast %eq3A_1415 : i32 to vector<16xi32>
      %eq3A_1417 = arith.cmpi eq, %sub3A_1398, %eq3A_1416 : vector<16xi32>
      %lt3A_1418 = arith.constant 0 : i32
      %lt3A_1419 = vector.broadcast %lt3A_1418 : i32 to vector<16xi32>
      %lt3A_1420 = arith.cmpi slt, %shift_right_arithmetic3A_1394, %lt3A_1419 : vector<16xi32>
      %add3A_1421 = arith.constant 16 : i32
      %add3A_1422 = vector.broadcast %add3A_1421 : i32 to vector<16xi32>
      %add3A_1423 = arith.addi %shift_right_arithmetic3A_1394, %add3A_1422 : vector<16xi32>
      %select_n3A_1424 = arith.select %lt3A_1420, %add3A_1423, %shift_right_arithmetic3A_1394 : vector<16xi1>, vector<16xi32>
      %broadcast_in_dim3A_1425 = vector.shape_cast %select_n3A_1424 : vector<16xi32> to vector<16x1xi32>
      %gather3A_1426 = vector.shape_cast %broadcast_in_dim3A_1425 : vector<16x1xi32> to vector<16xi32>
      %gather3A_1427 = tpu.dynamic_gather %select_n3A_509[%gather3A_1426] in [0] : vector<16xi32>, vector<16xi32> -> vector<16xi32>
      %select_n3A_1428 = arith.select %eq3A_1417, %gather3A_1427, %select_n3A_1414 : vector<16xi1>, vector<16xi32>
      %eq3A_1429 = arith.constant 2 : i32
      %eq3A_1430 = vector.broadcast %eq3A_1429 : i32 to vector<16xi32>
      %eq3A_1431 = arith.cmpi eq, %sub3A_1398, %eq3A_1430 : vector<16xi32>
      %lt3A_1432 = arith.constant 0 : i32
      %lt3A_1433 = vector.broadcast %lt3A_1432 : i32 to vector<16xi32>
      %lt3A_1434 = arith.cmpi slt, %shift_right_arithmetic3A_1394, %lt3A_1433 : vector<16xi32>
      %add3A_1435 = arith.constant 16 : i32
      %add3A_1436 = vector.broadcast %add3A_1435 : i32 to vector<16xi32>
      %add3A_1437 = arith.addi %shift_right_arithmetic3A_1394, %add3A_1436 : vector<16xi32>
      %select_n3A_1438 = arith.select %lt3A_1434, %add3A_1437, %shift_right_arithmetic3A_1394 : vector<16xi1>, vector<16xi32>
      %broadcast_in_dim3A_1439 = vector.shape_cast %select_n3A_1438 : vector<16xi32> to vector<16x1xi32>
      %gather3A_1440 = vector.shape_cast %broadcast_in_dim3A_1439 : vector<16x1xi32> to vector<16xi32>
      %gather3A_1441 = tpu.dynamic_gather %select_n3A_632[%gather3A_1440] in [0] : vector<16xi32>, vector<16xi32> -> vector<16xi32>
      %select_n3A_1442 = arith.select %eq3A_1431, %gather3A_1441, %select_n3A_1428 : vector<16xi1>, vector<16xi32>
      %eq3A_1443 = arith.constant 3 : i32
      %eq3A_1444 = vector.broadcast %eq3A_1443 : i32 to vector<16xi32>
      %eq3A_1445 = arith.cmpi eq, %sub3A_1398, %eq3A_1444 : vector<16xi32>
      %lt3A_1446 = arith.constant 0 : i32
      %lt3A_1447 = vector.broadcast %lt3A_1446 : i32 to vector<16xi32>
      %lt3A_1448 = arith.cmpi slt, %shift_right_arithmetic3A_1394, %lt3A_1447 : vector<16xi32>
      %add3A_1449 = arith.constant 16 : i32
      %add3A_1450 = vector.broadcast %add3A_1449 : i32 to vector<16xi32>
      %add3A_1451 = arith.addi %shift_right_arithmetic3A_1394, %add3A_1450 : vector<16xi32>
      %select_n3A_1452 = arith.select %lt3A_1448, %add3A_1451, %shift_right_arithmetic3A_1394 : vector<16xi1>, vector<16xi32>
      %broadcast_in_dim3A_1453 = vector.shape_cast %select_n3A_1452 : vector<16xi32> to vector<16x1xi32>
      %gather3A_1454 = vector.shape_cast %broadcast_in_dim3A_1453 : vector<16x1xi32> to vector<16xi32>
      %gather3A_1455 = tpu.dynamic_gather %select_n3A_755[%gather3A_1454] in [0] : vector<16xi32>, vector<16xi32> -> vector<16xi32>
      %select_n3A_1456 = arith.select %eq3A_1445, %gather3A_1455, %select_n3A_1442 : vector<16xi1>, vector<16xi32>
      %eq3A_1457 = arith.constant 4 : i32
      %eq3A_1458 = vector.broadcast %eq3A_1457 : i32 to vector<16xi32>
      %eq3A_1459 = arith.cmpi eq, %sub3A_1398, %eq3A_1458 : vector<16xi32>
      %lt3A_1460 = arith.constant 0 : i32
      %lt3A_1461 = vector.broadcast %lt3A_1460 : i32 to vector<16xi32>
      %lt3A_1462 = arith.cmpi slt, %shift_right_arithmetic3A_1394, %lt3A_1461 : vector<16xi32>
      %add3A_1463 = arith.constant 16 : i32
      %add3A_1464 = vector.broadcast %add3A_1463 : i32 to vector<16xi32>
      %add3A_1465 = arith.addi %shift_right_arithmetic3A_1394, %add3A_1464 : vector<16xi32>
      %select_n3A_1466 = arith.select %lt3A_1462, %add3A_1465, %shift_right_arithmetic3A_1394 : vector<16xi1>, vector<16xi32>
      %broadcast_in_dim3A_1467 = vector.shape_cast %select_n3A_1466 : vector<16xi32> to vector<16x1xi32>
      %gather3A_1468 = vector.shape_cast %broadcast_in_dim3A_1467 : vector<16x1xi32> to vector<16xi32>
      %gather3A_1469 = tpu.dynamic_gather %select_n3A_878[%gather3A_1468] in [0] : vector<16xi32>, vector<16xi32> -> vector<16xi32>
      %select_n3A_1470 = arith.select %eq3A_1459, %gather3A_1469, %select_n3A_1456 : vector<16xi1>, vector<16xi32>
      %eq3A_1471 = arith.constant 5 : i32
      %eq3A_1472 = vector.broadcast %eq3A_1471 : i32 to vector<16xi32>
      %eq3A_1473 = arith.cmpi eq, %sub3A_1398, %eq3A_1472 : vector<16xi32>
      %lt3A_1474 = arith.constant 0 : i32
      %lt3A_1475 = vector.broadcast %lt3A_1474 : i32 to vector<16xi32>
      %lt3A_1476 = arith.cmpi slt, %shift_right_arithmetic3A_1394, %lt3A_1475 : vector<16xi32>
      %add3A_1477 = arith.constant 16 : i32
      %add3A_1478 = vector.broadcast %add3A_1477 : i32 to vector<16xi32>
      %add3A_1479 = arith.addi %shift_right_arithmetic3A_1394, %add3A_1478 : vector<16xi32>
      %select_n3A_1480 = arith.select %lt3A_1476, %add3A_1479, %shift_right_arithmetic3A_1394 : vector<16xi1>, vector<16xi32>
      %broadcast_in_dim3A_1481 = vector.shape_cast %select_n3A_1480 : vector<16xi32> to vector<16x1xi32>
      %gather3A_1482 = vector.shape_cast %broadcast_in_dim3A_1481 : vector<16x1xi32> to vector<16xi32>
      %gather3A_1483 = tpu.dynamic_gather %select_n3A_1001[%gather3A_1482] in [0] : vector<16xi32>, vector<16xi32> -> vector<16xi32>
      %select_n3A_1484 = arith.select %eq3A_1473, %gather3A_1483, %select_n3A_1470 : vector<16xi1>, vector<16xi32>
      %mul3A_1485 = arith.constant 96 : i32
      %mul3A_1486 = arith.muli %scan3A_44, %mul3A_1485 : i32
      %add3A_1487 = arith.constant 48 : i32
      %add3A_1488 = arith.addi %mul3A_1486, %add3A_1487 : i32
      %swap3A_1489 = arith.index_cast %add3A_1488 : i32 to index
      %swap3A_1490 = tpu.vector_load %arg8[%swap3A_1489] {strides = array<i32>} : memref<384xi32, #tpu.memory_space<vmem>>, vector<16xi32>,
      %swap3A_1491 = vector.shape_cast %swap3A_1490 : vector<16xi32> to vector<16xi32>
      %swap3A_1492 = vector.shape_cast %select_n3A_1484 : vector<16xi32> to vector<16xi32>
      tpu.vector_store %arg8[%swap3A_1489], %swap3A_1492 {strides = array<i32>} : memref<384xi32, #tpu.memory_space<vmem>>, vector<16xi32>,
      %add3A_1493 = vector.broadcast %add3A_47 : i32 to vector<16xi32>
      %add3A_1494 = arith.addi %add3A_1493, %shift_right_arithmetic3A_1394 : vector<16xi32>
      %mul3A_1495 = arith.constant 96 : i32
      %mul3A_1496 = arith.muli %scan3A_44, %mul3A_1495 : i32
      %add3A_1497 = arith.constant 48 : i32
      %add3A_1498 = arith.addi %mul3A_1496, %add3A_1497 : i32
      %swap3A_1499 = arith.index_cast %add3A_1498 : i32 to index
      %swap3A_1500 = tpu.vector_load %arg9[%swap3A_1499] {strides = array<i32>} : memref<384xi32, #tpu.memory_space<vmem>>, vector<16xi32>,
      %swap3A_1501 = vector.shape_cast %swap3A_1500 : vector<16xi32> to vector<16xi32>
      %swap3A_1502 = vector.shape_cast %add3A_1494 : vector<16xi32> to vector<16xi32>
      tpu.vector_store %arg9[%swap3A_1499], %swap3A_1502 {strides = array<i32>} : memref<384xi32, #tpu.memory_space<vmem>>, vector<16xi32>,
      %add3A_1503 = arith.constant 64 : i32
      %add3A_1504 = vector.broadcast %add3A_1503 : i32 to vector<16xi32>
      %add3A_1505 = arith.addi %add3A_1504, %iota3A : vector<16xi32>
      %mul3A_1506 = arith.constant 43 : i32
      %mul3A_1507 = vector.broadcast %mul3A_1506 : i32 to vector<16xi32>
      %mul3A_1508 = arith.muli %add3A_1505, %mul3A_1507 : vector<16xi32>
      %shift_right_arithmetic3A_1509 = arith.constant 8 : i32
      %shift_right_arithmetic3A_1510 = vector.broadcast %shift_right_arithmetic3A_1509 : i32 to vector<16xi32>
      %shift_right_arithmetic3A_1511 = arith.shrsi %mul3A_1508, %shift_right_arithmetic3A_1510 : vector<16xi32>
      %mul3A_1512 = arith.constant 6 : i32
      %mul3A_1513 = vector.broadcast %mul3A_1512 : i32 to vector<16xi32>
      %mul3A_1514 = arith.muli %shift_right_arithmetic3A_1511, %mul3A_1513 : vector<16xi32>
      %sub3A_1515 = arith.subi %add3A_1505, %mul3A_1514 : vector<16xi32>
      %broadcast_in_dim3A_1516 = arith.constant 0 : i32
      %broadcast_in_dim3A_1517 = vector.broadcast %broadcast_in_dim3A_1516 : i32 to vector<16xi32>
      %eq3A_1518 = arith.constant 0 : i32
      %eq3A_1519 = vector.broadcast %eq3A_1518 : i32 to vector<16xi32>
      %eq3A_1520 = arith.cmpi eq, %sub3A_1515, %eq3A_1519 : vector<16xi32>
      %lt3A_1521 = arith.constant 0 : i32
      %lt3A_1522 = vector.broadcast %lt3A_1521 : i32 to vector<16xi32>
      %lt3A_1523 = arith.cmpi slt, %shift_right_arithmetic3A_1511, %lt3A_1522 : vector<16xi32>
      %add3A_1524 = arith.constant 16 : i32
      %add3A_1525 = vector.broadcast %add3A_1524 : i32 to vector<16xi32>
      %add3A_1526 = arith.addi %shift_right_arithmetic3A_1511, %add3A_1525 : vector<16xi32>
      %select_n3A_1527 = arith.select %lt3A_1523, %add3A_1526, %shift_right_arithmetic3A_1511 : vector<16xi1>, vector<16xi32>
      %broadcast_in_dim3A_1528 = vector.shape_cast %select_n3A_1527 : vector<16xi32> to vector<16x1xi32>
      %gather3A_1529 = vector.shape_cast %broadcast_in_dim3A_1528 : vector<16x1xi32> to vector<16xi32>
      %gather3A_1530 = tpu.dynamic_gather %select_n3A_386[%gather3A_1529] in [0] : vector<16xi32>, vector<16xi32> -> vector<16xi32>
      %select_n3A_1531 = arith.select %eq3A_1520, %gather3A_1530, %broadcast_in_dim3A_1517 : vector<16xi1>, vector<16xi32>
      %eq3A_1532 = arith.constant 1 : i32
      %eq3A_1533 = vector.broadcast %eq3A_1532 : i32 to vector<16xi32>
      %eq3A_1534 = arith.cmpi eq, %sub3A_1515, %eq3A_1533 : vector<16xi32>
      %lt3A_1535 = arith.constant 0 : i32
      %lt3A_1536 = vector.broadcast %lt3A_1535 : i32 to vector<16xi32>
      %lt3A_1537 = arith.cmpi slt, %shift_right_arithmetic3A_1511, %lt3A_1536 : vector<16xi32>
      %add3A_1538 = arith.constant 16 : i32
      %add3A_1539 = vector.broadcast %add3A_1538 : i32 to vector<16xi32>
      %add3A_1540 = arith.addi %shift_right_arithmetic3A_1511, %add3A_1539 : vector<16xi32>
      %select_n3A_1541 = arith.select %lt3A_1537, %add3A_1540, %shift_right_arithmetic3A_1511 : vector<16xi1>, vector<16xi32>
      %broadcast_in_dim3A_1542 = vector.shape_cast %select_n3A_1541 : vector<16xi32> to vector<16x1xi32>
      %gather3A_1543 = vector.shape_cast %broadcast_in_dim3A_1542 : vector<16x1xi32> to vector<16xi32>
      %gather3A_1544 = tpu.dynamic_gather %select_n3A_509[%gather3A_1543] in [0] : vector<16xi32>, vector<16xi32> -> vector<16xi32>
      %select_n3A_1545 = arith.select %eq3A_1534, %gather3A_1544, %select_n3A_1531 : vector<16xi1>, vector<16xi32>
      %eq3A_1546 = arith.constant 2 : i32
      %eq3A_1547 = vector.broadcast %eq3A_1546 : i32 to vector<16xi32>
      %eq3A_1548 = arith.cmpi eq, %sub3A_1515, %eq3A_1547 : vector<16xi32>
      %lt3A_1549 = arith.constant 0 : i32
      %lt3A_1550 = vector.broadcast %lt3A_1549 : i32 to vector<16xi32>
      %lt3A_1551 = arith.cmpi slt, %shift_right_arithmetic3A_1511, %lt3A_1550 : vector<16xi32>
      %add3A_1552 = arith.constant 16 : i32
      %add3A_1553 = vector.broadcast %add3A_1552 : i32 to vector<16xi32>
      %add3A_1554 = arith.addi %shift_right_arithmetic3A_1511, %add3A_1553 : vector<16xi32>
      %select_n3A_1555 = arith.select %lt3A_1551, %add3A_1554, %shift_right_arithmetic3A_1511 : vector<16xi1>, vector<16xi32>
      %broadcast_in_dim3A_1556 = vector.shape_cast %select_n3A_1555 : vector<16xi32> to vector<16x1xi32>
      %gather3A_1557 = vector.shape_cast %broadcast_in_dim3A_1556 : vector<16x1xi32> to vector<16xi32>
      %gather3A_1558 = tpu.dynamic_gather %select_n3A_632[%gather3A_1557] in [0] : vector<16xi32>, vector<16xi32> -> vector<16xi32>
      %select_n3A_1559 = arith.select %eq3A_1548, %gather3A_1558, %select_n3A_1545 : vector<16xi1>, vector<16xi32>
      %eq3A_1560 = arith.constant 3 : i32
      %eq3A_1561 = vector.broadcast %eq3A_1560 : i32 to vector<16xi32>
      %eq3A_1562 = arith.cmpi eq, %sub3A_1515, %eq3A_1561 : vector<16xi32>
      %lt3A_1563 = arith.constant 0 : i32
      %lt3A_1564 = vector.broadcast %lt3A_1563 : i32 to vector<16xi32>
      %lt3A_1565 = arith.cmpi slt, %shift_right_arithmetic3A_1511, %lt3A_1564 : vector<16xi32>
      %add3A_1566 = arith.constant 16 : i32
      %add3A_1567 = vector.broadcast %add3A_1566 : i32 to vector<16xi32>
      %add3A_1568 = arith.addi %shift_right_arithmetic3A_1511, %add3A_1567 : vector<16xi32>
      %select_n3A_1569 = arith.select %lt3A_1565, %add3A_1568, %shift_right_arithmetic3A_1511 : vector<16xi1>, vector<16xi32>
      %broadcast_in_dim3A_1570 = vector.shape_cast %select_n3A_1569 : vector<16xi32> to vector<16x1xi32>
      %gather3A_1571 = vector.shape_cast %broadcast_in_dim3A_1570 : vector<16x1xi32> to vector<16xi32>
      %gather3A_1572 = tpu.dynamic_gather %select_n3A_755[%gather3A_1571] in [0] : vector<16xi32>, vector<16xi32> -> vector<16xi32>
      %select_n3A_1573 = arith.select %eq3A_1562, %gather3A_1572, %select_n3A_1559 : vector<16xi1>, vector<16xi32>
      %eq3A_1574 = arith.constant 4 : i32
      %eq3A_1575 = vector.broadcast %eq3A_1574 : i32 to vector<16xi32>
      %eq3A_1576 = arith.cmpi eq, %sub3A_1515, %eq3A_1575 : vector<16xi32>
      %lt3A_1577 = arith.constant 0 : i32
      %lt3A_1578 = vector.broadcast %lt3A_1577 : i32 to vector<16xi32>
      %lt3A_1579 = arith.cmpi slt, %shift_right_arithmetic3A_1511, %lt3A_1578 : vector<16xi32>
      %add3A_1580 = arith.constant 16 : i32
      %add3A_1581 = vector.broadcast %add3A_1580 : i32 to vector<16xi32>
      %add3A_1582 = arith.addi %shift_right_arithmetic3A_1511, %add3A_1581 : vector<16xi32>
      %select_n3A_1583 = arith.select %lt3A_1579, %add3A_1582, %shift_right_arithmetic3A_1511 : vector<16xi1>, vector<16xi32>
      %broadcast_in_dim3A_1584 = vector.shape_cast %select_n3A_1583 : vector<16xi32> to vector<16x1xi32>
      %gather3A_1585 = vector.shape_cast %broadcast_in_dim3A_1584 : vector<16x1xi32> to vector<16xi32>
      %gather3A_1586 = tpu.dynamic_gather %select_n3A_878[%gather3A_1585] in [0] : vector<16xi32>, vector<16xi32> -> vector<16xi32>
      %select_n3A_1587 = arith.select %eq3A_1576, %gather3A_1586, %select_n3A_1573 : vector<16xi1>, vector<16xi32>
      %eq3A_1588 = arith.constant 5 : i32
      %eq3A_1589 = vector.broadcast %eq3A_1588 : i32 to vector<16xi32>
      %eq3A_1590 = arith.cmpi eq, %sub3A_1515, %eq3A_1589 : vector<16xi32>
      %lt3A_1591 = arith.constant 0 : i32
      %lt3A_1592 = vector.broadcast %lt3A_1591 : i32 to vector<16xi32>
      %lt3A_1593 = arith.cmpi slt, %shift_right_arithmetic3A_1511, %lt3A_1592 : vector<16xi32>
      %add3A_1594 = arith.constant 16 : i32
      %add3A_1595 = vector.broadcast %add3A_1594 : i32 to vector<16xi32>
      %add3A_1596 = arith.addi %shift_right_arithmetic3A_1511, %add3A_1595 : vector<16xi32>
      %select_n3A_1597 = arith.select %lt3A_1593, %add3A_1596, %shift_right_arithmetic3A_1511 : vector<16xi1>, vector<16xi32>
      %broadcast_in_dim3A_1598 = vector.shape_cast %select_n3A_1597 : vector<16xi32> to vector<16x1xi32>
      %gather3A_1599 = vector.shape_cast %broadcast_in_dim3A_1598 : vector<16x1xi32> to vector<16xi32>
      %gather3A_1600 = tpu.dynamic_gather %select_n3A_1001[%gather3A_1599] in [0] : vector<16xi32>, vector<16xi32> -> vector<16xi32>
      %select_n3A_1601 = arith.select %eq3A_1590, %gather3A_1600, %select_n3A_1587 : vector<16xi1>, vector<16xi32>
      %mul3A_1602 = arith.constant 96 : i32
      %mul3A_1603 = arith.muli %scan3A_44, %mul3A_1602 : i32
      %add3A_1604 = arith.constant 64 : i32
      %add3A_1605 = arith.addi %mul3A_1603, %add3A_1604 : i32
      %swap3A_1606 = arith.index_cast %add3A_1605 : i32 to index
      %swap3A_1607 = tpu.vector_load %arg8[%swap3A_1606] {strides = array<i32>} : memref<384xi32, #tpu.memory_space<vmem>>, vector<16xi32>,
      %swap3A_1608 = vector.shape_cast %swap3A_1607 : vector<16xi32> to vector<16xi32>
      %swap3A_1609 = vector.shape_cast %select_n3A_1601 : vector<16xi32> to vector<16xi32>
      tpu.vector_store %arg8[%swap3A_1606], %swap3A_1609 {strides = array<i32>} : memref<384xi32, #tpu.memory_space<vmem>>, vector<16xi32>,
      %add3A_1610 = vector.broadcast %add3A_47 : i32 to vector<16xi32>
      %add3A_1611 = arith.addi %add3A_1610, %shift_right_arithmetic3A_1511 : vector<16xi32>
      %mul3A_1612 = arith.constant 96 : i32
      %mul3A_1613 = arith.muli %scan3A_44, %mul3A_1612 : i32
      %add3A_1614 = arith.constant 64 : i32
      %add3A_1615 = arith.addi %mul3A_1613, %add3A_1614 : i32
      %swap3A_1616 = arith.index_cast %add3A_1615 : i32 to index
      %swap3A_1617 = tpu.vector_load %arg9[%swap3A_1616] {strides = array<i32>} : memref<384xi32, #tpu.memory_space<vmem>>, vector<16xi32>,
      %swap3A_1618 = vector.shape_cast %swap3A_1617 : vector<16xi32> to vector<16xi32>
      %swap3A_1619 = vector.shape_cast %add3A_1611 : vector<16xi32> to vector<16xi32>
      tpu.vector_store %arg9[%swap3A_1616], %swap3A_1619 {strides = array<i32>} : memref<384xi32, #tpu.memory_space<vmem>>, vector<16xi32>,
      %add3A_1620 = arith.constant 80 : i32
      %add3A_1621 = vector.broadcast %add3A_1620 : i32 to vector<16xi32>
      %add3A_1622 = arith.addi %add3A_1621, %iota3A : vector<16xi32>
      %mul3A_1623 = arith.constant 43 : i32
      %mul3A_1624 = vector.broadcast %mul3A_1623 : i32 to vector<16xi32>
      %mul3A_1625 = arith.muli %add3A_1622, %mul3A_1624 : vector<16xi32>
      %shift_right_arithmetic3A_1626 = arith.constant 8 : i32
      %shift_right_arithmetic3A_1627 = vector.broadcast %shift_right_arithmetic3A_1626 : i32 to vector<16xi32>
      %shift_right_arithmetic3A_1628 = arith.shrsi %mul3A_1625, %shift_right_arithmetic3A_1627 : vector<16xi32>
      %mul3A_1629 = arith.constant 6 : i32
      %mul3A_1630 = vector.broadcast %mul3A_1629 : i32 to vector<16xi32>
      %mul3A_1631 = arith.muli %shift_right_arithmetic3A_1628, %mul3A_1630 : vector<16xi32>
      %sub3A_1632 = arith.subi %add3A_1622, %mul3A_1631 : vector<16xi32>
      %broadcast_in_dim3A_1633 = arith.constant 0 : i32
      %broadcast_in_dim3A_1634 = vector.broadcast %broadcast_in_dim3A_1633 : i32 to vector<16xi32>
      %eq3A_1635 = arith.constant 0 : i32
      %eq3A_1636 = vector.broadcast %eq3A_1635 : i32 to vector<16xi32>
      %eq3A_1637 = arith.cmpi eq, %sub3A_1632, %eq3A_1636 : vector<16xi32>
      %lt3A_1638 = arith.constant 0 : i32
      %lt3A_1639 = vector.broadcast %lt3A_1638 : i32 to vector<16xi32>
      %lt3A_1640 = arith.cmpi slt, %shift_right_arithmetic3A_1628, %lt3A_1639 : vector<16xi32>
      %add3A_1641 = arith.constant 16 : i32
      %add3A_1642 = vector.broadcast %add3A_1641 : i32 to vector<16xi32>
      %add3A_1643 = arith.addi %shift_right_arithmetic3A_1628, %add3A_1642 : vector<16xi32>
      %select_n3A_1644 = arith.select %lt3A_1640, %add3A_1643, %shift_right_arithmetic3A_1628 : vector<16xi1>, vector<16xi32>
      %broadcast_in_dim3A_1645 = vector.shape_cast %select_n3A_1644 : vector<16xi32> to vector<16x1xi32>
      %gather3A_1646 = vector.shape_cast %broadcast_in_dim3A_1645 : vector<16x1xi32> to vector<16xi32>
      %gather3A_1647 = tpu.dynamic_gather %select_n3A_386[%gather3A_1646] in [0] : vector<16xi32>, vector<16xi32> -> vector<16xi32>
      %select_n3A_1648 = arith.select %eq3A_1637, %gather3A_1647, %broadcast_in_dim3A_1634 : vector<16xi1>, vector<16xi32>
      %eq3A_1649 = arith.constant 1 : i32
      %eq3A_1650 = vector.broadcast %eq3A_1649 : i32 to vector<16xi32>
      %eq3A_1651 = arith.cmpi eq, %sub3A_1632, %eq3A_1650 : vector<16xi32>
      %lt3A_1652 = arith.constant 0 : i32
      %lt3A_1653 = vector.broadcast %lt3A_1652 : i32 to vector<16xi32>
      %lt3A_1654 = arith.cmpi slt, %shift_right_arithmetic3A_1628, %lt3A_1653 : vector<16xi32>
      %add3A_1655 = arith.constant 16 : i32
      %add3A_1656 = vector.broadcast %add3A_1655 : i32 to vector<16xi32>
      %add3A_1657 = arith.addi %shift_right_arithmetic3A_1628, %add3A_1656 : vector<16xi32>
      %select_n3A_1658 = arith.select %lt3A_1654, %add3A_1657, %shift_right_arithmetic3A_1628 : vector<16xi1>, vector<16xi32>
      %broadcast_in_dim3A_1659 = vector.shape_cast %select_n3A_1658 : vector<16xi32> to vector<16x1xi32>
      %gather3A_1660 = vector.shape_cast %broadcast_in_dim3A_1659 : vector<16x1xi32> to vector<16xi32>
      %gather3A_1661 = tpu.dynamic_gather %select_n3A_509[%gather3A_1660] in [0] : vector<16xi32>, vector<16xi32> -> vector<16xi32>
      %select_n3A_1662 = arith.select %eq3A_1651, %gather3A_1661, %select_n3A_1648 : vector<16xi1>, vector<16xi32>
      %eq3A_1663 = arith.constant 2 : i32
      %eq3A_1664 = vector.broadcast %eq3A_1663 : i32 to vector<16xi32>
      %eq3A_1665 = arith.cmpi eq, %sub3A_1632, %eq3A_1664 : vector<16xi32>
      %lt3A_1666 = arith.constant 0 : i32
      %lt3A_1667 = vector.broadcast %lt3A_1666 : i32 to vector<16xi32>
      %lt3A_1668 = arith.cmpi slt, %shift_right_arithmetic3A_1628, %lt3A_1667 : vector<16xi32>
      %add3A_1669 = arith.constant 16 : i32
      %add3A_1670 = vector.broadcast %add3A_1669 : i32 to vector<16xi32>
      %add3A_1671 = arith.addi %shift_right_arithmetic3A_1628, %add3A_1670 : vector<16xi32>
      %select_n3A_1672 = arith.select %lt3A_1668, %add3A_1671, %shift_right_arithmetic3A_1628 : vector<16xi1>, vector<16xi32>
      %broadcast_in_dim3A_1673 = vector.shape_cast %select_n3A_1672 : vector<16xi32> to vector<16x1xi32>
      %gather3A_1674 = vector.shape_cast %broadcast_in_dim3A_1673 : vector<16x1xi32> to vector<16xi32>
      %gather3A_1675 = tpu.dynamic_gather %select_n3A_632[%gather3A_1674] in [0] : vector<16xi32>, vector<16xi32> -> vector<16xi32>
      %select_n3A_1676 = arith.select %eq3A_1665, %gather3A_1675, %select_n3A_1662 : vector<16xi1>, vector<16xi32>
      %eq3A_1677 = arith.constant 3 : i32
      %eq3A_1678 = vector.broadcast %eq3A_1677 : i32 to vector<16xi32>
      %eq3A_1679 = arith.cmpi eq, %sub3A_1632, %eq3A_1678 : vector<16xi32>
      %lt3A_1680 = arith.constant 0 : i32
      %lt3A_1681 = vector.broadcast %lt3A_1680 : i32 to vector<16xi32>
      %lt3A_1682 = arith.cmpi slt, %shift_right_arithmetic3A_1628, %lt3A_1681 : vector<16xi32>
      %add3A_1683 = arith.constant 16 : i32
      %add3A_1684 = vector.broadcast %add3A_1683 : i32 to vector<16xi32>
      %add3A_1685 = arith.addi %shift_right_arithmetic3A_1628, %add3A_1684 : vector<16xi32>
      %select_n3A_1686 = arith.select %lt3A_1682, %add3A_1685, %shift_right_arithmetic3A_1628 : vector<16xi1>, vector<16xi32>
      %broadcast_in_dim3A_1687 = vector.shape_cast %select_n3A_1686 : vector<16xi32> to vector<16x1xi32>
      %gather3A_1688 = vector.shape_cast %broadcast_in_dim3A_1687 : vector<16x1xi32> to vector<16xi32>
      %gather3A_1689 = tpu.dynamic_gather %select_n3A_755[%gather3A_1688] in [0] : vector<16xi32>, vector<16xi32> -> vector<16xi32>
      %select_n3A_1690 = arith.select %eq3A_1679, %gather3A_1689, %select_n3A_1676 : vector<16xi1>, vector<16xi32>
      %eq3A_1691 = arith.constant 4 : i32
      %eq3A_1692 = vector.broadcast %eq3A_1691 : i32 to vector<16xi32>
      %eq3A_1693 = arith.cmpi eq, %sub3A_1632, %eq3A_1692 : vector<16xi32>
      %lt3A_1694 = arith.constant 0 : i32
      %lt3A_1695 = vector.broadcast %lt3A_1694 : i32 to vector<16xi32>
      %lt3A_1696 = arith.cmpi slt, %shift_right_arithmetic3A_1628, %lt3A_1695 : vector<16xi32>
      %add3A_1697 = arith.constant 16 : i32
      %add3A_1698 = vector.broadcast %add3A_1697 : i32 to vector<16xi32>
      %add3A_1699 = arith.addi %shift_right_arithmetic3A_1628, %add3A_1698 : vector<16xi32>
      %select_n3A_1700 = arith.select %lt3A_1696, %add3A_1699, %shift_right_arithmetic3A_1628 : vector<16xi1>, vector<16xi32>
      %broadcast_in_dim3A_1701 = vector.shape_cast %select_n3A_1700 : vector<16xi32> to vector<16x1xi32>
      %gather3A_1702 = vector.shape_cast %broadcast_in_dim3A_1701 : vector<16x1xi32> to vector<16xi32>
      %gather3A_1703 = tpu.dynamic_gather %select_n3A_878[%gather3A_1702] in [0] : vector<16xi32>, vector<16xi32> -> vector<16xi32>
      %select_n3A_1704 = arith.select %eq3A_1693, %gather3A_1703, %select_n3A_1690 : vector<16xi1>, vector<16xi32>
      %eq3A_1705 = arith.constant 5 : i32
      %eq3A_1706 = vector.broadcast %eq3A_1705 : i32 to vector<16xi32>
      %eq3A_1707 = arith.cmpi eq, %sub3A_1632, %eq3A_1706 : vector<16xi32>
      %lt3A_1708 = arith.constant 0 : i32
      %lt3A_1709 = vector.broadcast %lt3A_1708 : i32 to vector<16xi32>
      %lt3A_1710 = arith.cmpi slt, %shift_right_arithmetic3A_1628, %lt3A_1709 : vector<16xi32>
      %add3A_1711 = arith.constant 16 : i32
      %add3A_1712 = vector.broadcast %add3A_1711 : i32 to vector<16xi32>
      %add3A_1713 = arith.addi %shift_right_arithmetic3A_1628, %add3A_1712 : vector<16xi32>
      %select_n3A_1714 = arith.select %lt3A_1710, %add3A_1713, %shift_right_arithmetic3A_1628 : vector<16xi1>, vector<16xi32>
      %broadcast_in_dim3A_1715 = vector.shape_cast %select_n3A_1714 : vector<16xi32> to vector<16x1xi32>
      %gather3A_1716 = vector.shape_cast %broadcast_in_dim3A_1715 : vector<16x1xi32> to vector<16xi32>
      %gather3A_1717 = tpu.dynamic_gather %select_n3A_1001[%gather3A_1716] in [0] : vector<16xi32>, vector<16xi32> -> vector<16xi32>
      %select_n3A_1718 = arith.select %eq3A_1707, %gather3A_1717, %select_n3A_1704 : vector<16xi1>, vector<16xi32>
      %mul3A_1719 = arith.constant 96 : i32
      %mul3A_1720 = arith.muli %scan3A_44, %mul3A_1719 : i32
      %add3A_1721 = arith.constant 80 : i32
      %add3A_1722 = arith.addi %mul3A_1720, %add3A_1721 : i32
      %swap3A_1723 = arith.index_cast %add3A_1722 : i32 to index
      %swap3A_1724 = tpu.vector_load %arg8[%swap3A_1723] {strides = array<i32>} : memref<384xi32, #tpu.memory_space<vmem>>, vector<16xi32>,
      %swap3A_1725 = vector.shape_cast %swap3A_1724 : vector<16xi32> to vector<16xi32>
      %swap3A_1726 = vector.shape_cast %select_n3A_1718 : vector<16xi32> to vector<16xi32>
      tpu.vector_store %arg8[%swap3A_1723], %swap3A_1726 {strides = array<i32>} : memref<384xi32, #tpu.memory_space<vmem>>, vector<16xi32>,
      %add3A_1727 = vector.broadcast %add3A_47 : i32 to vector<16xi32>
      %add3A_1728 = arith.addi %add3A_1727, %shift_right_arithmetic3A_1628 : vector<16xi32>
      %mul3A_1729 = arith.constant 96 : i32
      %mul3A_1730 = arith.muli %scan3A_44, %mul3A_1729 : i32
      %add3A_1731 = arith.constant 80 : i32
      %add3A_1732 = arith.addi %mul3A_1730, %add3A_1731 : i32
      %swap3A_1733 = arith.index_cast %add3A_1732 : i32 to index
      %swap3A_1734 = tpu.vector_load %arg9[%swap3A_1733] {strides = array<i32>} : memref<384xi32, #tpu.memory_space<vmem>>, vector<16xi32>,
      %swap3A_1735 = vector.shape_cast %swap3A_1734 : vector<16xi32> to vector<16xi32>
      %swap3A_1736 = vector.shape_cast %add3A_1728 : vector<16xi32> to vector<16xi32>
      tpu.vector_store %arg9[%swap3A_1733], %swap3A_1736 {strides = array<i32>} : memref<384xi32, #tpu.memory_space<vmem>>, vector<16xi32>,
      %add3A_1737 = arith.constant 0 : i32
      %add3A_1738 = vector.broadcast %add3A_1737 : i32 to vector<16xi32>
      %add3A_1739 = arith.addi %add3A_1738, %iota3A : vector<16xi32>
      %shift_right_arithmetic3A_1740 = arith.constant 1 : i32
      %shift_right_arithmetic3A_1741 = vector.broadcast %shift_right_arithmetic3A_1740 : i32 to vector<16xi32>
      %shift_right_arithmetic3A_1742 = arith.shrsi %add3A_1739, %shift_right_arithmetic3A_1741 : vector<16xi32>
      %lt3A_1743 = arith.constant 0 : i32
      %lt3A_1744 = vector.broadcast %lt3A_1743 : i32 to vector<16xi32>
      %lt3A_1745 = arith.cmpi slt, %shift_right_arithmetic3A_1742, %lt3A_1744 : vector<16xi32>
      %add3A_1746 = arith.constant 16 : i32
      %add3A_1747 = vector.broadcast %add3A_1746 : i32 to vector<16xi32>
      %add3A_1748 = arith.addi %shift_right_arithmetic3A_1742, %add3A_1747 : vector<16xi32>
      %select_n3A_1749 = arith.select %lt3A_1745, %add3A_1748, %shift_right_arithmetic3A_1742 : vector<16xi1>, vector<16xi32>
      %broadcast_in_dim3A_1750 = vector.shape_cast %select_n3A_1749 : vector<16xi32> to vector<16x1xi32>
      %gather3A_1751 = vector.shape_cast %broadcast_in_dim3A_1750 : vector<16x1xi32> to vector<16xi32>
      %gather3A_1752 = tpu.dynamic_gather %get3A_54[%gather3A_1751] in [0] : vector<16xf32>, vector<16xi32> -> vector<16xf32>
      %mul3A_1753 = arith.constant 32 : i32
      %mul3A_1754 = arith.muli %scan3A_44, %mul3A_1753 : i32
      %add3A_1755 = arith.constant 0 : i32
      %add3A_1756 = arith.addi %mul3A_1754, %add3A_1755 : i32
      %swap3A_1757 = arith.index_cast %add3A_1756 : i32 to index
      %swap3A_1758 = tpu.vector_load %arg10[%swap3A_1757] {strides = array<i32>} : memref<128xf32, #tpu.memory_space<vmem>>, vector<16xf32>,
      %swap3A_1759 = vector.shape_cast %swap3A_1758 : vector<16xf32> to vector<16xf32>
      %swap3A_1760 = vector.shape_cast %gather3A_1752 : vector<16xf32> to vector<16xf32>
      tpu.vector_store %arg10[%swap3A_1757], %swap3A_1760 {strides = array<i32>} : memref<128xf32, #tpu.memory_space<vmem>>, vector<16xf32>,
      %add3A_1761 = arith.constant 16 : i32
      %add3A_1762 = vector.broadcast %add3A_1761 : i32 to vector<16xi32>
      %add3A_1763 = arith.addi %add3A_1762, %iota3A : vector<16xi32>
      %shift_right_arithmetic3A_1764 = arith.constant 1 : i32
      %shift_right_arithmetic3A_1765 = vector.broadcast %shift_right_arithmetic3A_1764 : i32 to vector<16xi32>
      %shift_right_arithmetic3A_1766 = arith.shrsi %add3A_1763, %shift_right_arithmetic3A_1765 : vector<16xi32>
      %lt3A_1767 = arith.constant 0 : i32
      %lt3A_1768 = vector.broadcast %lt3A_1767 : i32 to vector<16xi32>
      %lt3A_1769 = arith.cmpi slt, %shift_right_arithmetic3A_1766, %lt3A_1768 : vector<16xi32>
      %add3A_1770 = arith.constant 16 : i32
      %add3A_1771 = vector.broadcast %add3A_1770 : i32 to vector<16xi32>
      %add3A_1772 = arith.addi %shift_right_arithmetic3A_1766, %add3A_1771 : vector<16xi32>
      %select_n3A_1773 = arith.select %lt3A_1769, %add3A_1772, %shift_right_arithmetic3A_1766 : vector<16xi1>, vector<16xi32>
      %broadcast_in_dim3A_1774 = vector.shape_cast %select_n3A_1773 : vector<16xi32> to vector<16x1xi32>
      %gather3A_1775 = vector.shape_cast %broadcast_in_dim3A_1774 : vector<16x1xi32> to vector<16xi32>
      %gather3A_1776 = tpu.dynamic_gather %get3A_54[%gather3A_1775] in [0] : vector<16xf32>, vector<16xi32> -> vector<16xf32>
      %mul3A_1777 = arith.constant 32 : i32
      %mul3A_1778 = arith.muli %scan3A_44, %mul3A_1777 : i32
      %add3A_1779 = arith.constant 16 : i32
      %add3A_1780 = arith.addi %mul3A_1778, %add3A_1779 : i32
      %swap3A_1781 = arith.index_cast %add3A_1780 : i32 to index
      %swap3A_1782 = tpu.vector_load %arg10[%swap3A_1781] {strides = array<i32>} : memref<128xf32, #tpu.memory_space<vmem>>, vector<16xf32>,
      %swap3A_1783 = vector.shape_cast %swap3A_1782 : vector<16xf32> to vector<16xf32>
      %swap3A_1784 = vector.shape_cast %gather3A_1776 : vector<16xf32> to vector<16xf32>
      tpu.vector_store %arg10[%swap3A_1781], %swap3A_1784 {strides = array<i32>} : memref<128xf32, #tpu.memory_space<vmem>>, vector<16xf32>,
    }
    %scan3A_8 = arith.constant 4 : i32
    %get3A = arith.constant 0 : index
    %get3A_9 = tpu.vector_load %arg7[%get3A] {strides = array<i32>} : memref<16xi32, #tpu.memory_space<vmem>>, vector<16xi32>,
    %get3A_10 = vector.shape_cast %get3A_9 : vector<16xi32> to vector<16xi32>
    %convert_element_type3A = arith.sitofp %get3A_10 : vector<16xi32> to vector<16xf32>
    %mul3A_11 = arith.constant 0.00401606411 : f32
    %mul3A_12 = vector.broadcast %mul3A_11 : f32 to vector<16xf32>
    %mul3A_13 = arith.mulf %convert_element_type3A, %mul3A_12 : vector<16xf32>
    %add3A_14 = arith.constant 0.000000e+00 : f32
    %add3A_15 = vector.broadcast %add3A_14 : f32 to vector<16xf32>
    %add3A_16 = arith.addf %mul3A_13, %add3A_15 : vector<16xf32>
    %and3A = arith.constant 1 : i32
    %and3A_17 = vector.broadcast %and3A : i32 to vector<16xi32>
    %and3A_18 = arith.andi %iota3A, %and3A_17 : vector<16xi32>
    %eq3A = arith.constant 0 : i32
    %eq3A_19 = vector.broadcast %eq3A : i32 to vector<16xi32>
    %eq3A_20 = arith.cmpi eq, %and3A_18, %eq3A_19 : vector<16xi32>
    %scan3A_21 = arith.constant 0 : i32
    %scan3A_22 = arith.constant 0 : i32
    %scan3A_23 = arith.constant 8 : i32
    %scan3A_24 = arith.addi %scan3A_22, %scan3A_23 : i32
    %scan3A_25 = arith.constant 1 : i32
    scf.for %scan3A_44 = %scan3A_22 to %scan3A_24 step %scan3A_25  : i32 {
      %mul3A_45 = arith.constant 384 : i32
      %mul3A_46 = arith.muli %scan3A_44, %mul3A_45 : i32
      %get3A_47 = arith.constant 0 : index
      %get3A_48 = tpu.vector_load %arg8[%get3A_47] {strides = array<i32>} : memref<384xi32, #tpu.memory_space<vmem>>, vector<16xi32>,
      %get3A_49 = vector.shape_cast %get3A_48 : vector<16xi32> to vector<16xi32>
      %mul3A_50 = arith.constant 2048 : i32
      %mul3A_51 = arith.muli %scan3A_44, %mul3A_50 : i32
      %add3A_52 = vector.broadcast %mul3A_51 : i32 to vector<16xi32>
      %add3A_53 = arith.addi %get3A_49, %add3A_52 : vector<16xi32>
      %add3A_54 = arith.constant 0 : i32
      %add3A_55 = arith.addi %mul3A_46, %add3A_54 : i32
      %swap3A = arith.index_cast %add3A_55 : i32 to index
      %swap3A_56 = tpu.vector_load %arg11[%swap3A] {strides = array<i32>} : memref<3072xi32, #tpu.memory_space<vmem>>, vector<16xi32>,
      %swap3A_57 = vector.shape_cast %swap3A_56 : vector<16xi32> to vector<16xi32>
      %swap3A_58 = vector.shape_cast %add3A_53 : vector<16xi32> to vector<16xi32>
      tpu.vector_store %arg11[%swap3A], %swap3A_58 {strides = array<i32>} : memref<3072xi32, #tpu.memory_space<vmem>>, vector<16xi32>,
      %get3A_59 = arith.constant 0 : index
      %get3A_60 = tpu.vector_load %arg9[%get3A_59] {strides = array<i32>} : memref<384xi32, #tpu.memory_space<vmem>>, vector<16xi32>,
      %get3A_61 = vector.shape_cast %get3A_60 : vector<16xi32> to vector<16xi32>
      %mul3A_62 = arith.constant 2048 : i32
      %mul3A_63 = arith.muli %scan3A_44, %mul3A_62 : i32
      %add3A_64 = vector.broadcast %mul3A_63 : i32 to vector<16xi32>
      %add3A_65 = arith.addi %get3A_61, %add3A_64 : vector<16xi32>
      %add3A_66 = arith.constant 0 : i32
      %add3A_67 = arith.addi %mul3A_46, %add3A_66 : i32
      %swap3A_68 = arith.index_cast %add3A_67 : i32 to index
      %swap3A_69 = tpu.vector_load %arg12[%swap3A_68] {strides = array<i32>} : memref<3072xi32, #tpu.memory_space<vmem>>, vector<16xi32>,
      %swap3A_70 = vector.shape_cast %swap3A_69 : vector<16xi32> to vector<16xi32>
      %swap3A_71 = vector.shape_cast %add3A_65 : vector<16xi32> to vector<16xi32>
      tpu.vector_store %arg12[%swap3A_68], %swap3A_71 {strides = array<i32>} : memref<3072xi32, #tpu.memory_space<vmem>>, vector<16xi32>,
      %get3A_72 = arith.constant 16 : index
      %get3A_73 = tpu.vector_load %arg8[%get3A_72] {strides = array<i32>} : memref<384xi32, #tpu.memory_space<vmem>>, vector<16xi32>,
      %get3A_74 = vector.shape_cast %get3A_73 : vector<16xi32> to vector<16xi32>
      %mul3A_75 = arith.constant 2048 : i32
      %mul3A_76 = arith.muli %scan3A_44, %mul3A_75 : i32
      %add3A_77 = vector.broadcast %mul3A_76 : i32 to vector<16xi32>
      %add3A_78 = arith.addi %get3A_74, %add3A_77 : vector<16xi32>
      %add3A_79 = arith.constant 16 : i32
      %add3A_80 = arith.addi %mul3A_46, %add3A_79 : i32
      %swap3A_81 = arith.index_cast %add3A_80 : i32 to index
      %swap3A_82 = tpu.vector_load %arg11[%swap3A_81] {strides = array<i32>} : memref<3072xi32, #tpu.memory_space<vmem>>, vector<16xi32>,
      %swap3A_83 = vector.shape_cast %swap3A_82 : vector<16xi32> to vector<16xi32>
      %swap3A_84 = vector.shape_cast %add3A_78 : vector<16xi32> to vector<16xi32>
      tpu.vector_store %arg11[%swap3A_81], %swap3A_84 {strides = array<i32>} : memref<3072xi32, #tpu.memory_space<vmem>>, vector<16xi32>,
      %get3A_85 = arith.constant 16 : index
      %get3A_86 = tpu.vector_load %arg9[%get3A_85] {strides = array<i32>} : memref<384xi32, #tpu.memory_space<vmem>>, vector<16xi32>,
      %get3A_87 = vector.shape_cast %get3A_86 : vector<16xi32> to vector<16xi32>
      %mul3A_88 = arith.constant 2048 : i32
      %mul3A_89 = arith.muli %scan3A_44, %mul3A_88 : i32
      %add3A_90 = vector.broadcast %mul3A_89 : i32 to vector<16xi32>
      %add3A_91 = arith.addi %get3A_87, %add3A_90 : vector<16xi32>
      %add3A_92 = arith.constant 16 : i32
      %add3A_93 = arith.addi %mul3A_46, %add3A_92 : i32
      %swap3A_94 = arith.index_cast %add3A_93 : i32 to index
      %swap3A_95 = tpu.vector_load %arg12[%swap3A_94] {strides = array<i32>} : memref<3072xi32, #tpu.memory_space<vmem>>, vector<16xi32>,
      %swap3A_96 = vector.shape_cast %swap3A_95 : vector<16xi32> to vector<16xi32>
      %swap3A_97 = vector.shape_cast %add3A_91 : vector<16xi32> to vector<16xi32>
      tpu.vector_store %arg12[%swap3A_94], %swap3A_97 {strides = array<i32>} : memref<3072xi32, #tpu.memory_space<vmem>>, vector<16xi32>,
      %get3A_98 = arith.constant 32 : index
      %get3A_99 = tpu.vector_load %arg8[%get3A_98] {strides = array<i32>} : memref<384xi32, #tpu.memory_space<vmem>>, vector<16xi32>,
      %get3A_100 = vector.shape_cast %get3A_99 : vector<16xi32> to vector<16xi32>
      %mul3A_101 = arith.constant 2048 : i32
      %mul3A_102 = arith.muli %scan3A_44, %mul3A_101 : i32
      %add3A_103 = vector.broadcast %mul3A_102 : i32 to vector<16xi32>
      %add3A_104 = arith.addi %get3A_100, %add3A_103 : vector<16xi32>
      %add3A_105 = arith.constant 32 : i32
      %add3A_106 = arith.addi %mul3A_46, %add3A_105 : i32
      %swap3A_107 = arith.index_cast %add3A_106 : i32 to index
      %swap3A_108 = tpu.vector_load %arg11[%swap3A_107] {strides = array<i32>} : memref<3072xi32, #tpu.memory_space<vmem>>, vector<16xi32>,
      %swap3A_109 = vector.shape_cast %swap3A_108 : vector<16xi32> to vector<16xi32>
      %swap3A_110 = vector.shape_cast %add3A_104 : vector<16xi32> to vector<16xi32>
      tpu.vector_store %arg11[%swap3A_107], %swap3A_110 {strides = array<i32>} : memref<3072xi32, #tpu.memory_space<vmem>>, vector<16xi32>,
      %get3A_111 = arith.constant 32 : index
      %get3A_112 = tpu.vector_load %arg9[%get3A_111] {strides = array<i32>} : memref<384xi32, #tpu.memory_space<vmem>>, vector<16xi32>,
      %get3A_113 = vector.shape_cast %get3A_112 : vector<16xi32> to vector<16xi32>
      %mul3A_114 = arith.constant 2048 : i32
      %mul3A_115 = arith.muli %scan3A_44, %mul3A_114 : i32
      %add3A_116 = vector.broadcast %mul3A_115 : i32 to vector<16xi32>
      %add3A_117 = arith.addi %get3A_113, %add3A_116 : vector<16xi32>
      %add3A_118 = arith.constant 32 : i32
      %add3A_119 = arith.addi %mul3A_46, %add3A_118 : i32
      %swap3A_120 = arith.index_cast %add3A_119 : i32 to index
      %swap3A_121 = tpu.vector_load %arg12[%swap3A_120] {strides = array<i32>} : memref<3072xi32, #tpu.memory_space<vmem>>, vector<16xi32>,
      %swap3A_122 = vector.shape_cast %swap3A_121 : vector<16xi32> to vector<16xi32>
      %swap3A_123 = vector.shape_cast %add3A_117 : vector<16xi32> to vector<16xi32>
      tpu.vector_store %arg12[%swap3A_120], %swap3A_123 {strides = array<i32>} : memref<3072xi32, #tpu.memory_space<vmem>>, vector<16xi32>,
      %get3A_124 = arith.constant 48 : index
      %get3A_125 = tpu.vector_load %arg8[%get3A_124] {strides = array<i32>} : memref<384xi32, #tpu.memory_space<vmem>>, vector<16xi32>,
      %get3A_126 = vector.shape_cast %get3A_125 : vector<16xi32> to vector<16xi32>
      %mul3A_127 = arith.constant 2048 : i32
      %mul3A_128 = arith.muli %scan3A_44, %mul3A_127 : i32
      %add3A_129 = vector.broadcast %mul3A_128 : i32 to vector<16xi32>
      %add3A_130 = arith.addi %get3A_126, %add3A_129 : vector<16xi32>
      %add3A_131 = arith.constant 48 : i32
      %add3A_132 = arith.addi %mul3A_46, %add3A_131 : i32
      %swap3A_133 = arith.index_cast %add3A_132 : i32 to index
      %swap3A_134 = tpu.vector_load %arg11[%swap3A_133] {strides = array<i32>} : memref<3072xi32, #tpu.memory_space<vmem>>, vector<16xi32>,
      %swap3A_135 = vector.shape_cast %swap3A_134 : vector<16xi32> to vector<16xi32>
      %swap3A_136 = vector.shape_cast %add3A_130 : vector<16xi32> to vector<16xi32>
      tpu.vector_store %arg11[%swap3A_133], %swap3A_136 {strides = array<i32>} : memref<3072xi32, #tpu.memory_space<vmem>>, vector<16xi32>,
      %get3A_137 = arith.constant 48 : index
      %get3A_138 = tpu.vector_load %arg9[%get3A_137] {strides = array<i32>} : memref<384xi32, #tpu.memory_space<vmem>>, vector<16xi32>,
      %get3A_139 = vector.shape_cast %get3A_138 : vector<16xi32> to vector<16xi32>
      %mul3A_140 = arith.constant 2048 : i32
      %mul3A_141 = arith.muli %scan3A_44, %mul3A_140 : i32
      %add3A_142 = vector.broadcast %mul3A_141 : i32 to vector<16xi32>
      %add3A_143 = arith.addi %get3A_139, %add3A_142 : vector<16xi32>
      %add3A_144 = arith.constant 48 : i32
      %add3A_145 = arith.addi %mul3A_46, %add3A_144 : i32
      %swap3A_146 = arith.index_cast %add3A_145 : i32 to index
      %swap3A_147 = tpu.vector_load %arg12[%swap3A_146] {strides = array<i32>} : memref<3072xi32, #tpu.memory_space<vmem>>, vector<16xi32>,
      %swap3A_148 = vector.shape_cast %swap3A_147 : vector<16xi32> to vector<16xi32>
      %swap3A_149 = vector.shape_cast %add3A_143 : vector<16xi32> to vector<16xi32>
      tpu.vector_store %arg12[%swap3A_146], %swap3A_149 {strides = array<i32>} : memref<3072xi32, #tpu.memory_space<vmem>>, vector<16xi32>,
      %get3A_150 = arith.constant 64 : index
      %get3A_151 = tpu.vector_load %arg8[%get3A_150] {strides = array<i32>} : memref<384xi32, #tpu.memory_space<vmem>>, vector<16xi32>,
      %get3A_152 = vector.shape_cast %get3A_151 : vector<16xi32> to vector<16xi32>
      %mul3A_153 = arith.constant 2048 : i32
      %mul3A_154 = arith.muli %scan3A_44, %mul3A_153 : i32
      %add3A_155 = vector.broadcast %mul3A_154 : i32 to vector<16xi32>
      %add3A_156 = arith.addi %get3A_152, %add3A_155 : vector<16xi32>
      %add3A_157 = arith.constant 64 : i32
      %add3A_158 = arith.addi %mul3A_46, %add3A_157 : i32
      %swap3A_159 = arith.index_cast %add3A_158 : i32 to index
      %swap3A_160 = tpu.vector_load %arg11[%swap3A_159] {strides = array<i32>} : memref<3072xi32, #tpu.memory_space<vmem>>, vector<16xi32>,
      %swap3A_161 = vector.shape_cast %swap3A_160 : vector<16xi32> to vector<16xi32>
      %swap3A_162 = vector.shape_cast %add3A_156 : vector<16xi32> to vector<16xi32>
      tpu.vector_store %arg11[%swap3A_159], %swap3A_162 {strides = array<i32>} : memref<3072xi32, #tpu.memory_space<vmem>>, vector<16xi32>,
      %get3A_163 = arith.constant 64 : index
      %get3A_164 = tpu.vector_load %arg9[%get3A_163] {strides = array<i32>} : memref<384xi32, #tpu.memory_space<vmem>>, vector<16xi32>,
      %get3A_165 = vector.shape_cast %get3A_164 : vector<16xi32> to vector<16xi32>
      %mul3A_166 = arith.constant 2048 : i32
      %mul3A_167 = arith.muli %scan3A_44, %mul3A_166 : i32
      %add3A_168 = vector.broadcast %mul3A_167 : i32 to vector<16xi32>
      %add3A_169 = arith.addi %get3A_165, %add3A_168 : vector<16xi32>
      %add3A_170 = arith.constant 64 : i32
      %add3A_171 = arith.addi %mul3A_46, %add3A_170 : i32
      %swap3A_172 = arith.index_cast %add3A_171 : i32 to index
      %swap3A_173 = tpu.vector_load %arg12[%swap3A_172] {strides = array<i32>} : memref<3072xi32, #tpu.memory_space<vmem>>, vector<16xi32>,
      %swap3A_174 = vector.shape_cast %swap3A_173 : vector<16xi32> to vector<16xi32>
      %swap3A_175 = vector.shape_cast %add3A_169 : vector<16xi32> to vector<16xi32>
      tpu.vector_store %arg12[%swap3A_172], %swap3A_175 {strides = array<i32>} : memref<3072xi32, #tpu.memory_space<vmem>>, vector<16xi32>,
      %get3A_176 = arith.constant 80 : index
      %get3A_177 = tpu.vector_load %arg8[%get3A_176] {strides = array<i32>} : memref<384xi32, #tpu.memory_space<vmem>>, vector<16xi32>,
      %get3A_178 = vector.shape_cast %get3A_177 : vector<16xi32> to vector<16xi32>
      %mul3A_179 = arith.constant 2048 : i32
      %mul3A_180 = arith.muli %scan3A_44, %mul3A_179 : i32
      %add3A_181 = vector.broadcast %mul3A_180 : i32 to vector<16xi32>
      %add3A_182 = arith.addi %get3A_178, %add3A_181 : vector<16xi32>
      %add3A_183 = arith.constant 80 : i32
      %add3A_184 = arith.addi %mul3A_46, %add3A_183 : i32
      %swap3A_185 = arith.index_cast %add3A_184 : i32 to index
      %swap3A_186 = tpu.vector_load %arg11[%swap3A_185] {strides = array<i32>} : memref<3072xi32, #tpu.memory_space<vmem>>, vector<16xi32>,
      %swap3A_187 = vector.shape_cast %swap3A_186 : vector<16xi32> to vector<16xi32>
      %swap3A_188 = vector.shape_cast %add3A_182 : vector<16xi32> to vector<16xi32>
      tpu.vector_store %arg11[%swap3A_185], %swap3A_188 {strides = array<i32>} : memref<3072xi32, #tpu.memory_space<vmem>>, vector<16xi32>,
      %get3A_189 = arith.constant 80 : index
      %get3A_190 = tpu.vector_load %arg9[%get3A_189] {strides = array<i32>} : memref<384xi32, #tpu.memory_space<vmem>>, vector<16xi32>,
      %get3A_191 = vector.shape_cast %get3A_190 : vector<16xi32> to vector<16xi32>
      %mul3A_192 = arith.constant 2048 : i32
      %mul3A_193 = arith.muli %scan3A_44, %mul3A_192 : i32
      %add3A_194 = vector.broadcast %mul3A_193 : i32 to vector<16xi32>
      %add3A_195 = arith.addi %get3A_191, %add3A_194 : vector<16xi32>
      %add3A_196 = arith.constant 80 : i32
      %add3A_197 = arith.addi %mul3A_46, %add3A_196 : i32
      %swap3A_198 = arith.index_cast %add3A_197 : i32 to index
      %swap3A_199 = tpu.vector_load %arg12[%swap3A_198] {strides = array<i32>} : memref<3072xi32, #tpu.memory_space<vmem>>, vector<16xi32>,
      %swap3A_200 = vector.shape_cast %swap3A_199 : vector<16xi32> to vector<16xi32>
      %swap3A_201 = vector.shape_cast %add3A_195 : vector<16xi32> to vector<16xi32>
      tpu.vector_store %arg12[%swap3A_198], %swap3A_201 {strides = array<i32>} : memref<3072xi32, #tpu.memory_space<vmem>>, vector<16xi32>,
      %get3A_202 = arith.constant 96 : index
      %get3A_203 = tpu.vector_load %arg8[%get3A_202] {strides = array<i32>} : memref<384xi32, #tpu.memory_space<vmem>>, vector<16xi32>,
      %get3A_204 = vector.shape_cast %get3A_203 : vector<16xi32> to vector<16xi32>
      %mul3A_205 = arith.constant 2048 : i32
      %mul3A_206 = arith.muli %scan3A_44, %mul3A_205 : i32
      %add3A_207 = vector.broadcast %mul3A_206 : i32 to vector<16xi32>
      %add3A_208 = arith.addi %get3A_204, %add3A_207 : vector<16xi32>
      %add3A_209 = arith.constant 96 : i32
      %add3A_210 = arith.addi %mul3A_46, %add3A_209 : i32
      %swap3A_211 = arith.index_cast %add3A_210 : i32 to index
      %swap3A_212 = tpu.vector_load %arg11[%swap3A_211] {strides = array<i32>} : memref<3072xi32, #tpu.memory_space<vmem>>, vector<16xi32>,
      %swap3A_213 = vector.shape_cast %swap3A_212 : vector<16xi32> to vector<16xi32>
      %swap3A_214 = vector.shape_cast %add3A_208 : vector<16xi32> to vector<16xi32>
      tpu.vector_store %arg11[%swap3A_211], %swap3A_214 {strides = array<i32>} : memref<3072xi32, #tpu.memory_space<vmem>>, vector<16xi32>,
      %get3A_215 = arith.constant 96 : index
      %get3A_216 = tpu.vector_load %arg9[%get3A_215] {strides = array<i32>} : memref<384xi32, #tpu.memory_space<vmem>>, vector<16xi32>,
      %get3A_217 = vector.shape_cast %get3A_216 : vector<16xi32> to vector<16xi32>
      %mul3A_218 = arith.constant 2048 : i32
      %mul3A_219 = arith.muli %scan3A_44, %mul3A_218 : i32
      %add3A_220 = vector.broadcast %mul3A_219 : i32 to vector<16xi32>
      %add3A_221 = arith.addi %get3A_217, %add3A_220 : vector<16xi32>
      %add3A_222 = arith.constant 96 : i32
      %add3A_223 = arith.addi %mul3A_46, %add3A_222 : i32
      %swap3A_224 = arith.index_cast %add3A_223 : i32 to index
      %swap3A_225 = tpu.vector_load %arg12[%swap3A_224] {strides = array<i32>} : memref<3072xi32, #tpu.memory_space<vmem>>, vector<16xi32>,
      %swap3A_226 = vector.shape_cast %swap3A_225 : vector<16xi32> to vector<16xi32>
      %swap3A_227 = vector.shape_cast %add3A_221 : vector<16xi32> to vector<16xi32>
      tpu.vector_store %arg12[%swap3A_224], %swap3A_227 {strides = array<i32>} : memref<3072xi32, #tpu.memory_space<vmem>>, vector<16xi32>,
      %get3A_228 = arith.constant 112 : index
      %get3A_229 = tpu.vector_load %arg8[%get3A_228] {strides = array<i32>} : memref<384xi32, #tpu.memory_space<vmem>>, vector<16xi32>,
      %get3A_230 = vector.shape_cast %get3A_229 : vector<16xi32> to vector<16xi32>
      %mul3A_231 = arith.constant 2048 : i32
      %mul3A_232 = arith.muli %scan3A_44, %mul3A_231 : i32
      %add3A_233 = vector.broadcast %mul3A_232 : i32 to vector<16xi32>
      %add3A_234 = arith.addi %get3A_230, %add3A_233 : vector<16xi32>
      %add3A_235 = arith.constant 112 : i32
      %add3A_236 = arith.addi %mul3A_46, %add3A_235 : i32
      %swap3A_237 = arith.index_cast %add3A_236 : i32 to index
      %swap3A_238 = tpu.vector_load %arg11[%swap3A_237] {strides = array<i32>} : memref<3072xi32, #tpu.memory_space<vmem>>, vector<16xi32>,
      %swap3A_239 = vector.shape_cast %swap3A_238 : vector<16xi32> to vector<16xi32>
      %swap3A_240 = vector.shape_cast %add3A_234 : vector<16xi32> to vector<16xi32>
      tpu.vector_store %arg11[%swap3A_237], %swap3A_240 {strides = array<i32>} : memref<3072xi32, #tpu.memory_space<vmem>>, vector<16xi32>,
      %get3A_241 = arith.constant 112 : index
      %get3A_242 = tpu.vector_load %arg9[%get3A_241] {strides = array<i32>} : memref<384xi32, #tpu.memory_space<vmem>>, vector<16xi32>,
      %get3A_243 = vector.shape_cast %get3A_242 : vector<16xi32> to vector<16xi32>
      %mul3A_244 = arith.constant 2048 : i32
      %mul3A_245 = arith.muli %scan3A_44, %mul3A_244 : i32
      %add3A_246 = vector.broadcast %mul3A_245 : i32 to vector<16xi32>
      %add3A_247 = arith.addi %get3A_243, %add3A_246 : vector<16xi32>
      %add3A_248 = arith.constant 112 : i32
      %add3A_249 = arith.addi %mul3A_46, %add3A_248 : i32
      %swap3A_250 = arith.index_cast %add3A_249 : i32 to index
      %swap3A_251 = tpu.vector_load %arg12[%swap3A_250] {strides = array<i32>} : memref<3072xi32, #tpu.memory_space<vmem>>, vector<16xi32>,
      %swap3A_252 = vector.shape_cast %swap3A_251 : vector<16xi32> to vector<16xi32>
      %swap3A_253 = vector.shape_cast %add3A_247 : vector<16xi32> to vector<16xi32>
      tpu.vector_store %arg12[%swap3A_250], %swap3A_253 {strides = array<i32>} : memref<3072xi32, #tpu.memory_space<vmem>>, vector<16xi32>,
      %get3A_254 = arith.constant 128 : index
      %get3A_255 = tpu.vector_load %arg8[%get3A_254] {strides = array<i32>} : memref<384xi32, #tpu.memory_space<vmem>>, vector<16xi32>,
      %get3A_256 = vector.shape_cast %get3A_255 : vector<16xi32> to vector<16xi32>
      %mul3A_257 = arith.constant 2048 : i32
      %mul3A_258 = arith.muli %scan3A_44, %mul3A_257 : i32
      %add3A_259 = vector.broadcast %mul3A_258 : i32 to vector<16xi32>
      %add3A_260 = arith.addi %get3A_256, %add3A_259 : vector<16xi32>
      %add3A_261 = arith.constant 128 : i32
      %add3A_262 = arith.addi %mul3A_46, %add3A_261 : i32
      %swap3A_263 = arith.index_cast %add3A_262 : i32 to index
      %swap3A_264 = tpu.vector_load %arg11[%swap3A_263] {strides = array<i32>} : memref<3072xi32, #tpu.memory_space<vmem>>, vector<16xi32>,
      %swap3A_265 = vector.shape_cast %swap3A_264 : vector<16xi32> to vector<16xi32>
      %swap3A_266 = vector.shape_cast %add3A_260 : vector<16xi32> to vector<16xi32>
      tpu.vector_store %arg11[%swap3A_263], %swap3A_266 {strides = array<i32>} : memref<3072xi32, #tpu.memory_space<vmem>>, vector<16xi32>,
      %get3A_267 = arith.constant 128 : index
      %get3A_268 = tpu.vector_load %arg9[%get3A_267] {strides = array<i32>} : memref<384xi32, #tpu.memory_space<vmem>>, vector<16xi32>,
      %get3A_269 = vector.shape_cast %get3A_268 : vector<16xi32> to vector<16xi32>
      %mul3A_270 = arith.constant 2048 : i32
      %mul3A_271 = arith.muli %scan3A_44, %mul3A_270 : i32
      %add3A_272 = vector.broadcast %mul3A_271 : i32 to vector<16xi32>
      %add3A_273 = arith.addi %get3A_269, %add3A_272 : vector<16xi32>
      %add3A_274 = arith.constant 128 : i32
      %add3A_275 = arith.addi %mul3A_46, %add3A_274 : i32
      %swap3A_276 = arith.index_cast %add3A_275 : i32 to index
      %swap3A_277 = tpu.vector_load %arg12[%swap3A_276] {strides = array<i32>} : memref<3072xi32, #tpu.memory_space<vmem>>, vector<16xi32>,
      %swap3A_278 = vector.shape_cast %swap3A_277 : vector<16xi32> to vector<16xi32>
      %swap3A_279 = vector.shape_cast %add3A_273 : vector<16xi32> to vector<16xi32>
      tpu.vector_store %arg12[%swap3A_276], %swap3A_279 {strides = array<i32>} : memref<3072xi32, #tpu.memory_space<vmem>>, vector<16xi32>,
      %get3A_280 = arith.constant 144 : index
      %get3A_281 = tpu.vector_load %arg8[%get3A_280] {strides = array<i32>} : memref<384xi32, #tpu.memory_space<vmem>>, vector<16xi32>,
      %get3A_282 = vector.shape_cast %get3A_281 : vector<16xi32> to vector<16xi32>
      %mul3A_283 = arith.constant 2048 : i32
      %mul3A_284 = arith.muli %scan3A_44, %mul3A_283 : i32
      %add3A_285 = vector.broadcast %mul3A_284 : i32 to vector<16xi32>
      %add3A_286 = arith.addi %get3A_282, %add3A_285 : vector<16xi32>
      %add3A_287 = arith.constant 144 : i32
      %add3A_288 = arith.addi %mul3A_46, %add3A_287 : i32
      %swap3A_289 = arith.index_cast %add3A_288 : i32 to index
      %swap3A_290 = tpu.vector_load %arg11[%swap3A_289] {strides = array<i32>} : memref<3072xi32, #tpu.memory_space<vmem>>, vector<16xi32>,
      %swap3A_291 = vector.shape_cast %swap3A_290 : vector<16xi32> to vector<16xi32>
      %swap3A_292 = vector.shape_cast %add3A_286 : vector<16xi32> to vector<16xi32>
      tpu.vector_store %arg11[%swap3A_289], %swap3A_292 {strides = array<i32>} : memref<3072xi32, #tpu.memory_space<vmem>>, vector<16xi32>,
      %get3A_293 = arith.constant 144 : index
      %get3A_294 = tpu.vector_load %arg9[%get3A_293] {strides = array<i32>} : memref<384xi32, #tpu.memory_space<vmem>>, vector<16xi32>,
      %get3A_295 = vector.shape_cast %get3A_294 : vector<16xi32> to vector<16xi32>
      %mul3A_296 = arith.constant 2048 : i32
      %mul3A_297 = arith.muli %scan3A_44, %mul3A_296 : i32
      %add3A_298 = vector.broadcast %mul3A_297 : i32 to vector<16xi32>
      %add3A_299 = arith.addi %get3A_295, %add3A_298 : vector<16xi32>
      %add3A_300 = arith.constant 144 : i32
      %add3A_301 = arith.addi %mul3A_46, %add3A_300 : i32
      %swap3A_302 = arith.index_cast %add3A_301 : i32 to index
      %swap3A_303 = tpu.vector_load %arg12[%swap3A_302] {strides = array<i32>} : memref<3072xi32, #tpu.memory_space<vmem>>, vector<16xi32>,
      %swap3A_304 = vector.shape_cast %swap3A_303 : vector<16xi32> to vector<16xi32>
      %swap3A_305 = vector.shape_cast %add3A_299 : vector<16xi32> to vector<16xi32>
      tpu.vector_store %arg12[%swap3A_302], %swap3A_305 {strides = array<i32>} : memref<3072xi32, #tpu.memory_space<vmem>>, vector<16xi32>,
      %get3A_306 = arith.constant 160 : index
      %get3A_307 = tpu.vector_load %arg8[%get3A_306] {strides = array<i32>} : memref<384xi32, #tpu.memory_space<vmem>>, vector<16xi32>,
      %get3A_308 = vector.shape_cast %get3A_307 : vector<16xi32> to vector<16xi32>
      %mul3A_309 = arith.constant 2048 : i32
      %mul3A_310 = arith.muli %scan3A_44, %mul3A_309 : i32
      %add3A_311 = vector.broadcast %mul3A_310 : i32 to vector<16xi32>
      %add3A_312 = arith.addi %get3A_308, %add3A_311 : vector<16xi32>
      %add3A_313 = arith.constant 160 : i32
      %add3A_314 = arith.addi %mul3A_46, %add3A_313 : i32
      %swap3A_315 = arith.index_cast %add3A_314 : i32 to index
      %swap3A_316 = tpu.vector_load %arg11[%swap3A_315] {strides = array<i32>} : memref<3072xi32, #tpu.memory_space<vmem>>, vector<16xi32>,
      %swap3A_317 = vector.shape_cast %swap3A_316 : vector<16xi32> to vector<16xi32>
      %swap3A_318 = vector.shape_cast %add3A_312 : vector<16xi32> to vector<16xi32>
      tpu.vector_store %arg11[%swap3A_315], %swap3A_318 {strides = array<i32>} : memref<3072xi32, #tpu.memory_space<vmem>>, vector<16xi32>,
      %get3A_319 = arith.constant 160 : index
      %get3A_320 = tpu.vector_load %arg9[%get3A_319] {strides = array<i32>} : memref<384xi32, #tpu.memory_space<vmem>>, vector<16xi32>,
      %get3A_321 = vector.shape_cast %get3A_320 : vector<16xi32> to vector<16xi32>
      %mul3A_322 = arith.constant 2048 : i32
      %mul3A_323 = arith.muli %scan3A_44, %mul3A_322 : i32
      %add3A_324 = vector.broadcast %mul3A_323 : i32 to vector<16xi32>
      %add3A_325 = arith.addi %get3A_321, %add3A_324 : vector<16xi32>
      %add3A_326 = arith.constant 160 : i32
      %add3A_327 = arith.addi %mul3A_46, %add3A_326 : i32
      %swap3A_328 = arith.index_cast %add3A_327 : i32 to index
      %swap3A_329 = tpu.vector_load %arg12[%swap3A_328] {strides = array<i32>} : memref<3072xi32, #tpu.memory_space<vmem>>, vector<16xi32>,
      %swap3A_330 = vector.shape_cast %swap3A_329 : vector<16xi32> to vector<16xi32>
      %swap3A_331 = vector.shape_cast %add3A_325 : vector<16xi32> to vector<16xi32>
      tpu.vector_store %arg12[%swap3A_328], %swap3A_331 {strides = array<i32>} : memref<3072xi32, #tpu.memory_space<vmem>>, vector<16xi32>,
      %get3A_332 = arith.constant 176 : index
      %get3A_333 = tpu.vector_load %arg8[%get3A_332] {strides = array<i32>} : memref<384xi32, #tpu.memory_space<vmem>>, vector<16xi32>,
      %get3A_334 = vector.shape_cast %get3A_333 : vector<16xi32> to vector<16xi32>
      %mul3A_335 = arith.constant 2048 : i32
      %mul3A_336 = arith.muli %scan3A_44, %mul3A_335 : i32
      %add3A_337 = vector.broadcast %mul3A_336 : i32 to vector<16xi32>
      %add3A_338 = arith.addi %get3A_334, %add3A_337 : vector<16xi32>
      %add3A_339 = arith.constant 176 : i32
      %add3A_340 = arith.addi %mul3A_46, %add3A_339 : i32
      %swap3A_341 = arith.index_cast %add3A_340 : i32 to index
      %swap3A_342 = tpu.vector_load %arg11[%swap3A_341] {strides = array<i32>} : memref<3072xi32, #tpu.memory_space<vmem>>, vector<16xi32>,
      %swap3A_343 = vector.shape_cast %swap3A_342 : vector<16xi32> to vector<16xi32>
      %swap3A_344 = vector.shape_cast %add3A_338 : vector<16xi32> to vector<16xi32>
      tpu.vector_store %arg11[%swap3A_341], %swap3A_344 {strides = array<i32>} : memref<3072xi32, #tpu.memory_space<vmem>>, vector<16xi32>,
      %get3A_345 = arith.constant 176 : index
      %get3A_346 = tpu.vector_load %arg9[%get3A_345] {strides = array<i32>} : memref<384xi32, #tpu.memory_space<vmem>>, vector<16xi32>,
      %get3A_347 = vector.shape_cast %get3A_346 : vector<16xi32> to vector<16xi32>
      %mul3A_348 = arith.constant 2048 : i32
      %mul3A_349 = arith.muli %scan3A_44, %mul3A_348 : i32
      %add3A_350 = vector.broadcast %mul3A_349 : i32 to vector<16xi32>
      %add3A_351 = arith.addi %get3A_347, %add3A_350 : vector<16xi32>
      %add3A_352 = arith.constant 176 : i32
      %add3A_353 = arith.addi %mul3A_46, %add3A_352 : i32
      %swap3A_354 = arith.index_cast %add3A_353 : i32 to index
      %swap3A_355 = tpu.vector_load %arg12[%swap3A_354] {strides = array<i32>} : memref<3072xi32, #tpu.memory_space<vmem>>, vector<16xi32>,
      %swap3A_356 = vector.shape_cast %swap3A_355 : vector<16xi32> to vector<16xi32>
      %swap3A_357 = vector.shape_cast %add3A_351 : vector<16xi32> to vector<16xi32>
      tpu.vector_store %arg12[%swap3A_354], %swap3A_357 {strides = array<i32>} : memref<3072xi32, #tpu.memory_space<vmem>>, vector<16xi32>,
      %get3A_358 = arith.constant 192 : index
      %get3A_359 = tpu.vector_load %arg8[%get3A_358] {strides = array<i32>} : memref<384xi32, #tpu.memory_space<vmem>>, vector<16xi32>,
      %get3A_360 = vector.shape_cast %get3A_359 : vector<16xi32> to vector<16xi32>
      %mul3A_361 = arith.constant 2048 : i32
      %mul3A_362 = arith.muli %scan3A_44, %mul3A_361 : i32
      %add3A_363 = vector.broadcast %mul3A_362 : i32 to vector<16xi32>
      %add3A_364 = arith.addi %get3A_360, %add3A_363 : vector<16xi32>
      %add3A_365 = arith.constant 192 : i32
      %add3A_366 = arith.addi %mul3A_46, %add3A_365 : i32
      %swap3A_367 = arith.index_cast %add3A_366 : i32 to index
      %swap3A_368 = tpu.vector_load %arg11[%swap3A_367] {strides = array<i32>} : memref<3072xi32, #tpu.memory_space<vmem>>, vector<16xi32>,
      %swap3A_369 = vector.shape_cast %swap3A_368 : vector<16xi32> to vector<16xi32>
      %swap3A_370 = vector.shape_cast %add3A_364 : vector<16xi32> to vector<16xi32>
      tpu.vector_store %arg11[%swap3A_367], %swap3A_370 {strides = array<i32>} : memref<3072xi32, #tpu.memory_space<vmem>>, vector<16xi32>,
      %get3A_371 = arith.constant 192 : index
      %get3A_372 = tpu.vector_load %arg9[%get3A_371] {strides = array<i32>} : memref<384xi32, #tpu.memory_space<vmem>>, vector<16xi32>,
      %get3A_373 = vector.shape_cast %get3A_372 : vector<16xi32> to vector<16xi32>
      %mul3A_374 = arith.constant 2048 : i32
      %mul3A_375 = arith.muli %scan3A_44, %mul3A_374 : i32
      %add3A_376 = vector.broadcast %mul3A_375 : i32 to vector<16xi32>
      %add3A_377 = arith.addi %get3A_373, %add3A_376 : vector<16xi32>
      %add3A_378 = arith.constant 192 : i32
      %add3A_379 = arith.addi %mul3A_46, %add3A_378 : i32
      %swap3A_380 = arith.index_cast %add3A_379 : i32 to index
      %swap3A_381 = tpu.vector_load %arg12[%swap3A_380] {strides = array<i32>} : memref<3072xi32, #tpu.memory_space<vmem>>, vector<16xi32>,
      %swap3A_382 = vector.shape_cast %swap3A_381 : vector<16xi32> to vector<16xi32>
      %swap3A_383 = vector.shape_cast %add3A_377 : vector<16xi32> to vector<16xi32>
      tpu.vector_store %arg12[%swap3A_380], %swap3A_383 {strides = array<i32>} : memref<3072xi32, #tpu.memory_space<vmem>>, vector<16xi32>,
      %get3A_384 = arith.constant 208 : index
      %get3A_385 = tpu.vector_load %arg8[%get3A_384] {strides = array<i32>} : memref<384xi32, #tpu.memory_space<vmem>>, vector<16xi32>,
      %get3A_386 = vector.shape_cast %get3A_385 : vector<16xi32> to vector<16xi32>
      %mul3A_387 = arith.constant 2048 : i32
      %mul3A_388 = arith.muli %scan3A_44, %mul3A_387 : i32
      %add3A_389 = vector.broadcast %mul3A_388 : i32 to vector<16xi32>
      %add3A_390 = arith.addi %get3A_386, %add3A_389 : vector<16xi32>
      %add3A_391 = arith.constant 208 : i32
      %add3A_392 = arith.addi %mul3A_46, %add3A_391 : i32
      %swap3A_393 = arith.index_cast %add3A_392 : i32 to index
      %swap3A_394 = tpu.vector_load %arg11[%swap3A_393] {strides = array<i32>} : memref<3072xi32, #tpu.memory_space<vmem>>, vector<16xi32>,
      %swap3A_395 = vector.shape_cast %swap3A_394 : vector<16xi32> to vector<16xi32>
      %swap3A_396 = vector.shape_cast %add3A_390 : vector<16xi32> to vector<16xi32>
      tpu.vector_store %arg11[%swap3A_393], %swap3A_396 {strides = array<i32>} : memref<3072xi32, #tpu.memory_space<vmem>>, vector<16xi32>,
      %get3A_397 = arith.constant 208 : index
      %get3A_398 = tpu.vector_load %arg9[%get3A_397] {strides = array<i32>} : memref<384xi32, #tpu.memory_space<vmem>>, vector<16xi32>,
      %get3A_399 = vector.shape_cast %get3A_398 : vector<16xi32> to vector<16xi32>
      %mul3A_400 = arith.constant 2048 : i32
      %mul3A_401 = arith.muli %scan3A_44, %mul3A_400 : i32
      %add3A_402 = vector.broadcast %mul3A_401 : i32 to vector<16xi32>
      %add3A_403 = arith.addi %get3A_399, %add3A_402 : vector<16xi32>
      %add3A_404 = arith.constant 208 : i32
      %add3A_405 = arith.addi %mul3A_46, %add3A_404 : i32
      %swap3A_406 = arith.index_cast %add3A_405 : i32 to index
      %swap3A_407 = tpu.vector_load %arg12[%swap3A_406] {strides = array<i32>} : memref<3072xi32, #tpu.memory_space<vmem>>, vector<16xi32>,
      %swap3A_408 = vector.shape_cast %swap3A_407 : vector<16xi32> to vector<16xi32>
      %swap3A_409 = vector.shape_cast %add3A_403 : vector<16xi32> to vector<16xi32>
      tpu.vector_store %arg12[%swap3A_406], %swap3A_409 {strides = array<i32>} : memref<3072xi32, #tpu.memory_space<vmem>>, vector<16xi32>,
      %get3A_410 = arith.constant 224 : index
      %get3A_411 = tpu.vector_load %arg8[%get3A_410] {strides = array<i32>} : memref<384xi32, #tpu.memory_space<vmem>>, vector<16xi32>,
      %get3A_412 = vector.shape_cast %get3A_411 : vector<16xi32> to vector<16xi32>
      %mul3A_413 = arith.constant 2048 : i32
      %mul3A_414 = arith.muli %scan3A_44, %mul3A_413 : i32
      %add3A_415 = vector.broadcast %mul3A_414 : i32 to vector<16xi32>
      %add3A_416 = arith.addi %get3A_412, %add3A_415 : vector<16xi32>
      %add3A_417 = arith.constant 224 : i32
      %add3A_418 = arith.addi %mul3A_46, %add3A_417 : i32
      %swap3A_419 = arith.index_cast %add3A_418 : i32 to index
      %swap3A_420 = tpu.vector_load %arg11[%swap3A_419] {strides = array<i32>} : memref<3072xi32, #tpu.memory_space<vmem>>, vector<16xi32>,
      %swap3A_421 = vector.shape_cast %swap3A_420 : vector<16xi32> to vector<16xi32>
      %swap3A_422 = vector.shape_cast %add3A_416 : vector<16xi32> to vector<16xi32>
      tpu.vector_store %arg11[%swap3A_419], %swap3A_422 {strides = array<i32>} : memref<3072xi32, #tpu.memory_space<vmem>>, vector<16xi32>,
      %get3A_423 = arith.constant 224 : index
      %get3A_424 = tpu.vector_load %arg9[%get3A_423] {strides = array<i32>} : memref<384xi32, #tpu.memory_space<vmem>>, vector<16xi32>,
      %get3A_425 = vector.shape_cast %get3A_424 : vector<16xi32> to vector<16xi32>
      %mul3A_426 = arith.constant 2048 : i32
      %mul3A_427 = arith.muli %scan3A_44, %mul3A_426 : i32
      %add3A_428 = vector.broadcast %mul3A_427 : i32 to vector<16xi32>
      %add3A_429 = arith.addi %get3A_425, %add3A_428 : vector<16xi32>
      %add3A_430 = arith.constant 224 : i32
      %add3A_431 = arith.addi %mul3A_46, %add3A_430 : i32
      %swap3A_432 = arith.index_cast %add3A_431 : i32 to index
      %swap3A_433 = tpu.vector_load %arg12[%swap3A_432] {strides = array<i32>} : memref<3072xi32, #tpu.memory_space<vmem>>, vector<16xi32>,
      %swap3A_434 = vector.shape_cast %swap3A_433 : vector<16xi32> to vector<16xi32>
      %swap3A_435 = vector.shape_cast %add3A_429 : vector<16xi32> to vector<16xi32>
      tpu.vector_store %arg12[%swap3A_432], %swap3A_435 {strides = array<i32>} : memref<3072xi32, #tpu.memory_space<vmem>>, vector<16xi32>,
      %get3A_436 = arith.constant 240 : index
      %get3A_437 = tpu.vector_load %arg8[%get3A_436] {strides = array<i32>} : memref<384xi32, #tpu.memory_space<vmem>>, vector<16xi32>,
      %get3A_438 = vector.shape_cast %get3A_437 : vector<16xi32> to vector<16xi32>
      %mul3A_439 = arith.constant 2048 : i32
      %mul3A_440 = arith.muli %scan3A_44, %mul3A_439 : i32
      %add3A_441 = vector.broadcast %mul3A_440 : i32 to vector<16xi32>
      %add3A_442 = arith.addi %get3A_438, %add3A_441 : vector<16xi32>
      %add3A_443 = arith.constant 240 : i32
      %add3A_444 = arith.addi %mul3A_46, %add3A_443 : i32
      %swap3A_445 = arith.index_cast %add3A_444 : i32 to index
      %swap3A_446 = tpu.vector_load %arg11[%swap3A_445] {strides = array<i32>} : memref<3072xi32, #tpu.memory_space<vmem>>, vector<16xi32>,
      %swap3A_447 = vector.shape_cast %swap3A_446 : vector<16xi32> to vector<16xi32>
      %swap3A_448 = vector.shape_cast %add3A_442 : vector<16xi32> to vector<16xi32>
      tpu.vector_store %arg11[%swap3A_445], %swap3A_448 {strides = array<i32>} : memref<3072xi32, #tpu.memory_space<vmem>>, vector<16xi32>,
      %get3A_449 = arith.constant 240 : index
      %get3A_450 = tpu.vector_load %arg9[%get3A_449] {strides = array<i32>} : memref<384xi32, #tpu.memory_space<vmem>>, vector<16xi32>,
      %get3A_451 = vector.shape_cast %get3A_450 : vector<16xi32> to vector<16xi32>
      %mul3A_452 = arith.constant 2048 : i32
      %mul3A_453 = arith.muli %scan3A_44, %mul3A_452 : i32
      %add3A_454 = vector.broadcast %mul3A_453 : i32 to vector<16xi32>
      %add3A_455 = arith.addi %get3A_451, %add3A_454 : vector<16xi32>
      %add3A_456 = arith.constant 240 : i32
      %add3A_457 = arith.addi %mul3A_46, %add3A_456 : i32
      %swap3A_458 = arith.index_cast %add3A_457 : i32 to index
      %swap3A_459 = tpu.vector_load %arg12[%swap3A_458] {strides = array<i32>} : memref<3072xi32, #tpu.memory_space<vmem>>, vector<16xi32>,
      %swap3A_460 = vector.shape_cast %swap3A_459 : vector<16xi32> to vector<16xi32>
      %swap3A_461 = vector.shape_cast %add3A_455 : vector<16xi32> to vector<16xi32>
      tpu.vector_store %arg12[%swap3A_458], %swap3A_461 {strides = array<i32>} : memref<3072xi32, #tpu.memory_space<vmem>>, vector<16xi32>,
      %get3A_462 = arith.constant 256 : index
      %get3A_463 = tpu.vector_load %arg8[%get3A_462] {strides = array<i32>} : memref<384xi32, #tpu.memory_space<vmem>>, vector<16xi32>,
      %get3A_464 = vector.shape_cast %get3A_463 : vector<16xi32> to vector<16xi32>
      %mul3A_465 = arith.constant 2048 : i32
      %mul3A_466 = arith.muli %scan3A_44, %mul3A_465 : i32
      %add3A_467 = vector.broadcast %mul3A_466 : i32 to vector<16xi32>
      %add3A_468 = arith.addi %get3A_464, %add3A_467 : vector<16xi32>
      %add3A_469 = arith.constant 256 : i32
      %add3A_470 = arith.addi %mul3A_46, %add3A_469 : i32
      %swap3A_471 = arith.index_cast %add3A_470 : i32 to index
      %swap3A_472 = tpu.vector_load %arg11[%swap3A_471] {strides = array<i32>} : memref<3072xi32, #tpu.memory_space<vmem>>, vector<16xi32>,
      %swap3A_473 = vector.shape_cast %swap3A_472 : vector<16xi32> to vector<16xi32>
      %swap3A_474 = vector.shape_cast %add3A_468 : vector<16xi32> to vector<16xi32>
      tpu.vector_store %arg11[%swap3A_471], %swap3A_474 {strides = array<i32>} : memref<3072xi32, #tpu.memory_space<vmem>>, vector<16xi32>,
      %get3A_475 = arith.constant 256 : index
      %get3A_476 = tpu.vector_load %arg9[%get3A_475] {strides = array<i32>} : memref<384xi32, #tpu.memory_space<vmem>>, vector<16xi32>,
      %get3A_477 = vector.shape_cast %get3A_476 : vector<16xi32> to vector<16xi32>
      %mul3A_478 = arith.constant 2048 : i32
      %mul3A_479 = arith.muli %scan3A_44, %mul3A_478 : i32
      %add3A_480 = vector.broadcast %mul3A_479 : i32 to vector<16xi32>
      %add3A_481 = arith.addi %get3A_477, %add3A_480 : vector<16xi32>
      %add3A_482 = arith.constant 256 : i32
      %add3A_483 = arith.addi %mul3A_46, %add3A_482 : i32
      %swap3A_484 = arith.index_cast %add3A_483 : i32 to index
      %swap3A_485 = tpu.vector_load %arg12[%swap3A_484] {strides = array<i32>} : memref<3072xi32, #tpu.memory_space<vmem>>, vector<16xi32>,
      %swap3A_486 = vector.shape_cast %swap3A_485 : vector<16xi32> to vector<16xi32>
      %swap3A_487 = vector.shape_cast %add3A_481 : vector<16xi32> to vector<16xi32>
      tpu.vector_store %arg12[%swap3A_484], %swap3A_487 {strides = array<i32>} : memref<3072xi32, #tpu.memory_space<vmem>>, vector<16xi32>,
      %get3A_488 = arith.constant 272 : index
      %get3A_489 = tpu.vector_load %arg8[%get3A_488] {strides = array<i32>} : memref<384xi32, #tpu.memory_space<vmem>>, vector<16xi32>,
      %get3A_490 = vector.shape_cast %get3A_489 : vector<16xi32> to vector<16xi32>
      %mul3A_491 = arith.constant 2048 : i32
      %mul3A_492 = arith.muli %scan3A_44, %mul3A_491 : i32
      %add3A_493 = vector.broadcast %mul3A_492 : i32 to vector<16xi32>
      %add3A_494 = arith.addi %get3A_490, %add3A_493 : vector<16xi32>
      %add3A_495 = arith.constant 272 : i32
      %add3A_496 = arith.addi %mul3A_46, %add3A_495 : i32
      %swap3A_497 = arith.index_cast %add3A_496 : i32 to index
      %swap3A_498 = tpu.vector_load %arg11[%swap3A_497] {strides = array<i32>} : memref<3072xi32, #tpu.memory_space<vmem>>, vector<16xi32>,
      %swap3A_499 = vector.shape_cast %swap3A_498 : vector<16xi32> to vector<16xi32>
      %swap3A_500 = vector.shape_cast %add3A_494 : vector<16xi32> to vector<16xi32>
      tpu.vector_store %arg11[%swap3A_497], %swap3A_500 {strides = array<i32>} : memref<3072xi32, #tpu.memory_space<vmem>>, vector<16xi32>,
      %get3A_501 = arith.constant 272 : index
      %get3A_502 = tpu.vector_load %arg9[%get3A_501] {strides = array<i32>} : memref<384xi32, #tpu.memory_space<vmem>>, vector<16xi32>,
      %get3A_503 = vector.shape_cast %get3A_502 : vector<16xi32> to vector<16xi32>
      %mul3A_504 = arith.constant 2048 : i32
      %mul3A_505 = arith.muli %scan3A_44, %mul3A_504 : i32
      %add3A_506 = vector.broadcast %mul3A_505 : i32 to vector<16xi32>
      %add3A_507 = arith.addi %get3A_503, %add3A_506 : vector<16xi32>
      %add3A_508 = arith.constant 272 : i32
      %add3A_509 = arith.addi %mul3A_46, %add3A_508 : i32
      %swap3A_510 = arith.index_cast %add3A_509 : i32 to index
      %swap3A_511 = tpu.vector_load %arg12[%swap3A_510] {strides = array<i32>} : memref<3072xi32, #tpu.memory_space<vmem>>, vector<16xi32>,
      %swap3A_512 = vector.shape_cast %swap3A_511 : vector<16xi32> to vector<16xi32>
      %swap3A_513 = vector.shape_cast %add3A_507 : vector<16xi32> to vector<16xi32>
      tpu.vector_store %arg12[%swap3A_510], %swap3A_513 {strides = array<i32>} : memref<3072xi32, #tpu.memory_space<vmem>>, vector<16xi32>,
      %get3A_514 = arith.constant 288 : index
      %get3A_515 = tpu.vector_load %arg8[%get3A_514] {strides = array<i32>} : memref<384xi32, #tpu.memory_space<vmem>>, vector<16xi32>,
      %get3A_516 = vector.shape_cast %get3A_515 : vector<16xi32> to vector<16xi32>
      %mul3A_517 = arith.constant 2048 : i32
      %mul3A_518 = arith.muli %scan3A_44, %mul3A_517 : i32
      %add3A_519 = vector.broadcast %mul3A_518 : i32 to vector<16xi32>
      %add3A_520 = arith.addi %get3A_516, %add3A_519 : vector<16xi32>
      %add3A_521 = arith.constant 288 : i32
      %add3A_522 = arith.addi %mul3A_46, %add3A_521 : i32
      %swap3A_523 = arith.index_cast %add3A_522 : i32 to index
      %swap3A_524 = tpu.vector_load %arg11[%swap3A_523] {strides = array<i32>} : memref<3072xi32, #tpu.memory_space<vmem>>, vector<16xi32>,
      %swap3A_525 = vector.shape_cast %swap3A_524 : vector<16xi32> to vector<16xi32>
      %swap3A_526 = vector.shape_cast %add3A_520 : vector<16xi32> to vector<16xi32>
      tpu.vector_store %arg11[%swap3A_523], %swap3A_526 {strides = array<i32>} : memref<3072xi32, #tpu.memory_space<vmem>>, vector<16xi32>,
      %get3A_527 = arith.constant 288 : index
      %get3A_528 = tpu.vector_load %arg9[%get3A_527] {strides = array<i32>} : memref<384xi32, #tpu.memory_space<vmem>>, vector<16xi32>,
      %get3A_529 = vector.shape_cast %get3A_528 : vector<16xi32> to vector<16xi32>
      %mul3A_530 = arith.constant 2048 : i32
      %mul3A_531 = arith.muli %scan3A_44, %mul3A_530 : i32
      %add3A_532 = vector.broadcast %mul3A_531 : i32 to vector<16xi32>
      %add3A_533 = arith.addi %get3A_529, %add3A_532 : vector<16xi32>
      %add3A_534 = arith.constant 288 : i32
      %add3A_535 = arith.addi %mul3A_46, %add3A_534 : i32
      %swap3A_536 = arith.index_cast %add3A_535 : i32 to index
      %swap3A_537 = tpu.vector_load %arg12[%swap3A_536] {strides = array<i32>} : memref<3072xi32, #tpu.memory_space<vmem>>, vector<16xi32>,
      %swap3A_538 = vector.shape_cast %swap3A_537 : vector<16xi32> to vector<16xi32>
      %swap3A_539 = vector.shape_cast %add3A_533 : vector<16xi32> to vector<16xi32>
      tpu.vector_store %arg12[%swap3A_536], %swap3A_539 {strides = array<i32>} : memref<3072xi32, #tpu.memory_space<vmem>>, vector<16xi32>,
      %get3A_540 = arith.constant 304 : index
      %get3A_541 = tpu.vector_load %arg8[%get3A_540] {strides = array<i32>} : memref<384xi32, #tpu.memory_space<vmem>>, vector<16xi32>,
      %get3A_542 = vector.shape_cast %get3A_541 : vector<16xi32> to vector<16xi32>
      %mul3A_543 = arith.constant 2048 : i32
      %mul3A_544 = arith.muli %scan3A_44, %mul3A_543 : i32
      %add3A_545 = vector.broadcast %mul3A_544 : i32 to vector<16xi32>
      %add3A_546 = arith.addi %get3A_542, %add3A_545 : vector<16xi32>
      %add3A_547 = arith.constant 304 : i32
      %add3A_548 = arith.addi %mul3A_46, %add3A_547 : i32
      %swap3A_549 = arith.index_cast %add3A_548 : i32 to index
      %swap3A_550 = tpu.vector_load %arg11[%swap3A_549] {strides = array<i32>} : memref<3072xi32, #tpu.memory_space<vmem>>, vector<16xi32>,
      %swap3A_551 = vector.shape_cast %swap3A_550 : vector<16xi32> to vector<16xi32>
      %swap3A_552 = vector.shape_cast %add3A_546 : vector<16xi32> to vector<16xi32>
      tpu.vector_store %arg11[%swap3A_549], %swap3A_552 {strides = array<i32>} : memref<3072xi32, #tpu.memory_space<vmem>>, vector<16xi32>,
      %get3A_553 = arith.constant 304 : index
      %get3A_554 = tpu.vector_load %arg9[%get3A_553] {strides = array<i32>} : memref<384xi32, #tpu.memory_space<vmem>>, vector<16xi32>,
      %get3A_555 = vector.shape_cast %get3A_554 : vector<16xi32> to vector<16xi32>
      %mul3A_556 = arith.constant 2048 : i32
      %mul3A_557 = arith.muli %scan3A_44, %mul3A_556 : i32
      %add3A_558 = vector.broadcast %mul3A_557 : i32 to vector<16xi32>
      %add3A_559 = arith.addi %get3A_555, %add3A_558 : vector<16xi32>
      %add3A_560 = arith.constant 304 : i32
      %add3A_561 = arith.addi %mul3A_46, %add3A_560 : i32
      %swap3A_562 = arith.index_cast %add3A_561 : i32 to index
      %swap3A_563 = tpu.vector_load %arg12[%swap3A_562] {strides = array<i32>} : memref<3072xi32, #tpu.memory_space<vmem>>, vector<16xi32>,
      %swap3A_564 = vector.shape_cast %swap3A_563 : vector<16xi32> to vector<16xi32>
      %swap3A_565 = vector.shape_cast %add3A_559 : vector<16xi32> to vector<16xi32>
      tpu.vector_store %arg12[%swap3A_562], %swap3A_565 {strides = array<i32>} : memref<3072xi32, #tpu.memory_space<vmem>>, vector<16xi32>,
      %get3A_566 = arith.constant 320 : index
      %get3A_567 = tpu.vector_load %arg8[%get3A_566] {strides = array<i32>} : memref<384xi32, #tpu.memory_space<vmem>>, vector<16xi32>,
      %get3A_568 = vector.shape_cast %get3A_567 : vector<16xi32> to vector<16xi32>
      %mul3A_569 = arith.constant 2048 : i32
      %mul3A_570 = arith.muli %scan3A_44, %mul3A_569 : i32
      %add3A_571 = vector.broadcast %mul3A_570 : i32 to vector<16xi32>
      %add3A_572 = arith.addi %get3A_568, %add3A_571 : vector<16xi32>
      %add3A_573 = arith.constant 320 : i32
      %add3A_574 = arith.addi %mul3A_46, %add3A_573 : i32
      %swap3A_575 = arith.index_cast %add3A_574 : i32 to index
      %swap3A_576 = tpu.vector_load %arg11[%swap3A_575] {strides = array<i32>} : memref<3072xi32, #tpu.memory_space<vmem>>, vector<16xi32>,
      %swap3A_577 = vector.shape_cast %swap3A_576 : vector<16xi32> to vector<16xi32>
      %swap3A_578 = vector.shape_cast %add3A_572 : vector<16xi32> to vector<16xi32>
      tpu.vector_store %arg11[%swap3A_575], %swap3A_578 {strides = array<i32>} : memref<3072xi32, #tpu.memory_space<vmem>>, vector<16xi32>,
      %get3A_579 = arith.constant 320 : index
      %get3A_580 = tpu.vector_load %arg9[%get3A_579] {strides = array<i32>} : memref<384xi32, #tpu.memory_space<vmem>>, vector<16xi32>,
      %get3A_581 = vector.shape_cast %get3A_580 : vector<16xi32> to vector<16xi32>
      %mul3A_582 = arith.constant 2048 : i32
      %mul3A_583 = arith.muli %scan3A_44, %mul3A_582 : i32
      %add3A_584 = vector.broadcast %mul3A_583 : i32 to vector<16xi32>
      %add3A_585 = arith.addi %get3A_581, %add3A_584 : vector<16xi32>
      %add3A_586 = arith.constant 320 : i32
      %add3A_587 = arith.addi %mul3A_46, %add3A_586 : i32
      %swap3A_588 = arith.index_cast %add3A_587 : i32 to index
      %swap3A_589 = tpu.vector_load %arg12[%swap3A_588] {strides = array<i32>} : memref<3072xi32, #tpu.memory_space<vmem>>, vector<16xi32>,
      %swap3A_590 = vector.shape_cast %swap3A_589 : vector<16xi32> to vector<16xi32>
      %swap3A_591 = vector.shape_cast %add3A_585 : vector<16xi32> to vector<16xi32>
      tpu.vector_store %arg12[%swap3A_588], %swap3A_591 {strides = array<i32>} : memref<3072xi32, #tpu.memory_space<vmem>>, vector<16xi32>,
      %get3A_592 = arith.constant 336 : index
      %get3A_593 = tpu.vector_load %arg8[%get3A_592] {strides = array<i32>} : memref<384xi32, #tpu.memory_space<vmem>>, vector<16xi32>,
      %get3A_594 = vector.shape_cast %get3A_593 : vector<16xi32> to vector<16xi32>
      %mul3A_595 = arith.constant 2048 : i32
      %mul3A_596 = arith.muli %scan3A_44, %mul3A_595 : i32
      %add3A_597 = vector.broadcast %mul3A_596 : i32 to vector<16xi32>
      %add3A_598 = arith.addi %get3A_594, %add3A_597 : vector<16xi32>
      %add3A_599 = arith.constant 336 : i32
      %add3A_600 = arith.addi %mul3A_46, %add3A_599 : i32
      %swap3A_601 = arith.index_cast %add3A_600 : i32 to index
      %swap3A_602 = tpu.vector_load %arg11[%swap3A_601] {strides = array<i32>} : memref<3072xi32, #tpu.memory_space<vmem>>, vector<16xi32>,
      %swap3A_603 = vector.shape_cast %swap3A_602 : vector<16xi32> to vector<16xi32>
      %swap3A_604 = vector.shape_cast %add3A_598 : vector<16xi32> to vector<16xi32>
      tpu.vector_store %arg11[%swap3A_601], %swap3A_604 {strides = array<i32>} : memref<3072xi32, #tpu.memory_space<vmem>>, vector<16xi32>,
      %get3A_605 = arith.constant 336 : index
      %get3A_606 = tpu.vector_load %arg9[%get3A_605] {strides = array<i32>} : memref<384xi32, #tpu.memory_space<vmem>>, vector<16xi32>,
      %get3A_607 = vector.shape_cast %get3A_606 : vector<16xi32> to vector<16xi32>
      %mul3A_608 = arith.constant 2048 : i32
      %mul3A_609 = arith.muli %scan3A_44, %mul3A_608 : i32
      %add3A_610 = vector.broadcast %mul3A_609 : i32 to vector<16xi32>
      %add3A_611 = arith.addi %get3A_607, %add3A_610 : vector<16xi32>
      %add3A_612 = arith.constant 336 : i32
      %add3A_613 = arith.addi %mul3A_46, %add3A_612 : i32
      %swap3A_614 = arith.index_cast %add3A_613 : i32 to index
      %swap3A_615 = tpu.vector_load %arg12[%swap3A_614] {strides = array<i32>} : memref<3072xi32, #tpu.memory_space<vmem>>, vector<16xi32>,
      %swap3A_616 = vector.shape_cast %swap3A_615 : vector<16xi32> to vector<16xi32>
      %swap3A_617 = vector.shape_cast %add3A_611 : vector<16xi32> to vector<16xi32>
      tpu.vector_store %arg12[%swap3A_614], %swap3A_617 {strides = array<i32>} : memref<3072xi32, #tpu.memory_space<vmem>>, vector<16xi32>,
      %get3A_618 = arith.constant 352 : index
      %get3A_619 = tpu.vector_load %arg8[%get3A_618] {strides = array<i32>} : memref<384xi32, #tpu.memory_space<vmem>>, vector<16xi32>,
      %get3A_620 = vector.shape_cast %get3A_619 : vector<16xi32> to vector<16xi32>
      %mul3A_621 = arith.constant 2048 : i32
      %mul3A_622 = arith.muli %scan3A_44, %mul3A_621 : i32
      %add3A_623 = vector.broadcast %mul3A_622 : i32 to vector<16xi32>
      %add3A_624 = arith.addi %get3A_620, %add3A_623 : vector<16xi32>
      %add3A_625 = arith.constant 352 : i32
      %add3A_626 = arith.addi %mul3A_46, %add3A_625 : i32
      %swap3A_627 = arith.index_cast %add3A_626 : i32 to index
      %swap3A_628 = tpu.vector_load %arg11[%swap3A_627] {strides = array<i32>} : memref<3072xi32, #tpu.memory_space<vmem>>, vector<16xi32>,
      %swap3A_629 = vector.shape_cast %swap3A_628 : vector<16xi32> to vector<16xi32>
      %swap3A_630 = vector.shape_cast %add3A_624 : vector<16xi32> to vector<16xi32>
      tpu.vector_store %arg11[%swap3A_627], %swap3A_630 {strides = array<i32>} : memref<3072xi32, #tpu.memory_space<vmem>>, vector<16xi32>,
      %get3A_631 = arith.constant 352 : index
      %get3A_632 = tpu.vector_load %arg9[%get3A_631] {strides = array<i32>} : memref<384xi32, #tpu.memory_space<vmem>>, vector<16xi32>,
      %get3A_633 = vector.shape_cast %get3A_632 : vector<16xi32> to vector<16xi32>
      %mul3A_634 = arith.constant 2048 : i32
      %mul3A_635 = arith.muli %scan3A_44, %mul3A_634 : i32
      %add3A_636 = vector.broadcast %mul3A_635 : i32 to vector<16xi32>
      %add3A_637 = arith.addi %get3A_633, %add3A_636 : vector<16xi32>
      %add3A_638 = arith.constant 352 : i32
      %add3A_639 = arith.addi %mul3A_46, %add3A_638 : i32
      %swap3A_640 = arith.index_cast %add3A_639 : i32 to index
      %swap3A_641 = tpu.vector_load %arg12[%swap3A_640] {strides = array<i32>} : memref<3072xi32, #tpu.memory_space<vmem>>, vector<16xi32>,
      %swap3A_642 = vector.shape_cast %swap3A_641 : vector<16xi32> to vector<16xi32>
      %swap3A_643 = vector.shape_cast %add3A_637 : vector<16xi32> to vector<16xi32>
      tpu.vector_store %arg12[%swap3A_640], %swap3A_643 {strides = array<i32>} : memref<3072xi32, #tpu.memory_space<vmem>>, vector<16xi32>,
      %get3A_644 = arith.constant 368 : index
      %get3A_645 = tpu.vector_load %arg8[%get3A_644] {strides = array<i32>} : memref<384xi32, #tpu.memory_space<vmem>>, vector<16xi32>,
      %get3A_646 = vector.shape_cast %get3A_645 : vector<16xi32> to vector<16xi32>
      %mul3A_647 = arith.constant 2048 : i32
      %mul3A_648 = arith.muli %scan3A_44, %mul3A_647 : i32
      %add3A_649 = vector.broadcast %mul3A_648 : i32 to vector<16xi32>
      %add3A_650 = arith.addi %get3A_646, %add3A_649 : vector<16xi32>
      %add3A_651 = arith.constant 368 : i32
      %add3A_652 = arith.addi %mul3A_46, %add3A_651 : i32
      %swap3A_653 = arith.index_cast %add3A_652 : i32 to index
      %swap3A_654 = tpu.vector_load %arg11[%swap3A_653] {strides = array<i32>} : memref<3072xi32, #tpu.memory_space<vmem>>, vector<16xi32>,
      %swap3A_655 = vector.shape_cast %swap3A_654 : vector<16xi32> to vector<16xi32>
      %swap3A_656 = vector.shape_cast %add3A_650 : vector<16xi32> to vector<16xi32>
      tpu.vector_store %arg11[%swap3A_653], %swap3A_656 {strides = array<i32>} : memref<3072xi32, #tpu.memory_space<vmem>>, vector<16xi32>,
      %get3A_657 = arith.constant 368 : index
      %get3A_658 = tpu.vector_load %arg9[%get3A_657] {strides = array<i32>} : memref<384xi32, #tpu.memory_space<vmem>>, vector<16xi32>,
      %get3A_659 = vector.shape_cast %get3A_658 : vector<16xi32> to vector<16xi32>
      %mul3A_660 = arith.constant 2048 : i32
      %mul3A_661 = arith.muli %scan3A_44, %mul3A_660 : i32
      %add3A_662 = vector.broadcast %mul3A_661 : i32 to vector<16xi32>
      %add3A_663 = arith.addi %get3A_659, %add3A_662 : vector<16xi32>
      %add3A_664 = arith.constant 368 : i32
      %add3A_665 = arith.addi %mul3A_46, %add3A_664 : i32
      %swap3A_666 = arith.index_cast %add3A_665 : i32 to index
      %swap3A_667 = tpu.vector_load %arg12[%swap3A_666] {strides = array<i32>} : memref<3072xi32, #tpu.memory_space<vmem>>, vector<16xi32>,
      %swap3A_668 = vector.shape_cast %swap3A_667 : vector<16xi32> to vector<16xi32>
      %swap3A_669 = vector.shape_cast %add3A_663 : vector<16xi32> to vector<16xi32>
      tpu.vector_store %arg12[%swap3A_666], %swap3A_669 {strides = array<i32>} : memref<3072xi32, #tpu.memory_space<vmem>>, vector<16xi32>,
      %mul3A_670 = arith.constant 2048 : i32
      %mul3A_671 = arith.muli %scan3A_44, %mul3A_670 : i32
      %add3A_672 = arith.addi %mul3A_671, %mul3A_2 : i32
      %mul3A_673 = arith.constant 6 : i32
      %mul3A_674 = arith.muli %add3A_672, %mul3A_673 : i32
      %multiple_of3A = tpu.assume_multiple %mul3A_674, 8 : i32
      %dma_start3A = arith.constant 0 : i32
      %dma_start3A_675 = tpu.memref_slice %arg11[%mul3A_46] : memref<3072xi32, #tpu.memory_space<vmem>> -> memref<384xi32, #tpu.memory_space<vmem>>
      %dma_start3A_676 = tpu.memref_slice %arg4[%dma_start3A, %multiple_of3A] : memref<2x98304xi32, #tpu.memory_space<hbm>> -> memref<1x384xi32, #tpu.memory_space<hbm>>
      %dma_start3A_677 = tpu.memref_squeeze %dma_start3A_676 : memref<1x384xi32, #tpu.memory_space<hbm>> -> memref<384xi32, #tpu.memory_space<hbm>>
      %dma_start3A_678 = tpu.memref_slice %arg4[%dma_start3A, %multiple_of3A] : memref<2x98304xi32, #tpu.memory_space<hbm>> -> memref<1x384xi32, #tpu.memory_space<hbm>>
      %dma_start3A_679 = tpu.memref_squeeze %dma_start3A_678 : memref<1x384xi32, #tpu.memory_space<hbm>> -> memref<384xi32, #tpu.memory_space<hbm>>
      %dma_start3A_680 = tpu.memref_slice %arg11[%mul3A_46] : memref<3072xi32, #tpu.memory_space<vmem>> -> memref<384xi32, #tpu.memory_space<vmem>>
      tpu.enqueue_dma source(%dma_start3A_680 : memref<384xi32, #tpu.memory_space<vmem>>) target(%dma_start3A_679 : memref<384xi32, #tpu.memory_space<hbm>>) target_semaphore(%arg14 : memref<!tpu.dma_semaphore, #tpu.memory_space<semaphore_mem>>)
      %dma_start3A_681 = arith.constant 1 : i32
      %dma_start3A_682 = tpu.memref_slice %arg12[%mul3A_46] : memref<3072xi32, #tpu.memory_space<vmem>> -> memref<384xi32, #tpu.memory_space<vmem>>
      %dma_start3A_683 = tpu.memref_slice %arg4[%dma_start3A_681, %multiple_of3A] : memref<2x98304xi32, #tpu.memory_space<hbm>> -> memref<1x384xi32, #tpu.memory_space<hbm>>
      %dma_start3A_684 = tpu.memref_squeeze %dma_start3A_683 : memref<1x384xi32, #tpu.memory_space<hbm>> -> memref<384xi32, #tpu.memory_space<hbm>>
      %dma_start3A_685 = tpu.memref_slice %arg4[%dma_start3A_681, %multiple_of3A] : memref<2x98304xi32, #tpu.memory_space<hbm>> -> memref<1x384xi32, #tpu.memory_space<hbm>>
      %dma_start3A_686 = tpu.memref_squeeze %dma_start3A_685 : memref<1x384xi32, #tpu.memory_space<hbm>> -> memref<384xi32, #tpu.memory_space<hbm>>
      %dma_start3A_687 = tpu.memref_slice %arg12[%mul3A_46] : memref<3072xi32, #tpu.memory_space<vmem>> -> memref<384xi32, #tpu.memory_space<vmem>>
      tpu.enqueue_dma source(%dma_start3A_687 : memref<384xi32, #tpu.memory_space<vmem>>) target(%dma_start3A_686 : memref<384xi32, #tpu.memory_space<hbm>>) target_semaphore(%arg14 : memref<!tpu.dma_semaphore, #tpu.memory_space<semaphore_mem>>)
      %mul3A_688 = arith.constant 0 : i32
      %mul3A_689 = vector.broadcast %mul3A_688 : i32 to vector<16xi32>
      %mul3A_690 = arith.muli %iota3A, %mul3A_689 : vector<16xi32>
      %add3A_691 = vector.broadcast %scan3A_44 : i32 to vector<16xi32>
      %add3A_692 = arith.addi %mul3A_690, %add3A_691 : vector<16xi32>
      %lt3A = arith.constant 0 : i32
      %lt3A_693 = vector.broadcast %lt3A : i32 to vector<16xi32>
      %lt3A_694 = arith.cmpi slt, %add3A_692, %lt3A_693 : vector<16xi32>
      %add3A_695 = arith.constant 16 : i32
      %add3A_696 = vector.broadcast %add3A_695 : i32 to vector<16xi32>
      %add3A_697 = arith.addi %add3A_692, %add3A_696 : vector<16xi32>
      %select_n3A = arith.select %lt3A_694, %add3A_697, %add3A_692 : vector<16xi1>, vector<16xi32>
      %broadcast_in_dim3A = vector.shape_cast %select_n3A : vector<16xi32> to vector<16x1xi32>
      %gather3A = vector.shape_cast %broadcast_in_dim3A : vector<16x1xi32> to vector<16xi32>
      %gather3A_698 = tpu.dynamic_gather %add3A_16[%gather3A] in [0] : vector<16xf32>, vector<16xi32> -> vector<16xf32>
      %mul3A_699 = arith.constant 64 : i32
      %mul3A_700 = arith.muli %scan3A_44, %mul3A_699 : i32
      %mul3A_701 = arith.constant 2 : i32
      %mul3A_702 = arith.muli %mul3A_700, %mul3A_701 : i32
      %get3A_703 = arith.constant 0 : index
      %get3A_704 = tpu.vector_load %arg10[%get3A_703] {strides = array<i32>} : memref<128xf32, #tpu.memory_space<vmem>>, vector<16xf32>,
      %get3A_705 = vector.shape_cast %get3A_704 : vector<16xf32> to vector<16xf32>
      %select_n3A_706 = arith.select %eq3A_20, %gather3A_698, %get3A_705 : vector<16xi1>, vector<16xf32>
      %add3A_707 = arith.constant 0 : i32
      %add3A_708 = arith.addi %mul3A_702, %add3A_707 : i32
      %swap3A_709 = arith.index_cast %add3A_708 : i32 to index
      %swap3A_710 = tpu.vector_load %arg13[%swap3A_709] {strides = array<i32>} : memref<1024xf32, #tpu.memory_space<vmem>>, vector<16xf32>,
      %swap3A_711 = vector.shape_cast %swap3A_710 : vector<16xf32> to vector<16xf32>
      %swap3A_712 = vector.shape_cast %select_n3A_706 : vector<16xf32> to vector<16xf32>
      tpu.vector_store %arg13[%swap3A_709], %swap3A_712 {strides = array<i32>} : memref<1024xf32, #tpu.memory_space<vmem>>, vector<16xf32>,
      %get3A_713 = arith.constant 16 : index
      %get3A_714 = tpu.vector_load %arg10[%get3A_713] {strides = array<i32>} : memref<128xf32, #tpu.memory_space<vmem>>, vector<16xf32>,
      %get3A_715 = vector.shape_cast %get3A_714 : vector<16xf32> to vector<16xf32>
      %select_n3A_716 = arith.select %eq3A_20, %gather3A_698, %get3A_715 : vector<16xi1>, vector<16xf32>
      %add3A_717 = arith.constant 16 : i32
      %add3A_718 = arith.addi %mul3A_702, %add3A_717 : i32
      %swap3A_719 = arith.index_cast %add3A_718 : i32 to index
      %swap3A_720 = tpu.vector_load %arg13[%swap3A_719] {strides = array<i32>} : memref<1024xf32, #tpu.memory_space<vmem>>, vector<16xf32>,
      %swap3A_721 = vector.shape_cast %swap3A_720 : vector<16xf32> to vector<16xf32>
      %swap3A_722 = vector.shape_cast %select_n3A_716 : vector<16xf32> to vector<16xf32>
      tpu.vector_store %arg13[%swap3A_719], %swap3A_722 {strides = array<i32>} : memref<1024xf32, #tpu.memory_space<vmem>>, vector<16xf32>,
      %get3A_723 = arith.constant 32 : index
      %get3A_724 = tpu.vector_load %arg10[%get3A_723] {strides = array<i32>} : memref<128xf32, #tpu.memory_space<vmem>>, vector<16xf32>,
      %get3A_725 = vector.shape_cast %get3A_724 : vector<16xf32> to vector<16xf32>
      %select_n3A_726 = arith.select %eq3A_20, %gather3A_698, %get3A_725 : vector<16xi1>, vector<16xf32>
      %add3A_727 = arith.constant 32 : i32
      %add3A_728 = arith.addi %mul3A_702, %add3A_727 : i32
      %swap3A_729 = arith.index_cast %add3A_728 : i32 to index
      %swap3A_730 = tpu.vector_load %arg13[%swap3A_729] {strides = array<i32>} : memref<1024xf32, #tpu.memory_space<vmem>>, vector<16xf32>,
      %swap3A_731 = vector.shape_cast %swap3A_730 : vector<16xf32> to vector<16xf32>
      %swap3A_732 = vector.shape_cast %select_n3A_726 : vector<16xf32> to vector<16xf32>
      tpu.vector_store %arg13[%swap3A_729], %swap3A_732 {strides = array<i32>} : memref<1024xf32, #tpu.memory_space<vmem>>, vector<16xf32>,
      %get3A_733 = arith.constant 48 : index
      %get3A_734 = tpu.vector_load %arg10[%get3A_733] {strides = array<i32>} : memref<128xf32, #tpu.memory_space<vmem>>, vector<16xf32>,
      %get3A_735 = vector.shape_cast %get3A_734 : vector<16xf32> to vector<16xf32>
      %select_n3A_736 = arith.select %eq3A_20, %gather3A_698, %get3A_735 : vector<16xi1>, vector<16xf32>
      %add3A_737 = arith.constant 48 : i32
      %add3A_738 = arith.addi %mul3A_702, %add3A_737 : i32
      %swap3A_739 = arith.index_cast %add3A_738 : i32 to index
      %swap3A_740 = tpu.vector_load %arg13[%swap3A_739] {strides = array<i32>} : memref<1024xf32, #tpu.memory_space<vmem>>, vector<16xf32>,
      %swap3A_741 = vector.shape_cast %swap3A_740 : vector<16xf32> to vector<16xf32>
      %swap3A_742 = vector.shape_cast %select_n3A_736 : vector<16xf32> to vector<16xf32>
      tpu.vector_store %arg13[%swap3A_739], %swap3A_742 {strides = array<i32>} : memref<1024xf32, #tpu.memory_space<vmem>>, vector<16xf32>,
      %get3A_743 = arith.constant 64 : index
      %get3A_744 = tpu.vector_load %arg10[%get3A_743] {strides = array<i32>} : memref<128xf32, #tpu.memory_space<vmem>>, vector<16xf32>,
      %get3A_745 = vector.shape_cast %get3A_744 : vector<16xf32> to vector<16xf32>
      %select_n3A_746 = arith.select %eq3A_20, %gather3A_698, %get3A_745 : vector<16xi1>, vector<16xf32>
      %add3A_747 = arith.constant 64 : i32
      %add3A_748 = arith.addi %mul3A_702, %add3A_747 : i32
      %swap3A_749 = arith.index_cast %add3A_748 : i32 to index
      %swap3A_750 = tpu.vector_load %arg13[%swap3A_749] {strides = array<i32>} : memref<1024xf32, #tpu.memory_space<vmem>>, vector<16xf32>,
      %swap3A_751 = vector.shape_cast %swap3A_750 : vector<16xf32> to vector<16xf32>
      %swap3A_752 = vector.shape_cast %select_n3A_746 : vector<16xf32> to vector<16xf32>
      tpu.vector_store %arg13[%swap3A_749], %swap3A_752 {strides = array<i32>} : memref<1024xf32, #tpu.memory_space<vmem>>, vector<16xf32>,
      %get3A_753 = arith.constant 80 : index
      %get3A_754 = tpu.vector_load %arg10[%get3A_753] {strides = array<i32>} : memref<128xf32, #tpu.memory_space<vmem>>, vector<16xf32>,
      %get3A_755 = vector.shape_cast %get3A_754 : vector<16xf32> to vector<16xf32>
      %select_n3A_756 = arith.select %eq3A_20, %gather3A_698, %get3A_755 : vector<16xi1>, vector<16xf32>
      %add3A_757 = arith.constant 80 : i32
      %add3A_758 = arith.addi %mul3A_702, %add3A_757 : i32
      %swap3A_759 = arith.index_cast %add3A_758 : i32 to index
      %swap3A_760 = tpu.vector_load %arg13[%swap3A_759] {strides = array<i32>} : memref<1024xf32, #tpu.memory_space<vmem>>, vector<16xf32>,
      %swap3A_761 = vector.shape_cast %swap3A_760 : vector<16xf32> to vector<16xf32>
      %swap3A_762 = vector.shape_cast %select_n3A_756 : vector<16xf32> to vector<16xf32>
      tpu.vector_store %arg13[%swap3A_759], %swap3A_762 {strides = array<i32>} : memref<1024xf32, #tpu.memory_space<vmem>>, vector<16xf32>,
      %get3A_763 = arith.constant 96 : index
      %get3A_764 = tpu.vector_load %arg10[%get3A_763] {strides = array<i32>} : memref<128xf32, #tpu.memory_space<vmem>>, vector<16xf32>,
      %get3A_765 = vector.shape_cast %get3A_764 : vector<16xf32> to vector<16xf32>
      %select_n3A_766 = arith.select %eq3A_20, %gather3A_698, %get3A_765 : vector<16xi1>, vector<16xf32>
      %add3A_767 = arith.constant 96 : i32
      %add3A_768 = arith.addi %mul3A_702, %add3A_767 : i32
      %swap3A_769 = arith.index_cast %add3A_768 : i32 to index
      %swap3A_770 = tpu.vector_load %arg13[%swap3A_769] {strides = array<i32>} : memref<1024xf32, #tpu.memory_space<vmem>>, vector<16xf32>,
      %swap3A_771 = vector.shape_cast %swap3A_770 : vector<16xf32> to vector<16xf32>
      %swap3A_772 = vector.shape_cast %select_n3A_766 : vector<16xf32> to vector<16xf32>
      tpu.vector_store %arg13[%swap3A_769], %swap3A_772 {strides = array<i32>} : memref<1024xf32, #tpu.memory_space<vmem>>, vector<16xf32>,
      %get3A_773 = arith.constant 112 : index
      %get3A_774 = tpu.vector_load %arg10[%get3A_773] {strides = array<i32>} : memref<128xf32, #tpu.memory_space<vmem>>, vector<16xf32>,
      %get3A_775 = vector.shape_cast %get3A_774 : vector<16xf32> to vector<16xf32>
      %select_n3A_776 = arith.select %eq3A_20, %gather3A_698, %get3A_775 : vector<16xi1>, vector<16xf32>
      %add3A_777 = arith.constant 112 : i32
      %add3A_778 = arith.addi %mul3A_702, %add3A_777 : i32
      %swap3A_779 = arith.index_cast %add3A_778 : i32 to index
      %swap3A_780 = tpu.vector_load %arg13[%swap3A_779] {strides = array<i32>} : memref<1024xf32, #tpu.memory_space<vmem>>, vector<16xf32>,
      %swap3A_781 = vector.shape_cast %swap3A_780 : vector<16xf32> to vector<16xf32>
      %swap3A_782 = vector.shape_cast %select_n3A_776 : vector<16xf32> to vector<16xf32>
      tpu.vector_store %arg13[%swap3A_779], %swap3A_782 {strides = array<i32>} : memref<1024xf32, #tpu.memory_space<vmem>>, vector<16xf32>,
      %mul3A_783 = arith.constant 2048 : i32
      %mul3A_784 = arith.muli %scan3A_44, %mul3A_783 : i32
      %add3A_785 = arith.addi %mul3A_784, %mul3A_2 : i32
      %mul3A_786 = arith.constant 2 : i32
      %mul3A_787 = arith.muli %add3A_785, %mul3A_786 : i32
      %multiple_of3A_788 = tpu.assume_multiple %mul3A_787, 8 : i32
      %dma_start3A_789 = tpu.memref_slice %arg13[%mul3A_702] : memref<1024xf32, #tpu.memory_space<vmem>> -> memref<128xf32, #tpu.memory_space<vmem>>
      %dma_start3A_790 = tpu.memref_slice %arg5[%multiple_of3A_788] : memref<32768xf32, #tpu.memory_space<hbm>> -> memref<128xf32, #tpu.memory_space<hbm>>
      %dma_start3A_791 = tpu.memref_slice %arg5[%multiple_of3A_788] : memref<32768xf32, #tpu.memory_space<hbm>> -> memref<128xf32, #tpu.memory_space<hbm>>
      %dma_start3A_792 = tpu.memref_slice %arg13[%mul3A_702] : memref<1024xf32, #tpu.memory_space<vmem>> -> memref<128xf32, #tpu.memory_space<vmem>>
      tpu.enqueue_dma source(%dma_start3A_792 : memref<128xf32, #tpu.memory_space<vmem>>) target(%dma_start3A_791 : memref<128xf32, #tpu.memory_space<hbm>>) target_semaphore(%arg14 : memref<!tpu.dma_semaphore, #tpu.memory_space<semaphore_mem>>)
    }
    %scan3A_26 = arith.constant 8 : i32
    %dma_wait3A = arith.constant 0 : i32
    %dma_wait3A_27 = arith.constant 0 : i32
    %dma_wait3A_28 = tpu.memref_slice %arg4[%dma_wait3A, %dma_wait3A_27] : memref<2x98304xi32, #tpu.memory_space<hbm>> -> memref<1x3072xi32, #tpu.memory_space<hbm>>
    %dma_wait3A_29 = tpu.memref_squeeze %dma_wait3A_28 : memref<1x3072xi32, #tpu.memory_space<hbm>> -> memref<3072xi32, #tpu.memory_space<hbm>>
    %dma_wait3A_30 = arith.constant 0 : i32
    %dma_wait3A_31 = tpu.memref_slice %arg4[%dma_wait3A, %dma_wait3A_30] : memref<2x98304xi32, #tpu.memory_space<hbm>> -> memref<1x3072xi32, #tpu.memory_space<hbm>>
    %dma_wait3A_32 = tpu.memref_squeeze %dma_wait3A_31 : memref<1x3072xi32, #tpu.memory_space<hbm>> -> memref<3072xi32, #tpu.memory_space<hbm>>
    tpu.wait_dma2 semaphore(%arg14 : memref<!tpu.dma_semaphore, #tpu.memory_space<semaphore_mem>>) src(%dma_wait3A_32 : memref<3072xi32, #tpu.memory_space<hbm>>) dst(%arg11 : memref<3072xi32, #tpu.memory_space<vmem>>)
    %dma_wait3A_33 = arith.constant 1 : i32
    %dma_wait3A_34 = arith.constant 0 : i32
    %dma_wait3A_35 = tpu.memref_slice %arg4[%dma_wait3A_33, %dma_wait3A_34] : memref<2x98304xi32, #tpu.memory_space<hbm>> -> memref<1x3072xi32, #tpu.memory_space<hbm>>
    %dma_wait3A_36 = tpu.memref_squeeze %dma_wait3A_35 : memref<1x3072xi32, #tpu.memory_space<hbm>> -> memref<3072xi32, #tpu.memory_space<hbm>>
    %dma_wait3A_37 = arith.constant 0 : i32
    %dma_wait3A_38 = tpu.memref_slice %arg4[%dma_wait3A_33, %dma_wait3A_37] : memref<2x98304xi32, #tpu.memory_space<hbm>> -> memref<1x3072xi32, #tpu.memory_space<hbm>>
    %dma_wait3A_39 = tpu.memref_squeeze %dma_wait3A_38 : memref<1x3072xi32, #tpu.memory_space<hbm>> -> memref<3072xi32, #tpu.memory_space<hbm>>
    tpu.wait_dma2 semaphore(%arg14 : memref<!tpu.dma_semaphore, #tpu.memory_space<semaphore_mem>>) src(%dma_wait3A_39 : memref<3072xi32, #tpu.memory_space<hbm>>) dst(%arg12 : memref<3072xi32, #tpu.memory_space<vmem>>)
    %dma_wait3A_40 = arith.constant 0 : i32
    %dma_wait3A_41 = tpu.memref_slice %arg5[%dma_wait3A_40] : memref<32768xf32, #tpu.memory_space<hbm>> -> memref<1024xf32, #tpu.memory_space<hbm>>
    %dma_wait3A_42 = arith.constant 0 : i32
    %dma_wait3A_43 = tpu.memref_slice %arg5[%dma_wait3A_42] : memref<32768xf32, #tpu.memory_space<hbm>> -> memref<1024xf32, #tpu.memory_space<hbm>>
    tpu.wait_dma2 semaphore(%arg14 : memref<!tpu.dma_semaphore, #tpu.memory_space<semaphore_mem>>) src(%dma_wait3A_43 : memref<1024xf32, #tpu.memory_space<hbm>>) dst(%arg13 : memref<1024xf32, #tpu.memory_space<vmem>>)
    return
  }
}

module attributes {stable_mosaic.version = 14 : i64} {
  func.func @_tc_body(%arg0: i32, %arg1: memref<8x25x2048xf32, #tpu.memory_space<vmem>>, %arg2: memref<8x25x2048xf32, #tpu.memory_space<vmem>>, %arg3: memref<8xf32, #tpu.memory_space<smem>>, %arg4: memref<8xf32, #tpu.memory_space<smem>>, %arg5: memref<8xf32, #tpu.memory_space<smem>>, %arg6: memref<16384x25xf32, #tpu.memory_space<vmem>>, %arg7: memref<16384x25xf32, #tpu.memory_space<vmem>>, %arg8: memref<8x1x2048xf32, #tpu.memory_space<vmem>>, %arg9: memref<8x1x2048xf32, #tpu.memory_space<vmem>>, %arg10: memref<8x1x2048xf32, #tpu.memory_space<vmem>>) attributes {dimension_semantics = [#tpu.dimension_semantics<arbitrary>], iteration_bounds = array<i64: 1>, scalar_prefetch = 0 : i64, scratch_operands = 0 : i64, tpu.core_type = #tpu.core_type<tc>, window_params = [{pipeline_mode = #tpu.pipeline_mode<synchronous>, transform_indices = @transform_0, window_bounds = array<i64: 8, 25, 2048>}, {pipeline_mode = #tpu.pipeline_mode<synchronous>, transform_indices = @transform_1, window_bounds = array<i64: 8, 25, 2048>}, {transform_indices = @transform_2, window_bounds = array<i64: 8>}, {transform_indices = @transform_3, window_bounds = array<i64: 8>}, {transform_indices = @transform_4, window_bounds = array<i64: 8>}, {pipeline_mode = #tpu.pipeline_mode<synchronous>, transform_indices = @transform_5, window_bounds = array<i64: 16384, 25>}, {pipeline_mode = #tpu.pipeline_mode<synchronous>, transform_indices = @transform_6, window_bounds = array<i64: 16384, 25>}, {pipeline_mode = #tpu.pipeline_mode<synchronous>, transform_indices = @transform_7, window_bounds = array<i64: 8, 1, 2048>}, {pipeline_mode = #tpu.pipeline_mode<synchronous>, transform_indices = @transform_8, window_bounds = array<i64: 8, 1, 2048>}, {pipeline_mode = #tpu.pipeline_mode<synchronous>, transform_indices = @transform_9, window_bounds = array<i64: 8, 1, 2048>}]} {
    %get3A = arith.constant 0 : index
    %get3A_0 = arith.constant 0 : index
    %get3A_1 = arith.constant 0 : index
    %get3A_2 = vector.load %arg1[%get3A, %get3A_0, %get3A_1] : memref<8x25x2048xf32, #tpu.memory_space<vmem>>, vector<1x25x2048xf32>
    %get3A_3 = vector.shape_cast %get3A_2 : vector<1x25x2048xf32> to vector<25x2048xf32>
    %transpose3A = tpu.transpose %get3A_3, [1, 0] : vector<25x2048xf32> -> vector<2048x25xf32>
    %swap3A = arith.constant 0 : index
    %swap3A_4 = arith.constant 0 : index
    %swap3A_5 = vector.load %arg6[%swap3A, %swap3A_4] : memref<16384x25xf32, #tpu.memory_space<vmem>>, vector<2048x25xf32>
    tpu.vector_store %arg6[%swap3A, %swap3A_4], %transpose3A {strides = array<i32>} : memref<16384x25xf32, #tpu.memory_space<vmem>>, vector<2048x25xf32>,
    %get3A_6 = arith.constant 0 : index
    %get3A_7 = arith.constant 0 : index
    %get3A_8 = arith.constant 0 : index
    %get3A_9 = vector.load %arg2[%get3A_6, %get3A_7, %get3A_8] : memref<8x25x2048xf32, #tpu.memory_space<vmem>>, vector<1x25x2048xf32>
    %get3A_10 = vector.shape_cast %get3A_9 : vector<1x25x2048xf32> to vector<25x2048xf32>
    %transpose3A_11 = tpu.transpose %get3A_10, [1, 0] : vector<25x2048xf32> -> vector<2048x25xf32>
    %swap3A_12 = arith.constant 0 : index
    %swap3A_13 = arith.constant 0 : index
    %swap3A_14 = vector.load %arg7[%swap3A_12, %swap3A_13] : memref<16384x25xf32, #tpu.memory_space<vmem>>, vector<2048x25xf32>
    tpu.vector_store %arg7[%swap3A_12, %swap3A_13], %transpose3A_11 {strides = array<i32>} : memref<16384x25xf32, #tpu.memory_space<vmem>>, vector<2048x25xf32>,
    %get3A_15 = arith.constant 0 : index
    %get3A_16 = memref.load %arg3[%get3A_15] : memref<8xf32, #tpu.memory_space<smem>>
    %broadcast_in_dim3A = vector.broadcast %get3A_16 : f32 to vector<1x2048xf32>
    %swap3A_17 = arith.constant 0 : index
    %swap3A_18 = arith.constant 0 : index
    %swap3A_19 = arith.constant 0 : index
    %swap3A_20 = vector.load %arg8[%swap3A_17, %swap3A_18, %swap3A_19] : memref<8x1x2048xf32, #tpu.memory_space<vmem>>, vector<1x1x2048xf32>
    %swap3A_21 = vector.shape_cast %swap3A_20 : vector<1x1x2048xf32> to vector<1x2048xf32>
    %swap3A_22 = vector.shape_cast %broadcast_in_dim3A : vector<1x2048xf32> to vector<1x1x2048xf32>
    tpu.vector_store %arg8[%swap3A_17, %swap3A_18, %swap3A_19], %swap3A_22 {strides = array<i32>} : memref<8x1x2048xf32, #tpu.memory_space<vmem>>, vector<1x1x2048xf32>,
    %get3A_23 = arith.constant 0 : index
    %get3A_24 = memref.load %arg4[%get3A_23] : memref<8xf32, #tpu.memory_space<smem>>
    %broadcast_in_dim3A_25 = vector.broadcast %get3A_24 : f32 to vector<1x2048xf32>
    %swap3A_26 = arith.constant 0 : index
    %swap3A_27 = arith.constant 0 : index
    %swap3A_28 = arith.constant 0 : index
    %swap3A_29 = vector.load %arg9[%swap3A_26, %swap3A_27, %swap3A_28] : memref<8x1x2048xf32, #tpu.memory_space<vmem>>, vector<1x1x2048xf32>
    %swap3A_30 = vector.shape_cast %swap3A_29 : vector<1x1x2048xf32> to vector<1x2048xf32>
    %swap3A_31 = vector.shape_cast %broadcast_in_dim3A_25 : vector<1x2048xf32> to vector<1x1x2048xf32>
    tpu.vector_store %arg9[%swap3A_26, %swap3A_27, %swap3A_28], %swap3A_31 {strides = array<i32>} : memref<8x1x2048xf32, #tpu.memory_space<vmem>>, vector<1x1x2048xf32>,
    %get3A_32 = arith.constant 0 : index
    %get3A_33 = memref.load %arg5[%get3A_32] : memref<8xf32, #tpu.memory_space<smem>>
    %broadcast_in_dim3A_34 = vector.broadcast %get3A_33 : f32 to vector<1x2048xf32>
    %swap3A_35 = arith.constant 0 : index
    %swap3A_36 = arith.constant 0 : index
    %swap3A_37 = arith.constant 0 : index
    %swap3A_38 = vector.load %arg10[%swap3A_35, %swap3A_36, %swap3A_37] : memref<8x1x2048xf32, #tpu.memory_space<vmem>>, vector<1x1x2048xf32>
    %swap3A_39 = vector.shape_cast %swap3A_38 : vector<1x1x2048xf32> to vector<1x2048xf32>
    %swap3A_40 = vector.shape_cast %broadcast_in_dim3A_34 : vector<1x2048xf32> to vector<1x1x2048xf32>
    tpu.vector_store %arg10[%swap3A_35, %swap3A_36, %swap3A_37], %swap3A_40 {strides = array<i32>} : memref<8x1x2048xf32, #tpu.memory_space<vmem>>, vector<1x1x2048xf32>,
    %get3A_41 = arith.constant 1 : index
    %get3A_42 = arith.constant 0 : index
    %get3A_43 = arith.constant 0 : index
    %get3A_44 = vector.load %arg1[%get3A_41, %get3A_42, %get3A_43] : memref<8x25x2048xf32, #tpu.memory_space<vmem>>, vector<1x25x2048xf32>
    %get3A_45 = vector.shape_cast %get3A_44 : vector<1x25x2048xf32> to vector<25x2048xf32>
    %transpose3A_46 = tpu.transpose %get3A_45, [1, 0] : vector<25x2048xf32> -> vector<2048x25xf32>
    %swap3A_47 = arith.constant 2048 : index
    %swap3A_48 = arith.constant 0 : index
    %swap3A_49 = vector.load %arg6[%swap3A_47, %swap3A_48] : memref<16384x25xf32, #tpu.memory_space<vmem>>, vector<2048x25xf32>
    tpu.vector_store %arg6[%swap3A_47, %swap3A_48], %transpose3A_46 {strides = array<i32>} : memref<16384x25xf32, #tpu.memory_space<vmem>>, vector<2048x25xf32>,
    %get3A_50 = arith.constant 1 : index
    %get3A_51 = arith.constant 0 : index
    %get3A_52 = arith.constant 0 : index
    %get3A_53 = vector.load %arg2[%get3A_50, %get3A_51, %get3A_52] : memref<8x25x2048xf32, #tpu.memory_space<vmem>>, vector<1x25x2048xf32>
    %get3A_54 = vector.shape_cast %get3A_53 : vector<1x25x2048xf32> to vector<25x2048xf32>
    %transpose3A_55 = tpu.transpose %get3A_54, [1, 0] : vector<25x2048xf32> -> vector<2048x25xf32>
    %swap3A_56 = arith.constant 2048 : index
    %swap3A_57 = arith.constant 0 : index
    %swap3A_58 = vector.load %arg7[%swap3A_56, %swap3A_57] : memref<16384x25xf32, #tpu.memory_space<vmem>>, vector<2048x25xf32>
    tpu.vector_store %arg7[%swap3A_56, %swap3A_57], %transpose3A_55 {strides = array<i32>} : memref<16384x25xf32, #tpu.memory_space<vmem>>, vector<2048x25xf32>,
    %get3A_59 = arith.constant 1 : index
    %get3A_60 = memref.load %arg3[%get3A_59] : memref<8xf32, #tpu.memory_space<smem>>
    %broadcast_in_dim3A_61 = vector.broadcast %get3A_60 : f32 to vector<1x2048xf32>
    %swap3A_62 = arith.constant 1 : index
    %swap3A_63 = arith.constant 0 : index
    %swap3A_64 = arith.constant 0 : index
    %swap3A_65 = vector.load %arg8[%swap3A_62, %swap3A_63, %swap3A_64] : memref<8x1x2048xf32, #tpu.memory_space<vmem>>, vector<1x1x2048xf32>
    %swap3A_66 = vector.shape_cast %swap3A_65 : vector<1x1x2048xf32> to vector<1x2048xf32>
    %swap3A_67 = vector.shape_cast %broadcast_in_dim3A_61 : vector<1x2048xf32> to vector<1x1x2048xf32>
    tpu.vector_store %arg8[%swap3A_62, %swap3A_63, %swap3A_64], %swap3A_67 {strides = array<i32>} : memref<8x1x2048xf32, #tpu.memory_space<vmem>>, vector<1x1x2048xf32>,
    %get3A_68 = arith.constant 1 : index
    %get3A_69 = memref.load %arg4[%get3A_68] : memref<8xf32, #tpu.memory_space<smem>>
    %broadcast_in_dim3A_70 = vector.broadcast %get3A_69 : f32 to vector<1x2048xf32>
    %swap3A_71 = arith.constant 1 : index
    %swap3A_72 = arith.constant 0 : index
    %swap3A_73 = arith.constant 0 : index
    %swap3A_74 = vector.load %arg9[%swap3A_71, %swap3A_72, %swap3A_73] : memref<8x1x2048xf32, #tpu.memory_space<vmem>>, vector<1x1x2048xf32>
    %swap3A_75 = vector.shape_cast %swap3A_74 : vector<1x1x2048xf32> to vector<1x2048xf32>
    %swap3A_76 = vector.shape_cast %broadcast_in_dim3A_70 : vector<1x2048xf32> to vector<1x1x2048xf32>
    tpu.vector_store %arg9[%swap3A_71, %swap3A_72, %swap3A_73], %swap3A_76 {strides = array<i32>} : memref<8x1x2048xf32, #tpu.memory_space<vmem>>, vector<1x1x2048xf32>,
    %get3A_77 = arith.constant 1 : index
    %get3A_78 = memref.load %arg5[%get3A_77] : memref<8xf32, #tpu.memory_space<smem>>
    %broadcast_in_dim3A_79 = vector.broadcast %get3A_78 : f32 to vector<1x2048xf32>
    %swap3A_80 = arith.constant 1 : index
    %swap3A_81 = arith.constant 0 : index
    %swap3A_82 = arith.constant 0 : index
    %swap3A_83 = vector.load %arg10[%swap3A_80, %swap3A_81, %swap3A_82] : memref<8x1x2048xf32, #tpu.memory_space<vmem>>, vector<1x1x2048xf32>
    %swap3A_84 = vector.shape_cast %swap3A_83 : vector<1x1x2048xf32> to vector<1x2048xf32>
    %swap3A_85 = vector.shape_cast %broadcast_in_dim3A_79 : vector<1x2048xf32> to vector<1x1x2048xf32>
    tpu.vector_store %arg10[%swap3A_80, %swap3A_81, %swap3A_82], %swap3A_85 {strides = array<i32>} : memref<8x1x2048xf32, #tpu.memory_space<vmem>>, vector<1x1x2048xf32>,
    %get3A_86 = arith.constant 2 : index
    %get3A_87 = arith.constant 0 : index
    %get3A_88 = arith.constant 0 : index
    %get3A_89 = vector.load %arg1[%get3A_86, %get3A_87, %get3A_88] : memref<8x25x2048xf32, #tpu.memory_space<vmem>>, vector<1x25x2048xf32>
    %get3A_90 = vector.shape_cast %get3A_89 : vector<1x25x2048xf32> to vector<25x2048xf32>
    %transpose3A_91 = tpu.transpose %get3A_90, [1, 0] : vector<25x2048xf32> -> vector<2048x25xf32>
    %swap3A_92 = arith.constant 4096 : index
    %swap3A_93 = arith.constant 0 : index
    %swap3A_94 = vector.load %arg6[%swap3A_92, %swap3A_93] : memref<16384x25xf32, #tpu.memory_space<vmem>>, vector<2048x25xf32>
    tpu.vector_store %arg6[%swap3A_92, %swap3A_93], %transpose3A_91 {strides = array<i32>} : memref<16384x25xf32, #tpu.memory_space<vmem>>, vector<2048x25xf32>,
    %get3A_95 = arith.constant 2 : index
    %get3A_96 = arith.constant 0 : index
    %get3A_97 = arith.constant 0 : index
    %get3A_98 = vector.load %arg2[%get3A_95, %get3A_96, %get3A_97] : memref<8x25x2048xf32, #tpu.memory_space<vmem>>, vector<1x25x2048xf32>
    %get3A_99 = vector.shape_cast %get3A_98 : vector<1x25x2048xf32> to vector<25x2048xf32>
    %transpose3A_100 = tpu.transpose %get3A_99, [1, 0] : vector<25x2048xf32> -> vector<2048x25xf32>
    %swap3A_101 = arith.constant 4096 : index
    %swap3A_102 = arith.constant 0 : index
    %swap3A_103 = vector.load %arg7[%swap3A_101, %swap3A_102] : memref<16384x25xf32, #tpu.memory_space<vmem>>, vector<2048x25xf32>
    tpu.vector_store %arg7[%swap3A_101, %swap3A_102], %transpose3A_100 {strides = array<i32>} : memref<16384x25xf32, #tpu.memory_space<vmem>>, vector<2048x25xf32>,
    %get3A_104 = arith.constant 2 : index
    %get3A_105 = memref.load %arg3[%get3A_104] : memref<8xf32, #tpu.memory_space<smem>>
    %broadcast_in_dim3A_106 = vector.broadcast %get3A_105 : f32 to vector<1x2048xf32>
    %swap3A_107 = arith.constant 2 : index
    %swap3A_108 = arith.constant 0 : index
    %swap3A_109 = arith.constant 0 : index
    %swap3A_110 = vector.load %arg8[%swap3A_107, %swap3A_108, %swap3A_109] : memref<8x1x2048xf32, #tpu.memory_space<vmem>>, vector<1x1x2048xf32>
    %swap3A_111 = vector.shape_cast %swap3A_110 : vector<1x1x2048xf32> to vector<1x2048xf32>
    %swap3A_112 = vector.shape_cast %broadcast_in_dim3A_106 : vector<1x2048xf32> to vector<1x1x2048xf32>
    tpu.vector_store %arg8[%swap3A_107, %swap3A_108, %swap3A_109], %swap3A_112 {strides = array<i32>} : memref<8x1x2048xf32, #tpu.memory_space<vmem>>, vector<1x1x2048xf32>,
    %get3A_113 = arith.constant 2 : index
    %get3A_114 = memref.load %arg4[%get3A_113] : memref<8xf32, #tpu.memory_space<smem>>
    %broadcast_in_dim3A_115 = vector.broadcast %get3A_114 : f32 to vector<1x2048xf32>
    %swap3A_116 = arith.constant 2 : index
    %swap3A_117 = arith.constant 0 : index
    %swap3A_118 = arith.constant 0 : index
    %swap3A_119 = vector.load %arg9[%swap3A_116, %swap3A_117, %swap3A_118] : memref<8x1x2048xf32, #tpu.memory_space<vmem>>, vector<1x1x2048xf32>
    %swap3A_120 = vector.shape_cast %swap3A_119 : vector<1x1x2048xf32> to vector<1x2048xf32>
    %swap3A_121 = vector.shape_cast %broadcast_in_dim3A_115 : vector<1x2048xf32> to vector<1x1x2048xf32>
    tpu.vector_store %arg9[%swap3A_116, %swap3A_117, %swap3A_118], %swap3A_121 {strides = array<i32>} : memref<8x1x2048xf32, #tpu.memory_space<vmem>>, vector<1x1x2048xf32>,
    %get3A_122 = arith.constant 2 : index
    %get3A_123 = memref.load %arg5[%get3A_122] : memref<8xf32, #tpu.memory_space<smem>>
    %broadcast_in_dim3A_124 = vector.broadcast %get3A_123 : f32 to vector<1x2048xf32>
    %swap3A_125 = arith.constant 2 : index
    %swap3A_126 = arith.constant 0 : index
    %swap3A_127 = arith.constant 0 : index
    %swap3A_128 = vector.load %arg10[%swap3A_125, %swap3A_126, %swap3A_127] : memref<8x1x2048xf32, #tpu.memory_space<vmem>>, vector<1x1x2048xf32>
    %swap3A_129 = vector.shape_cast %swap3A_128 : vector<1x1x2048xf32> to vector<1x2048xf32>
    %swap3A_130 = vector.shape_cast %broadcast_in_dim3A_124 : vector<1x2048xf32> to vector<1x1x2048xf32>
    tpu.vector_store %arg10[%swap3A_125, %swap3A_126, %swap3A_127], %swap3A_130 {strides = array<i32>} : memref<8x1x2048xf32, #tpu.memory_space<vmem>>, vector<1x1x2048xf32>,
    %get3A_131 = arith.constant 3 : index
    %get3A_132 = arith.constant 0 : index
    %get3A_133 = arith.constant 0 : index
    %get3A_134 = vector.load %arg1[%get3A_131, %get3A_132, %get3A_133] : memref<8x25x2048xf32, #tpu.memory_space<vmem>>, vector<1x25x2048xf32>
    %get3A_135 = vector.shape_cast %get3A_134 : vector<1x25x2048xf32> to vector<25x2048xf32>
    %transpose3A_136 = tpu.transpose %get3A_135, [1, 0] : vector<25x2048xf32> -> vector<2048x25xf32>
    %swap3A_137 = arith.constant 6144 : index
    %swap3A_138 = arith.constant 0 : index
    %swap3A_139 = vector.load %arg6[%swap3A_137, %swap3A_138] : memref<16384x25xf32, #tpu.memory_space<vmem>>, vector<2048x25xf32>
    tpu.vector_store %arg6[%swap3A_137, %swap3A_138], %transpose3A_136 {strides = array<i32>} : memref<16384x25xf32, #tpu.memory_space<vmem>>, vector<2048x25xf32>,
    %get3A_140 = arith.constant 3 : index
    %get3A_141 = arith.constant 0 : index
    %get3A_142 = arith.constant 0 : index
    %get3A_143 = vector.load %arg2[%get3A_140, %get3A_141, %get3A_142] : memref<8x25x2048xf32, #tpu.memory_space<vmem>>, vector<1x25x2048xf32>
    %get3A_144 = vector.shape_cast %get3A_143 : vector<1x25x2048xf32> to vector<25x2048xf32>
    %transpose3A_145 = tpu.transpose %get3A_144, [1, 0] : vector<25x2048xf32> -> vector<2048x25xf32>
    %swap3A_146 = arith.constant 6144 : index
    %swap3A_147 = arith.constant 0 : index
    %swap3A_148 = vector.load %arg7[%swap3A_146, %swap3A_147] : memref<16384x25xf32, #tpu.memory_space<vmem>>, vector<2048x25xf32>
    tpu.vector_store %arg7[%swap3A_146, %swap3A_147], %transpose3A_145 {strides = array<i32>} : memref<16384x25xf32, #tpu.memory_space<vmem>>, vector<2048x25xf32>,
    %get3A_149 = arith.constant 3 : index
    %get3A_150 = memref.load %arg3[%get3A_149] : memref<8xf32, #tpu.memory_space<smem>>
    %broadcast_in_dim3A_151 = vector.broadcast %get3A_150 : f32 to vector<1x2048xf32>
    %swap3A_152 = arith.constant 3 : index
    %swap3A_153 = arith.constant 0 : index
    %swap3A_154 = arith.constant 0 : index
    %swap3A_155 = vector.load %arg8[%swap3A_152, %swap3A_153, %swap3A_154] : memref<8x1x2048xf32, #tpu.memory_space<vmem>>, vector<1x1x2048xf32>
    %swap3A_156 = vector.shape_cast %swap3A_155 : vector<1x1x2048xf32> to vector<1x2048xf32>
    %swap3A_157 = vector.shape_cast %broadcast_in_dim3A_151 : vector<1x2048xf32> to vector<1x1x2048xf32>
    tpu.vector_store %arg8[%swap3A_152, %swap3A_153, %swap3A_154], %swap3A_157 {strides = array<i32>} : memref<8x1x2048xf32, #tpu.memory_space<vmem>>, vector<1x1x2048xf32>,
    %get3A_158 = arith.constant 3 : index
    %get3A_159 = memref.load %arg4[%get3A_158] : memref<8xf32, #tpu.memory_space<smem>>
    %broadcast_in_dim3A_160 = vector.broadcast %get3A_159 : f32 to vector<1x2048xf32>
    %swap3A_161 = arith.constant 3 : index
    %swap3A_162 = arith.constant 0 : index
    %swap3A_163 = arith.constant 0 : index
    %swap3A_164 = vector.load %arg9[%swap3A_161, %swap3A_162, %swap3A_163] : memref<8x1x2048xf32, #tpu.memory_space<vmem>>, vector<1x1x2048xf32>
    %swap3A_165 = vector.shape_cast %swap3A_164 : vector<1x1x2048xf32> to vector<1x2048xf32>
    %swap3A_166 = vector.shape_cast %broadcast_in_dim3A_160 : vector<1x2048xf32> to vector<1x1x2048xf32>
    tpu.vector_store %arg9[%swap3A_161, %swap3A_162, %swap3A_163], %swap3A_166 {strides = array<i32>} : memref<8x1x2048xf32, #tpu.memory_space<vmem>>, vector<1x1x2048xf32>,
    %get3A_167 = arith.constant 3 : index
    %get3A_168 = memref.load %arg5[%get3A_167] : memref<8xf32, #tpu.memory_space<smem>>
    %broadcast_in_dim3A_169 = vector.broadcast %get3A_168 : f32 to vector<1x2048xf32>
    %swap3A_170 = arith.constant 3 : index
    %swap3A_171 = arith.constant 0 : index
    %swap3A_172 = arith.constant 0 : index
    %swap3A_173 = vector.load %arg10[%swap3A_170, %swap3A_171, %swap3A_172] : memref<8x1x2048xf32, #tpu.memory_space<vmem>>, vector<1x1x2048xf32>
    %swap3A_174 = vector.shape_cast %swap3A_173 : vector<1x1x2048xf32> to vector<1x2048xf32>
    %swap3A_175 = vector.shape_cast %broadcast_in_dim3A_169 : vector<1x2048xf32> to vector<1x1x2048xf32>
    tpu.vector_store %arg10[%swap3A_170, %swap3A_171, %swap3A_172], %swap3A_175 {strides = array<i32>} : memref<8x1x2048xf32, #tpu.memory_space<vmem>>, vector<1x1x2048xf32>,
    %get3A_176 = arith.constant 4 : index
    %get3A_177 = arith.constant 0 : index
    %get3A_178 = arith.constant 0 : index
    %get3A_179 = vector.load %arg1[%get3A_176, %get3A_177, %get3A_178] : memref<8x25x2048xf32, #tpu.memory_space<vmem>>, vector<1x25x2048xf32>
    %get3A_180 = vector.shape_cast %get3A_179 : vector<1x25x2048xf32> to vector<25x2048xf32>
    %transpose3A_181 = tpu.transpose %get3A_180, [1, 0] : vector<25x2048xf32> -> vector<2048x25xf32>
    %swap3A_182 = arith.constant 8192 : index
    %swap3A_183 = arith.constant 0 : index
    %swap3A_184 = vector.load %arg6[%swap3A_182, %swap3A_183] : memref<16384x25xf32, #tpu.memory_space<vmem>>, vector<2048x25xf32>
    tpu.vector_store %arg6[%swap3A_182, %swap3A_183], %transpose3A_181 {strides = array<i32>} : memref<16384x25xf32, #tpu.memory_space<vmem>>, vector<2048x25xf32>,
    %get3A_185 = arith.constant 4 : index
    %get3A_186 = arith.constant 0 : index
    %get3A_187 = arith.constant 0 : index
    %get3A_188 = vector.load %arg2[%get3A_185, %get3A_186, %get3A_187] : memref<8x25x2048xf32, #tpu.memory_space<vmem>>, vector<1x25x2048xf32>
    %get3A_189 = vector.shape_cast %get3A_188 : vector<1x25x2048xf32> to vector<25x2048xf32>
    %transpose3A_190 = tpu.transpose %get3A_189, [1, 0] : vector<25x2048xf32> -> vector<2048x25xf32>
    %swap3A_191 = arith.constant 8192 : index
    %swap3A_192 = arith.constant 0 : index
    %swap3A_193 = vector.load %arg7[%swap3A_191, %swap3A_192] : memref<16384x25xf32, #tpu.memory_space<vmem>>, vector<2048x25xf32>
    tpu.vector_store %arg7[%swap3A_191, %swap3A_192], %transpose3A_190 {strides = array<i32>} : memref<16384x25xf32, #tpu.memory_space<vmem>>, vector<2048x25xf32>,
    %get3A_194 = arith.constant 4 : index
    %get3A_195 = memref.load %arg3[%get3A_194] : memref<8xf32, #tpu.memory_space<smem>>
    %broadcast_in_dim3A_196 = vector.broadcast %get3A_195 : f32 to vector<1x2048xf32>
    %swap3A_197 = arith.constant 4 : index
    %swap3A_198 = arith.constant 0 : index
    %swap3A_199 = arith.constant 0 : index
    %swap3A_200 = vector.load %arg8[%swap3A_197, %swap3A_198, %swap3A_199] : memref<8x1x2048xf32, #tpu.memory_space<vmem>>, vector<1x1x2048xf32>
    %swap3A_201 = vector.shape_cast %swap3A_200 : vector<1x1x2048xf32> to vector<1x2048xf32>
    %swap3A_202 = vector.shape_cast %broadcast_in_dim3A_196 : vector<1x2048xf32> to vector<1x1x2048xf32>
    tpu.vector_store %arg8[%swap3A_197, %swap3A_198, %swap3A_199], %swap3A_202 {strides = array<i32>} : memref<8x1x2048xf32, #tpu.memory_space<vmem>>, vector<1x1x2048xf32>,
    %get3A_203 = arith.constant 4 : index
    %get3A_204 = memref.load %arg4[%get3A_203] : memref<8xf32, #tpu.memory_space<smem>>
    %broadcast_in_dim3A_205 = vector.broadcast %get3A_204 : f32 to vector<1x2048xf32>
    %swap3A_206 = arith.constant 4 : index
    %swap3A_207 = arith.constant 0 : index
    %swap3A_208 = arith.constant 0 : index
    %swap3A_209 = vector.load %arg9[%swap3A_206, %swap3A_207, %swap3A_208] : memref<8x1x2048xf32, #tpu.memory_space<vmem>>, vector<1x1x2048xf32>
    %swap3A_210 = vector.shape_cast %swap3A_209 : vector<1x1x2048xf32> to vector<1x2048xf32>
    %swap3A_211 = vector.shape_cast %broadcast_in_dim3A_205 : vector<1x2048xf32> to vector<1x1x2048xf32>
    tpu.vector_store %arg9[%swap3A_206, %swap3A_207, %swap3A_208], %swap3A_211 {strides = array<i32>} : memref<8x1x2048xf32, #tpu.memory_space<vmem>>, vector<1x1x2048xf32>,
    %get3A_212 = arith.constant 4 : index
    %get3A_213 = memref.load %arg5[%get3A_212] : memref<8xf32, #tpu.memory_space<smem>>
    %broadcast_in_dim3A_214 = vector.broadcast %get3A_213 : f32 to vector<1x2048xf32>
    %swap3A_215 = arith.constant 4 : index
    %swap3A_216 = arith.constant 0 : index
    %swap3A_217 = arith.constant 0 : index
    %swap3A_218 = vector.load %arg10[%swap3A_215, %swap3A_216, %swap3A_217] : memref<8x1x2048xf32, #tpu.memory_space<vmem>>, vector<1x1x2048xf32>
    %swap3A_219 = vector.shape_cast %swap3A_218 : vector<1x1x2048xf32> to vector<1x2048xf32>
    %swap3A_220 = vector.shape_cast %broadcast_in_dim3A_214 : vector<1x2048xf32> to vector<1x1x2048xf32>
    tpu.vector_store %arg10[%swap3A_215, %swap3A_216, %swap3A_217], %swap3A_220 {strides = array<i32>} : memref<8x1x2048xf32, #tpu.memory_space<vmem>>, vector<1x1x2048xf32>,
    %get3A_221 = arith.constant 5 : index
    %get3A_222 = arith.constant 0 : index
    %get3A_223 = arith.constant 0 : index
    %get3A_224 = vector.load %arg1[%get3A_221, %get3A_222, %get3A_223] : memref<8x25x2048xf32, #tpu.memory_space<vmem>>, vector<1x25x2048xf32>
    %get3A_225 = vector.shape_cast %get3A_224 : vector<1x25x2048xf32> to vector<25x2048xf32>
    %transpose3A_226 = tpu.transpose %get3A_225, [1, 0] : vector<25x2048xf32> -> vector<2048x25xf32>
    %swap3A_227 = arith.constant 10240 : index
    %swap3A_228 = arith.constant 0 : index
    %swap3A_229 = vector.load %arg6[%swap3A_227, %swap3A_228] : memref<16384x25xf32, #tpu.memory_space<vmem>>, vector<2048x25xf32>
    tpu.vector_store %arg6[%swap3A_227, %swap3A_228], %transpose3A_226 {strides = array<i32>} : memref<16384x25xf32, #tpu.memory_space<vmem>>, vector<2048x25xf32>,
    %get3A_230 = arith.constant 5 : index
    %get3A_231 = arith.constant 0 : index
    %get3A_232 = arith.constant 0 : index
    %get3A_233 = vector.load %arg2[%get3A_230, %get3A_231, %get3A_232] : memref<8x25x2048xf32, #tpu.memory_space<vmem>>, vector<1x25x2048xf32>
    %get3A_234 = vector.shape_cast %get3A_233 : vector<1x25x2048xf32> to vector<25x2048xf32>
    %transpose3A_235 = tpu.transpose %get3A_234, [1, 0] : vector<25x2048xf32> -> vector<2048x25xf32>
    %swap3A_236 = arith.constant 10240 : index
    %swap3A_237 = arith.constant 0 : index
    %swap3A_238 = vector.load %arg7[%swap3A_236, %swap3A_237] : memref<16384x25xf32, #tpu.memory_space<vmem>>, vector<2048x25xf32>
    tpu.vector_store %arg7[%swap3A_236, %swap3A_237], %transpose3A_235 {strides = array<i32>} : memref<16384x25xf32, #tpu.memory_space<vmem>>, vector<2048x25xf32>,
    %get3A_239 = arith.constant 5 : index
    %get3A_240 = memref.load %arg3[%get3A_239] : memref<8xf32, #tpu.memory_space<smem>>
    %broadcast_in_dim3A_241 = vector.broadcast %get3A_240 : f32 to vector<1x2048xf32>
    %swap3A_242 = arith.constant 5 : index
    %swap3A_243 = arith.constant 0 : index
    %swap3A_244 = arith.constant 0 : index
    %swap3A_245 = vector.load %arg8[%swap3A_242, %swap3A_243, %swap3A_244] : memref<8x1x2048xf32, #tpu.memory_space<vmem>>, vector<1x1x2048xf32>
    %swap3A_246 = vector.shape_cast %swap3A_245 : vector<1x1x2048xf32> to vector<1x2048xf32>
    %swap3A_247 = vector.shape_cast %broadcast_in_dim3A_241 : vector<1x2048xf32> to vector<1x1x2048xf32>
    tpu.vector_store %arg8[%swap3A_242, %swap3A_243, %swap3A_244], %swap3A_247 {strides = array<i32>} : memref<8x1x2048xf32, #tpu.memory_space<vmem>>, vector<1x1x2048xf32>,
    %get3A_248 = arith.constant 5 : index
    %get3A_249 = memref.load %arg4[%get3A_248] : memref<8xf32, #tpu.memory_space<smem>>
    %broadcast_in_dim3A_250 = vector.broadcast %get3A_249 : f32 to vector<1x2048xf32>
    %swap3A_251 = arith.constant 5 : index
    %swap3A_252 = arith.constant 0 : index
    %swap3A_253 = arith.constant 0 : index
    %swap3A_254 = vector.load %arg9[%swap3A_251, %swap3A_252, %swap3A_253] : memref<8x1x2048xf32, #tpu.memory_space<vmem>>, vector<1x1x2048xf32>
    %swap3A_255 = vector.shape_cast %swap3A_254 : vector<1x1x2048xf32> to vector<1x2048xf32>
    %swap3A_256 = vector.shape_cast %broadcast_in_dim3A_250 : vector<1x2048xf32> to vector<1x1x2048xf32>
    tpu.vector_store %arg9[%swap3A_251, %swap3A_252, %swap3A_253], %swap3A_256 {strides = array<i32>} : memref<8x1x2048xf32, #tpu.memory_space<vmem>>, vector<1x1x2048xf32>,
    %get3A_257 = arith.constant 5 : index
    %get3A_258 = memref.load %arg5[%get3A_257] : memref<8xf32, #tpu.memory_space<smem>>
    %broadcast_in_dim3A_259 = vector.broadcast %get3A_258 : f32 to vector<1x2048xf32>
    %swap3A_260 = arith.constant 5 : index
    %swap3A_261 = arith.constant 0 : index
    %swap3A_262 = arith.constant 0 : index
    %swap3A_263 = vector.load %arg10[%swap3A_260, %swap3A_261, %swap3A_262] : memref<8x1x2048xf32, #tpu.memory_space<vmem>>, vector<1x1x2048xf32>
    %swap3A_264 = vector.shape_cast %swap3A_263 : vector<1x1x2048xf32> to vector<1x2048xf32>
    %swap3A_265 = vector.shape_cast %broadcast_in_dim3A_259 : vector<1x2048xf32> to vector<1x1x2048xf32>
    tpu.vector_store %arg10[%swap3A_260, %swap3A_261, %swap3A_262], %swap3A_265 {strides = array<i32>} : memref<8x1x2048xf32, #tpu.memory_space<vmem>>, vector<1x1x2048xf32>,
    %get3A_266 = arith.constant 6 : index
    %get3A_267 = arith.constant 0 : index
    %get3A_268 = arith.constant 0 : index
    %get3A_269 = vector.load %arg1[%get3A_266, %get3A_267, %get3A_268] : memref<8x25x2048xf32, #tpu.memory_space<vmem>>, vector<1x25x2048xf32>
    %get3A_270 = vector.shape_cast %get3A_269 : vector<1x25x2048xf32> to vector<25x2048xf32>
    %transpose3A_271 = tpu.transpose %get3A_270, [1, 0] : vector<25x2048xf32> -> vector<2048x25xf32>
    %swap3A_272 = arith.constant 12288 : index
    %swap3A_273 = arith.constant 0 : index
    %swap3A_274 = vector.load %arg6[%swap3A_272, %swap3A_273] : memref<16384x25xf32, #tpu.memory_space<vmem>>, vector<2048x25xf32>
    tpu.vector_store %arg6[%swap3A_272, %swap3A_273], %transpose3A_271 {strides = array<i32>} : memref<16384x25xf32, #tpu.memory_space<vmem>>, vector<2048x25xf32>,
    %get3A_275 = arith.constant 6 : index
    %get3A_276 = arith.constant 0 : index
    %get3A_277 = arith.constant 0 : index
    %get3A_278 = vector.load %arg2[%get3A_275, %get3A_276, %get3A_277] : memref<8x25x2048xf32, #tpu.memory_space<vmem>>, vector<1x25x2048xf32>
    %get3A_279 = vector.shape_cast %get3A_278 : vector<1x25x2048xf32> to vector<25x2048xf32>
    %transpose3A_280 = tpu.transpose %get3A_279, [1, 0] : vector<25x2048xf32> -> vector<2048x25xf32>
    %swap3A_281 = arith.constant 12288 : index
    %swap3A_282 = arith.constant 0 : index
    %swap3A_283 = vector.load %arg7[%swap3A_281, %swap3A_282] : memref<16384x25xf32, #tpu.memory_space<vmem>>, vector<2048x25xf32>
    tpu.vector_store %arg7[%swap3A_281, %swap3A_282], %transpose3A_280 {strides = array<i32>} : memref<16384x25xf32, #tpu.memory_space<vmem>>, vector<2048x25xf32>,
    %get3A_284 = arith.constant 6 : index
    %get3A_285 = memref.load %arg3[%get3A_284] : memref<8xf32, #tpu.memory_space<smem>>
    %broadcast_in_dim3A_286 = vector.broadcast %get3A_285 : f32 to vector<1x2048xf32>
    %swap3A_287 = arith.constant 6 : index
    %swap3A_288 = arith.constant 0 : index
    %swap3A_289 = arith.constant 0 : index
    %swap3A_290 = vector.load %arg8[%swap3A_287, %swap3A_288, %swap3A_289] : memref<8x1x2048xf32, #tpu.memory_space<vmem>>, vector<1x1x2048xf32>
    %swap3A_291 = vector.shape_cast %swap3A_290 : vector<1x1x2048xf32> to vector<1x2048xf32>
    %swap3A_292 = vector.shape_cast %broadcast_in_dim3A_286 : vector<1x2048xf32> to vector<1x1x2048xf32>
    tpu.vector_store %arg8[%swap3A_287, %swap3A_288, %swap3A_289], %swap3A_292 {strides = array<i32>} : memref<8x1x2048xf32, #tpu.memory_space<vmem>>, vector<1x1x2048xf32>,
    %get3A_293 = arith.constant 6 : index
    %get3A_294 = memref.load %arg4[%get3A_293] : memref<8xf32, #tpu.memory_space<smem>>
    %broadcast_in_dim3A_295 = vector.broadcast %get3A_294 : f32 to vector<1x2048xf32>
    %swap3A_296 = arith.constant 6 : index
    %swap3A_297 = arith.constant 0 : index
    %swap3A_298 = arith.constant 0 : index
    %swap3A_299 = vector.load %arg9[%swap3A_296, %swap3A_297, %swap3A_298] : memref<8x1x2048xf32, #tpu.memory_space<vmem>>, vector<1x1x2048xf32>
    %swap3A_300 = vector.shape_cast %swap3A_299 : vector<1x1x2048xf32> to vector<1x2048xf32>
    %swap3A_301 = vector.shape_cast %broadcast_in_dim3A_295 : vector<1x2048xf32> to vector<1x1x2048xf32>
    tpu.vector_store %arg9[%swap3A_296, %swap3A_297, %swap3A_298], %swap3A_301 {strides = array<i32>} : memref<8x1x2048xf32, #tpu.memory_space<vmem>>, vector<1x1x2048xf32>,
    %get3A_302 = arith.constant 6 : index
    %get3A_303 = memref.load %arg5[%get3A_302] : memref<8xf32, #tpu.memory_space<smem>>
    %broadcast_in_dim3A_304 = vector.broadcast %get3A_303 : f32 to vector<1x2048xf32>
    %swap3A_305 = arith.constant 6 : index
    %swap3A_306 = arith.constant 0 : index
    %swap3A_307 = arith.constant 0 : index
    %swap3A_308 = vector.load %arg10[%swap3A_305, %swap3A_306, %swap3A_307] : memref<8x1x2048xf32, #tpu.memory_space<vmem>>, vector<1x1x2048xf32>
    %swap3A_309 = vector.shape_cast %swap3A_308 : vector<1x1x2048xf32> to vector<1x2048xf32>
    %swap3A_310 = vector.shape_cast %broadcast_in_dim3A_304 : vector<1x2048xf32> to vector<1x1x2048xf32>
    tpu.vector_store %arg10[%swap3A_305, %swap3A_306, %swap3A_307], %swap3A_310 {strides = array<i32>} : memref<8x1x2048xf32, #tpu.memory_space<vmem>>, vector<1x1x2048xf32>,
    %get3A_311 = arith.constant 7 : index
    %get3A_312 = arith.constant 0 : index
    %get3A_313 = arith.constant 0 : index
    %get3A_314 = vector.load %arg1[%get3A_311, %get3A_312, %get3A_313] : memref<8x25x2048xf32, #tpu.memory_space<vmem>>, vector<1x25x2048xf32>
    %get3A_315 = vector.shape_cast %get3A_314 : vector<1x25x2048xf32> to vector<25x2048xf32>
    %transpose3A_316 = tpu.transpose %get3A_315, [1, 0] : vector<25x2048xf32> -> vector<2048x25xf32>
    %swap3A_317 = arith.constant 14336 : index
    %swap3A_318 = arith.constant 0 : index
    %swap3A_319 = vector.load %arg6[%swap3A_317, %swap3A_318] : memref<16384x25xf32, #tpu.memory_space<vmem>>, vector<2048x25xf32>
    tpu.vector_store %arg6[%swap3A_317, %swap3A_318], %transpose3A_316 {strides = array<i32>} : memref<16384x25xf32, #tpu.memory_space<vmem>>, vector<2048x25xf32>,
    %get3A_320 = arith.constant 7 : index
    %get3A_321 = arith.constant 0 : index
    %get3A_322 = arith.constant 0 : index
    %get3A_323 = vector.load %arg2[%get3A_320, %get3A_321, %get3A_322] : memref<8x25x2048xf32, #tpu.memory_space<vmem>>, vector<1x25x2048xf32>
    %get3A_324 = vector.shape_cast %get3A_323 : vector<1x25x2048xf32> to vector<25x2048xf32>
    %transpose3A_325 = tpu.transpose %get3A_324, [1, 0] : vector<25x2048xf32> -> vector<2048x25xf32>
    %swap3A_326 = arith.constant 14336 : index
    %swap3A_327 = arith.constant 0 : index
    %swap3A_328 = vector.load %arg7[%swap3A_326, %swap3A_327] : memref<16384x25xf32, #tpu.memory_space<vmem>>, vector<2048x25xf32>
    tpu.vector_store %arg7[%swap3A_326, %swap3A_327], %transpose3A_325 {strides = array<i32>} : memref<16384x25xf32, #tpu.memory_space<vmem>>, vector<2048x25xf32>,
    %get3A_329 = arith.constant 7 : index
    %get3A_330 = memref.load %arg3[%get3A_329] : memref<8xf32, #tpu.memory_space<smem>>
    %broadcast_in_dim3A_331 = vector.broadcast %get3A_330 : f32 to vector<1x2048xf32>
    %swap3A_332 = arith.constant 7 : index
    %swap3A_333 = arith.constant 0 : index
    %swap3A_334 = arith.constant 0 : index
    %swap3A_335 = vector.load %arg8[%swap3A_332, %swap3A_333, %swap3A_334] : memref<8x1x2048xf32, #tpu.memory_space<vmem>>, vector<1x1x2048xf32>
    %swap3A_336 = vector.shape_cast %swap3A_335 : vector<1x1x2048xf32> to vector<1x2048xf32>
    %swap3A_337 = vector.shape_cast %broadcast_in_dim3A_331 : vector<1x2048xf32> to vector<1x1x2048xf32>
    tpu.vector_store %arg8[%swap3A_332, %swap3A_333, %swap3A_334], %swap3A_337 {strides = array<i32>} : memref<8x1x2048xf32, #tpu.memory_space<vmem>>, vector<1x1x2048xf32>,
    %get3A_338 = arith.constant 7 : index
    %get3A_339 = memref.load %arg4[%get3A_338] : memref<8xf32, #tpu.memory_space<smem>>
    %broadcast_in_dim3A_340 = vector.broadcast %get3A_339 : f32 to vector<1x2048xf32>
    %swap3A_341 = arith.constant 7 : index
    %swap3A_342 = arith.constant 0 : index
    %swap3A_343 = arith.constant 0 : index
    %swap3A_344 = vector.load %arg9[%swap3A_341, %swap3A_342, %swap3A_343] : memref<8x1x2048xf32, #tpu.memory_space<vmem>>, vector<1x1x2048xf32>
    %swap3A_345 = vector.shape_cast %swap3A_344 : vector<1x1x2048xf32> to vector<1x2048xf32>
    %swap3A_346 = vector.shape_cast %broadcast_in_dim3A_340 : vector<1x2048xf32> to vector<1x1x2048xf32>
    tpu.vector_store %arg9[%swap3A_341, %swap3A_342, %swap3A_343], %swap3A_346 {strides = array<i32>} : memref<8x1x2048xf32, #tpu.memory_space<vmem>>, vector<1x1x2048xf32>,
    %get3A_347 = arith.constant 7 : index
    %get3A_348 = memref.load %arg5[%get3A_347] : memref<8xf32, #tpu.memory_space<smem>>
    %broadcast_in_dim3A_349 = vector.broadcast %get3A_348 : f32 to vector<1x2048xf32>
    %swap3A_350 = arith.constant 7 : index
    %swap3A_351 = arith.constant 0 : index
    %swap3A_352 = arith.constant 0 : index
    %swap3A_353 = vector.load %arg10[%swap3A_350, %swap3A_351, %swap3A_352] : memref<8x1x2048xf32, #tpu.memory_space<vmem>>, vector<1x1x2048xf32>
    %swap3A_354 = vector.shape_cast %swap3A_353 : vector<1x1x2048xf32> to vector<1x2048xf32>
    %swap3A_355 = vector.shape_cast %broadcast_in_dim3A_349 : vector<1x2048xf32> to vector<1x1x2048xf32>
    tpu.vector_store %arg10[%swap3A_350, %swap3A_351, %swap3A_352], %swap3A_355 {strides = array<i32>} : memref<8x1x2048xf32, #tpu.memory_space<vmem>>, vector<1x1x2048xf32>,
    return
  }
  func.func @transform_0(%arg0: i32) -> (i32, i32, i32) {
    %c0_i32 = arith.constant 0 : i32
    %c0_i32_0 = arith.constant 0 : i32
    %c0_i32_1 = arith.constant 0 : i32
    %c0_i32_2 = arith.constant 0 : i32
    return %c0_i32, %c0_i32_0, %c0_i32_1 : i32, i32, i32
  }
  func.func @transform_1(%arg0: i32) -> (i32, i32, i32) {
    %c0_i32 = arith.constant 0 : i32
    %c0_i32_0 = arith.constant 0 : i32
    %c0_i32_1 = arith.constant 0 : i32
    %c0_i32_2 = arith.constant 0 : i32
    return %c0_i32, %c0_i32_0, %c0_i32_1 : i32, i32, i32
  }
  func.func @transform_2(%arg0: i32) -> i32 {
    %c0_i32 = arith.constant 0 : i32
    %c0_i32_0 = arith.constant 0 : i32
    return %c0_i32 : i32
  }
  func.func @transform_3(%arg0: i32) -> i32 {
    %c0_i32 = arith.constant 0 : i32
    %c0_i32_0 = arith.constant 0 : i32
    return %c0_i32 : i32
  }
  func.func @transform_4(%arg0: i32) -> i32 {
    %c0_i32 = arith.constant 0 : i32
    %c0_i32_0 = arith.constant 0 : i32
    return %c0_i32 : i32
  }
  func.func @transform_5(%arg0: i32) -> (i32, i32) {
    %c0_i32 = arith.constant 0 : i32
    %c0_i32_0 = arith.constant 0 : i32
    %c0_i32_1 = arith.constant 0 : i32
    return %c0_i32, %c0_i32_0 : i32, i32
  }
  func.func @transform_6(%arg0: i32) -> (i32, i32) {
    %c0_i32 = arith.constant 0 : i32
    %c0_i32_0 = arith.constant 0 : i32
    %c0_i32_1 = arith.constant 0 : i32
    return %c0_i32, %c0_i32_0 : i32, i32
  }
  func.func @transform_7(%arg0: i32) -> (i32, i32, i32) {
    %c0_i32 = arith.constant 0 : i32
    %c0_i32_0 = arith.constant 0 : i32
    %c0_i32_1 = arith.constant 0 : i32
    %c0_i32_2 = arith.constant 0 : i32
    return %c0_i32, %c0_i32_0, %c0_i32_1 : i32, i32, i32
  }
  func.func @transform_8(%arg0: i32) -> (i32, i32, i32) {
    %c0_i32 = arith.constant 0 : i32
    %c0_i32_0 = arith.constant 0 : i32
    %c0_i32_1 = arith.constant 0 : i32
    %c0_i32_2 = arith.constant 0 : i32
    return %c0_i32, %c0_i32_0, %c0_i32_1 : i32, i32, i32
  }
  func.func @transform_9(%arg0: i32) -> (i32, i32, i32) {
    %c0_i32 = arith.constant 0 : i32
    %c0_i32_0 = arith.constant 0 : i32
    %c0_i32_1 = arith.constant 0 : i32
    %c0_i32_2 = arith.constant 0 : i32
    return %c0_i32, %c0_i32_0, %c0_i32_1 : i32, i32, i32
  }
}

</mosaic_0001>

<sc_bundles>
// kernel: kernel.4.cloned.1.call-start
scs
__scs_entry_jumppad:
0x0: {  	(pc) =	sbr.rel $0x88, $3  }
0x1: {  	(tag) =	ssettag $0x0;
	lr =	simm.s32 $0x1  }
0x2: {  	[smem:$0x3F9A] =	sst lr;
	_ =	strace $0xD0000000  }
0x3: {  	_ = 	snop  }
0x4: {  	_ = 	snop  }
0x5: {  	_ = 	snop  }
0x6: {  	_ = 	snop  }
0x7: {  	_ = 	snop  }
__scs_overlays_trampoline_lowered:
0x8: {  	[smem:$0x3FA9] =	sst s0  }
0x9: {  	[smem:$0x3FAA] =	sst s1  }
0xa: {  	[smem:$0x3FAB] =	sst s2  }
0xb: {  	[smem:$0x3FAC] =	sst s3  }
0xc: {  	[smem:$0x3FAD] =	sst s4  }
0xd: {  	[smem:$0x3FAE] =	sst s5  }
0xe: {  	[smem:$0x3FAF] =	sst s6  }
0xf: {  	[smem:$0x3FB0] =	sst s7  }
0x10: {  	[smem:$0x3FB1] =	sst s8  }
0x11: {  	[smem:$0x3FB2] =	sst s9;
	s0 =	simm.s32 @!p0 $0x0  }
0x12: {  	s1 =	sld [smem:$0x3F98];
	s0 =	simm.s32 @p0 $0x1  }
0x13: {  	[smem:$0x3FB3] =	sst s0;
	s0 =	simm.s32 @!p1 $0x0  }
0x14: {  	s2 =	sld [smem:$0x3F97];
	s0 =	simm.s32 @p1 $0x1  }
0x15: {  	[smem:$0x3FB4] =	sst s0;
	s0 =	simm.s32 @!p2 $0x0  }
0x16: {  	s3 =	sld [smem:$0x3FDB];
	s0 =	simm.s32 @p2 $0x1  }
0x17: {  	s4 =	simm.s32 $0x1BF5;
	[smem:$0x3FB6] =	sst s0  }
0x18: {  	s0 =	sld [smem:$0x3F99];
	_ =	swait.ge [sflag:s4], $0x0  }
0x19: {  	s7 =	sld [smem:$0x3F9A]  }
0x1a: {  	s8 =	sadd.s32 $0xFFFFE003, lr  }
0x1b: {  	s9 =	sadd.s32 $0xFFFFFEF7, lr;
	s5 =	simm.s32 $0xFFFFFFFF;
	p2 =	slt.u32 s8, $0xFFFFF086  }
0x1c: {  	p1 =	slt.u32 s9, $0xF7A;
	s5 =	simm.s32 @!p2 $0x0  }
0x1d: {  	s5 =	simm.s32 @p1 $0x1;
	p0 =	seq.s32 s7, s2  }
0x1e: {  	s7 =	smul.u32 @!p0 $0xF7A, s2;
	p2 =	seq.s32 @!p0 s5, $0x0  }
0x1f: {  	s9 =	smul.u32 $0xF7A, s1;
	s8 =	simm.s32 @!p0 $0x1BF5;
	p2 =	por !p2, p0  }
0x20: {  	[sflag:s8] =	ssyncset.s32 @!p0 $0xFFFFF086;
	s6 =	sadd.s32 @!p0 s3, s7;
	s7 =	simm.s32 @!p0 $0x108  }
0x21: {  	s3 =	sadd.s32 s3, s9;
	s6 =	sadd.s32 @!p0 $0x88, s6;
	s7 =	simm.s32 @p2 $0x1082  }
0x22: {  	[simem:s7], [sflag:s8] =	dma.local @!p0 [hbm:s6], $0xF7A  }
0x23: {  	s9 =	sor.u32 $0xD0000000, s2;
	s6 =	simm.s32 $0x108;
	_ =	swait.ge @!p0 [sflag:s8], $0x0  }
0x24: {  	s3 =	sadd.s32 $0x88, s3;
	s6 =	simm.s32 @!p1 $0x1082;
	[sflag:s4] =	ssyncset.s32 $0xFFFFF086  }
0x25: {  	[simem:s6], [sflag:s4] =	dma.local [hbm:s3], $0xF7A  }
0x26: {  	[smem:$0x3F9A] =	sst s1;
	(tag) =	ssettag s2;
	_ =	strace s9  }
0x27: {  	s1 =	sld [smem:$0x3FAA]  }
0x28: {  	s2 =	sld [smem:$0x3FAB]  }
0x29: {  	s4 =	sld [smem:$0x3FAD]  }
0x2a: {  	p0 =	seq.s32 s5, $0x0;
	s5 =	sld [smem:$0x3FAE]  }
0x2b: {  	s6 =	sld [smem:$0x3FAF]  }
0x2c: {  	s7 =	sld [smem:$0x3FB0]  }
0x2d: {  	s3 =	simm.s32 $0x108;
	s8 =	sld [smem:$0x3FB1]  }
0x2e: {  	s3 =	simm.s32 @!p0 $0x1082;
	s9 =	sld [smem:$0x3FB2]  }
0x2f: {  	lr =	sadd.s32 s0, s3;
	s0 =	sld [smem:$0x3FA9]  }
0x30: {  	s3 =	sld [smem:$0x3FAC]  }
0x31: {  	[smem:$0x3FB5] =	sst s10  }
0x32: {  	s10 =	sld [smem:$0x3FB3];
	_ =	sdelay $0x3  }
0x33: {  	p0 =	seq.s32 s10, $0x1;
	s10 =	sld [smem:$0x3FB5];
	_ =	sdelay $0x3  }
0x34: {  	[smem:$0x3FB5] =	sst s10  }
0x35: {  	s10 =	sld [smem:$0x3FB4];
	_ =	sdelay $0x3  }
0x36: {  	p1 =	seq.s32 s10, $0x1;
	s10 =	sld [smem:$0x3FB5];
	_ =	sdelay $0x3  }
0x37: {  	[smem:$0x3FB5] =	sst s10  }
0x38: {  	s10 =	sld [smem:$0x3FB6]  }
0x39: {  	_ = 	snop;
	(pc) =	sbr.ind lr, $3  }
0x3a: {  	_ = 	snop  }
0x3b: {  	_ = 	snop  }
0x3c: {  	p2 =	seq.s32 s10, $0x1;
	s10 =	sld [smem:$0x3FB5]  }
0x3d: {  	_ =	shalt  }
0x3e: {  	_ =	shalt  }
0x3f: {  	_ =	shalt  }
0x40: {  	_ =	shalt  }
0x41: {  	_ =	shalt  }
0x42: {  	_ =	shalt  }
0x43: {  	_ =	shalt  }
0x44: {  	_ =	shalt  }
0x45: {  	_ =	shalt  }
0x46: {  	_ =	shalt  }
0x47: {  	_ =	shalt  }
0x48: {  	_ =	shalt  }
0x49: {  	_ =	shalt  }
0x4a: {  	_ =	shalt  }
0x4b: {  	_ =	shalt  }
0x4c: {  	_ =	shalt  }
0x4d: {  	_ =	shalt  }
0x4e: {  	_ =	shalt  }
0x4f: {  	_ =	shalt  }
0x50: {  	_ =	shalt  }
0x51: {  	_ =	shalt  }
0x52: {  	_ =	shalt  }
0x53: {  	_ =	shalt  }
0x54: {  	_ =	shalt  }
0x55: {  	_ =	shalt  }
0x56: {  	_ =	shalt  }
0x57: {  	_ =	shalt  }
0x58: {  	_ =	shalt  }
0x59: {  	_ =	shalt  }
0x5a: {  	_ =	shalt  }
0x5b: {  	_ =	shalt  }
0x5c: {  	_ =	shalt  }
0x5d: {  	_ =	shalt  }
0x5e: {  	_ =	shalt  }
0x5f: {  	_ =	shalt  }
0x60: {  	_ =	shalt  }
0x61: {  	_ =	shalt  }
0x62: {  	_ =	shalt  }
0x63: {  	_ =	shalt  }
0x64: {  	_ =	shalt  }
0x65: {  	_ =	shalt  }
0x66: {  	_ =	shalt  }
0x67: {  	_ =	shalt  }
0x68: {  	_ =	shalt  }
0x69: {  	_ =	shalt  }
0x6a: {  	_ =	shalt  }
0x6b: {  	_ =	shalt  }
0x6c: {  	_ =	shalt  }
0x6d: {  	_ =	shalt  }
0x6e: {  	_ =	shalt  }
0x6f: {  	_ =	shalt  }
0x70: {  	_ =	shalt  }
0x71: {  	_ =	shalt  }
0x72: {  	_ =	shalt  }
0x73: {  	_ =	shalt  }
0x74: {  	_ =	shalt  }
0x75: {  	_ =	shalt  }
0x76: {  	_ =	shalt  }
0x77: {  	_ =	shalt  }
0x78: {  	_ =	shalt  }
0x79: {  	_ =	shalt  }
0x7a: {  	_ =	shalt  }
0x7b: {  	_ =	shalt  }
0x7c: {  	_ =	shalt  }
0x7d: {  	_ =	shalt  }
0x7e: {  	_ =	shalt  }
0x7f: {  	_ =	shalt  }
0x80: {  	_ =	shalt  }
0x81: {  	_ =	shalt  }
0x82: {  	_ =	shalt  }
0x83: {  	_ =	shalt  }
0x84: {  	_ =	shalt  }
0x85: {  	_ =	shalt  }
0x86: {  	_ =	shalt  }
0x87: {  	_ =	shalt  }
.Lfunc_end0:
.L_simem_size_0:
called_computation_lowered:
.L_overlay_start_0:
0x88: {  	s2 =	sld [smem:$0x3FD9]  }
0x89: {  	s3 =	sld [smem:$0x3FFE];
	_ =	sdelay $0x1  }
0x8a: {  	s1 =	srdreg.scid  }
0x8b: {  	s0 =	sand.u32 $0x1, s1  }
0x8c: {  	s15 =	sshll.u32 s0, $0xA;
	s2 =	sadd.s32 s3, s2  }
0x8d: {  	s2 =	sadd.s32 s2, s15  }
0x8e: {  	[smem:$0x3FC1] =	sst s2  }
0x8f: {  	_ = 	snop  }
0x90: {  	s2 =	sld [smem:$0x3FD0];
	_ =	sdelay $0x1  }
0x91: {  	s16 =	sld [smem:$0x3FC7]  }
0x92: {  	s5 =	simm.s32 $0xA;
	s6 =	simm.s32 $0x10;
	s4 =	sld [smem:$0x3FC6]  }
0x93: {  	[smem:s6], [sflag:s5] =	dma.local [hbm:s2], $0x1  }
0x94: {  	_ =	swait.eq [sflag:s5], $0x1  }
0x95: {  	[sflag:s5] =	ssyncset.done $0x0  }
0x96: {  	s17 =	sld [smem:$0x11];
	[sflag:s5] =	ssyncadd.s32 $0xFFFFFFFF  }
0x97: {  	s18 =	sld [smem:$0x12];
	(tm) =	ssettm $0x1  }
0x98: {  	s19 =	sld [smem:$0x3FFB];
	_ =	sdelay $0x3  }
0x99: {  	_ =	strace s19  }
0x9a: {  	s6 =	sld [smem:$0x3FFC];
	_ =	sdelay $0x3  }
0x9b: {  	_ =	strace s6  }
0x9c: {  	s6 =	sld [smem:$0x3FFD];
	_ =	sdelay $0x3  }
0x9d: {  	_ =	strace s6  }
0x9e: {  	_ =	strace $0x8FFFFFFF  }
0x9f: {  	s20 =	sld [smem:$0x3FDB];
	_ =	sdelay $0x1  }
0xa0: {  	s7 =	simm.s32 $_scs_section_size  }
0xa1: {  	s8 =	simm.s32 $_size__tile_overlayer_lowered;
	s9 =	simm.s32 $_tile_overlayer_lowered  }
0xa2: {  	s23 =	simm.s32 $0x1BFF;
	s22 =	sshll.u32 s9, $0x1;
	s6 =	sadd.s32 s7, s20  }
0xa3: {  	s10 =	simm.s32 $0x0;
	s21 =	sshll.u32 s8, $0x1;
	s8 =	sadd.s32 s22, s6  }
0xa4: {  	[timem:s10], [sflag:s23] =	dma.local [hbm:s8], s21  }
0xa5: {  	_ =	swait.ge [sflag:s23], s21  }
0xa6: {  	s7 =	ssub.s32 $0x0, s21;
	[sflag:s23] =	ssyncset.done $0x0  }
0xa7: {  	[sflag:s23] =	ssyncadd.s32 s7;
	_ =	sdelay $0x1  }
0xa8: {  	s24 =	simm.s32 $0x1B8B  }
0xa9: {  	_ =	swait.ge [sflag:s24], $0x1  }
0xaa: {  	[sflag:s24] =	ssyncset.done $0x0  }
0xab: {  	s25 =	simm.s32 $0x1B8E;
	[sflag:s24] =	ssyncadd.s32 $0xFFFFFFFF  }
0xac: {  	s26 =	simm.s32 $execute0_lowered;
	[smem:$0x3FD2] =	sst s25  }
0xad: {  	s7 =	sshll.u32 s26, $0x1;
	_ =	strace $0x80000046;
	[dreg:$0x1] =	wrdreg $0xFFFFFFFF  }
0xae: {  	s28 =	simm.s32 $_size_execute0_lowered;
	s6 =	sadd.s32 s6, s7;
	[dreg:$0x0] =	wrdreg $0x0  }
0xaf: {  	s7 =	sshll.u32 s28, $0x1;
	[dreg:$0x2] =	wrdreg s6  }
0xb0: {  	[dreg:$0x3] =	wrdreg s7  }
0xb1: {  	[dreg:$0x4] =	wrdreg $0xC0  }
0xb2: {  	_ =	task [dreg:s10], $0x5FFFF  }
0xb3: {  	[dreg:$0x1] =	wrdreg $0xFFFFFFFF  }
0xb4: {  	[dreg:$0x0] =	wrdreg $0x60  }
0xb5: {  	[dreg:$0x2] =	wrdreg s16  }
0xb6: {  	[dreg:$0x3] =	wrdreg s4  }
0xb7: {  	[dreg:$0x4] =	wrdreg s17  }
0xb8: {  	[dreg:$0x5] =	wrdreg s18  }
0xb9: {  	[dreg:$0x6] =	wrdreg $0x9  }
0xba: {  	_ =	task.clear_ibuf [dreg:s10], $0x7FFFF;
	_ =	strace $0x90000046  }
0xbb: {  	s29 =	simm.s32 $0x9;
	_ =	strace $0x80000048  }
0xbc: {  	_ =	swait.ge [sflag:s29], $0x1  }
0xbd: {  	[sflag:s29] =	ssyncadd.s32 $0xFFFFFFFF  }
0xbe: {  	_ =	strace $0x90000048  }
0xbf: {  	_ =	sfence  }
0xc0: {  	s30 =	sld [smem:$0x0];
	_ =	sdelay $0x2  }
0xc1: {  	s31 =	sshll.u32 s1, $0xD;
	s1 =	sshrl.u32 s1, $0x2  }
0xc2: {  	s3 =	sand.u32 $0x4000, s31;
	s1 =	sadd.s32 s1, s30  }
0xc3: {  	s0 =	sor.u32 s3, s0;
	s1 =	sshll.u32 s1, $0x11  }
0xc4: {  	s0 =	sor.u32 s1, s0  }
0xc5: {  	s0 =	sadd.s32 $0x8F2B, s0  }
0xc6: {  	[sflag:s0] =	ssyncadd.remote.s32 $0x1  }
0xc7: {  	_ =	sfence.sel $0xFFFF  }
0xc8: {  	[dreg:$0x0] =	wrdreg $0xFFFFFFFF;
	(pc) =	sbr.abs _section_cstart, $3  }
0xc9: {  	[dreg:$0x1] =	wrdreg $0xFFFFFFFF  }
0xca: {  	_ =	task.clear_ibuf [dreg:s10], $0x2FFFF;
	_ =	strace $0x9FFFFFFF  }
0xcb: {  	(tm) =	ssettm $0x7FFFFFFF  }
tec
execute0_lowered:
.L_overlay_start_1:
0x0: {  	(tag) =	ssettag $0x1  }
0x1: {  	v0 =	vlaneseq.u32;
	v1 =	vimm.s32 $0x2;
	vm1 =	vcmask $0x1700  }
0x2: {  	vm0 =	vcmask $0x2F18;
	vm2 =	vcmask $0x1F18;
	vm3 =	vcmask $0x700  }
0x3: {  	vm9 =	vcmask $0x300;
	vm5 =	vcmask $0x3730;
	vm6 =	vcmask $0x2318  }
0x4: {  	vm4 =	vcmask $0xB00;
	vm7 =	vcmask $0xF08;
	v2 =	vimm.s32 $0x0  }
0x5: {  	vm8 =	vcmask $0x1308;
	v13 =	vimm.s32 $0xA;
	v54 =	vadd.s32 $0xFFFFFFFA, v0  }
0x6: {  	v3 =	vadd.s32 $0xFFFFFFFB, v0;
	v4 =	vadd.s32 $0xFFFFFFFC, v0;
	v5 =	vadd.s32 $0xFFFFFFFD, v0  }
0x7: {  	v6 =	vadd.s32 $0xFFFFFFFE, v0;
	v7 =	vadd.s32 $0xFFFFFFFF, v0;
	v8 =	vadd.s32 $0x1, v0  }
0x8: {  	v9 =	vadd.s32 $0x2, v0;
	v10 =	vadd.s32 $0x3, v0;
	v11 =	vadd.s32 $0x4, v0  }
0x9: {  	v18 =	vadd.s32 $0x5, v0;
	v19 =	vadd.s32 $0x6, v0;
	v1 =	vsel vm1, $0x0, v1  }
0xa: {  	vm2 =	vmor vm3, vm2;
	v13 =	vsel vm1, $0x8, v13;
	v55 =	vshrl.u32 v0, $0x1  }
0xb: {  	v12 =	vsel vm0, $0x1, v1;
	vm13 =	vmor vm2, vm5;
	vm2 =	vmor vm4, vm6  }
0xc: {  	vm5 =	vcmask $0x3B30;
	v1 =	vimm.s32 $0x3030202;
	vm6 =	vcmask $0x2720  }
0xd: {  	vm11 =	vmor vm2, vm5;
	vm2 =	vcmask $0x2718;
	vm5 =	vcmask $0xF30  }
0xe: {  	vm12 =	vmor vm5, vm2;
	vm2 =	vcmask $0x2B18;
	vm5 =	vcmask $0x1330  }
0xf: {  	v13 =	vsel vm0, $0x9, v13;
	v1 =	vunpack.c.0.s8.s32 v1;
	vm2 =	vmor vm5, vm2  }
0x10: {  	vm5 =	vmor vm7, vm6;
	vm6 =	vcmask $0x3F38;
	vm7 =	vcmask $0x2B20  }
0x11: {  	v2 =	vsel vm2, $0xFFFFFFFF, v2;
	vm10 =	vmor vm5, vm6;
	vm5 =	vmor vm8, vm7  }
0x12: {  	vm2 =	vcmask $0x1F10;
	vm7 =	vcmask $0x1B10;
	vm8 =	vmor vm5, vm6  }
0x13: {  	[tilespmem:$0x1FF10] =	vst v2;
	vm5 =	vcmask $0x1B08;
	vm6 =	vcmask $0x338;
	v2 =	vimm.s32 $0xB0B0A0A  }
0x14: {  	vm5 =	vmor vm6, vm5;
	vm6 =	vcmask $0x3320;
	v2 =	vunpack.c.0.s8.s32 v2  }
0x15: {  	vm15 =	vmor vm5, vm6;
	vm5 =	vmor vm9, vm7;
	vm6 =	vcmask $0x3328  }
0x16: {  	vm7 =	vmor vm5, vm6;
	vm5 =	vmor vm3, vm2;
	vm6 =	vcmask $0x3728  }
0x17: {  	vm0 =	vcmask $0x3720;
	vm3 =	vcmask $0xF00;
	vm6 =	vmor vm5, vm6  }
0x18: {  	vm5 =	vcmask $0x2310;
	v1 =	vnsel vm3, $0x5, v1;
	v2 =	vnsel vm3, $0xD, v2  }
0x19: {  	vm4 =	vmor vm4, vm5;
	vm5 =	vcmask $0x3B28;
	v1 =	vsel vm2, $0x3, v1  }
0x1a: {  	v2 =	vsel vm2, $0xB, v2;
	vm2 =	vcmask $0x3330;
	vm4 =	vmor vm4, vm5  }
0x1b: {  	vm5 =	vcmask $0x1B18;
	v14 =	vsel vm0, $0x4, v1;
	v15 =	vsel vm0, $0xC, v2  }
0x1c: {  	v1 =	vimm.s32 $0x7;
	v2 =	vimm.s32 $0xF;
	vm0 =	vcmask $0x2710  }
0x1d: {  	vm1 =	vmor vm9, vm5;
	vm5 =	vcmask $0x2320;
	v1 =	vsel vm3, $0x5, v1  }
0x1e: {  	s0 =	rddreg [dreg:$0x0];
	v2 =	vsel vm3, $0xD, v2;
	vm3 =	vcmask $0x1310;
	v16 =	vsel vm0, $0x6, v1  }
0x1f: {  	s1 =	rddreg [dreg:$0x1];
	v17 =	vsel vm0, $0xE, v2;
	vm0 =	vcmask $0xB08;
	vm9 =	vmor vm1, vm2  }
0x20: {  	s9 =	rddreg [dreg:$0x2];
	vm1 =	vcmask $0x3B38;
	vm2 =	vcmask $0x2B28;
	vm0 =	vmor vm0, vm5  }
0x21: {  	s8 =	rddreg [dreg:$0x3];
	s3 =	simm.s32 $0x0;
	v0 =	vimm.s32 $0x0;
	vm5 =	vmor vm0, vm1;
	vm0 =	vmor vm3, vm2  }
0x22: {  	[smem:$0x7FF] =	sst s3;
	v0 =	vsel vm0, $0xFFFFFFFF, v0  }
0x23: {  	s2 =	rddreg [dreg:$0x4];
	_ =	strace $0x80000047;
	[tilespmem:$0x1FF20] =	vst v0;
	v0 =	vimm.s32 $0x0  }
0x24: {  	v0 =	vsel vm11, $0xFFFFFFFF, v0  }
0x25: {  	[tilespmem:$0x1FF30] =	vst v0;
	v0 =	vimm.s32 $0x0  }
0x26: {  	v0 =	vsel vm12, $0xFFFFFFFF, v0  }
0x27: {  	[tilespmem:$0x1FF40] =	vst v0;
	v0 =	vimm.s32 $0x0  }
0x28: {  	v0 =	vsel vm10, $0xFFFFFFFF, v0  }
0x29: {  	[tilespmem:$0x1FF50] =	vst v0;
	v0 =	vimm.s32 $0x0  }
0x2a: {  	v0 =	vsel vm8, $0xFFFFFFFF, v0  }
0x2b: {  	[tilespmem:$0x1FF60] =	vst v0;
	v0 =	vimm.s32 $0x0  }
0x2c: {  	v0 =	vsel vm13, $0xFFFFFFFF, v0  }
0x2d: {  	[tilespmem:$0x1FF70] =	vst v0;
	v0 =	vimm.s32 $0x0  }
0x2e: {  	v0 =	vsel vm7, $0xFFFFFFFF, v0  }
0x2f: {  	[tilespmem:$0x1FF80] =	vst v0;
	v0 =	vimm.s32 $0x0  }
0x30: {  	s4 =	srdreg.scid;
	s15 =	simm.s32 $0x1;
	v0 =	vsel vm6, $0xFFFFFFFF, v0  }
0x31: {  	s16 =	simm.s32 $0x0;
	s5 =	sand.u32 $0x1, s4;
	s4 =	stileid.u32;
	[tilespmem:$0x1FF90] =	vst v0;
	v0 =	vimm.s32 $0x0  }
0x32: {  	s6 =	ssub.s32 $0x2, s5;
	s29 =	sshll.u32 s4, $0x7;
	s10 =	smul.u32 $0x600, s4;
	v0 =	vsel vm4, $0xFFFFFFFF, v0  }
0x33: {  	s11 =	sshll.u32 s4, $0x9;
	s12 =	sshll.u32 s5, $0x8;
	s13 =	smul.u32 $0x300, s5;
	[tilespmem:$0x1FFA0] =	vst v0;
	v0 =	vimm.s32 $0x0  }
0x34: {  	s14 =	sshll.u32 s5, $0x6;
	s7 =	sshrl.u32 s6, $0x1;
	s11 =	sor.u32 s12, s11;
	v0 =	vsel vm9, $0xFFFFFFFF, v0  }
0x35: {  	s12 =	simm.s32 $0x880;
	s6 =	ssub.s32 s6, s7;
	s30 =	sor.u32 $0x1C, s11;
	[tilespmem:$0x1FFB0] =	vst v0;
	v0 =	vimm.s32 $0x0  }
0x36: {  	s10 =	sadd.s32 s13, s10;
	s11 =	simm.s32 $0x2;
	s13 =	simm.s32 $0x80;
	[tilespmem:$0x1FFC0] =	vst v19;
	v0 =	vsel vm5, $0xFFFFFFFF, v0  }
0x37: {  	s5 =	smax.u32 s6, $0x1;
	s6 =	sor.u32 s14, s29;
	s7 =	sshrl.u32 s30, $0x2;
	[tilespmem:$0x1FFD0] =	vst v0;
	v0 =	vimm.s32 $0x0  }
0x38: {  	s10 =	sshrl.u32 s10, $0x3;
	s14 =	simm.s32 $0x100;
	s31 =	sshrl.u32 s6, $0x2;
	[tilespmem:$0x1FFE0] =	vst v18;
	v0 =	vsel vm15, $0xFFFFFFFF, v0  }
0x39: {  	v56 =	vor.u32 $0x8, v55;
	s9 =	sadd.s32 s10, s9;
	s10 =	simm.s32 $0x8;
	s8 =	sadd.s32 s31, s8;
	[tilespmem:$0x1FFF0] =	vst v0  }
.LBB2_1:
0x3a: {  	[tilespmem:s10], [sflag:$0x2] =	stream.linear.gather [hbm4b:s0+s3], $0x800, $0x38;
	[tilespmem:$0x2880] =	vst v63  }
0x3b: {  	_ =	swait.ge [sflag:s11], $0x800  }
0x3c: {  	[sflag:s11] =	ssyncset.done $0x0  }
0x3d: {  	[sflag:s11] =	ssyncadd.s32 $0xFFFFF800  }
0x3e: {  	[tilespmem:s12], [sflag:$0x2] =	stream.linear.gather [hbm4b:s1+s3], $0x8, $0x38;
	[tilespmem:$0x2880] =	vst v63  }
0x3f: {  	_ =	swait.ge [sflag:s11], $0x8  }
0x40: {  	[sflag:s11] =	ssyncset.done $0x0  }
0x41: {  	[sflag:s11] =	ssyncadd.s32 $0xFFFFFFF8  }
0x42: {  	v20 =	vld [tilespmem:s7+$0x1]  }
0x43: {  	v0 =	vld [tilespmem:s7+$0xFFFFFFFB];
	_ =	sdelay $0x2  }
0x44: {  	v1 =	vld [tilespmem:s7+$0xFFFFFFFC];
	_ =	sdelay $0x1  }
0x45: {  	v0 =	vsub.f32 v20, v0  }
0x46: {  	v21 =	vadd.s32 s6, v54  }
0x47: {  	vm0 =	vlt.u32 v21, $0x800;
	v0 =	vand.u32 $0x7FFFFFFF, v0  }
0x48: {  	v2 =	vld [tilespmem:s7+$0xFFFFFFFD];
	v1 =	vsub.f32 v20, v1;
	v0 =	vnsel vm0, $0x7F800000, v0;
	vm0 =	vlt.s32 v21, $0x40000000  }
0x49: {  	vm1 =	vlt.f32 v0, $+Inf;
	vm2 =	vgt.f32 v0, $+Inf;
	vm3 =	veq.f32 v0, $+Inf  }
0x4a: {  	v22 =	vadd.s32 s6, v3;
	vm1 =	vmor vm2, vm1;
	vm2 =	vmand vm0, vm3  }
0x4b: {  	v1 =	vand.u32 $0x7FFFFFFF, v1;
	vm3 =	vlt.u32 v22, $0x800;
	vm1 =	vmor vm1, vm2  }
0x4c: {  	v24 =	vld [tilespmem:s7+$0xFFFFFFFE];
	v1 =	vnsel vm3, $0x7F800000, v1;
	v25 =	vnsel vm1, $0x7F800000, v0;
	v26 =	vnsel vm1, $0x40000000, v21  }
0x4d: {  	v2 =	vsub.f32 v20, v2;
	vm1 =	veq.f32 v1, v25;
	vm2 =	vlt.s32 v22, v26  }
0x4e: {  	v23 =	vadd.s32 s6, v4;
	vm3 =	vlt.f32 v1, v25;
	vm1 =	vmand vm1, vm2  }
0x4f: {  	v2 =	vand.u32 $0x7FFFFFFF, v2;
	vm2 =	vlt.u32 v23, $0x800;
	vm1 =	vmor vm3, vm1  }
0x50: {  	v27 =	vld [tilespmem:s7+$0xFFFFFFFF];
	v2 =	vnsel vm2, $0x7F800000, v2;
	v25 =	vsel vm1, v1, v25;
	v26 =	vsel vm1, v22, v26  }
0x51: {  	v28 =	vsub.f32 v20, v24;
	vm1 =	veq.f32 v2, v25;
	vm2 =	vlt.s32 v23, v26  }
0x52: {  	v24 =	vadd.s32 s6, v5;
	vm3 =	vlt.f32 v2, v25;
	vm1 =	vmand vm1, vm2  }
0x53: {  	v28 =	vand.u32 $0x7FFFFFFF, v28;
	vm2 =	vlt.u32 v24, $0x800;
	vm1 =	vmor vm3, vm1  }
0x54: {  	v29 =	vld [tilespmem:s7+$0x0];
	v34 =	vnsel vm2, $0x7F800000, v28;
	v50 =	vsel vm1, v2, v25;
	v26 =	vsel vm1, v23, v26  }
0x55: {  	v27 =	vsub.f32 v20, v27;
	vm1 =	veq.f32 v34, v50;
	vm2 =	vlt.s32 v24, v26  }
0x56: {  	v25 =	vadd.s32 s6, v6;
	vm3 =	vlt.f32 v34, v50;
	vm1 =	vmand vm1, vm2  }
0x57: {  	v27 =	vand.u32 $0x7FFFFFFF, v27;
	vm2 =	vlt.u32 v25, $0x800;
	vm1 =	vmor vm3, vm1  }
0x58: {  	v30 =	vld [tilespmem:s7+$0x2];
	v35 =	vnsel vm2, $0x7F800000, v27;
	v27 =	vsel vm1, v34, v50;
	v51 =	vsel vm1, v24, v26  }
0x59: {  	v29 =	vsub.f32 v20, v29;
	vm1 =	veq.f32 v35, v27;
	vm2 =	vlt.s32 v25, v51  }
0x5a: {  	v26 =	vadd.s32 s6, v7;
	vm3 =	vlt.f32 v35, v27;
	vm1 =	vmand vm1, vm2  }
0x5b: {  	v29 =	vand.u32 $0x7FFFFFFF, v29;
	vm2 =	vlt.u32 v26, $0x800;
	vm1 =	vmor vm3, vm1  }
0x5c: {  	v31 =	vld [tilespmem:s7+$0x3];
	v36 =	vnsel vm2, $0x7F800000, v29;
	v52 =	vsel vm1, v35, v27;
	v28 =	vsel vm1, v25, v51  }
0x5d: {  	v30 =	vsub.f32 v20, v30;
	vm1 =	veq.f32 v36, v52;
	vm2 =	vlt.s32 v26, v28  }
0x5e: {  	v27 =	vadd.s32 s6, v8;
	vm3 =	vlt.f32 v36, v52;
	vm1 =	vmand vm1, vm2  }
0x5f: {  	v30 =	vand.u32 $0x7FFFFFFF, v30;
	vm2 =	vlt.u32 v27, $0x800;
	vm1 =	vmor vm3, vm1  }
0x60: {  	v32 =	vld [tilespmem:s7+$0x4];
	v37 =	vnsel vm2, $0x7F800000, v30;
	v29 =	vsel vm1, v36, v52;
	v53 =	vsel vm1, v26, v28  }
0x61: {  	v31 =	vsub.f32 v20, v31;
	vm1 =	veq.f32 v37, v29;
	vm2 =	vlt.s32 v27, v53  }
0x62: {  	v28 =	vadd.s32 s6, v9;
	vm3 =	vlt.f32 v37, v29;
	vm1 =	vmand vm1, vm2  }
0x63: {  	v31 =	vand.u32 $0x7FFFFFFF, v31;
	vm2 =	vlt.u32 v28, $0x800;
	vm1 =	vmor vm3, vm1  }
0x64: {  	v33 =	vld [tilespmem:s7+$0x5];
	v38 =	vnsel vm2, $0x7F800000, v31;
	v29 =	vsel vm1, v37, v29;
	v57 =	vsel vm1, v27, v53  }
0x65: {  	v32 =	vsub.f32 v20, v32;
	vm1 =	veq.f32 v38, v29;
	vm2 =	vlt.s32 v28, v57  }
0x66: {  	v30 =	vadd.s32 s6, v10;
	vm3 =	vlt.f32 v38, v29;
	vm1 =	vmand vm1, vm2  }
0x67: {  	v32 =	vand.u32 $0x7FFFFFFF, v32;
	vm2 =	vlt.u32 v30, $0x800;
	vm1 =	vmor vm3, vm1  }
0x68: {  	v39 =	vld [tilespmem:s7+$0x6];
	v40 =	vnsel vm2, $0x7F800000, v32;
	v29 =	vsel vm1, v38, v29;
	v58 =	vsel vm1, v28, v57  }
0x69: {  	v33 =	vsub.f32 v20, v33;
	vm1 =	veq.f32 v40, v29;
	vm2 =	vlt.s32 v30, v58  }
0x6a: {  	v31 =	vadd.s32 s6, v11;
	vm3 =	vlt.f32 v40, v29;
	vm1 =	vmand vm1, vm2  }
0x6b: {  	v33 =	vand.u32 $0x7FFFFFFF, v33;
	vm2 =	vlt.u32 v31, $0x800;
	vm1 =	vmor vm3, vm1  }
0x6c: {  	v41 =	vld [tilespmem:s7+$0x7];
	v42 =	vnsel vm2, $0x7F800000, v33;
	v29 =	vsel vm1, v40, v29;
	v59 =	vsel vm1, v30, v58  }
0x6d: {  	v39 =	vsub.f32 v20, v39;
	vm1 =	veq.f32 v42, v29;
	vm2 =	vlt.s32 v31, v59  }
0x6e: {  	v32 =	vadd.s32 s6, v18;
	vm3 =	vlt.f32 v42, v29;
	vm1 =	vmand vm1, vm2  }
0x6f: {  	v39 =	vand.u32 $0x7FFFFFFF, v39;
	vm2 =	vlt.u32 v32, $0x800;
	vm1 =	vmor vm3, vm1  }
0x70: {  	v39 =	vnsel vm2, $0x7F800000, v39;
	v29 =	vsel vm1, v42, v29;
	v43 =	vsel vm1, v31, v59  }
0x71: {  	v41 =	vsub.f32 v20, v41;
	vm1 =	veq.f32 v39, v29;
	vm2 =	vlt.s32 v32, v43  }
0x72: {  	v33 =	vadd.s32 s6, v19;
	vm3 =	vlt.f32 v39, v29;
	vm1 =	vmand vm1, vm2  }
0x73: {  	v41 =	vand.u32 $0x7FFFFFFF, v41;
	vm2 =	vlt.u32 v33, $0x800;
	vm1 =	vmor vm3, vm1  }
0x74: {  	v41 =	vnsel vm2, $0x7F800000, v41;
	v29 =	vsel vm1, v39, v29;
	v43 =	vsel vm1, v32, v43  }
0x75: {  	vm1 =	veq.f32 v41, v29;
	vm2 =	vlt.s32 v33, v43  }
0x76: {  	vm3 =	vlt.f32 v41, v29;
	vm1 =	vmand vm1, vm2  }
0x77: {  	vm1 =	vmor vm3, vm1  }
0x78: {  	v29 =	vsel vm1, v33, v43  }
0x79: {  	vm1 =	veq.s32 v21, v29  }
0x7a: {  	v0 =	vsel vm1, $0x7F800000, v0  }
0x7b: {  	vm1 =	vlt.f32 v0, $+Inf;
	vm2 =	vgt.f32 v0, $+Inf;
	vm3 =	veq.f32 v0, $+Inf  }
0x7c: {  	vm1 =	vmor vm2, vm1;
	vm2 =	vmand vm0, vm3  }
0x7d: {  	vm3 =	veq.s32 v22, v29;
	vm1 =	vmor vm1, vm2  }
0x7e: {  	v1 =	vsel vm3, $0x7F800000, v1;
	v60 =	vnsel vm1, $0x7F800000, v0;
	v44 =	vnsel vm1, $0x40000000, v21  }
0x7f: {  	vm1 =	veq.f32 v1, v60;
	vm2 =	vlt.s32 v22, v44  }
0x80: {  	vm3 =	vlt.f32 v1, v60;
	vm1 =	vmand vm1, vm2  }
0x81: {  	vm2 =	veq.s32 v23, v29;
	vm1 =	vmor vm3, vm1  }
0x82: {  	v2 =	vsel vm2, $0x7F800000, v2;
	v43 =	vsel vm1, v1, v60;
	v44 =	vsel vm1, v22, v44  }
0x83: {  	vm1 =	veq.f32 v2, v43;
	vm2 =	vlt.s32 v23, v44  }
0x84: {  	vm3 =	vlt.f32 v2, v43;
	vm1 =	vmand vm1, vm2  }
0x85: {  	vm2 =	veq.s32 v24, v29;
	vm1 =	vmor vm3, vm1  }
0x86: {  	v45 =	vsel vm2, $0x7F800000, v34;
	v61 =	vsel vm1, v2, v43;
	v62 =	vsel vm1, v23, v44  }
0x87: {  	vm1 =	veq.f32 v45, v61;
	vm2 =	vlt.s32 v24, v62  }
0x88: {  	vm3 =	vlt.f32 v45, v61;
	vm1 =	vmand vm1, vm2  }
0x89: {  	vm2 =	veq.s32 v25, v29;
	vm1 =	vmor vm3, vm1  }
0x8a: {  	v35 =	vsel vm2, $0x7F800000, v35;
	v34 =	vsel vm1, v45, v61;
	v43 =	vsel vm1, v24, v62  }
0x8b: {  	vm1 =	veq.f32 v35, v34;
	vm2 =	vlt.s32 v25, v43  }
0x8c: {  	vm3 =	vlt.f32 v35, v34;
	vm1 =	vmand vm1, vm2  }
0x8d: {  	vm2 =	veq.s32 v26, v29;
	vm1 =	vmor vm3, vm1  }
0x8e: {  	v36 =	vsel vm2, $0x7F800000, v36;
	v34 =	vsel vm1, v35, v34;
	v43 =	vsel vm1, v25, v43  }
0x8f: {  	vm1 =	veq.f32 v36, v34;
	vm2 =	vlt.s32 v26, v43  }
0x90: {  	vm3 =	vlt.f32 v36, v34;
	vm1 =	vmand vm1, vm2  }
0x91: {  	vm2 =	veq.s32 v27, v29;
	vm1 =	vmor vm3, vm1  }
0x92: {  	v37 =	vsel vm2, $0x7F800000, v37;
	v34 =	vsel vm1, v36, v34;
	v43 =	vsel vm1, v26, v43  }
0x93: {  	vm1 =	veq.f32 v37, v34;
	vm2 =	vlt.s32 v27, v43  }
0x94: {  	vm3 =	vlt.f32 v37, v34;
	vm1 =	vmand vm1, vm2  }
0x95: {  	vm2 =	veq.s32 v28, v29;
	vm1 =	vmor vm3, vm1  }
0x96: {  	v38 =	vsel vm2, $0x7F800000, v38;
	v34 =	vsel vm1, v37, v34;
	v43 =	vsel vm1, v27, v43  }
0x97: {  	vm1 =	veq.f32 v38, v34;
	vm2 =	vlt.s32 v28, v43  }
0x98: {  	vm3 =	vlt.f32 v38, v34;
	vm1 =	vmand vm1, vm2  }
0x99: {  	vm2 =	veq.s32 v30, v29;
	vm1 =	vmor vm3, vm1  }
0x9a: {  	v40 =	vsel vm2, $0x7F800000, v40;
	v34 =	vsel vm1, v38, v34;
	v43 =	vsel vm1, v28, v43  }
0x9b: {  	vm1 =	veq.f32 v40, v34;
	vm2 =	vlt.s32 v30, v43  }
0x9c: {  	vm3 =	vlt.f32 v40, v34;
	vm1 =	vmand vm1, vm2  }
0x9d: {  	vm2 =	veq.s32 v31, v29;
	vm1 =	vmor vm3, vm1  }
0x9e: {  	v42 =	vsel vm2, $0x7F800000, v42;
	v34 =	vsel vm1, v40, v34;
	v43 =	vsel vm1, v30, v43  }
0x9f: {  	vm1 =	veq.f32 v42, v34;
	vm2 =	vlt.s32 v31, v43  }
0xa0: {  	vm3 =	vlt.f32 v42, v34;
	vm1 =	vmand vm1, vm2  }
0xa1: {  	vm2 =	veq.s32 v32, v29;
	vm1 =	vmor vm3, vm1  }
0xa2: {  	v39 =	vsel vm2, $0x7F800000, v39;
	v34 =	vsel vm1, v42, v34;
	v43 =	vsel vm1, v31, v43  }
0xa3: {  	vm1 =	veq.f32 v39, v34;
	vm2 =	vlt.s32 v32, v43  }
0xa4: {  	vm3 =	vlt.f32 v39, v34;
	vm1 =	vmand vm1, vm2  }
0xa5: {  	vm2 =	veq.s32 v33, v29;
	vm1 =	vmor vm3, vm1  }
0xa6: {  	v41 =	vsel vm2, $0x7F800000, v41;
	v34 =	vsel vm1, v39, v34;
	v43 =	vsel vm1, v32, v43  }
0xa7: {  	vm1 =	veq.f32 v41, v34;
	vm2 =	vlt.s32 v33, v43  }
0xa8: {  	vm3 =	vlt.f32 v41, v34;
	vm1 =	vmand vm1, vm2  }
0xa9: {  	vm1 =	vmor vm3, vm1  }
0xaa: {  	v34 =	vsel vm1, v33, v43  }
0xab: {  	vm1 =	veq.s32 v21, v34  }
0xac: {  	v0 =	vsel vm1, $0x7F800000, v0  }
0xad: {  	vm1 =	vlt.f32 v0, $+Inf;
	vm2 =	vgt.f32 v0, $+Inf;
	vm3 =	veq.f32 v0, $+Inf  }
0xae: {  	vm1 =	vmor vm2, vm1;
	vm2 =	vmand vm0, vm3  }
0xaf: {  	vm3 =	veq.s32 v22, v34;
	vm1 =	vmor vm1, vm2  }
0xb0: {  	v1 =	vsel vm3, $0x7F800000, v1;
	v63 =	vnsel vm1, $0x7F800000, v0;
	v48 =	vnsel vm1, $0x40000000, v21  }
0xb1: {  	vm1 =	veq.f32 v1, v63;
	vm2 =	vlt.s32 v22, v48  }
0xb2: {  	vm3 =	vlt.f32 v1, v63;
	vm1 =	vmand vm1, vm2  }
0xb3: {  	vm2 =	veq.s32 v23, v34;
	vm1 =	vmor vm3, vm1  }
0xb4: {  	v2 =	vsel vm2, $0x7F800000, v2;
	v43 =	vsel vm1, v1, v63;
	v44 =	vsel vm1, v22, v48  }
0xb5: {  	vm1 =	veq.f32 v2, v43;
	vm2 =	vlt.s32 v23, v44  }
0xb6: {  	vm3 =	vlt.f32 v2, v43;
	vm1 =	vmand vm1, vm2  }
0xb7: {  	vm2 =	veq.s32 v24, v34;
	vm1 =	vmor vm3, vm1  }
0xb8: {  	v45 =	vsel vm2, $0x7F800000, v45;
	v43 =	vsel vm1, v2, v43;
	v44 =	vsel vm1, v23, v44  }
0xb9: {  	vm1 =	veq.f32 v45, v43;
	vm2 =	vlt.s32 v24, v44  }
0xba: {  	vm3 =	vlt.f32 v45, v43;
	vm1 =	vmand vm1, vm2  }
0xbb: {  	vm2 =	veq.s32 v25, v34;
	vm1 =	vmor vm3, vm1  }
0xbc: {  	v46 =	vsel vm2, $0x7F800000, v35;
	v49 =	vsel vm1, v45, v43;
	v50 =	vsel vm1, v24, v44  }
0xbd: {  	vm1 =	veq.f32 v46, v49;
	vm2 =	vlt.s32 v25, v50  }
0xbe: {  	vm3 =	vlt.f32 v46, v49;
	vm1 =	vmand vm1, vm2  }
0xbf: {  	vm2 =	veq.s32 v26, v34;
	vm1 =	vmor vm3, vm1  }
0xc0: {  	v36 =	vsel vm2, $0x7F800000, v36;
	v35 =	vsel vm1, v46, v49;
	v43 =	vsel vm1, v25, v50  }
0xc1: {  	vm1 =	veq.f32 v36, v35;
	vm2 =	vlt.s32 v26, v43  }
0xc2: {  	vm3 =	vlt.f32 v36, v35;
	vm1 =	vmand vm1, vm2  }
0xc3: {  	vm2 =	veq.s32 v27, v34;
	vm1 =	vmor vm3, vm1  }
0xc4: {  	v37 =	vsel vm2, $0x7F800000, v37;
	v35 =	vsel vm1, v36, v35;
	v43 =	vsel vm1, v26, v43  }
0xc5: {  	vm1 =	veq.f32 v37, v35;
	vm2 =	vlt.s32 v27, v43  }
0xc6: {  	vm3 =	vlt.f32 v37, v35;
	vm1 =	vmand vm1, vm2  }
0xc7: {  	vm2 =	veq.s32 v28, v34;
	vm1 =	vmor vm3, vm1  }
0xc8: {  	v38 =	vsel vm2, $0x7F800000, v38;
	v35 =	vsel vm1, v37, v35;
	v43 =	vsel vm1, v27, v43  }
0xc9: {  	vm1 =	veq.f32 v38, v35;
	vm2 =	vlt.s32 v28, v43  }
0xca: {  	vm3 =	vlt.f32 v38, v35;
	vm1 =	vmand vm1, vm2  }
0xcb: {  	vm2 =	veq.s32 v30, v34;
	vm1 =	vmor vm3, vm1  }
0xcc: {  	v40 =	vsel vm2, $0x7F800000, v40;
	v35 =	vsel vm1, v38, v35;
	v43 =	vsel vm1, v28, v43  }
0xcd: {  	vm1 =	veq.f32 v40, v35;
	vm2 =	vlt.s32 v30, v43  }
0xce: {  	vm3 =	vlt.f32 v40, v35;
	vm1 =	vmand vm1, vm2  }
0xcf: {  	vm2 =	veq.s32 v31, v34;
	vm1 =	vmor vm3, vm1  }
0xd0: {  	v42 =	vsel vm2, $0x7F800000, v42;
	v35 =	vsel vm1, v40, v35;
	v43 =	vsel vm1, v30, v43  }
0xd1: {  	vm1 =	veq.f32 v42, v35;
	vm2 =	vlt.s32 v31, v43  }
0xd2: {  	vm3 =	vlt.f32 v42, v35;
	vm1 =	vmand vm1, vm2  }
0xd3: {  	vm2 =	veq.s32 v32, v34;
	vm1 =	vmor vm3, vm1  }
0xd4: {  	v39 =	vsel vm2, $0x7F800000, v39;
	v35 =	vsel vm1, v42, v35;
	v43 =	vsel vm1, v31, v43  }
0xd5: {  	vm1 =	veq.f32 v39, v35;
	vm2 =	vlt.s32 v32, v43  }
0xd6: {  	vm3 =	vlt.f32 v39, v35;
	vm1 =	vmand vm1, vm2  }
0xd7: {  	vm2 =	veq.s32 v33, v34;
	vm1 =	vmor vm3, vm1  }
0xd8: {  	v41 =	vsel vm2, $0x7F800000, v41;
	v35 =	vsel vm1, v39, v35;
	v43 =	vsel vm1, v32, v43  }
0xd9: {  	vm1 =	veq.f32 v41, v35;
	vm2 =	vlt.s32 v33, v43  }
0xda: {  	vm3 =	vlt.f32 v41, v35;
	vm1 =	vmand vm1, vm2  }
0xdb: {  	vm1 =	vmor vm3, vm1  }
0xdc: {  	v35 =	vsel vm1, v33, v43  }
0xdd: {  	vm1 =	veq.s32 v21, v35  }
0xde: {  	v0 =	vsel vm1, $0x7F800000, v0  }
0xdf: {  	vm1 =	vlt.f32 v0, $+Inf;
	vm2 =	vgt.f32 v0, $+Inf;
	vm3 =	veq.f32 v0, $+Inf  }
0xe0: {  	vm1 =	vmor vm2, vm1;
	vm2 =	vmand vm0, vm3  }
0xe1: {  	vm3 =	veq.s32 v22, v35;
	vm1 =	vmor vm1, vm2  }
0xe2: {  	v1 =	vsel vm3, $0x7F800000, v1;
	v51 =	vnsel vm1, $0x7F800000, v0;
	v52 =	vnsel vm1, $0x40000000, v21  }
0xe3: {  	vm1 =	veq.f32 v1, v51;
	vm2 =	vlt.s32 v22, v52  }
0xe4: {  	vm3 =	vlt.f32 v1, v51;
	vm1 =	vmand vm1, vm2  }
0xe5: {  	vm2 =	veq.s32 v23, v35;
	vm1 =	vmor vm3, vm1  }
0xe6: {  	v2 =	vsel vm2, $0x7F800000, v2;
	v43 =	vsel vm1, v1, v51;
	v44 =	vsel vm1, v22, v52  }
0xe7: {  	vm1 =	veq.f32 v2, v43;
	vm2 =	vlt.s32 v23, v44  }
0xe8: {  	vm3 =	vlt.f32 v2, v43;
	vm1 =	vmand vm1, vm2  }
0xe9: {  	vm2 =	veq.s32 v24, v35;
	vm1 =	vmor vm3, vm1  }
0xea: {  	v45 =	vsel vm2, $0x7F800000, v45;
	v43 =	vsel vm1, v2, v43;
	v44 =	vsel vm1, v23, v44  }
0xeb: {  	vm1 =	veq.f32 v45, v43;
	vm2 =	vlt.s32 v24, v44  }
0xec: {  	vm3 =	vlt.f32 v45, v43;
	vm1 =	vmand vm1, vm2  }
0xed: {  	vm2 =	veq.s32 v25, v35;
	vm1 =	vmor vm3, vm1  }
0xee: {  	v46 =	vsel vm2, $0x7F800000, v46;
	v43 =	vsel vm1, v45, v43;
	v44 =	vsel vm1, v24, v44  }
0xef: {  	vm1 =	veq.f32 v46, v43;
	vm2 =	vlt.s32 v25, v44  }
0xf0: {  	vm3 =	vlt.f32 v46, v43;
	vm1 =	vmand vm1, vm2  }
0xf1: {  	vm2 =	veq.s32 v26, v35;
	vm1 =	vmor vm3, vm1  }
0xf2: {  	v47 =	vsel vm2, $0x7F800000, v36;
	v53 =	vsel vm1, v46, v43;
	v57 =	vsel vm1, v25, v44  }
0xf3: {  	vm1 =	veq.f32 v47, v53;
	vm2 =	vlt.s32 v26, v57  }
0xf4: {  	vm3 =	vlt.f32 v47, v53;
	vm1 =	vmand vm1, vm2  }
0xf5: {  	vm2 =	veq.s32 v27, v35;
	vm1 =	vmor vm3, vm1  }
0xf6: {  	v37 =	vsel vm2, $0x7F800000, v37;
	v36 =	vsel vm1, v47, v53;
	v43 =	vsel vm1, v26, v57  }
0xf7: {  	vm1 =	veq.f32 v37, v36;
	vm2 =	vlt.s32 v27, v43  }
0xf8: {  	vm3 =	vlt.f32 v37, v36;
	vm1 =	vmand vm1, vm2  }
0xf9: {  	vm2 =	veq.s32 v28, v35;
	vm1 =	vmor vm3, vm1  }
0xfa: {  	v38 =	vsel vm2, $0x7F800000, v38;
	v36 =	vsel vm1, v37, v36;
	v43 =	vsel vm1, v27, v43  }
0xfb: {  	vm1 =	veq.f32 v38, v36;
	vm2 =	vlt.s32 v28, v43  }
0xfc: {  	vm3 =	vlt.f32 v38, v36;
	vm1 =	vmand vm1, vm2  }
0xfd: {  	vm2 =	veq.s32 v30, v35;
	vm1 =	vmor vm3, vm1  }
0xfe: {  	v40 =	vsel vm2, $0x7F800000, v40;
	v36 =	vsel vm1, v38, v36;
	v43 =	vsel vm1, v28, v43  }
0xff: {  	vm1 =	veq.f32 v40, v36;
	vm2 =	vlt.s32 v30, v43  }
0x100: {  	vm3 =	vlt.f32 v40, v36;
	vm1 =	vmand vm1, vm2  }
0x101: {  	vm2 =	veq.s32 v31, v35;
	vm1 =	vmor vm3, vm1  }
0x102: {  	v42 =	vsel vm2, $0x7F800000, v42;
	v36 =	vsel vm1, v40, v36;
	v43 =	vsel vm1, v30, v43  }
0x103: {  	vm1 =	veq.f32 v42, v36;
	vm2 =	vlt.s32 v31, v43  }
0x104: {  	vm3 =	vlt.f32 v42, v36;
	vm1 =	vmand vm1, vm2  }
0x105: {  	vm2 =	veq.s32 v32, v35;
	vm1 =	vmor vm3, vm1  }
0x106: {  	v39 =	vsel vm2, $0x7F800000, v39;
	v36 =	vsel vm1, v42, v36;
	v43 =	vsel vm1, v31, v43  }
0x107: {  	vm1 =	veq.f32 v39, v36;
	vm2 =	vlt.s32 v32, v43  }
0x108: {  	vm3 =	vlt.f32 v39, v36;
	vm1 =	vmand vm1, vm2  }
0x109: {  	vm2 =	veq.s32 v33, v35;
	vm1 =	vmor vm3, vm1  }
0x10a: {  	v41 =	vsel vm2, $0x7F800000, v41;
	v36 =	vsel vm1, v39, v36;
	v43 =	vsel vm1, v32, v43  }
0x10b: {  	vm1 =	veq.f32 v41, v36;
	vm2 =	vlt.s32 v33, v43  }
0x10c: {  	vm3 =	vlt.f32 v41, v36;
	vm1 =	vmand vm1, vm2  }
0x10d: {  	vm1 =	vmor vm3, vm1  }
0x10e: {  	v36 =	vsel vm1, v33, v43  }
0x10f: {  	vm1 =	veq.s32 v21, v36  }
0x110: {  	v58 =	vsel vm1, $0x7F800000, v0  }
0x111: {  	vm1 =	vlt.f32 v58, $+Inf;
	vm2 =	vgt.f32 v58, $+Inf;
	vm3 =	veq.f32 v58, $+Inf  }
0x112: {  	vm1 =	vmor vm2, vm1;
	vm2 =	vmand vm0, vm3  }
0x113: {  	vm3 =	veq.s32 v22, v36;
	vm1 =	vmor vm1, vm2  }
0x114: {  	v1 =	vsel vm3, $0x7F800000, v1;
	v0 =	vnsel vm1, $0x7F800000, v58;
	v59 =	vnsel vm1, $0x40000000, v21  }
0x115: {  	vm1 =	veq.f32 v1, v0;
	vm2 =	vlt.s32 v22, v59  }
0x116: {  	vm3 =	vlt.f32 v1, v0;
	vm1 =	vmand vm1, vm2  }
0x117: {  	vm2 =	veq.s32 v23, v36;
	vm1 =	vmor vm3, vm1  }
0x118: {  	v2 =	vsel vm2, $0x7F800000, v2;
	v0 =	vsel vm1, v1, v0;
	v44 =	vsel vm1, v22, v59  }
0x119: {  	vm1 =	veq.f32 v2, v0;
	vm2 =	vlt.s32 v23, v44  }
0x11a: {  	vm3 =	vlt.f32 v2, v0;
	vm1 =	vmand vm1, vm2  }
0x11b: {  	vm2 =	veq.s32 v24, v36;
	vm1 =	vmor vm3, vm1  }
0x11c: {  	v45 =	vsel vm2, $0x7F800000, v45;
	v0 =	vsel vm1, v2, v0;
	v44 =	vsel vm1, v23, v44  }
0x11d: {  	vm1 =	veq.f32 v45, v0;
	vm2 =	vlt.s32 v24, v44  }
0x11e: {  	vm3 =	vlt.f32 v45, v0;
	vm1 =	vmand vm1, vm2  }
0x11f: {  	vm2 =	veq.s32 v25, v36;
	vm1 =	vmor vm3, vm1  }
0x120: {  	v46 =	vsel vm2, $0x7F800000, v46;
	v0 =	vsel vm1, v45, v0;
	v44 =	vsel vm1, v24, v44  }
0x121: {  	vm1 =	veq.f32 v46, v0;
	vm2 =	vlt.s32 v25, v44  }
0x122: {  	vm3 =	vlt.f32 v46, v0;
	vm1 =	vmand vm1, vm2  }
0x123: {  	vm2 =	veq.s32 v26, v36;
	vm1 =	vmor vm3, vm1  }
0x124: {  	v47 =	vsel vm2, $0x7F800000, v47;
	v0 =	vsel vm1, v46, v0;
	v44 =	vsel vm1, v25, v44  }
0x125: {  	vm1 =	veq.f32 v47, v0;
	vm2 =	vlt.s32 v26, v44  }
0x126: {  	vm3 =	vlt.f32 v47, v0;
	vm1 =	vmand vm1, vm2  }
0x127: {  	vm2 =	veq.s32 v27, v36;
	vm1 =	vmor vm3, vm1  }
0x128: {  	v37 =	vsel vm2, $0x7F800000, v37;
	v0 =	vsel vm1, v47, v0;
	v44 =	vsel vm1, v26, v44  }
0x129: {  	vm1 =	veq.f32 v37, v0;
	vm2 =	vlt.s32 v27, v44  }
0x12a: {  	vm3 =	vlt.f32 v37, v0;
	vm1 =	vmand vm1, vm2  }
0x12b: {  	vm2 =	veq.s32 v28, v36;
	vm1 =	vmor vm3, vm1  }
0x12c: {  	v38 =	vsel vm2, $0x7F800000, v38;
	v0 =	vsel vm1, v37, v0;
	v44 =	vsel vm1, v27, v44  }
0x12d: {  	vm1 =	veq.f32 v38, v0;
	vm2 =	vlt.s32 v28, v44  }
0x12e: {  	vm3 =	vlt.f32 v38, v0;
	vm1 =	vmand vm1, vm2  }
0x12f: {  	vm2 =	veq.s32 v30, v36;
	vm1 =	vmor vm3, vm1  }
0x130: {  	v40 =	vsel vm2, $0x7F800000, v40;
	v0 =	vsel vm1, v38, v0;
	v44 =	vsel vm1, v28, v44  }
0x131: {  	vm1 =	veq.f32 v40, v0;
	vm2 =	vlt.s32 v30, v44  }
0x132: {  	vm3 =	vlt.f32 v40, v0;
	vm1 =	vmand vm1, vm2  }
0x133: {  	vm2 =	veq.s32 v31, v36;
	vm1 =	vmor vm3, vm1  }
0x134: {  	v42 =	vsel vm2, $0x7F800000, v42;
	v0 =	vsel vm1, v40, v0;
	v44 =	vsel vm1, v30, v44  }
0x135: {  	vm1 =	veq.f32 v42, v0;
	vm2 =	vlt.s32 v31, v44  }
0x136: {  	vm3 =	vlt.f32 v42, v0;
	vm1 =	vmand vm1, vm2  }
0x137: {  	vm2 =	veq.s32 v32, v36;
	vm1 =	vmor vm3, vm1  }
0x138: {  	v39 =	vsel vm2, $0x7F800000, v39;
	v0 =	vsel vm1, v42, v0;
	v44 =	vsel vm1, v31, v44  }
0x139: {  	vm1 =	veq.f32 v39, v0;
	vm2 =	vlt.s32 v32, v44  }
0x13a: {  	vm3 =	vlt.f32 v39, v0;
	vm1 =	vmand vm1, vm2  }
0x13b: {  	vm2 =	veq.s32 v33, v36;
	vm1 =	vmor vm3, vm1  }
0x13c: {  	v41 =	vsel vm2, $0x7F800000, v41;
	v0 =	vsel vm1, v39, v0;
	v44 =	vsel vm1, v32, v44  }
0x13d: {  	vm1 =	veq.f32 v41, v0;
	vm2 =	vlt.s32 v33, v44  }
0x13e: {  	vm3 =	vlt.f32 v41, v0;
	vm1 =	vmand vm1, vm2  }
0x13f: {  	vm1 =	vmor vm3, vm1  }
0x140: {  	v0 =	vsel vm1, v33, v44  }
0x141: {  	vm1 =	veq.s32 v21, v0  }
0x142: {  	v43 =	vsel vm1, $0x7F800000, v58  }
0x143: {  	vm1 =	vlt.f32 v43, $+Inf;
	vm2 =	vgt.f32 v43, $+Inf;
	vm3 =	veq.f32 v43, $+Inf  }
0x144: {  	vm1 =	vmor vm2, vm1;
	vm0 =	vmand vm0, vm3  }
0x145: {  	vm0 =	vmor vm1, vm0;
	vm1 =	veq.s32 v22, v0  }
0x146: {  	v1 =	vsel vm1, $0x7F800000, v1;
	v43 =	vnsel vm0, $0x7F800000, v43;
	v21 =	vnsel vm0, $0x40000000, v21  }
0x147: {  	vm0 =	veq.f32 v1, v43;
	vm1 =	vlt.s32 v22, v21  }
0x148: {  	vm0 =	vmand vm0, vm1;
	vm1 =	vlt.f32 v1, v43  }
0x149: {  	vm0 =	vmor vm1, vm0;
	vm1 =	veq.s32 v23, v0  }
0x14a: {  	v2 =	vsel vm1, $0x7F800000, v2;
	v1 =	vsel vm0, v1, v43;
	v21 =	vsel vm0, v22, v21  }
0x14b: {  	vm0 =	veq.f32 v2, v1;
	vm1 =	vlt.s32 v23, v21  }
0x14c: {  	vm0 =	vmand vm0, vm1;
	vm1 =	vlt.f32 v2, v1  }
0x14d: {  	vm0 =	vmor vm1, vm0;
	vm1 =	veq.s32 v24, v0  }
0x14e: {  	v22 =	vsel vm1, $0x7F800000, v45;
	v1 =	vsel vm0, v2, v1;
	v2 =	vsel vm0, v23, v21  }
0x14f: {  	vm0 =	veq.f32 v22, v1;
	vm1 =	vlt.s32 v24, v2  }
0x150: {  	vm0 =	vmand vm0, vm1;
	vm1 =	vlt.f32 v22, v1  }
0x151: {  	vm0 =	vmor vm1, vm0;
	vm1 =	veq.s32 v25, v0  }
0x152: {  	v21 =	vsel vm1, $0x7F800000, v46;
	v1 =	vsel vm0, v22, v1;
	v2 =	vsel vm0, v24, v2  }
0x153: {  	vm0 =	veq.f32 v21, v1;
	vm1 =	vlt.s32 v25, v2  }
0x154: {  	vm0 =	vmand vm0, vm1;
	vm1 =	vlt.f32 v21, v1  }
0x155: {  	vm0 =	vmor vm1, vm0;
	vm1 =	veq.s32 v26, v0  }
0x156: {  	v22 =	vsel vm1, $0x7F800000, v47;
	v1 =	vsel vm0, v21, v1;
	v2 =	vsel vm0, v25, v2  }
0x157: {  	vm0 =	veq.f32 v22, v1;
	vm1 =	vlt.s32 v26, v2  }
0x158: {  	vm0 =	vmand vm0, vm1;
	vm1 =	vlt.f32 v22, v1  }
0x159: {  	vm0 =	vmor vm1, vm0;
	vm1 =	veq.s32 v27, v0  }
0x15a: {  	v21 =	vsel vm1, $0x7F800000, v37;
	v1 =	vsel vm0, v22, v1;
	v2 =	vsel vm0, v26, v2  }
0x15b: {  	v63 =	vor.u32 s6, v14;
	vm0 =	veq.f32 v21, v1;
	vm1 =	vlt.s32 v27, v2  }
0x15c: {  	v48 =	vor.u32 s6, v17;
	vm0 =	vmand vm0, vm1;
	vm1 =	vlt.f32 v21, v1  }
0x15d: {  	v49 =	vperm.xlane v29, v15;
	vm0 =	vmor vm1, vm0;
	vm1 =	veq.s32 v28, v0  }
0x15e: {  	v22 =	vsel vm1, $0x7F800000, v38;
	v1 =	vsel vm0, v21, v1;
	v2 =	vsel vm0, v27, v2  }
0x15f: {  	v50 =	vperm.xlane v29, v12;
	vm0 =	veq.f32 v22, v1;
	vm1 =	vlt.s32 v28, v2  }
0x160: {  	v61 =	vperm.xlane v35, v17;
	vm0 =	vmand vm0, vm1;
	vm1 =	vlt.f32 v22, v1  }
0x161: {  	v51 =	vor.u32 s6, v12;
	vm0 =	vmor vm1, vm0;
	vm1 =	veq.s32 v30, v0  }
0x162: {  	v21 =	vsel vm1, $0x7F800000, v40;
	v1 =	vsel vm0, v22, v1;
	v2 =	vsel vm0, v28, v2  }
0x163: {  	v52 =	vperm.xlane v29, v16;
	vm0 =	veq.f32 v21, v1;
	vm1 =	vlt.s32 v30, v2  }
0x164: {  	v53 =	vperm.xlane v29, v13;
	vm0 =	vmand vm0, vm1;
	vm1 =	vlt.f32 v21, v1  }
0x165: {  	v59 =	vperm.xlane v29, v14;
	vm0 =	vmor vm1, vm0;
	vm1 =	veq.s32 v31, v0  }
0x166: {  	v23 =	vsel vm1, $0x7F800000, v42;
	v1 =	vsel vm0, v21, v1;
	v2 =	vsel vm0, v30, v2  }
0x167: {  	v29 =	vperm.xlane v29, v17;
	vm0 =	veq.f32 v23, v1;
	vm1 =	vlt.s32 v31, v2  }
0x168: {  	v62 =	vperm.xlane v0, v13;
	vm0 =	vmand vm0, vm1;
	vm1 =	vlt.f32 v23, v1  }
0x169: {  	v44 =	vperm.xlane v0, v15;
	vm0 =	vmor vm1, vm0;
	vm1 =	veq.s32 v32, v0  }
0x16a: {  	v26 =	vsel vm1, $0x7F800000, v39;
	v1 =	vsel vm0, v23, v1;
	v2 =	vsel vm0, v31, v2  }
0x16b: {  	v57 =	vperm.xlane v0, v14;
	vm0 =	veq.f32 v26, v1;
	vm1 =	vlt.s32 v32, v2  }
0x16c: {  	v58 =	vor.u32 s6, v13;
	vm0 =	vmand vm0, vm1;
	vm1 =	vlt.f32 v26, v1  }
0x16d: {  	v24 =	vperm.xlane v34, v14;
	vm0 =	vmor vm1, vm0;
	vm1 =	veq.s32 v33, v0  }
0x16e: {  	v60 =	vsel vm1, $0x7F800000, v41;
	v1 =	vsel vm0, v26, v1;
	v2 =	vsel vm0, v32, v2  }
0x16f: {  	v24 =	vsel vm5, v59, v24;
	vm0 =	veq.f32 v60, v1;
	vm1 =	vlt.s32 v33, v2  }
0x170: {  	v22 =	vperm.xlane v34, v13;
	vm0 =	vmand vm0, vm1;
	vm1 =	vlt.f32 v60, v1;
	v60 =	vld [tilespmem:$0x1FF20]  }
0x171: {  	v25 =	vperm.xlane v34, v16;
	v37 =	vor.u32 s6, v16;
	v28 =	vperm.xlane v35, v13  }
0x172: {  	v27 =	vperm.xlane v35, v12;
	v22 =	vsel vm9, v53, v22;
	v21 =	vperm.xlane v34, v12  }
0x173: {  	v38 =	vperm.xlane v36, v17;
	v40 =	vor.u32 s6, v15;
	v22 =	vsel vm13, v22, v28  }
0x174: {  	v30 =	vperm.xlane v36, v13;
	v21 =	vsel vm9, v50, v21;
	vm0 =	vmor vm1, vm0  }
0x175: {  	v26 =	vperm.xlane v35, v16;
	v32 =	vsel vm0, v33, v2;
	vm0 =	vnez.u8 v60  }
0x176: {  	v21 =	vsel vm13, v21, v27;
	v23 =	vperm.xlane v34, v15;
	v25 =	vsel vm0, v52, v25  }
0x177: {  	v34 =	vperm.xlane v34, v17;
	v25 =	vsel vm9, v26, v25;
	v26 =	vperm.xlane v35, v15  }
0x178: {  	v27 =	vperm.xlane v36, v15;
	v23 =	vsel vm5, v49, v23;
	v1 =	vperm.xlane v36, v16  }
0x179: {  	v41 =	vperm.xlane v0, v17;
	v29 =	vsel vm0, v29, v34;
	v23 =	vsel vm10, v23, v26  }
0x17a: {  	v29 =	vsel vm9, v61, v29;
	v1 =	vsel vm7, v25, v1;
	v27 =	vsel vm8, v23, v27  }
0x17b: {  	v26 =	vsel vm7, v29, v38;
	v25 =	vsel vm9, v44, v27;
	v27 =	vperm.xlane v32, v17  }
0x17c: {  	s22 =	simm.s32 $0x50;
	v22 =	vsel vm11, v22, v30;
	v2 =	vperm.xlane v36, v12;
	v26 =	vsel vm6, v26, v41  }
0x17d: {  	[tilespmem:s22+$0xA40] =	vst v63;
	v39 =	vperm.xlane v0, v12;
	v61 =	vperm.xlane v35, v14;
	v26 =	vsel vm4, v26, v27;
	v27 =	vld [tilespmem:$0x1FF10]  }
0x17e: {  	[tilespmem:s22+$0xA80] =	vst v48;
	v0 =	vperm.xlane v0, v16;
	v33 =	vperm.xlane v36, v14;
	v21 =	vsel vm11, v21, v2  }
0x17f: {  	[tilespmem:s22+$0xA30] =	vst v51;
	v63 =	vperm.xlane v32, v15;
	v21 =	vsel vm12, v21, v39;
	v24 =	vsel vm10, v24, v61  }
0x180: {  	[tilespmem:s22+$0xA60] =	vst v58;
	v24 =	vsel vm8, v24, v33;
	v23 =	vsel vm6, v1, v0;
	v0 =	vsel vm12, v22, v62  }
0x181: {  	[tilespmem:s22+$0xA50] =	vst v37;
	v62 =	vperm.xlane v32, v12;
	v2 =	vsel vm9, v57, v24;
	v24 =	vperm.xlane v32, v13  }
0x182: {  	s18 =	simm.s32 $0xC10;
	s19 =	simm.s32 $0x2C0;
	[tilespmem:s22+$0xA70] =	vst v40;
	v1 =	vperm.xlane v32, v14;
	v22 =	vperm.xlane v32, v16;
	vm11 =	vnez.u8 v27  }
0x183: {  	s20 =	smov.u32 s6;
	s21 =	smov.u32 s7;
	s17 =	simm.s32 $0xC10;
	[tilespmem:s22+$0x900] =	vst v26;
	v21 =	vsel vm11, v21, v62;
	v24 =	vsel vm11, v0, v24;
	v0 =	vsel vm15, v25, v63  }
.LBB2_2:
0x184: {  	[tilespmem:s22+$0x8E0] =	vst v24  }
0x185: {  	[tilespmem:s22+$0x8B0] =	vst v21  }
0x186: {  	[tilespmem:s22+$0x8F0] =	vst v0;
	v1 =	vsel vm15, v2, v1;
	v2 =	vsel vm4, v23, v22  }
0x187: {  	v0 =	vperm.xlane v20, v55;
	[tilespmem:s22+$0x8D0] =	vst v2  }
0x188: {  	v2 =	vperm.xlane v20, v56;
	[tilespmem:s22+$0x8C0] =	vst v1  }
0x189: {  	[tilespmem:s17+$0xFFFFFFF0] =	vst v0  }
0x18a: {  	s21 =	sadd.s32 $0x10, s21;
	[tilespmem:s17+$0x0] =	vst v2  }
0x18b: {  	v22 =	vld [tilespmem:s21+$0xFFFFFFFE]  }
0x18c: {  	v21 =	vld [tilespmem:s21+$0xFFFFFFFD]  }
0x18d: {  	v23 =	vld [tilespmem:s21+$0xFFFFFFFC]  }
0x18e: {  	v20 =	vld [tilespmem:s21+$0x1]  }
0x18f: {  	v24 =	vld [tilespmem:s21+$0xFFFFFFFB];
	_ =	sdelay $0x1  }
0x190: {  	s20 =	sadd.s32 $0x10, s20  }
0x191: {  	v28 =	vor.u32 s20, v13;
	v25 =	vld [tilespmem:s21+$0xFFFFFFFF]  }
0x192: {  	v30 =	vor.u32 s20, v12;
	v23 =	vsub.f32 v20, v23;
	v26 =	vsub.f32 v20, v21  }
0x193: {  	v24 =	vsub.f32 v20, v24;
	v27 =	vsub.f32 v20, v22;
	v22 =	vadd.s32 s20, v54  }
0x194: {  	v31 =	vld [tilespmem:s21+$0x0];
	v21 =	vadd.s32 s20, v3;
	vm0 =	vlt.u32 v22, $0x800;
	v23 =	vand.u32 $0x7FFFFFFF, v23  }
0x195: {  	v26 =	vand.u32 $0x7FFFFFFF, v26;
	v24 =	vand.u32 $0x7FFFFFFF, v24;
	v27 =	vand.u32 $0x7FFFFFFF, v27  }
0x196: {  	v34 =	vnsel vm0, $0x7F800000, v24;
	v24 =	vsub.f32 v20, v25;
	vm0 =	vlt.s32 v22, $0x40000000  }
0x197: {  	vm1 =	vlt.f32 v34, $+Inf;
	vm2 =	vgt.f32 v34, $+Inf;
	vm3 =	veq.f32 v34, $+Inf  }
0x198: {  	v32 =	vand.u32 $0x7FFFFFFF, v24;
	v24 =	vld [tilespmem:s21+$0x2];
	vm1 =	vmor vm2, vm1;
	vm2 =	vmand vm0, vm3  }
0x199: {  	v25 =	vsub.f32 v20, v31;
	vm3 =	vlt.u32 v21, $0x800;
	vm1 =	vmor vm1, vm2  }
0x19a: {  	v35 =	vnsel vm3, $0x7F800000, v23;
	v52 =	vnsel vm1, $0x7F800000, v34;
	v33 =	vnsel vm1, $0x40000000, v22  }
0x19b: {  	v39 =	vand.u32 $0x7FFFFFFF, v25;
	vm1 =	veq.f32 v35, v52;
	vm2 =	vlt.s32 v21, v33  }
0x19c: {  	v25 =	vld [tilespmem:s21+$0x3];
	v23 =	vadd.s32 s20, v4;
	vm3 =	vlt.f32 v35, v52;
	vm1 =	vmand vm1, vm2  }
0x19d: {  	vm2 =	vlt.u32 v23, $0x800;
	v24 =	vsub.f32 v20, v24;
	vm1 =	vmor vm3, vm1  }
0x19e: {  	v36 =	vnsel vm2, $0x7F800000, v26;
	v26 =	vsel vm1, v35, v52;
	v53 =	vsel vm1, v21, v33  }
0x19f: {  	v57 =	vand.u32 $0x7FFFFFFF, v24;
	vm1 =	veq.f32 v36, v26;
	vm2 =	vlt.s32 v23, v53  }
0x1a0: {  	v38 =	vld [tilespmem:s21+$0x4];
	v24 =	vadd.s32 s20, v5;
	vm3 =	vlt.f32 v36, v26;
	vm1 =	vmand vm1, vm2  }
0x1a1: {  	v25 =	vsub.f32 v20, v25;
	vm2 =	vlt.u32 v24, $0x800;
	vm1 =	vmor vm3, vm1  }
0x1a2: {  	v37 =	vnsel vm2, $0x7F800000, v27;
	v26 =	vsel vm1, v36, v26;
	v27 =	vsel vm1, v23, v53  }
0x1a3: {  	v58 =	vand.u32 $0x7FFFFFFF, v25;
	vm1 =	veq.f32 v37, v26;
	vm2 =	vlt.s32 v24, v27  }
0x1a4: {  	v25 =	vadd.s32 s20, v6;
	vm3 =	vlt.f32 v37, v26;
	vm1 =	vmand vm1, vm2  }
0x1a5: {  	v41 =	vsub.f32 v20, v38;
	vm2 =	vlt.u32 v25, $0x800;
	vm1 =	vmor vm3, vm1  }
0x1a6: {  	v40 =	vld [tilespmem:s21+$0x5];
	v38 =	vnsel vm2, $0x7F800000, v32;
	v59 =	vsel vm1, v37, v26;
	v27 =	vsel vm1, v24, v27  }
0x1a7: {  	v1 =	vor.u32 s20, v17;
	vm1 =	veq.f32 v38, v59;
	vm2 =	vlt.s32 v25, v27  }
0x1a8: {  	v26 =	vadd.s32 s20, v7;
	vm3 =	vlt.f32 v38, v59;
	vm1 =	vmand vm1, vm2  }
0x1a9: {  	v0 =	vor.u32 s20, v15;
	vm2 =	vlt.u32 v26, $0x800;
	vm1 =	vmor vm3, vm1  }
0x1aa: {  	v39 =	vnsel vm2, $0x7F800000, v39;
	v32 =	vsel vm1, v38, v59;
	v43 =	vsel vm1, v25, v27  }
0x1ab: {  	v40 =	vsub.f32 v20, v40;
	vm1 =	veq.f32 v39, v32;
	vm2 =	vlt.s32 v26, v43  }
0x1ac: {  	v27 =	vadd.s32 s20, v8;
	vm3 =	vlt.f32 v39, v32;
	vm1 =	vmand vm1, vm2  }
0x1ad: {  	v44 =	vand.u32 $0x7FFFFFFF, v40;
	vm2 =	vlt.u32 v27, $0x800;
	vm1 =	vmor vm3, vm1  }
0x1ae: {  	s23 =	smov.u32 s19;
	v45 =	vld [tilespmem:s21+$0x7];
	v40 =	vnsel vm2, $0x7F800000, v57;
	v32 =	vsel vm1, v39, v32;
	v61 =	vsel vm1, v26, v43  }
0x1af: {  	s22 =	sshra.s32 s23, $0x2;
	v2 =	vor.u32 s20, v16;
	vm1 =	veq.f32 v40, v32;
	vm2 =	vlt.s32 v27, v61  }
0x1b0: {  	v60 =	vld [tilespmem:s21+$0x6];
	[tilespmem:s22+$0xA30] =	vst v30;
	v30 =	vadd.s32 s20, v9;
	vm3 =	vlt.f32 v40, v32;
	vm1 =	vmand vm1, vm2  }
0x1b1: {  	v42 =	vand.u32 $0x7FFFFFFF, v41;
	vm2 =	vlt.u32 v30, $0x800;
	vm1 =	vmor vm3, vm1  }
0x1b2: {  	[tilespmem:s22+$0xA70] =	vst v0;
	v63 =	vnsel vm2, $0x7F800000, v58;
	v0 =	vsel vm1, v40, v32;
	v51 =	vsel vm1, v27, v61  }
0x1b3: {  	[tilespmem:s22+$0xA50] =	vst v2;
	v2 =	vsub.f32 v20, v45;
	vm1 =	veq.f32 v63, v0;
	vm2 =	vlt.s32 v30, v51  }
0x1b4: {  	v32 =	vadd.s32 s20, v10;
	vm3 =	vlt.f32 v63, v0;
	vm1 =	vmand vm1, vm2  }
0x1b5: {  	[tilespmem:s22+$0xA80] =	vst v1;
	v1 =	vand.u32 $0x7FFFFFFF, v2;
	vm2 =	vlt.u32 v32, $0x800;
	vm1 =	vmor vm3, vm1  }
0x1b6: {  	[tilespmem:s22+$0xA60] =	vst v28;
	v42 =	vnsel vm2, $0x7F800000, v42;
	v2 =	vsel vm1, v63, v0;
	v28 =	vsel vm1, v30, v51  }
0x1b7: {  	vm1 =	veq.f32 v42, v2;
	vm2 =	vlt.s32 v32, v28  }
0x1b8: {  	v31 =	vadd.s32 s20, v11;
	vm3 =	vlt.f32 v42, v2;
	vm1 =	vmand vm1, vm2  }
0x1b9: {  	vm2 =	vlt.u32 v31, $0x800;
	vm1 =	vmor vm3, vm1  }
0x1ba: {  	v0 =	vnsel vm2, $0x7F800000, v44;
	v52 =	vsel vm1, v42, v2;
	v53 =	vsel vm1, v32, v28  }
0x1bb: {  	v41 =	vsub.f32 v20, v60;
	vm1 =	veq.f32 v0, v52;
	vm2 =	vlt.s32 v31, v53  }
0x1bc: {  	v28 =	vadd.s32 s20, v18;
	vm3 =	vlt.f32 v0, v52;
	vm1 =	vmand vm1, vm2  }
0x1bd: {  	v62 =	vand.u32 $0x7FFFFFFF, v41;
	vm2 =	vlt.u32 v28, $0x800;
	vm1 =	vmor vm3, vm1  }
0x1be: {  	v2 =	vnsel vm2, $0x7F800000, v62;
	v33 =	vsel vm1, v0, v52;
	v43 =	vsel vm1, v31, v53  }
0x1bf: {  	v29 =	vor.u32 s20, v14;
	vm1 =	veq.f32 v2, v33;
	vm2 =	vlt.s32 v28, v43  }
0x1c0: {  	[tilespmem:s22+$0xA40] =	vst v29;
	v29 =	vadd.s32 s20, v19;
	vm3 =	vlt.f32 v2, v33;
	vm1 =	vmand vm1, vm2  }
0x1c1: {  	vm2 =	vlt.u32 v29, $0x800;
	vm1 =	vmor vm3, vm1  }
0x1c2: {  	v47 =	vnsel vm2, $0x7F800000, v1;
	v1 =	vsel vm1, v2, v33;
	v57 =	vsel vm1, v28, v43  }
0x1c3: {  	vm1 =	veq.f32 v47, v1;
	vm2 =	vlt.s32 v29, v57  }
0x1c4: {  	vm3 =	vlt.f32 v47, v1;
	vm1 =	vmand vm1, vm2  }
0x1c5: {  	vm1 =	vmor vm3, vm1  }
0x1c6: {  	v33 =	vsel vm1, v29, v57  }
0x1c7: {  	vm1 =	veq.s32 v22, v33  }
0x1c8: {  	v48 =	vsel vm1, $0x7F800000, v34  }
0x1c9: {  	vm1 =	vlt.f32 v48, $+Inf;
	vm3 =	vgt.f32 v48, $+Inf;
	vm4 =	veq.f32 v48, $+Inf  }
0x1ca: {  	vm1 =	vmor vm3, vm1;
	vm11 =	vmand vm0, vm4  }
0x1cb: {  	vm2 =	veq.s32 v21, v33;
	vm1 =	vmor vm1, vm11  }
0x1cc: {  	v35 =	vsel vm2, $0x7F800000, v35;
	v1 =	vnsel vm1, $0x7F800000, v48;
	v58 =	vnsel vm1, $0x40000000, v22  }
0x1cd: {  	vm1 =	veq.f32 v35, v1;
	vm11 =	vlt.s32 v21, v58  }
0x1ce: {  	vm9 =	vlt.f32 v35, v1;
	vm10 =	vmand vm1, vm11  }
0x1cf: {  	vm8 =	veq.s32 v23, v33;
	vm9 =	vmor vm9, vm10  }
0x1d0: {  	v36 =	vsel vm8, $0x7F800000, v36;
	v59 =	vsel vm9, v35, v1;
	v34 =	vsel vm9, v21, v58  }
0x1d1: {  	vm8 =	veq.f32 v36, v59;
	vm9 =	vlt.s32 v23, v34  }
0x1d2: {  	vm10 =	vlt.f32 v36, v59;
	vm8 =	vmand vm8, vm9  }
0x1d3: {  	vm7 =	veq.s32 v24, v33;
	vm8 =	vmor vm10, vm8  }
0x1d4: {  	v1 =	vsel vm7, $0x7F800000, v37;
	v60 =	vsel vm8, v36, v59;
	v34 =	vsel vm8, v23, v34  }
0x1d5: {  	vm7 =	veq.f32 v1, v60;
	vm8 =	vlt.s32 v24, v34  }
0x1d6: {  	vm9 =	vlt.f32 v1, v60;
	vm7 =	vmand vm7, vm8  }
0x1d7: {  	vm6 =	veq.s32 v25, v33;
	vm7 =	vmor vm9, vm7  }
0x1d8: {  	v61 =	vsel vm6, $0x7F800000, v38;
	v37 =	vsel vm7, v1, v60;
	v34 =	vsel vm7, v24, v34  }
0x1d9: {  	vm6 =	veq.f32 v61, v37;
	vm7 =	vlt.s32 v25, v34  }
0x1da: {  	vm8 =	vlt.f32 v61, v37;
	vm6 =	vmand vm6, vm7  }
0x1db: {  	vm5 =	veq.s32 v26, v33;
	vm6 =	vmor vm8, vm6  }
0x1dc: {  	v62 =	vsel vm5, $0x7F800000, v39;
	v37 =	vsel vm6, v61, v37;
	v34 =	vsel vm6, v25, v34  }
0x1dd: {  	vm5 =	veq.f32 v62, v37;
	vm6 =	vlt.s32 v26, v34  }
0x1de: {  	vm7 =	vlt.f32 v62, v37;
	vm5 =	vmand vm5, vm6  }
0x1df: {  	vm4 =	veq.s32 v27, v33;
	vm5 =	vmor vm7, vm5  }
0x1e0: {  	v40 =	vsel vm4, $0x7F800000, v40;
	v37 =	vsel vm5, v62, v37;
	v34 =	vsel vm5, v26, v34  }
0x1e1: {  	vm4 =	veq.f32 v40, v37;
	vm5 =	vlt.s32 v27, v34  }
0x1e2: {  	vm6 =	vlt.f32 v40, v37;
	vm4 =	vmand vm4, vm5  }
0x1e3: {  	vm3 =	veq.s32 v30, v33;
	vm4 =	vmor vm6, vm4  }
0x1e4: {  	v41 =	vsel vm3, $0x7F800000, v63;
	v37 =	vsel vm4, v40, v37;
	v34 =	vsel vm4, v27, v34  }
0x1e5: {  	vm3 =	veq.f32 v41, v37;
	vm4 =	vlt.s32 v30, v34  }
0x1e6: {  	vm5 =	vlt.f32 v41, v37;
	vm3 =	vmand vm3, vm4  }
0x1e7: {  	vm12 =	veq.s32 v32, v33;
	vm3 =	vmor vm5, vm3  }
0x1e8: {  	v42 =	vsel vm12, $0x7F800000, v42;
	v37 =	vsel vm3, v41, v37;
	v34 =	vsel vm3, v30, v34  }
0x1e9: {  	vm3 =	veq.f32 v42, v37;
	vm4 =	vlt.s32 v32, v34  }
0x1ea: {  	vm5 =	vlt.f32 v42, v37;
	vm3 =	vmand vm3, vm4  }
0x1eb: {  	vm2 =	veq.s32 v31, v33;
	vm3 =	vmor vm5, vm3  }
0x1ec: {  	v63 =	vsel vm2, $0x7F800000, v0;
	v0 =	vsel vm3, v42, v37;
	v34 =	vsel vm3, v32, v34  }
0x1ed: {  	vm2 =	veq.f32 v63, v0;
	vm3 =	vlt.s32 v31, v34  }
0x1ee: {  	vm4 =	vlt.f32 v63, v0;
	vm2 =	vmand vm2, vm3  }
0x1ef: {  	vm1 =	veq.s32 v28, v33;
	vm2 =	vmor vm4, vm2  }
0x1f0: {  	v46 =	vsel vm1, $0x7F800000, v2;
	v0 =	vsel vm2, v63, v0;
	v2 =	vsel vm2, v31, v34  }
0x1f1: {  	vm1 =	veq.f32 v46, v0;
	vm2 =	vlt.s32 v28, v2  }
0x1f2: {  	vm3 =	vlt.f32 v46, v0;
	vm1 =	vmand vm1, vm2  }
0x1f3: {  	vm11 =	veq.s32 v29, v33;
	vm1 =	vmor vm3, vm1  }
0x1f4: {  	v47 =	vsel vm11, $0x7F800000, v47;
	v0 =	vsel vm1, v46, v0;
	v2 =	vsel vm1, v28, v2  }
0x1f5: {  	vm1 =	veq.f32 v47, v0;
	vm2 =	vlt.s32 v29, v2  }
0x1f6: {  	vm3 =	vlt.f32 v47, v0;
	vm1 =	vmand vm1, vm2  }
0x1f7: {  	vm1 =	vmor vm3, vm1  }
0x1f8: {  	v34 =	vsel vm1, v29, v2  }
0x1f9: {  	vm1 =	veq.s32 v22, v34  }
0x1fa: {  	v48 =	vsel vm1, $0x7F800000, v48  }
0x1fb: {  	vm1 =	vlt.f32 v48, $+Inf;
	vm3 =	vgt.f32 v48, $+Inf;
	vm4 =	veq.f32 v48, $+Inf  }
0x1fc: {  	vm1 =	vmor vm3, vm1;
	vm9 =	vmand vm0, vm4  }
0x1fd: {  	vm2 =	veq.s32 v21, v34;
	vm1 =	vmor vm1, vm9  }
0x1fe: {  	v49 =	vsel vm2, $0x7F800000, v35;
	v0 =	vnsel vm1, $0x7F800000, v48;
	v2 =	vnsel vm1, $0x40000000, v22  }
0x1ff: {  	vm9 =	veq.f32 v49, v0;
	vm10 =	vlt.s32 v21, v2  }
0x200: {  	vm13 =	vlt.f32 v49, v0;
	vm9 =	vmand vm9, vm10  }
0x201: {  	vm8 =	veq.s32 v23, v34;
	vm9 =	vmor vm13, vm9  }
0x202: {  	v50 =	vsel vm8, $0x7F800000, v36;
	v0 =	vsel vm9, v49, v0;
	v2 =	vsel vm9, v21, v2  }
0x203: {  	vm8 =	veq.f32 v50, v0;
	vm9 =	vlt.s32 v23, v2  }
0x204: {  	vm10 =	vlt.f32 v50, v0;
	vm8 =	vmand vm8, vm9  }
0x205: {  	vm7 =	veq.s32 v24, v34;
	vm8 =	vmor vm10, vm8  }
0x206: {  	v51 =	vsel vm7, $0x7F800000, v1;
	v1 =	vsel vm8, v50, v0;
	v2 =	vsel vm8, v23, v2  }
0x207: {  	vm7 =	veq.f32 v51, v1;
	vm8 =	vlt.s32 v24, v2  }
0x208: {  	vm9 =	vlt.f32 v51, v1;
	vm7 =	vmand vm7, vm8  }
0x209: {  	vm6 =	veq.s32 v25, v34;
	vm7 =	vmor vm9, vm7  }
0x20a: {  	v0 =	vsel vm6, $0x7F800000, v61;
	v53 =	vsel vm7, v51, v1;
	v2 =	vsel vm7, v24, v2  }
0x20b: {  	vm6 =	veq.f32 v0, v53;
	vm7 =	vlt.s32 v25, v2  }
0x20c: {  	vm8 =	vlt.f32 v0, v53;
	vm6 =	vmand vm6, vm7  }
0x20d: {  	vm5 =	veq.s32 v26, v34;
	vm6 =	vmor vm8, vm6  }
0x20e: {  	v1 =	vsel vm5, $0x7F800000, v62;
	v43 =	vsel vm6, v0, v53;
	v57 =	vsel vm6, v25, v2  }
0x20f: {  	vm5 =	veq.f32 v1, v43;
	vm6 =	vlt.s32 v26, v57  }
0x210: {  	vm7 =	vlt.f32 v1, v43;
	vm5 =	vmand vm5, vm6  }
0x211: {  	vm4 =	veq.s32 v27, v34;
	vm5 =	vmor vm7, vm5  }
0x212: {  	v2 =	vsel vm4, $0x7F800000, v40;
	v58 =	vsel vm5, v1, v43;
	v59 =	vsel vm5, v26, v57  }
0x213: {  	vm4 =	veq.f32 v2, v58;
	vm5 =	vlt.s32 v27, v59  }
0x214: {  	vm6 =	vlt.f32 v2, v58;
	vm4 =	vmand vm4, vm5  }
0x215: {  	v36 =	vmovc v11;
	v11 =	vmov v8;
	vm3 =	veq.s32 v30, v34;
	vm4 =	vmor vm6, vm4  }
0x216: {  	v8 =	vmovc v5;
	v5 =	vmovc v54;
	v54 =	vsel vm3, $0x7F800000, v41;
	v40 =	vsel vm4, v2, v58;
	v60 =	vsel vm4, v27, v59  }
0x217: {  	vm3 =	veq.f32 v54, v40;
	vm4 =	vlt.s32 v30, v60  }
0x218: {  	vm5 =	vlt.f32 v54, v40;
	vm3 =	vmand vm3, vm4  }
0x219: {  	vm2 =	veq.s32 v32, v34;
	vm3 =	vmor vm5, vm3  }
0x21a: {  	v61 =	vsel vm2, $0x7F800000, v42;
	v40 =	vsel vm3, v54, v40;
	v41 =	vsel vm3, v30, v60  }
0x21b: {  	vm2 =	veq.f32 v61, v40;
	vm3 =	vlt.s32 v32, v41  }
0x21c: {  	vm4 =	vlt.f32 v61, v40;
	vm2 =	vmand vm2, vm3  }
0x21d: {  	vm1 =	veq.s32 v31, v34;
	vm2 =	vmor vm4, vm2  }
0x21e: {  	v45 =	vsel vm1, $0x7F800000, v63;
	v40 =	vsel vm2, v61, v40;
	v41 =	vsel vm2, v32, v41  }
0x21f: {  	vm1 =	veq.f32 v45, v40;
	vm2 =	vlt.s32 v31, v41  }
0x220: {  	vm3 =	vlt.f32 v45, v40;
	vm1 =	vmand vm1, vm2  }
0x221: {  	vm12 =	veq.s32 v28, v34;
	vm1 =	vmor vm3, vm1  }
0x222: {  	v46 =	vsel vm12, $0x7F800000, v46;
	v40 =	vsel vm1, v45, v40;
	v41 =	vsel vm1, v31, v41  }
0x223: {  	vm1 =	veq.f32 v46, v40;
	vm2 =	vlt.s32 v28, v41  }
0x224: {  	vm3 =	vlt.f32 v46, v40;
	vm1 =	vmand vm1, vm2  }
0x225: {  	vm11 =	veq.s32 v29, v34;
	vm1 =	vmor vm3, vm1  }
0x226: {  	v47 =	vsel vm11, $0x7F800000, v47;
	v40 =	vsel vm1, v46, v40;
	v41 =	vsel vm1, v28, v41  }
0x227: {  	vm1 =	veq.f32 v47, v40;
	vm2 =	vlt.s32 v29, v41  }
0x228: {  	vm3 =	vlt.f32 v47, v40;
	vm1 =	vmand vm1, vm2  }
0x229: {  	vm1 =	vmor vm3, vm1  }
0x22a: {  	v40 =	vsel vm1, v29, v41  }
0x22b: {  	vm1 =	veq.s32 v22, v40  }
0x22c: {  	v48 =	vsel vm1, $0x7F800000, v48  }
0x22d: {  	vm1 =	vlt.f32 v48, $+Inf;
	vm3 =	vgt.f32 v48, $+Inf;
	vm4 =	veq.f32 v48, $+Inf  }
0x22e: {  	vm1 =	vmor vm3, vm1;
	vm9 =	vmand vm0, vm4  }
0x22f: {  	vm2 =	veq.s32 v21, v40;
	vm1 =	vmor vm1, vm9  }
0x230: {  	v49 =	vsel vm2, $0x7F800000, v49;
	v62 =	vnsel vm1, $0x7F800000, v48;
	v63 =	vnsel vm1, $0x40000000, v22  }
0x231: {  	vm9 =	veq.f32 v49, v62;
	vm10 =	vlt.s32 v21, v63  }
0x232: {  	vm13 =	vlt.f32 v49, v62;
	vm9 =	vmand vm9, vm10  }
0x233: {  	v18 =	vperm.xlane v34, v12;
	vm8 =	veq.s32 v23, v40;
	vm9 =	vmor vm13, vm9  }
0x234: {  	v50 =	vsel vm8, $0x7F800000, v50;
	v52 =	vsel vm9, v49, v62;
	v53 =	vsel vm9, v21, v63  }
0x235: {  	vm8 =	veq.f32 v50, v52;
	vm9 =	vlt.s32 v23, v53  }
0x236: {  	vm10 =	vlt.f32 v50, v52;
	vm8 =	vmand vm8, vm9  }
0x237: {  	[tilespmem:$0x1FF00] =	vst v18;
	v18 =	vmovc v9;
	v9 =	vmov v6;
	vm7 =	veq.s32 v24, v40;
	vm8 =	vmor vm10, vm8  }
0x238: {  	v6 =	vmovc v3;
	v3 =	vmovc v56;
	v56 =	vsel vm7, $0x7F800000, v51;
	v52 =	vsel vm8, v50, v52;
	v53 =	vsel vm8, v23, v53  }
0x239: {  	vm7 =	veq.f32 v56, v52;
	vm8 =	vlt.s32 v24, v53  }
0x23a: {  	vm9 =	vlt.f32 v56, v52;
	vm7 =	vmand vm7, vm8  }
0x23b: {  	vm6 =	veq.s32 v25, v40;
	vm7 =	vmor vm9, vm7  }
0x23c: {  	v51 =	vsel vm6, $0x7F800000, v0;
	v0 =	vsel vm7, v56, v52;
	v53 =	vsel vm7, v24, v53  }
0x23d: {  	vm6 =	veq.f32 v51, v0;
	vm7 =	vlt.s32 v25, v53  }
0x23e: {  	vm8 =	vlt.f32 v51, v0;
	vm6 =	vmand vm6, vm7  }
0x23f: {  	vm5 =	veq.s32 v26, v40;
	vm6 =	vmor vm8, vm6  }
0x240: {  	v52 =	vsel vm5, $0x7F800000, v1;
	v0 =	vsel vm6, v51, v0;
	v1 =	vsel vm6, v25, v53  }
0x241: {  	vm5 =	veq.f32 v52, v0;
	vm6 =	vlt.s32 v26, v1  }
0x242: {  	vm7 =	vlt.f32 v52, v0;
	vm5 =	vmand vm5, vm6  }
0x243: {  	vm4 =	veq.s32 v27, v40;
	vm5 =	vmor vm7, vm5  }
0x244: {  	v53 =	vsel vm4, $0x7F800000, v2;
	v0 =	vsel vm5, v52, v0;
	v1 =	vsel vm5, v26, v1  }
0x245: {  	vm4 =	veq.f32 v53, v0;
	vm5 =	vlt.s32 v27, v1  }
0x246: {  	vm6 =	vlt.f32 v53, v0;
	vm4 =	vmand vm4, vm5  }
0x247: {  	vm3 =	veq.s32 v30, v40;
	vm4 =	vmor vm6, vm4  }
0x248: {  	v54 =	vsel vm3, $0x7F800000, v54;
	v0 =	vsel vm4, v53, v0;
	v1 =	vsel vm4, v27, v1  }
0x249: {  	vm3 =	veq.f32 v54, v0;
	vm4 =	vlt.s32 v30, v1  }
0x24a: {  	vm5 =	vlt.f32 v54, v0;
	vm3 =	vmand vm3, vm4  }
0x24b: {  	vm2 =	veq.s32 v32, v40;
	vm3 =	vmor vm5, vm3  }
0x24c: {  	v59 =	vsel vm2, $0x7F800000, v61;
	v0 =	vsel vm3, v54, v0;
	v1 =	vsel vm3, v30, v1  }
0x24d: {  	vm2 =	veq.f32 v59, v0;
	vm3 =	vlt.s32 v32, v1  }
0x24e: {  	vm4 =	vlt.f32 v59, v0;
	vm2 =	vmand vm2, vm3  }
0x24f: {  	vm1 =	veq.s32 v31, v40;
	vm2 =	vmor vm4, vm2  }
0x250: {  	v60 =	vsel vm1, $0x7F800000, v45;
	v0 =	vsel vm2, v59, v0;
	v1 =	vsel vm2, v32, v1  }
0x251: {  	vm1 =	veq.f32 v60, v0;
	vm2 =	vlt.s32 v31, v1  }
0x252: {  	vm3 =	vlt.f32 v60, v0;
	vm1 =	vmand vm1, vm2  }
0x253: {  	vm12 =	veq.s32 v28, v40;
	vm1 =	vmor vm3, vm1  }
0x254: {  	v61 =	vsel vm12, $0x7F800000, v46;
	v0 =	vsel vm1, v60, v0;
	v1 =	vsel vm1, v31, v1  }
0x255: {  	vm1 =	veq.f32 v61, v0;
	vm2 =	vlt.s32 v28, v1  }
0x256: {  	vm3 =	vlt.f32 v61, v0;
	vm1 =	vmand vm1, vm2  }
0x257: {  	vm11 =	veq.s32 v29, v40;
	vm1 =	vmor vm3, vm1  }
0x258: {  	v62 =	vsel vm11, $0x7F800000, v47;
	v0 =	vsel vm1, v61, v0;
	v1 =	vsel vm1, v28, v1  }
0x259: {  	vm1 =	veq.f32 v62, v0;
	vm2 =	vlt.s32 v29, v1  }
0x25a: {  	vm3 =	vlt.f32 v62, v0;
	vm1 =	vmand vm1, vm2  }
0x25b: {  	vm1 =	vmor vm3, vm1  }
0x25c: {  	v45 =	vsel vm1, v29, v1  }
0x25d: {  	vm1 =	veq.s32 v22, v45  }
0x25e: {  	v63 =	vsel vm1, $0x7F800000, v48  }
0x25f: {  	vm1 =	vlt.f32 v63, $+Inf;
	vm3 =	vgt.f32 v63, $+Inf;
	vm4 =	veq.f32 v63, $+Inf  }
0x260: {  	vm1 =	vmor vm3, vm1;
	vm9 =	vmand vm0, vm4  }
0x261: {  	v19 =	vmovc v10;
	v10 =	vmov v7;
	vm2 =	veq.s32 v21, v45;
	vm1 =	vmor vm1, vm9  }
0x262: {  	v7 =	vmovc v4;
	v4 =	vmovc v55;
	v0 =	vsel vm2, $0x7F800000, v49;
	v2 =	vnsel vm1, $0x7F800000, v63;
	v55 =	vnsel vm1, $0x40000000, v22  }
0x263: {  	v1 =	vld [tilespmem:$0x1FF10];
	vm9 =	veq.f32 v0, v2;
	vm10 =	vlt.s32 v21, v55  }
0x264: {  	vm13 =	vlt.f32 v0, v2;
	vm9 =	vmand vm9, vm10  }
0x265: {  	vm9 =	vmor vm13, vm9  }
0x266: {  	v57 =	vsel vm9, v0, v2;
	v2 =	vld [tilespmem:$0x1FF70]  }
0x267: {  	vm8 =	veq.s32 v23, v45  }
0x268: {  	vm15 =	vnez.u8 v1;
	v1 =	vsel vm8, $0x7F800000, v50;
	v55 =	vsel vm9, v21, v55  }
0x269: {  	vm8 =	veq.f32 v1, v57;
	vm9 =	vlt.s32 v23, v55  }
0x26a: {  	vm10 =	vlt.f32 v1, v57;
	vm8 =	vmand vm8, vm9  }
0x26b: {  	vm8 =	vmor vm10, vm8;
	vm10 =	vnez.u8 v2;
	v2 =	vld [tilespmem:$0x1FF50];
	_ =	sdelay $0x3  }
0x26c: {  	vm7 =	veq.s32 v24, v45;
	v55 =	vsel vm8, v23, v55  }
0x26d: {  	vm14 =	vnez.u8 v2;
	v2 =	vsel vm7, $0x7F800000, v56;
	v56 =	vsel vm8, v1, v57  }
0x26e: {  	vm8 =	vlt.s32 v24, v55;
	vm7 =	veq.f32 v2, v56  }
0x26f: {  	vm9 =	vlt.f32 v2, v56;
	vm7 =	vmand vm7, vm8  }
0x270: {  	vm6 =	veq.s32 v25, v45;
	vm7 =	vmor vm9, vm7  }
0x271: {  	v58 =	vsel vm6, $0x7F800000, v51;
	v51 =	vsel vm7, v2, v56;
	v55 =	vsel vm7, v24, v55  }
0x272: {  	vm6 =	veq.f32 v58, v51;
	vm7 =	vlt.s32 v25, v55  }
0x273: {  	vm8 =	vlt.f32 v58, v51;
	vm6 =	vmand vm6, vm7  }
0x274: {  	vm5 =	veq.s32 v26, v45;
	vm6 =	vmor vm8, vm6  }
0x275: {  	v57 =	vsel vm5, $0x7F800000, v52;
	v51 =	vsel vm6, v58, v51;
	v52 =	vsel vm6, v25, v55  }
0x276: {  	vm5 =	veq.f32 v57, v51;
	vm6 =	vlt.s32 v26, v52  }
0x277: {  	vm7 =	vlt.f32 v57, v51;
	vm5 =	vmand vm5, vm6  }
0x278: {  	vm4 =	veq.s32 v27, v45;
	vm5 =	vmor vm7, vm5  }
0x279: {  	v56 =	vsel vm4, $0x7F800000, v53;
	v51 =	vsel vm5, v57, v51;
	v52 =	vsel vm5, v26, v52  }
0x27a: {  	vm4 =	veq.f32 v56, v51;
	vm5 =	vlt.s32 v27, v52  }
0x27b: {  	vm6 =	vlt.f32 v56, v51;
	vm4 =	vmand vm4, vm5  }
0x27c: {  	vm3 =	veq.s32 v30, v45;
	vm4 =	vmor vm6, vm4  }
0x27d: {  	v55 =	vsel vm3, $0x7F800000, v54;
	v51 =	vsel vm4, v56, v51;
	v52 =	vsel vm4, v27, v52  }
0x27e: {  	vm3 =	veq.f32 v55, v51;
	vm4 =	vlt.s32 v30, v52  }
0x27f: {  	vm5 =	vlt.f32 v55, v51;
	vm3 =	vmand vm3, vm4  }
0x280: {  	vm2 =	veq.s32 v32, v45;
	vm3 =	vmor vm5, vm3  }
0x281: {  	v54 =	vsel vm2, $0x7F800000, v59;
	v51 =	vsel vm3, v55, v51;
	v52 =	vsel vm3, v30, v52  }
0x282: {  	vm2 =	veq.f32 v54, v51;
	vm3 =	vlt.s32 v32, v52  }
0x283: {  	vm4 =	vlt.f32 v54, v51;
	vm2 =	vmand vm2, vm3  }
0x284: {  	vm1 =	veq.s32 v31, v45;
	vm2 =	vmor vm4, vm2  }
0x285: {  	v53 =	vsel vm1, $0x7F800000, v60;
	v51 =	vsel vm2, v54, v51;
	v59 =	vsel vm2, v32, v52  }
0x286: {  	vm1 =	veq.f32 v53, v51;
	vm2 =	vlt.s32 v31, v59  }
0x287: {  	vm3 =	vlt.f32 v53, v51;
	vm1 =	vmand vm1, vm2  }
0x288: {  	vm12 =	veq.s32 v28, v45;
	vm1 =	vmor vm3, vm1  }
0x289: {  	v52 =	vsel vm12, $0x7F800000, v61;
	v60 =	vsel vm1, v53, v51;
	v59 =	vsel vm1, v31, v59  }
0x28a: {  	vm1 =	veq.f32 v52, v60;
	vm2 =	vlt.s32 v28, v59  }
0x28b: {  	vm3 =	vlt.f32 v52, v60;
	vm1 =	vmand vm1, vm2  }
0x28c: {  	vm11 =	veq.s32 v29, v45;
	vm1 =	vmor vm3, vm1  }
0x28d: {  	v51 =	vsel vm11, $0x7F800000, v62;
	v60 =	vsel vm1, v52, v60;
	v59 =	vsel vm1, v28, v59  }
0x28e: {  	vm1 =	veq.f32 v51, v60;
	vm2 =	vlt.s32 v29, v59  }
0x28f: {  	vm3 =	vlt.f32 v51, v60;
	vm1 =	vmand vm1, vm2  }
0x290: {  	vm1 =	vmor vm3, vm1  }
0x291: {  	v59 =	vsel vm1, v29, v59  }
0x292: {  	vm1 =	veq.s32 v22, v59  }
0x293: {  	v60 =	vsel vm1, $0x7F800000, v63  }
0x294: {  	vm1 =	vlt.f32 v60, $+Inf;
	vm2 =	vgt.f32 v60, $+Inf;
	vm3 =	veq.f32 v60, $+Inf  }
0x295: {  	vm1 =	vmor vm2, vm1;
	vm0 =	vmand vm0, vm3  }
0x296: {  	vm8 =	veq.s32 v21, v59;
	vm0 =	vmor vm1, vm0  }
0x297: {  	v0 =	vsel vm8, $0x7F800000, v0;
	v60 =	vnsel vm0, $0x7F800000, v60;
	v22 =	vnsel vm0, $0x40000000, v22  }
0x298: {  	vm0 =	veq.f32 v0, v60;
	vm8 =	vlt.s32 v21, v22  }
0x299: {  	vm9 =	vlt.f32 v0, v60;
	vm8 =	vmand vm0, vm8  }
0x29a: {  	vm7 =	veq.s32 v23, v59;
	vm8 =	vmor vm9, vm8  }
0x29b: {  	v61 =	vsel vm7, $0x7F800000, v1;
	v60 =	vsel vm8, v0, v60;
	v62 =	vsel vm8, v21, v22  }
0x29c: {  	vm7 =	veq.f32 v61, v60;
	vm8 =	vlt.s32 v23, v62  }
0x29d: {  	vm9 =	vlt.f32 v61, v60;
	vm7 =	vmand vm7, vm8  }
0x29e: {  	vm6 =	veq.s32 v24, v59;
	vm7 =	vmor vm9, vm7  }
0x29f: {  	v63 =	vsel vm6, $0x7F800000, v2;
	v60 =	vsel vm7, v61, v60;
	v23 =	vsel vm7, v23, v62  }
0x2a0: {  	vm6 =	veq.f32 v63, v60;
	vm7 =	vlt.s32 v24, v23  }
0x2a1: {  	vm8 =	vlt.f32 v63, v60;
	vm6 =	vmand vm6, vm7  }
0x2a2: {  	vm5 =	veq.s32 v25, v59;
	vm6 =	vmor vm8, vm6  }
0x2a3: {  	v58 =	vsel vm5, $0x7F800000, v58;
	v60 =	vsel vm6, v63, v60;
	v23 =	vsel vm6, v24, v23  }
0x2a4: {  	vm5 =	veq.f32 v58, v60;
	vm6 =	vlt.s32 v25, v23  }
0x2a5: {  	v37 =	vperm.xlane v34, v13;
	vm7 =	vlt.f32 v58, v60;
	vm5 =	vmand vm5, vm6  }
0x2a6: {  	v38 =	vperm.xlane v34, v16;
	vm4 =	veq.s32 v26, v59;
	vm5 =	vmor vm7, vm5  }
0x2a7: {  	v57 =	vsel vm4, $0x7F800000, v57;
	v58 =	vsel vm5, v58, v60;
	v23 =	vsel vm5, v25, v23  }
0x2a8: {  	v39 =	vperm.xlane v34, v15;
	vm4 =	veq.f32 v57, v58;
	vm5 =	vlt.s32 v26, v23  }
0x2a9: {  	v35 =	vperm.xlane v34, v14;
	vm6 =	vlt.f32 v57, v58;
	vm4 =	vmand vm4, vm5  }
0x2aa: {  	v34 =	vperm.xlane v34, v17;
	v41 =	vperm.xlane v40, v12;
	v61 =	vld [tilespmem:$0x1FF60];
	vm4 =	vmor vm6, vm4  }
0x2ab: {  	v42 =	vperm.xlane v40, v13;
	v44 =	vperm.xlane v40, v16;
	v23 =	vsel vm4, v26, v23;
	v26 =	vld [tilespmem:$0x1FFD0]  }
0x2ac: {  	v43 =	vperm.xlane v40, v17;
	v46 =	vperm.xlane v45, v16  }
0x2ad: {  	v47 =	vperm.xlane v45, v13;
	v48 =	vperm.xlane v45, v12  }
0x2ae: {  	v49 =	vperm.xlane v45, v14;
	v50 =	vperm.xlane v45, v17;
	v24 =	vld [tilespmem:$0x1FF80]  }
0x2af: {  	vm3 =	veq.s32 v27, v59;
	v62 =	vld [tilespmem:$0x1FF90];
	vm8 =	vnez.u8 v61;
	v61 =	vperm.xlane v33, v15  }
0x2b0: {  	vm2 =	veq.s32 v30, v59;
	v57 =	vsel vm4, v57, v58;
	v58 =	vld [tilespmem:$0x1FFB0];
	vm13 =	vnez.u8 v26  }
0x2b1: {  	v56 =	vsel vm3, $0x7F800000, v56;
	v25 =	vperm.xlane v33, v12;
	v26 =	vsel vm13, v61, v39;
	v61 =	vld [tilespmem:$0x1FF20]  }
0x2b2: {  	v60 =	vperm.xlane v33, v17;
	vm3 =	veq.f32 v56, v57;
	vm4 =	vlt.s32 v27, v23  }
0x2b3: {  	vm7 =	vnez.u8 v24;
	vm5 =	vlt.f32 v56, v57;
	vm3 =	vmand vm3, vm4  }
0x2b4: {  	v24 =	vperm.xlane v33, v14;
	vm6 =	vnez.u8 v62;
	vm3 =	vmor vm5, vm3  }
0x2b5: {  	v62 =	vperm.xlane v33, v16;
	v33 =	vperm.xlane v33, v13;
	v63 =	vsel vm3, v56, v57  }
0x2b6: {  	v23 =	vsel vm3, v27, v23;
	vm9 =	vnez.u8 v58;
	vm5 =	vnez.u8 v61  }
0x2b7: {  	v33 =	vsel vm9, v33, v37;
	v37 =	vsel vm5, v62, v38;
	v62 =	vsel vm2, $0x7F800000, v55  }
0x2b8: {  	vm12 =	veq.s32 v31, v59;
	vm3 =	vlt.s32 v30, v23;
	vm2 =	veq.f32 v62, v63  }
0x2b9: {  	vm11 =	veq.s32 v28, v59;
	vm4 =	vlt.f32 v62, v63;
	vm2 =	vmand vm2, vm3  }
0x2ba: {  	v1 =	vperm.xlane v59, v12;
	vm1 =	veq.s32 v32, v59;
	vm2 =	vmor vm4, vm2  }
0x2bb: {  	v61 =	vsel vm1, $0x7F800000, v54;
	v62 =	vsel vm2, v62, v63;
	v23 =	vsel vm2, v30, v23  }
0x2bc: {  	v2 =	vperm.xlane v59, v14;
	vm1 =	veq.f32 v61, v62;
	vm2 =	vlt.s32 v32, v23  }
0x2bd: {  	vm0 =	veq.s32 v29, v59;
	vm3 =	vlt.f32 v61, v62;
	vm1 =	vmand vm1, vm2  }
0x2be: {  	v24 =	vsel vm13, v24, v35;
	v33 =	vsel vm10, v33, v42;
	vm1 =	vmor vm3, vm1  }
0x2bf: {  	v42 =	vsel vm12, $0x7F800000, v53;
	v35 =	vsel vm1, v61, v62;
	v23 =	vsel vm1, v32, v23  }
0x2c0: {  	v27 =	vsel vm5, v60, v34;
	vm1 =	veq.f32 v42, v35;
	vm2 =	vlt.s32 v31, v23  }
0x2c1: {  	v27 =	vsel vm9, v43, v27;
	vm3 =	vlt.f32 v42, v35;
	vm1 =	vmand vm1, vm2  }
0x2c2: {  	v0 =	vperm.xlane v59, v17;
	v27 =	vsel vm7, v27, v50;
	vm1 =	vmor vm3, vm1  }
0x2c3: {  	v56 =	vmovc v3;
	v3 =	vld [tilespmem:$0x1FFA0];
	v50 =	vsel vm11, $0x7F800000, v52;
	v53 =	vsel vm1, v42, v35;
	v23 =	vsel vm1, v31, v23  }
0x2c4: {  	v21 =	vperm.xlane v59, v13;
	vm1 =	veq.f32 v50, v53;
	vm2 =	vlt.s32 v28, v23  }
0x2c5: {  	v22 =	vperm.xlane v59, v15;
	vm3 =	vlt.f32 v50, v53;
	vm1 =	vmand vm1, vm2  }
0x2c6: {  	v58 =	vsel vm0, $0x7F800000, v51;
	v34 =	vsel vm9, v44, v37;
	vm1 =	vmor vm3, vm1  }
0x2c7: {  	v43 =	vld [tilespmem:$0x1FF40];
	v44 =	vperm.xlane v40, v14;
	v30 =	vsel vm1, v50, v53;
	v28 =	vsel vm1, v28, v23  }
0x2c8: {  	vm4 =	vnez.u8 v3;
	v3 =	vld [tilespmem:$0x1FF00];
	vm0 =	veq.f32 v58, v30;
	vm1 =	vlt.s32 v29, v28  }
0x2c9: {  	v52 =	vld [tilespmem:$0x1FF30];
	v24 =	vsel vm14, v24, v44;
	vm2 =	vlt.f32 v58, v30;
	vm0 =	vmand vm0, vm1  }
0x2ca: {  	v59 =	vperm.xlane v59, v16;
	v24 =	vsel vm8, v24, v49;
	vm0 =	vmor vm2, vm0  }
0x2cb: {  	v63 =	vperm.xlane v40, v15;
	v2 =	vsel vm9, v2, v24;
	v24 =	vsel vm0, v29, v28  }
0x2cc: {  	v57 =	vperm.xlane v45, v15;
	v0 =	vsel vm6, v27, v0;
	v29 =	vperm.xlane v24, v17  }
0x2cd: {  	v54 =	vmovc v5;
	v5 =	vmovc v8;
	vm12 =	vnez.u8 v43;
	v26 =	vsel vm14, v26, v63;
	v25 =	vsel vm9, v25, v3  }
0x2ce: {  	v8 =	vmovc v11;
	v11 =	vmovc v36;
	vm11 =	vnez.u8 v52;
	v25 =	vsel vm10, v25, v41;
	v27 =	vsel vm4, v0, v29;
	v0 =	vld [tilespmem:$0x1FFF0]  }
0x2cf: {  	p0 =	sne.s32 s19, $0x5C0;
	v55 =	vmovc v4;
	v26 =	vsel vm8, v26, v57;
	v60 =	vsel vm11, v33, v47;
	v25 =	vsel vm11, v25, v48  }
.Ltmp0:
0x2d0: {  	v4 =	vmovc v7;
	v26 =	vsel vm9, v22, v26;
	v61 =	vsel vm12, v60, v21;
	v21 =	vsel vm12, v25, v1;
	(pc) =	sbr.rel @p0 .LBB2_2-.Ltmp0, $4  }
0x2d1: {  	v7 =	vmovc v10;
	v23 =	vsel vm7, v34, v46;
	v25 =	vperm.xlane v24, v13;
	v62 =	vperm.xlane v24, v12  }
0x2d2: {  	v10 =	vmovc v19;
	v23 =	vsel vm6, v23, v59;
	v63 =	vperm.xlane v24, v15;
	v1 =	vperm.xlane v24, v14  }
0x2d3: {  	s18 =	sadd.s32 $0x20, s18;
	v19 =	vld [tilespmem:$0x1FFC0];
	v3 =	vmovc v6;
	v6 =	vmovc v9;
	v22 =	vperm.xlane v24, v16;
	v21 =	vsel vm15, v21, v62;
	vm0 =	vnez.u8 v0  }
0x2d4: {  	s19 =	sadd.s32 $0x180, s19;
	s17 =	smov.u32 s18;
	v9 =	vmovc v18;
	v18 =	vld [tilespmem:$0x1FFE0];
	v24 =	vsel vm15, v61, v25;
	[tilespmem:s22+$0x900] =	vst v27;
	vm15 =	vmmov vm0;
	v0 =	vsel vm0, v26, v63  }
0x2d5: {  	[tilespmem:s22+$0x8E0] =	vst v24  }
0x2d6: {  	[tilespmem:s22+$0x8B0] =	vst v21  }
0x2d7: {  	v22 =	vsel vm4, v23, v22;
	[tilespmem:s22+$0x8F0] =	vst v0  }
0x2d8: {  	v1 =	vsel vm15, v2, v1;
	v0 =	vperm.xlane v20, v55;
	[tilespmem:s22+$0x8D0] =	vst v22  }
0x2d9: {  	v2 =	vperm.xlane v20, v56;
	[tilespmem:s22+$0x8C0] =	vst v1  }
0x2da: {  	[tilespmem:s17+$0xFFFFFFF0] =	vst v0  }
0x2db: {  	[tilespmem:s17+$0x0] =	vst v2  }
0x2dc: {  	v0 =	vld [tilespmem:$0x880];
	_ =	sdelay $0x4  }
0x2dd: {  	v0 =	vcvt.s32.f32 v0;
	_ =	sdelay $0x1  }
0x2de: {  	vm13 =	vmmov vm10;
	vm10 =	vmmov vm14;
	v0 =	vmul.f32 $4.016064110e-03, v0  }
0x2df: {  	s18 =	simm.s32 $0x2480;
	s19 =	smov.u32 s9;
	s20 =	smov.u32 s8;
	vm5 =	vcmask $0x2320;
	vm9 =	vcmask $0xB08;
	vm3 =	vcmask $0x3B38  }
0x2e0: {  	s21 =	simm.s32 $0x0;
	vm1 =	vcmask $0x2B28;
	vm2 =	vcmask $0x1310;
	s22 =	simm.s32 $0x0;
	s17 =	simm.s32 $0x0;
	v20 =	vadd.f32 $0.0e+00, v0  }
.LBB2_4:
0x2e1: {  	v0 =	vld [tilespmem:$0x900];
	_ =	sdelay $0x4  }
0x2e2: {  	s23 =	sshra.s32 s21, $0x2;
	v0 =	vadd.s32 s17, v0  }
0x2e3: {  	[tilespmem:s23+$0xC80] =	vst v0  }
0x2e4: {  	v0 =	vld [tilespmem:$0xA80];
	_ =	sdelay $0x4  }
0x2e5: {  	v0 =	vadd.s32 s17, v0  }
0x2e6: {  	[tilespmem:s23+$0x1880] =	vst v0  }
0x2e7: {  	v0 =	vld [tilespmem:$0x910];
	_ =	sdelay $0x4  }
0x2e8: {  	v0 =	vadd.s32 s17, v0  }
0x2e9: {  	[tilespmem:s23+$0xC90] =	vst v0  }
0x2ea: {  	v0 =	vld [tilespmem:$0xA90];
	_ =	sdelay $0x4  }
0x2eb: {  	v0 =	vadd.s32 s17, v0  }
0x2ec: {  	[tilespmem:s23+$0x1890] =	vst v0  }
0x2ed: {  	v0 =	vld [tilespmem:$0x920];
	_ =	sdelay $0x4  }
0x2ee: {  	v0 =	vadd.s32 s17, v0  }
0x2ef: {  	[tilespmem:s23+$0xCA0] =	vst v0  }
0x2f0: {  	v0 =	vld [tilespmem:$0xAA0];
	_ =	sdelay $0x4  }
0x2f1: {  	v0 =	vadd.s32 s17, v0  }
0x2f2: {  	[tilespmem:s23+$0x18A0] =	vst v0  }
0x2f3: {  	v0 =	vld [tilespmem:$0x930];
	_ =	sdelay $0x4  }
0x2f4: {  	v0 =	vadd.s32 s17, v0  }
0x2f5: {  	[tilespmem:s23+$0xCB0] =	vst v0  }
0x2f6: {  	v0 =	vld [tilespmem:$0xAB0];
	_ =	sdelay $0x4  }
0x2f7: {  	v0 =	vadd.s32 s17, v0  }
0x2f8: {  	[tilespmem:s23+$0x18B0] =	vst v0  }
0x2f9: {  	v0 =	vld [tilespmem:$0x940];
	_ =	sdelay $0x4  }
0x2fa: {  	v0 =	vadd.s32 s17, v0  }
0x2fb: {  	[tilespmem:s23+$0xCC0] =	vst v0  }
0x2fc: {  	v0 =	vld [tilespmem:$0xAC0];
	_ =	sdelay $0x4  }
0x2fd: {  	v0 =	vadd.s32 s17, v0  }
0x2fe: {  	[tilespmem:s23+$0x18C0] =	vst v0  }
0x2ff: {  	v0 =	vld [tilespmem:$0x950];
	_ =	sdelay $0x4  }
0x300: {  	v0 =	vadd.s32 s17, v0  }
0x301: {  	[tilespmem:s23+$0xCD0] =	vst v0  }
0x302: {  	v0 =	vld [tilespmem:$0xAD0];
	_ =	sdelay $0x4  }
0x303: {  	v0 =	vadd.s32 s17, v0  }
0x304: {  	[tilespmem:s23+$0x18D0] =	vst v0  }
0x305: {  	v0 =	vld [tilespmem:$0x960];
	_ =	sdelay $0x4  }
0x306: {  	v0 =	vadd.s32 s17, v0  }
0x307: {  	[tilespmem:s23+$0xCE0] =	vst v0  }
0x308: {  	v0 =	vld [tilespmem:$0xAE0];
	_ =	sdelay $0x4  }
0x309: {  	v0 =	vadd.s32 s17, v0  }
0x30a: {  	[tilespmem:s23+$0x18E0] =	vst v0  }
0x30b: {  	v0 =	vld [tilespmem:$0x970];
	_ =	sdelay $0x4  }
0x30c: {  	v0 =	vadd.s32 s17, v0  }
0x30d: {  	[tilespmem:s23+$0xCF0] =	vst v0  }
0x30e: {  	v0 =	vld [tilespmem:$0xAF0];
	_ =	sdelay $0x4  }
0x30f: {  	v0 =	vadd.s32 s17, v0  }
0x310: {  	[tilespmem:s23+$0x18F0] =	vst v0  }
0x311: {  	v0 =	vld [tilespmem:$0x980];
	_ =	sdelay $0x4  }
0x312: {  	v0 =	vadd.s32 s17, v0  }
0x313: {  	[tilespmem:s23+$0xD00] =	vst v0  }
0x314: {  	v0 =	vld [tilespmem:$0xB00];
	_ =	sdelay $0x4  }
0x315: {  	v0 =	vadd.s32 s17, v0  }
0x316: {  	[tilespmem:s23+$0x1900] =	vst v0  }
0x317: {  	v0 =	vld [tilespmem:$0x990];
	_ =	sdelay $0x4  }
0x318: {  	v0 =	vadd.s32 s17, v0  }
0x319: {  	[tilespmem:s23+$0xD10] =	vst v0  }
0x31a: {  	v0 =	vld [tilespmem:$0xB10];
	_ =	sdelay $0x4  }
0x31b: {  	v0 =	vadd.s32 s17, v0  }
0x31c: {  	[tilespmem:s23+$0x1910] =	vst v0  }
0x31d: {  	v0 =	vld [tilespmem:$0x9A0];
	_ =	sdelay $0x4  }
0x31e: {  	v0 =	vadd.s32 s17, v0  }
0x31f: {  	[tilespmem:s23+$0xD20] =	vst v0  }
0x320: {  	v0 =	vld [tilespmem:$0xB20];
	_ =	sdelay $0x4  }
0x321: {  	v0 =	vadd.s32 s17, v0  }
0x322: {  	[tilespmem:s23+$0x1920] =	vst v0  }
0x323: {  	v0 =	vld [tilespmem:$0x9B0];
	_ =	sdelay $0x4  }
0x324: {  	v0 =	vadd.s32 s17, v0  }
0x325: {  	[tilespmem:s23+$0xD30] =	vst v0  }
0x326: {  	v0 =	vld [tilespmem:$0xB30];
	_ =	sdelay $0x4  }
0x327: {  	v0 =	vadd.s32 s17, v0  }
0x328: {  	[tilespmem:s23+$0x1930] =	vst v0  }
0x329: {  	v0 =	vld [tilespmem:$0x9C0];
	_ =	sdelay $0x4  }
0x32a: {  	v0 =	vadd.s32 s17, v0  }
0x32b: {  	[tilespmem:s23+$0xD40] =	vst v0  }
0x32c: {  	v0 =	vld [tilespmem:$0xB40];
	_ =	sdelay $0x4  }
0x32d: {  	v0 =	vadd.s32 s17, v0  }
0x32e: {  	[tilespmem:s23+$0x1940] =	vst v0  }
0x32f: {  	v0 =	vld [tilespmem:$0x9D0];
	_ =	sdelay $0x4  }
0x330: {  	v0 =	vadd.s32 s17, v0  }
0x331: {  	[tilespmem:s23+$0xD50] =	vst v0  }
0x332: {  	v0 =	vld [tilespmem:$0xB50];
	_ =	sdelay $0x4  }
0x333: {  	v0 =	vadd.s32 s17, v0  }
0x334: {  	[tilespmem:s23+$0x1950] =	vst v0  }
0x335: {  	v0 =	vld [tilespmem:$0x9E0];
	_ =	sdelay $0x4  }
0x336: {  	v0 =	vadd.s32 s17, v0  }
0x337: {  	[tilespmem:s23+$0xD60] =	vst v0  }
0x338: {  	v0 =	vld [tilespmem:$0xB60];
	_ =	sdelay $0x4  }
0x339: {  	v0 =	vadd.s32 s17, v0  }
0x33a: {  	[tilespmem:s23+$0x1960] =	vst v0  }
0x33b: {  	v0 =	vld [tilespmem:$0x9F0];
	_ =	sdelay $0x4  }
0x33c: {  	v0 =	vadd.s32 s17, v0  }
0x33d: {  	[tilespmem:s23+$0xD70] =	vst v0  }
0x33e: {  	v0 =	vld [tilespmem:$0xB70];
	_ =	sdelay $0x4  }
0x33f: {  	v0 =	vadd.s32 s17, v0  }
0x340: {  	[tilespmem:s23+$0x1970] =	vst v0  }
0x341: {  	v0 =	vld [tilespmem:$0xA00];
	_ =	sdelay $0x4  }
0x342: {  	v0 =	vadd.s32 s17, v0  }
0x343: {  	[tilespmem:s23+$0xD80] =	vst v0  }
0x344: {  	v0 =	vld [tilespmem:$0xB80];
	_ =	sdelay $0x4  }
0x345: {  	v0 =	vadd.s32 s17, v0  }
0x346: {  	[tilespmem:s23+$0x1980] =	vst v0  }
0x347: {  	v0 =	vld [tilespmem:$0xA10];
	_ =	sdelay $0x4  }
0x348: {  	v0 =	vadd.s32 s17, v0  }
0x349: {  	[tilespmem:s23+$0xD90] =	vst v0  }
0x34a: {  	v0 =	vld [tilespmem:$0xB90];
	_ =	sdelay $0x4  }
0x34b: {  	v0 =	vadd.s32 s17, v0  }
0x34c: {  	[tilespmem:s23+$0x1990] =	vst v0  }
0x34d: {  	v0 =	vld [tilespmem:$0xA20];
	_ =	sdelay $0x4  }
0x34e: {  	v0 =	vadd.s32 s17, v0  }
0x34f: {  	[tilespmem:s23+$0xDA0] =	vst v0  }
0x350: {  	v0 =	vld [tilespmem:$0xBA0];
	_ =	sdelay $0x4  }
0x351: {  	v0 =	vadd.s32 s17, v0  }
0x352: {  	[tilespmem:s23+$0x19A0] =	vst v0  }
0x353: {  	v0 =	vld [tilespmem:$0xA30];
	_ =	sdelay $0x4  }
0x354: {  	v0 =	vadd.s32 s17, v0  }
0x355: {  	[tilespmem:s23+$0xDB0] =	vst v0  }
0x356: {  	v0 =	vld [tilespmem:$0xBB0];
	_ =	sdelay $0x4  }
0x357: {  	v0 =	vadd.s32 s17, v0  }
0x358: {  	[tilespmem:s23+$0x19B0] =	vst v0  }
0x359: {  	v0 =	vld [tilespmem:$0xA40];
	_ =	sdelay $0x4  }
0x35a: {  	v0 =	vadd.s32 s17, v0  }
0x35b: {  	[tilespmem:s23+$0xDC0] =	vst v0  }
0x35c: {  	v0 =	vld [tilespmem:$0xBC0];
	_ =	sdelay $0x4  }
0x35d: {  	v0 =	vadd.s32 s17, v0  }
0x35e: {  	[tilespmem:s23+$0x19C0] =	vst v0  }
0x35f: {  	v0 =	vld [tilespmem:$0xA50];
	_ =	sdelay $0x4  }
0x360: {  	v0 =	vadd.s32 s17, v0  }
0x361: {  	[tilespmem:s23+$0xDD0] =	vst v0  }
0x362: {  	v0 =	vld [tilespmem:$0xBD0];
	_ =	sdelay $0x4  }
0x363: {  	v0 =	vadd.s32 s17, v0  }
0x364: {  	[tilespmem:s23+$0x19D0] =	vst v0  }
0x365: {  	v0 =	vld [tilespmem:$0xA60];
	_ =	sdelay $0x4  }
0x366: {  	v0 =	vadd.s32 s17, v0  }
0x367: {  	[tilespmem:s23+$0xDE0] =	vst v0  }
0x368: {  	v0 =	vld [tilespmem:$0xBE0];
	_ =	sdelay $0x4  }
0x369: {  	v0 =	vadd.s32 s17, v0  }
0x36a: {  	[tilespmem:s23+$0x19E0] =	vst v0  }
0x36b: {  	v0 =	vld [tilespmem:$0xA70];
	_ =	sdelay $0x4  }
0x36c: {  	v0 =	vadd.s32 s17, v0  }
0x36d: {  	[tilespmem:s23+$0xDF0] =	vst v0  }
0x36e: {  	v0 =	vld [tilespmem:$0xBF0];
	_ =	sdelay $0x4  }
0x36f: {  	v0 =	vadd.s32 s17, v0  }
0x370: {  	s24 =	sadd.s32 $0xC80, s23;
	[tilespmem:s23+$0x19F0] =	vst v0  }
0x371: {  	vm0 =	vcmask $0x300;
	[hbm4b:s19+s13] =	stream.strided.scatter [tilespmem:s24], [sflag:$0x1], $0x180, s14, s13, $0x38;
	[tilespmem:$0x2880] =	vst v63  }
0x372: {  	s31 =	sadd.s32 $0x10, s19;
	vm0 =	vmor vm0, vm9;
	s23 =	sadd.s32 $0x1880, s23  }
0x373: {  	vm14 =	vcmask $0x1B18;
	vm0 =	vmor vm0, vm2;
	[hbm4b:s31+s13] =	stream.strided.scatter [tilespmem:s23], [sflag:$0x1], $0x180, s14, s13, $0x38;
	[tilespmem:$0x2880] =	vst v63  }
0x374: {  	vm0 =	vmor vm0, vm14;
	v0 =	vld [tilespmem:$0xC00]  }
0x375: {  	vm0 =	vmor vm0, vm5  }
0x376: {  	v1 =	vmov s22;
	vm14 =	vcmask $0x3330;
	vm0 =	vmor vm0, vm1  }
0x377: {  	v1 =	vperm.xlane v20, v1;
	vm0 =	vmor vm0, vm14  }
0x378: {  	vm0 =	vmor vm0, vm3  }
0x379: {  	v0 =	vsel vm0, v1, v0  }
0x37a: {  	[tilespmem:s18+$0x0] =	vst v0  }
0x37b: {  	v0 =	vld [tilespmem:$0xC10];
	_ =	sdelay $0x4  }
0x37c: {  	v0 =	vsel vm0, v1, v0  }
0x37d: {  	[tilespmem:s18+$0x10] =	vst v0  }
0x37e: {  	v0 =	vld [tilespmem:$0xC20];
	_ =	sdelay $0x4  }
0x37f: {  	v0 =	vsel vm0, v1, v0  }
0x380: {  	[tilespmem:s18+$0x20] =	vst v0  }
0x381: {  	v0 =	vld [tilespmem:$0xC30];
	_ =	sdelay $0x4  }
0x382: {  	v0 =	vsel vm0, v1, v0  }
0x383: {  	[tilespmem:s18+$0x30] =	vst v0  }
0x384: {  	v0 =	vld [tilespmem:$0xC40];
	_ =	sdelay $0x4  }
0x385: {  	v0 =	vsel vm0, v1, v0  }
0x386: {  	[tilespmem:s18+$0x40] =	vst v0  }
0x387: {  	v0 =	vld [tilespmem:$0xC50];
	_ =	sdelay $0x4  }
0x388: {  	v0 =	vsel vm0, v1, v0  }
0x389: {  	[tilespmem:s18+$0x50] =	vst v0  }
0x38a: {  	v0 =	vld [tilespmem:$0xC60];
	_ =	sdelay $0x4  }
0x38b: {  	v0 =	vsel vm0, v1, v0  }
0x38c: {  	[tilespmem:s18+$0x60] =	vst v0  }
0x38d: {  	v0 =	vld [tilespmem:$0xC70];
	_ =	sdelay $0x2  }
0x38e: {  	p0 =	sne.s32 s21, $0x2A00  }
.Ltmp1:
0x38f: {  	_ = 	snop;
	(pc) =	sbr.rel @p0 .LBB2_4-.Ltmp1, $4  }
0x390: {  	v0 =	vsel vm0, v1, v0  }
0x391: {  	s22 =	sadd.s32 $0x1, s22;
	s21 =	sadd.s32 $0x600, s21;
	s17 =	sadd.s32 $0x800, s17;
	[tilespmem:s18+$0x70] =	vst v0  }
0x392: {  	[hbm4b:s20+s3] =	stream.linear.scatter [tilespmem:s18], [sflag:$0x1], $0x80, $0x38;
	[tilespmem:$0x2880] =	vst v63  }
0x393: {  	s19 =	sadd.s32 $0xC00, s19;
	s20 =	sadd.s32 $0x200, s20;
	s18 =	sadd.s32 $0x80, s18  }
0x394: {  	_ =	swait.ge [sflag:s15], $0xC00  }
0x395: {  	[sflag:s15] =	ssyncset.done $0x0  }
0x396: {  	[sflag:s15] =	ssyncadd.s32 $0xFFFFF400  }
0x397: {  	_ =	swait.ge [sflag:s15], $0xC00  }
0x398: {  	[sflag:s15] =	ssyncset.done $0x0  }
0x399: {  	[sflag:s15] =	ssyncadd.s32 $0xFFFFF400  }
0x39a: {  	_ =	swait.ge [sflag:s15], $0x400  }
0x39b: {  	v0 =	vld [tilespmem:$0x1FFB0];
	_ =	sdelay $0x3  }
0x39c: {  	s16 =	sadd.s32 $0x1, s16  }
0x39d: {  	p0 =	sne.s32 s16, s5;
	vm9 =	vnez.u8 v0;
	v0 =	vld [tilespmem:$0x1FFD0]  }
.Ltmp2:
0x39e: {  	_ = 	snop;
	(pc) =	sbr.rel @p0 .LBB2_1-.Ltmp2, $3  }
0x39f: {  	_ =	sdelay $0x1  }
0x3a0: {  	[sflag:s15] =	ssyncset.done $0x0  }
0x3a1: {  	[sflag:s15] =	ssyncadd.s32 $0xFFFFFC00;
	vm5 =	vnez.u8 v0  }
0x3a2: {  	_ =	sfence.sel $0x180000  }
0x3a3: {  	[bflag:$0x0] =	sbarrier.arrive $0xFFFF  }
0x3a4: {  	p0 =	sne.s32 s4, $0x0;
	_ =	strace $0x90000047  }
0x3a5: {  	s0 =	sadd.s32 @!p0 $0x100000, s2;
	[bflag:$0x2] =	sbarrier.arrive $0xFFFF  }
0x3a6: {  	[sflag:s0] =	ssyncadd.tile.s32 @!p0 $0x1;
	_ =	shalt  }
.Lfunc_end2:
_tile_overlayer_lowered:
.L_overlay_start_2:
0x3a7: {  	(tag) =	ssettag $0x2  }
0x3a8: {  	s0 =	rddreg [dreg:$0x0];
	s2 =	stileid.u32  }
0x3a9: {  	s1 =	rddreg [dreg:$0x1];
	p0 =	sne.s32 s2, $0x0  }
0x3aa: {  	s3 =	rddreg [dreg:$0x2];
	[bflag:$0x3] =	sbarrier.arrive $0xFFFF;
	s2 =	simm.s32 @!p0 $0x1C02  }
0x3ab: {  	[timem:s3], [sflag:s2] =	dma.local @!p0 [hbm:s0], s1  }
0x3ac: {  	s0 =	simm.s32 @!p0 $0x2  }
0x3ad: {  	_ =	swait.ge @!p0 [sflag:s0], s1  }
0x3ae: {  	s1 =	ssub.s32 @!p0 $0x0, s1;
	[sflag:s0] =	ssyncset.done @!p0 $0x0  }
0x3af: {  	[sflag:s0] =	ssyncadd.s32 @!p0 s1  }
0x3b0: {  	[bflag:$0x3] =	sbarrier.arrive $0xFFFF  }
0x3b1: {  	_ =	shalt  }

</sc_bundles>
